<compile_context>
chip_gen: v7x
topology: tpu7x:2x2x1
jax: 0.10.2.dev20260603
libtpu: 0.0.44.dev20260713+nightly
codegen_flags: <defaults>
</compile_context>

<pallas_src>
import functools

import jax
import jax.numpy as jnp
from jax import lax
from jax.experimental import pallas as pl
from jax.experimental.pallas import tpu as pltpu
from jax.experimental.pallas import tpu_sc as plsc

NC = 2
NS = 16
NW = NC * NS
CHUNK = 128


def _sc_mesh():
  return plsc.VectorSubcoreMesh(
      core_axis_name="c", subcore_axis_name="s", num_cores=NC,
      num_subcores=NS)


def _make_deg_kernel(n_chunks, n_pad):
  slab = n_pad // NS

  @functools.partial(
      pl.kernel,
      out_type=jax.ShapeDtypeStruct((NC, n_pad, 16), jnp.float32),
      mesh=_sc_mesh(),
      scratch_types=[
          pltpu.VMEM((n_chunks, CHUNK), jnp.int32),
          pltpu.VMEM((CHUNK, 16), jnp.float32),
          pltpu.VMEM((slab, 16), jnp.float32),
          pltpu.VMEM_SHARED((n_pad, 16), jnp.float32),
          pltpu.SemaphoreType.DMA,
          pltpu.SemaphoreType.DMA,
      ],
      compiler_params=pltpu.CompilerParams(use_tc_tiling_on_sc=False),
  )
  def deg_kernel(dstf, ones_hbm, zeros_hbm, out, idx_v, ones_v, bounce_v,
                 acc, isem, ssem):
    c = lax.axis_index("c")
    s = lax.axis_index("s")
    wid = s * NC + c
    iota = lax.iota(jnp.int32, 16)
    for g in range(n_chunks // 16):
      vec = wid * n_chunks + g * 16 + iota
      pltpu.async_copy(dstf.at[vec], idx_v.at[pl.ds(g * 16, 16)], isem)
    pltpu.sync_copy(ones_hbm, ones_v)
    pltpu.sync_copy(zeros_hbm, bounce_v)
    pltpu.sync_copy(bounce_v, acc.at[pl.ds(s * slab, slab)])
    pltpu.make_async_copy(dstf.at[pl.ds(0, n_chunks)], idx_v, isem).wait()
    plsc.subcore_barrier()

    def body(j, carry):
      pltpu.async_copy(ones_v, acc.at[idx_v.at[j]], ssem, add=True)
      return carry

    lax.fori_loop(0, n_chunks, body, 0)

    def dbody(j, carry):
      pltpu.make_async_copy(ones_hbm, ones_v, ssem).wait()
      return carry

    lax.fori_loop(0, n_chunks, dbody, 0)
    plsc.subcore_barrier()
    pltpu.sync_copy(acc.at[pl.ds(s * slab, slab)], bounce_v)
    pltpu.sync_copy(bounce_v, out.at[c, pl.ds(s * slab, slab)])

  return deg_kernel


def _make_agg_kernel(n_chunks, n_pad, h, nbuf, chunk, feat_split=False):
  slab = n_pad // NS
  assert n_chunks % nbuf == 0 and n_chunks % 16 == 0

  @functools.partial(
      pl.kernel,
      out_type=jax.ShapeDtypeStruct((NC, n_pad, h), jnp.float32),
      mesh=_sc_mesh(),
      scratch_types=[
          pltpu.VMEM((n_chunks, chunk), jnp.int32),
          pltpu.VMEM((n_chunks, chunk), jnp.int32),
          pltpu.VMEM((nbuf, chunk, h), jnp.float32),
          pltpu.VMEM_SHARED((n_pad, h), jnp.float32),
          pltpu.SemaphoreType.DMA,
          pltpu.SemaphoreType.DMA,
          [pltpu.SemaphoreType.DMA] * nbuf,
          [pltpu.SemaphoreType.DMA] * nbuf,
      ],
      compiler_params=pltpu.CompilerParams(use_tc_tiling_on_sc=False),
  )
  def agg_kernel(srcf, dstf, y_in, zeros_hbm, out, idxs_v, idxd_v, rows,
                 acc, isem, jsem, gsems, ssems):
    c = lax.axis_index("c")
    s = lax.axis_index("s")
    y_hbm = y_in.at[c] if feat_split else y_in
    base = (s if feat_split else s * NC + c) * n_chunks
    iota = lax.iota(jnp.int32, 16)
    for g in range(n_chunks // 16):
      vec = base + g * 16 + iota
      sl = pl.ds(g * 16, 16)
      pltpu.async_copy(srcf.at[vec], idxs_v.at[sl], isem)
      pltpu.async_copy(dstf.at[vec], idxd_v.at[sl], jsem)
    pltpu.sync_copy(zeros_hbm, acc.at[pl.ds(s * slab, slab)])
    pltpu.make_async_copy(srcf.at[pl.ds(0, n_chunks)], idxs_v, isem).wait()
    pltpu.make_async_copy(dstf.at[pl.ds(0, n_chunks)], idxd_v, jsem).wait()
    plsc.subcore_barrier()

    def gstart(j, b):
      pltpu.async_copy(y_hbm.at[idxs_v.at[j]], rows.at[b], gsems[b])

    def sstart(j, b):
      pltpu.async_copy(rows.at[b], acc.at[idxd_v.at[j]], ssems[b],
                       add=True)

    def drain(b, sem):
      pltpu.make_async_copy(y_hbm.at[pl.ds(0, chunk)], rows.at[b],
                            sem).wait()

    for b in range(nbuf):
      gstart(b, b)

    def body(g, carry):
      j0 = g * nbuf
      for b in range(nbuf):
        drain(b, gsems[b])
        sstart(j0 + b, b)
      for b in range(nbuf):
        drain(b, ssems[b])

        @pl.when(j0 + nbuf + b < n_chunks)
        def _():
          gstart(j0 + nbuf + b, b)
      return carry

    lax.fori_loop(0, n_chunks // nbuf, body, 0)
    plsc.subcore_barrier()
    pltpu.sync_copy(acc.at[pl.ds(s * slab, slab)],
                    out.at[c, pl.ds(s * slab, slab)])

  return agg_kernel



_BLK = 10000




def _dis_eo(deg_ref):
  a = deg_ref[0]
  b = deg_ref[1]
  dis_e = lax.rsqrt(1.0 + a[:, 0:1] + b[:, 0:1])
  dis_o = lax.rsqrt(1.0 + a[:, 16:17] + b[:, 16:17])
  return dis_e, dis_o


def _mm(a, w):
  return jnp.dot(a, w, preferred_element_type=jnp.float32)


def _tc_first_body(deg_ref, x_ref, w_ref, y_ref):
  dis_e, dis_o = _dis_eo(deg_ref)
  d = x_ref.shape[1] // 2
  ve = _mm(x_ref[:, :d], w_ref[...])
  vo = _mm(x_ref[:, d:], w_ref[...])
  y_ref[...] = jnp.concatenate([dis_e * ve, dis_o * vo], axis=1)


def _h_eo(deg_ref, p_ref, y_ref, b_ref):
  dis_e, dis_o = _dis_eo(deg_ref)
  pe = p_ref[0][:, :64] + p_ref[1][:, :64]
  po = p_ref[0][:, 64:] + p_ref[1][:, 64:]
  he = jax.nn.relu(dis_e * (pe + y_ref[:, :64]) + b_ref[...])
  ho = jax.nn.relu(dis_o * (po + y_ref[:, 64:]) + b_ref[...])
  return dis_e, dis_o, he, ho


def _tc_fuse_body(deg_ref, p_ref, y_ref, b_ref, w_ref, o_ref):
  dis_e, dis_o, he, ho = _h_eo(deg_ref, p_ref, y_ref, b_ref)
  o_ref[...] = jnp.concatenate(
      [dis_e * _mm(he, w_ref[...]), dis_o * _mm(ho, w_ref[...])], axis=1)


def _tc_fuse_split_body(deg_ref, p_ref, y_ref, b_ref, w_ref, o_ref):
  dis_e, dis_o, he, ho = _h_eo(deg_ref, p_ref, y_ref, b_ref)
  ve = dis_e * _mm(he, w_ref[...])
  vo = dis_o * _mm(ho, w_ref[...])
  o_ref[0] = jnp.concatenate([ve[:, :64], vo[:, :64]], axis=1)
  o_ref[1] = jnp.concatenate([ve[:, 64:], vo[:, 64:]], axis=1)


def _tc_final_cat_body(deg_ref, p_ref, y_ref, b_ref, o_ref):
  dis_e, dis_o = _dis_eo(deg_ref)
  fe = jnp.concatenate(
      [p_ref[0][:, :64] + y_ref[0][:, :64],
       p_ref[1][:, :64] + y_ref[1][:, :64]], axis=1)
  fo = jnp.concatenate(
      [p_ref[0][:, 64:] + y_ref[0][:, 64:],
       p_ref[1][:, 64:] + y_ref[1][:, 64:]], axis=1)
  oe = jax.nn.relu(dis_e * fe + b_ref[...])
  oo = jax.nn.relu(dis_o * fo + b_ref[...])
  o_ref[...] = jnp.concatenate([oe, oo], axis=1)


_R = _BLK // 2


def _deg_spec():
  return pl.BlockSpec((NC, _R, 32), lambda i: (0, i, 0))


def _lin_spec():
  return pl.BlockSpec((NC, _R, 128), lambda i: (0, i, 0))


def _tc_first(deg2l, xl, w, n):
  d2 = xl.shape[1]
  return pl.pallas_call(
      _tc_first_body,
      grid=(n // _BLK,),
      in_specs=[
          _deg_spec(),
          pl.BlockSpec((_R, d2), lambda i: (i, 0)),
          pl.BlockSpec(w.shape, lambda i: (0, 0)),
      ],
      out_specs=pl.BlockSpec((_R, 128), lambda i: (i, 0)),
      out_shape=jax.ShapeDtypeStruct((n // 2, 128), jnp.float32),
  )(deg2l, xl, w)


def _tc_fuse(deg2l, p2l, yl, b, w, n):
  return pl.pallas_call(
      _tc_fuse_body,
      grid=(n // _BLK,),
      in_specs=[
          _deg_spec(),
          _lin_spec(),
          pl.BlockSpec((_R, 128), lambda i: (i, 0)),
          pl.BlockSpec(b.shape, lambda i: (0, 0)),
          pl.BlockSpec(w.shape, lambda i: (0, 0)),
      ],
      out_specs=pl.BlockSpec((_R, 128), lambda i: (i, 0)),
      out_shape=jax.ShapeDtypeStruct((n // 2, 128), jnp.float32),
  )(deg2l, p2l, yl, b, w)


def _tc_fuse_split(deg2l, p2l, yl, b, w, n):
  return pl.pallas_call(
      _tc_fuse_split_body,
      grid=(n // _BLK,),
      in_specs=[
          _deg_spec(),
          _lin_spec(),
          pl.BlockSpec((_R, 128), lambda i: (i, 0)),
          pl.BlockSpec(b.shape, lambda i: (0, 0)),
          pl.BlockSpec(w.shape, lambda i: (0, 0)),
      ],
      out_specs=pl.BlockSpec((NC, _R, 128), lambda i: (0, i, 0)),
      out_shape=jax.ShapeDtypeStruct((NC, n // 2, 128), jnp.float32),
  )(deg2l, p2l, yl, b, w)


def _tc_final_cat(deg2l, p2l, y2l, b, n, h):
  return pl.pallas_call(
      _tc_final_cat_body,
      grid=(n // _BLK,),
      in_specs=[
          _deg_spec(),
          _lin_spec(),
          _lin_spec(),
          pl.BlockSpec(b.shape, lambda i: (0, 0)),
      ],
      out_specs=pl.BlockSpec((_R, 2 * h), lambda i: (i, 0)),
      out_shape=jax.ShapeDtypeStruct((n // 2, 2 * h), jnp.float32),
  )(deg2l, p2l, y2l, b)


def _pad_edges(idx, fill_base, n_fill):
  e = idx.shape[0]
  gran = NW * CHUNK * 16
  per = (-(-e // gran) * gran) // NW
  pad = per * NW - e
  fill = fill_base + jnp.arange(pad, dtype=jnp.int32) % n_fill
  padded = jnp.concatenate([idx, fill])
  return padded.reshape(NW * (per // CHUNK), CHUNK), per // CHUNK


def kernel(x, edge_index, W1, b1, W2, b2, W3, b3):
  n = x.shape[0]
  n_pad = -(-(n + 1) // (NS * 32)) * (NS * 32)

  srcf, nch = _pad_edges(edge_index[0], 0, n)
  dstf, _ = _pad_edges(edge_index[1], n, n_pad - n)

  ones16 = jnp.ones((CHUNK, 16), jnp.float32)
  slab = n_pad // NS
  z16 = jnp.zeros((slab, 16), jnp.float32)
  z64 = jnp.zeros((slab, 64), jnp.float32)
  z128 = jnp.zeros((slab, 128), jnp.float32)

  deg2 = _make_deg_kernel(nch, n_pad)(dstf, ones16, z16)
  agg64 = _make_agg_kernel(nch, n_pad, 64, 4, CHUNK)
  agg_feat = _make_agg_kernel(nch * NC, n_pad, 64, 5, CHUNK,
                              feat_split=True)

  deg2l = deg2.reshape(NC, n_pad // 2, 32)
  xl = x.reshape(n // 2, 2 * x.shape[1])

  y1l = _tc_first(deg2l, xl, W1, n)
  p1 = agg64(srcf, dstf, y1l.reshape(n, 64), z64)
  y2l = _tc_fuse(deg2l, p1.reshape(NC, n_pad // 2, 128), y1l,
                 b1.reshape(1, -1), W2, n)
  p2 = agg64(srcf, dstf, y2l.reshape(n, 64), z64)
  y3l = _tc_fuse_split(deg2l, p2.reshape(NC, n_pad // 2, 128), y2l,
                       b2.reshape(1, -1), W3, n)
  p3 = agg_feat(srcf, dstf, y3l.reshape(NC, n, 64), z64)
  out2 = _tc_final_cat(deg2l, p3.reshape(NC, n_pad // 2, 128), y3l,
                       b3.reshape(1, -1), n, W3.shape[1])
  return out2.reshape(n, W3.shape[1])

# --- scband reference (transcript-rebuilt; emitter-appended) ---
"""Pipeline reference for scband-gnnactor-critic-model-23948737643071 (READ-ONLY COPY).

The authoritative reference and input builder live on the scoring server;
editing this copy changes nothing except your own understanding.
"""

import jax, jax.numpy as jnp
import numpy as np

N = 10000
E = 320000
D_IN = 128
H = 64
D_OUT = 128


def setup_inputs(seed: int = 0) -> dict:
    key = jax.random.key(seed)
    ks = jax.random.split(key, 9)
    x = jax.random.normal(ks[0], (N, D_IN), dtype=jnp.float32)
    edge_index = jax.random.randint(ks[1], (2, E), 0, N, dtype=jnp.int32)
    # GCNConv parameters (glorot-ish scaling)
    W1 = jax.random.normal(ks[2], (D_IN, H), dtype=jnp.float32) * (1.0 / np.sqrt(D_IN))
    b1 = jnp.zeros((H,), dtype=jnp.float32)
    W2 = jax.random.normal(ks[3], (H, H), dtype=jnp.float32) * (1.0 / np.sqrt(H))
    b2 = jnp.zeros((H,), dtype=jnp.float32)
    W3 = jax.random.normal(ks[4], (H, D_OUT), dtype=jnp.float32) * (1.0 / np.sqrt(H))
    b3 = jnp.zeros((D_OUT,), dtype=jnp.float32)
    return {"x": x, "edge_index": edge_index, "W1": W1, "b1": b1, "W2": W2, "b2": b2, "W3": W3, "b3": b3}


def _gcn_conv(x, edge_index, W, b):
    # Faithful PyG GCNConv: add self-loops, symmetric degree normalization,
    # linear transform, scatter-add aggregation, bias.
    n = x.shape[0]
    loop = jnp.arange(n, dtype=edge_index.dtype)
    src = jnp.concatenate([edge_index[0], loop])
    dst = jnp.concatenate([edge_index[1], loop])
    deg = jnp.zeros((n,), dtype=x.dtype).at[dst].add(1.0)
    deg_inv_sqrt = jnp.where(deg > 0, 1.0 / jnp.sqrt(deg), 0.0)
    norm = deg_inv_sqrt[src] * deg_inv_sqrt[dst]
    xw = x @ W
    msg = jnp.take(xw, src, axis=0) * norm[:, None]
    out = jax.ops.segment_sum(msg, dst, num_segments=n)
    return out + b


def reference(x, edge_index, W1, b1, W2, b2, W3, b3):
    # GNNLayer.forward: conv1 -> relu -> conv3 -> relu -> conv2 -> relu
    h = jax.nn.relu(_gcn_conv(x, edge_index, W1, b1))
    h = jax.nn.relu(_gcn_conv(h, edge_index, W2, b2))
    h = jax.nn.relu(_gcn_conv(h, edge_index, W3, b3))
    return h

if __name__ == "__main__":
    import jax
    _d = setup_inputs()
    print(jax.jit(kernel)(*tuple(_d.values())))

</pallas_src>

<mosaic_0001>
#map = affine_map<(d0, d1) -> (0, 0)>
#map1 = affine_map<(d0, d1) -> (0, 0, 0)>
module attributes {stable_mosaic.version = 14 : i64} {
  func.func @deg_kernel(%arg0: i32, %arg1: i32, %arg2: memref<2560x128xi32, #tpu.memory_space<hbm>>, %arg3: memref<128x16xf32, #tpu.memory_space<hbm>>, %arg4: memref<640x16xf32, #tpu.memory_space<hbm>>, %arg5: memref<2x10240x16xf32, #tpu.memory_space<hbm>>, %arg6: memref<80x128xi32, #tpu.memory_space<vmem>>, %arg7: memref<128x16xf32, #tpu.memory_space<vmem>>, %arg8: memref<640x16xf32, #tpu.memory_space<vmem>>, %arg9: memref<10240x16xf32, #tpu.memory_space<vmem_shared>>, %arg10: memref<!tpu.dma_semaphore, #tpu.memory_space<semaphore_mem>>, %arg11: memref<!tpu.dma_semaphore, #tpu.memory_space<semaphore_mem>>) attributes {dimension_semantics = [#tpu.dimension_semantics<core_parallel>, #tpu.dimension_semantics<subcore_parallel>], iteration_bounds = array<i64: 2, 16>, scalar_prefetch = 0 : i64, scratch_operands = 6 : i64, tpu.core_type = #tpu.core_type<sc_vector_subcore>, window_params = [{transform_indices = #map}, {transform_indices = #map}, {transform_indices = #map}, {transform_indices = #map1}]} {
    %mul3A = arith.constant 2 : i32
    %mul3A_0 = arith.muli %arg1, %mul3A : i32
    %add3A = arith.addi %mul3A_0, %arg0 : i32
    %iota3A = tpu.iota {dimensions = array<i32: 0>} : vector<16xi32>
    %mul3A_1 = arith.constant 80 : i32
    %mul3A_2 = arith.muli %add3A, %mul3A_1 : i32
    %add3A_3 = arith.constant 0 : i32
    %add3A_4 = arith.addi %mul3A_2, %add3A_3 : i32
    %add3A_5 = vector.broadcast %add3A_4 : i32 to vector<16xi32>
    %add3A_6 = arith.addi %add3A_5, %iota3A : vector<16xi32>
    %dma_start3A = arith.constant 0 : i32
    %dma_start3A_7 = arith.constant 0 : i32
    %dma_start3A_8 = tpu.memref_slice %arg6[%dma_start3A, %dma_start3A_7] : memref<80x128xi32, #tpu.memory_space<vmem>> -> memref<16x128xi32, #tpu.memory_space<vmem>>
    %dma_start3A_9 = arith.constant 0 : i32
    %dma_start3A_10 = arith.constant 0 : i32
    %dma_start3A_11 = tpu.memref_slice %arg2[%dma_start3A_9, %dma_start3A_10] : memref<2560x128xi32, #tpu.memory_space<hbm>> -> memref<2560x128xi32, #tpu.memory_space<hbm>>
    tpu.enqueue_indirect_dma source(%dma_start3A_11 : memref<2560x128xi32, #tpu.memory_space<hbm>>) target(%dma_start3A_8 : memref<16x128xi32, #tpu.memory_space<vmem>>) offsets(%add3A_6 : vector<16xi32>) semaphore(%arg10 : memref<!tpu.dma_semaphore, #tpu.memory_space<semaphore_mem>>)
    %mul3A_12 = arith.constant 80 : i32
    %mul3A_13 = arith.muli %add3A, %mul3A_12 : i32
    %add3A_14 = arith.constant 16 : i32
    %add3A_15 = arith.addi %mul3A_13, %add3A_14 : i32
    %add3A_16 = vector.broadcast %add3A_15 : i32 to vector<16xi32>
    %add3A_17 = arith.addi %add3A_16, %iota3A : vector<16xi32>
    %dma_start3A_18 = arith.constant 16 : i32
    %dma_start3A_19 = arith.constant 0 : i32
    %dma_start3A_20 = tpu.memref_slice %arg6[%dma_start3A_18, %dma_start3A_19] : memref<80x128xi32, #tpu.memory_space<vmem>> -> memref<16x128xi32, #tpu.memory_space<vmem>>
    %dma_start3A_21 = arith.constant 0 : i32
    %dma_start3A_22 = arith.constant 0 : i32
    %dma_start3A_23 = tpu.memref_slice %arg2[%dma_start3A_21, %dma_start3A_22] : memref<2560x128xi32, #tpu.memory_space<hbm>> -> memref<2560x128xi32, #tpu.memory_space<hbm>>
    tpu.enqueue_indirect_dma source(%dma_start3A_23 : memref<2560x128xi32, #tpu.memory_space<hbm>>) target(%dma_start3A_20 : memref<16x128xi32, #tpu.memory_space<vmem>>) offsets(%add3A_17 : vector<16xi32>) semaphore(%arg10 : memref<!tpu.dma_semaphore, #tpu.memory_space<semaphore_mem>>)
    %mul3A_24 = arith.constant 80 : i32
    %mul3A_25 = arith.muli %add3A, %mul3A_24 : i32
    %add3A_26 = arith.constant 32 : i32
    %add3A_27 = arith.addi %mul3A_25, %add3A_26 : i32
    %add3A_28 = vector.broadcast %add3A_27 : i32 to vector<16xi32>
    %add3A_29 = arith.addi %add3A_28, %iota3A : vector<16xi32>
    %dma_start3A_30 = arith.constant 32 : i32
    %dma_start3A_31 = arith.constant 0 : i32
    %dma_start3A_32 = tpu.memref_slice %arg6[%dma_start3A_30, %dma_start3A_31] : memref<80x128xi32, #tpu.memory_space<vmem>> -> memref<16x128xi32, #tpu.memory_space<vmem>>
    %dma_start3A_33 = arith.constant 0 : i32
    %dma_start3A_34 = arith.constant 0 : i32
    %dma_start3A_35 = tpu.memref_slice %arg2[%dma_start3A_33, %dma_start3A_34] : memref<2560x128xi32, #tpu.memory_space<hbm>> -> memref<2560x128xi32, #tpu.memory_space<hbm>>
    tpu.enqueue_indirect_dma source(%dma_start3A_35 : memref<2560x128xi32, #tpu.memory_space<hbm>>) target(%dma_start3A_32 : memref<16x128xi32, #tpu.memory_space<vmem>>) offsets(%add3A_29 : vector<16xi32>) semaphore(%arg10 : memref<!tpu.dma_semaphore, #tpu.memory_space<semaphore_mem>>)
    %mul3A_36 = arith.constant 80 : i32
    %mul3A_37 = arith.muli %add3A, %mul3A_36 : i32
    %add3A_38 = arith.constant 48 : i32
    %add3A_39 = arith.addi %mul3A_37, %add3A_38 : i32
    %add3A_40 = vector.broadcast %add3A_39 : i32 to vector<16xi32>
    %add3A_41 = arith.addi %add3A_40, %iota3A : vector<16xi32>
    %dma_start3A_42 = arith.constant 48 : i32
    %dma_start3A_43 = arith.constant 0 : i32
    %dma_start3A_44 = tpu.memref_slice %arg6[%dma_start3A_42, %dma_start3A_43] : memref<80x128xi32, #tpu.memory_space<vmem>> -> memref<16x128xi32, #tpu.memory_space<vmem>>
    %dma_start3A_45 = arith.constant 0 : i32
    %dma_start3A_46 = arith.constant 0 : i32
    %dma_start3A_47 = tpu.memref_slice %arg2[%dma_start3A_45, %dma_start3A_46] : memref<2560x128xi32, #tpu.memory_space<hbm>> -> memref<2560x128xi32, #tpu.memory_space<hbm>>
    tpu.enqueue_indirect_dma source(%dma_start3A_47 : memref<2560x128xi32, #tpu.memory_space<hbm>>) target(%dma_start3A_44 : memref<16x128xi32, #tpu.memory_space<vmem>>) offsets(%add3A_41 : vector<16xi32>) semaphore(%arg10 : memref<!tpu.dma_semaphore, #tpu.memory_space<semaphore_mem>>)
    %mul3A_48 = arith.constant 80 : i32
    %mul3A_49 = arith.muli %add3A, %mul3A_48 : i32
    %add3A_50 = arith.constant 64 : i32
    %add3A_51 = arith.addi %mul3A_49, %add3A_50 : i32
    %add3A_52 = vector.broadcast %add3A_51 : i32 to vector<16xi32>
    %add3A_53 = arith.addi %add3A_52, %iota3A : vector<16xi32>
    %dma_start3A_54 = arith.constant 64 : i32
    %dma_start3A_55 = arith.constant 0 : i32
    %dma_start3A_56 = tpu.memref_slice %arg6[%dma_start3A_54, %dma_start3A_55] : memref<80x128xi32, #tpu.memory_space<vmem>> -> memref<16x128xi32, #tpu.memory_space<vmem>>
    %dma_start3A_57 = arith.constant 0 : i32
    %dma_start3A_58 = arith.constant 0 : i32
    %dma_start3A_59 = tpu.memref_slice %arg2[%dma_start3A_57, %dma_start3A_58] : memref<2560x128xi32, #tpu.memory_space<hbm>> -> memref<2560x128xi32, #tpu.memory_space<hbm>>
    tpu.enqueue_indirect_dma source(%dma_start3A_59 : memref<2560x128xi32, #tpu.memory_space<hbm>>) target(%dma_start3A_56 : memref<16x128xi32, #tpu.memory_space<vmem>>) offsets(%add3A_53 : vector<16xi32>) semaphore(%arg10 : memref<!tpu.dma_semaphore, #tpu.memory_space<semaphore_mem>>)
    "tpu.region"() ({
      %run_scoped3A = tpu.sem_alloc : memref<!tpu.dma_semaphore, #tpu.memory_space<semaphore_mem>>
      tpu.enqueue_dma source(%arg3 : memref<128x16xf32, #tpu.memory_space<hbm>>) target(%arg7 : memref<128x16xf32, #tpu.memory_space<vmem>>) target_semaphore(%run_scoped3A : memref<!tpu.dma_semaphore, #tpu.memory_space<semaphore_mem>>)
      tpu.wait_dma2 semaphore(%run_scoped3A : memref<!tpu.dma_semaphore, #tpu.memory_space<semaphore_mem>>) src(%arg3 : memref<128x16xf32, #tpu.memory_space<hbm>>) dst(%arg7 : memref<128x16xf32, #tpu.memory_space<vmem>>)
      tpu.yield
    }) : () -> ()
    "tpu.region"() ({
      %run_scoped3A = tpu.sem_alloc : memref<!tpu.dma_semaphore, #tpu.memory_space<semaphore_mem>>
      tpu.enqueue_dma source(%arg4 : memref<640x16xf32, #tpu.memory_space<hbm>>) target(%arg8 : memref<640x16xf32, #tpu.memory_space<vmem>>) target_semaphore(%run_scoped3A : memref<!tpu.dma_semaphore, #tpu.memory_space<semaphore_mem>>)
      tpu.wait_dma2 semaphore(%run_scoped3A : memref<!tpu.dma_semaphore, #tpu.memory_space<semaphore_mem>>) src(%arg4 : memref<640x16xf32, #tpu.memory_space<hbm>>) dst(%arg8 : memref<640x16xf32, #tpu.memory_space<vmem>>)
      tpu.yield
    }) : () -> ()
    %mul3A_60 = arith.constant 640 : i32
    %mul3A_61 = arith.muli %arg1, %mul3A_60 : i32
    "tpu.region"() ({
      %run_scoped3A = tpu.sem_alloc : memref<!tpu.dma_semaphore, #tpu.memory_space<semaphore_mem>>
      %dma_start3A_83 = arith.constant 0 : i32
      %dma_start3A_84 = tpu.memref_slice %arg9[%mul3A_61, %dma_start3A_83] : memref<10240x16xf32, #tpu.memory_space<vmem_shared>> -> memref<640x16xf32, #tpu.memory_space<vmem_shared>>
      %dma_start3A_85 = arith.constant 0 : i32
      %dma_start3A_86 = tpu.memref_slice %arg9[%mul3A_61, %dma_start3A_85] : memref<10240x16xf32, #tpu.memory_space<vmem_shared>> -> memref<640x16xf32, #tpu.memory_space<vmem_shared>>
      tpu.enqueue_dma source(%arg8 : memref<640x16xf32, #tpu.memory_space<vmem>>) target(%dma_start3A_86 : memref<640x16xf32, #tpu.memory_space<vmem_shared>>) target_semaphore(%run_scoped3A : memref<!tpu.dma_semaphore, #tpu.memory_space<semaphore_mem>>)
      %dma_wait3A_87 = arith.constant 0 : i32
      %dma_wait3A_88 = tpu.memref_slice %arg9[%mul3A_61, %dma_wait3A_87] : memref<10240x16xf32, #tpu.memory_space<vmem_shared>> -> memref<640x16xf32, #tpu.memory_space<vmem_shared>>
      %dma_wait3A_89 = arith.constant 0 : i32
      %dma_wait3A_90 = tpu.memref_slice %arg9[%mul3A_61, %dma_wait3A_89] : memref<10240x16xf32, #tpu.memory_space<vmem_shared>> -> memref<640x16xf32, #tpu.memory_space<vmem_shared>>
      tpu.wait_dma2 semaphore(%run_scoped3A : memref<!tpu.dma_semaphore, #tpu.memory_space<semaphore_mem>>) src(%arg8 : memref<640x16xf32, #tpu.memory_space<vmem>>) dst(%dma_wait3A_90 : memref<640x16xf32, #tpu.memory_space<vmem_shared>>)
      tpu.yield
    }) : () -> ()
    %dma_wait3A = arith.constant 0 : i32
    %dma_wait3A_62 = arith.constant 0 : i32
    %dma_wait3A_63 = tpu.memref_slice %arg2[%dma_wait3A, %dma_wait3A_62] : memref<2560x128xi32, #tpu.memory_space<hbm>> -> memref<80x128xi32, #tpu.memory_space<hbm>>
    %dma_wait3A_64 = arith.constant 0 : i32
    %dma_wait3A_65 = arith.constant 0 : i32
    %dma_wait3A_66 = tpu.memref_slice %arg2[%dma_wait3A_64, %dma_wait3A_65] : memref<2560x128xi32, #tpu.memory_space<hbm>> -> memref<80x128xi32, #tpu.memory_space<hbm>>
    tpu.wait_dma2 semaphore(%arg10 : memref<!tpu.dma_semaphore, #tpu.memory_space<semaphore_mem>>) src(%dma_wait3A_66 : memref<80x128xi32, #tpu.memory_space<hbm>>) dst(%arg6 : memref<80x128xi32, #tpu.memory_space<vmem>>)
    %barrier3A = arith.constant 0 : index
    tpu.barrier barrier_id(%barrier3A)
    %scan3A = arith.constant 0 : i32
    %scan3A_67 = arith.constant 0 : i32
    %scan3A_68 = arith.constant 80 : i32
    %scan3A_69 = arith.addi %scan3A_67, %scan3A_68 : i32
    %scan3A_70 = arith.constant 1 : i32
    scf.for %scan3A_83 = %scan3A_67 to %scan3A_69 step %scan3A_70  : i32 {
      %dma_start3A_84 = arith.constant 0 : i32
      %dma_start3A_85 = tpu.memref_slice %arg6[%scan3A_83, %dma_start3A_84] : memref<80x128xi32, #tpu.memory_space<vmem>> -> memref<1x128xi32, #tpu.memory_space<vmem>>
      %dma_start3A_86 = tpu.memref_squeeze %dma_start3A_85 : memref<1x128xi32, #tpu.memory_space<vmem>> -> memref<128xi32, #tpu.memory_space<vmem>>
      %dma_start3A_87 = arith.constant 0 : i32
      %dma_start3A_88 = arith.constant 0 : i32
      %dma_start3A_89 = tpu.memref_slice %arg9[%dma_start3A_87, %dma_start3A_88] : memref<10240x16xf32, #tpu.memory_space<vmem_shared>> -> memref<10240x16xf32, #tpu.memory_space<vmem_shared>>
      tpu.enqueue_indirect_dma source(%arg7 : memref<128x16xf32, #tpu.memory_space<vmem>>) target(%dma_start3A_89 : memref<10240x16xf32, #tpu.memory_space<vmem_shared>>) offsets(%dma_start3A_86 : memref<128xi32, #tpu.memory_space<vmem>>) semaphore(%arg11 : memref<!tpu.dma_semaphore, #tpu.memory_space<semaphore_mem>>) {add = true}
    }
    %scan3A_71 = arith.constant 80 : i32
    %scan3A_72 = arith.constant 0 : i32
    %scan3A_73 = arith.constant 0 : i32
    %scan3A_74 = arith.constant 80 : i32
    %scan3A_75 = arith.addi %scan3A_73, %scan3A_74 : i32
    %scan3A_76 = arith.constant 1 : i32
    scf.for %scan3A_83 = %scan3A_73 to %scan3A_75 step %scan3A_76  : i32 {
      tpu.wait_dma2 semaphore(%arg11 : memref<!tpu.dma_semaphore, #tpu.memory_space<semaphore_mem>>) src(%arg3 : memref<128x16xf32, #tpu.memory_space<hbm>>) dst(%arg7 : memref<128x16xf32, #tpu.memory_space<vmem>>)
    }
    %scan3A_77 = arith.constant 80 : i32
    %barrier3A_78 = arith.constant 0 : index
    tpu.barrier barrier_id(%barrier3A_78)
    %mul3A_79 = arith.constant 640 : i32
    %mul3A_80 = arith.muli %arg1, %mul3A_79 : i32
    "tpu.region"() ({
      %run_scoped3A = tpu.sem_alloc : memref<!tpu.dma_semaphore, #tpu.memory_space<semaphore_mem>>
      %dma_start3A_83 = arith.constant 0 : i32
      %dma_start3A_84 = tpu.memref_slice %arg9[%mul3A_80, %dma_start3A_83] : memref<10240x16xf32, #tpu.memory_space<vmem_shared>> -> memref<640x16xf32, #tpu.memory_space<vmem_shared>>
      %dma_start3A_85 = arith.constant 0 : i32
      %dma_start3A_86 = tpu.memref_slice %arg9[%mul3A_80, %dma_start3A_85] : memref<10240x16xf32, #tpu.memory_space<vmem_shared>> -> memref<640x16xf32, #tpu.memory_space<vmem_shared>>
      tpu.enqueue_dma source(%dma_start3A_86 : memref<640x16xf32, #tpu.memory_space<vmem_shared>>) target(%arg8 : memref<640x16xf32, #tpu.memory_space<vmem>>) target_semaphore(%run_scoped3A : memref<!tpu.dma_semaphore, #tpu.memory_space<semaphore_mem>>)
      %dma_wait3A_87 = arith.constant 0 : i32
      %dma_wait3A_88 = tpu.memref_slice %arg9[%mul3A_80, %dma_wait3A_87] : memref<10240x16xf32, #tpu.memory_space<vmem_shared>> -> memref<640x16xf32, #tpu.memory_space<vmem_shared>>
      %dma_wait3A_89 = arith.constant 0 : i32
      %dma_wait3A_90 = tpu.memref_slice %arg9[%mul3A_80, %dma_wait3A_89] : memref<10240x16xf32, #tpu.memory_space<vmem_shared>> -> memref<640x16xf32, #tpu.memory_space<vmem_shared>>
      tpu.wait_dma2 semaphore(%run_scoped3A : memref<!tpu.dma_semaphore, #tpu.memory_space<semaphore_mem>>) src(%dma_wait3A_90 : memref<640x16xf32, #tpu.memory_space<vmem_shared>>) dst(%arg8 : memref<640x16xf32, #tpu.memory_space<vmem>>)
      tpu.yield
    }) : () -> ()
    %mul3A_81 = arith.constant 640 : i32
    %mul3A_82 = arith.muli %arg1, %mul3A_81 : i32
    "tpu.region"() ({
      %run_scoped3A = tpu.sem_alloc : memref<!tpu.dma_semaphore, #tpu.memory_space<semaphore_mem>>
      %dma_start3A_83 = arith.constant 0 : i32
      %dma_start3A_84 = tpu.memref_slice %arg5[%arg0, %mul3A_82, %dma_start3A_83] : memref<2x10240x16xf32, #tpu.memory_space<hbm>> -> memref<1x640x16xf32, #tpu.memory_space<hbm>>
      %dma_start3A_85 = tpu.memref_squeeze %dma_start3A_84 : memref<1x640x16xf32, #tpu.memory_space<hbm>> -> memref<640x16xf32, #tpu.memory_space<hbm>>
      %dma_start3A_86 = arith.constant 0 : i32
      %dma_start3A_87 = tpu.memref_slice %arg5[%arg0, %mul3A_82, %dma_start3A_86] : memref<2x10240x16xf32, #tpu.memory_space<hbm>> -> memref<1x640x16xf32, #tpu.memory_space<hbm>>
      %dma_start3A_88 = tpu.memref_squeeze %dma_start3A_87 : memref<1x640x16xf32, #tpu.memory_space<hbm>> -> memref<640x16xf32, #tpu.memory_space<hbm>>
      tpu.enqueue_dma source(%arg8 : memref<640x16xf32, #tpu.memory_space<vmem>>) target(%dma_start3A_88 : memref<640x16xf32, #tpu.memory_space<hbm>>) target_semaphore(%run_scoped3A : memref<!tpu.dma_semaphore, #tpu.memory_space<semaphore_mem>>)
      %dma_wait3A_89 = arith.constant 0 : i32
      %dma_wait3A_90 = tpu.memref_slice %arg5[%arg0, %mul3A_82, %dma_wait3A_89] : memref<2x10240x16xf32, #tpu.memory_space<hbm>> -> memref<1x640x16xf32, #tpu.memory_space<hbm>>
      %dma_wait3A_91 = tpu.memref_squeeze %dma_wait3A_90 : memref<1x640x16xf32, #tpu.memory_space<hbm>> -> memref<640x16xf32, #tpu.memory_space<hbm>>
      %dma_wait3A_92 = arith.constant 0 : i32
      %dma_wait3A_93 = tpu.memref_slice %arg5[%arg0, %mul3A_82, %dma_wait3A_92] : memref<2x10240x16xf32, #tpu.memory_space<hbm>> -> memref<1x640x16xf32, #tpu.memory_space<hbm>>
      %dma_wait3A_94 = tpu.memref_squeeze %dma_wait3A_93 : memref<1x640x16xf32, #tpu.memory_space<hbm>> -> memref<640x16xf32, #tpu.memory_space<hbm>>
      tpu.wait_dma2 semaphore(%run_scoped3A : memref<!tpu.dma_semaphore, #tpu.memory_space<semaphore_mem>>) src(%arg8 : memref<640x16xf32, #tpu.memory_space<vmem>>) dst(%dma_wait3A_94 : memref<640x16xf32, #tpu.memory_space<hbm>>)
      tpu.yield
    }) : () -> ()
    return
  }
}

#map = affine_map<(d0, d1) -> (0, 0)>
#map1 = affine_map<(d0, d1) -> (0, 0, 0)>
module attributes {stable_mosaic.version = 14 : i64} {
  func.func @agg_kernel(%arg0: i32, %arg1: i32, %arg2: memref<2560x128xi32, #tpu.memory_space<hbm>>, %arg3: memref<2560x128xi32, #tpu.memory_space<hbm>>, %arg4: memref<2x10000x64xf32, #tpu.memory_space<hbm>>, %arg5: memref<640x64xf32, #tpu.memory_space<hbm>>, %arg6: memref<2x10240x64xf32, #tpu.memory_space<hbm>>, %arg7: memref<160x128xi32, #tpu.memory_space<vmem>>, %arg8: memref<160x128xi32, #tpu.memory_space<vmem>>, %arg9: memref<5x128x64xf32, #tpu.memory_space<vmem>>, %arg10: memref<10240x64xf32, #tpu.memory_space<vmem_shared>>, %arg11: memref<!tpu.dma_semaphore, #tpu.memory_space<semaphore_mem>>, %arg12: memref<!tpu.dma_semaphore, #tpu.memory_space<semaphore_mem>>, %arg13: memref<!tpu.dma_semaphore, #tpu.memory_space<semaphore_mem>>, %arg14: memref<!tpu.dma_semaphore, #tpu.memory_space<semaphore_mem>>, %arg15: memref<!tpu.dma_semaphore, #tpu.memory_space<semaphore_mem>>, %arg16: memref<!tpu.dma_semaphore, #tpu.memory_space<semaphore_mem>>, %arg17: memref<!tpu.dma_semaphore, #tpu.memory_space<semaphore_mem>>, %arg18: memref<!tpu.dma_semaphore, #tpu.memory_space<semaphore_mem>>, %arg19: memref<!tpu.dma_semaphore, #tpu.memory_space<semaphore_mem>>, %arg20: memref<!tpu.dma_semaphore, #tpu.memory_space<semaphore_mem>>, %arg21: memref<!tpu.dma_semaphore, #tpu.memory_space<semaphore_mem>>, %arg22: memref<!tpu.dma_semaphore, #tpu.memory_space<semaphore_mem>>) attributes {dimension_semantics = [#tpu.dimension_semantics<core_parallel>, #tpu.dimension_semantics<subcore_parallel>], iteration_bounds = array<i64: 2, 16>, scalar_prefetch = 0 : i64, scratch_operands = 16 : i64, tpu.core_type = #tpu.core_type<sc_vector_subcore>, window_params = [{transform_indices = #map}, {transform_indices = #map}, {transform_indices = #map1}, {transform_indices = #map}, {transform_indices = #map1}]} {
    %mul3A = arith.constant 160 : i32
    %mul3A_0 = arith.muli %arg1, %mul3A : i32
    %iota3A = tpu.iota {dimensions = array<i32: 0>} : vector<16xi32>
    %add3A = arith.constant 0 : i32
    %add3A_1 = arith.addi %mul3A_0, %add3A : i32
    %add3A_2 = vector.broadcast %add3A_1 : i32 to vector<16xi32>
    %add3A_3 = arith.addi %add3A_2, %iota3A : vector<16xi32>
    %dma_start3A = arith.constant 0 : i32
    %dma_start3A_4 = arith.constant 0 : i32
    %dma_start3A_5 = tpu.memref_slice %arg7[%dma_start3A, %dma_start3A_4] : memref<160x128xi32, #tpu.memory_space<vmem>> -> memref<16x128xi32, #tpu.memory_space<vmem>>
    %dma_start3A_6 = arith.constant 0 : i32
    %dma_start3A_7 = arith.constant 0 : i32
    %dma_start3A_8 = tpu.memref_slice %arg2[%dma_start3A_6, %dma_start3A_7] : memref<2560x128xi32, #tpu.memory_space<hbm>> -> memref<2560x128xi32, #tpu.memory_space<hbm>>
    tpu.enqueue_indirect_dma source(%dma_start3A_8 : memref<2560x128xi32, #tpu.memory_space<hbm>>) target(%dma_start3A_5 : memref<16x128xi32, #tpu.memory_space<vmem>>) offsets(%add3A_3 : vector<16xi32>) semaphore(%arg11 : memref<!tpu.dma_semaphore, #tpu.memory_space<semaphore_mem>>)
    %dma_start3A_9 = arith.constant 0 : i32
    %dma_start3A_10 = arith.constant 0 : i32
    %dma_start3A_11 = tpu.memref_slice %arg8[%dma_start3A_9, %dma_start3A_10] : memref<160x128xi32, #tpu.memory_space<vmem>> -> memref<16x128xi32, #tpu.memory_space<vmem>>
    %dma_start3A_12 = arith.constant 0 : i32
    %dma_start3A_13 = arith.constant 0 : i32
    %dma_start3A_14 = tpu.memref_slice %arg3[%dma_start3A_12, %dma_start3A_13] : memref<2560x128xi32, #tpu.memory_space<hbm>> -> memref<2560x128xi32, #tpu.memory_space<hbm>>
    tpu.enqueue_indirect_dma source(%dma_start3A_14 : memref<2560x128xi32, #tpu.memory_space<hbm>>) target(%dma_start3A_11 : memref<16x128xi32, #tpu.memory_space<vmem>>) offsets(%add3A_3 : vector<16xi32>) semaphore(%arg12 : memref<!tpu.dma_semaphore, #tpu.memory_space<semaphore_mem>>)
    %add3A_15 = arith.constant 16 : i32
    %add3A_16 = arith.addi %mul3A_0, %add3A_15 : i32
    %add3A_17 = vector.broadcast %add3A_16 : i32 to vector<16xi32>
    %add3A_18 = arith.addi %add3A_17, %iota3A : vector<16xi32>
    %dma_start3A_19 = arith.constant 16 : i32
    %dma_start3A_20 = arith.constant 0 : i32
    %dma_start3A_21 = tpu.memref_slice %arg7[%dma_start3A_19, %dma_start3A_20] : memref<160x128xi32, #tpu.memory_space<vmem>> -> memref<16x128xi32, #tpu.memory_space<vmem>>
    %dma_start3A_22 = arith.constant 0 : i32
    %dma_start3A_23 = arith.constant 0 : i32
    %dma_start3A_24 = tpu.memref_slice %arg2[%dma_start3A_22, %dma_start3A_23] : memref<2560x128xi32, #tpu.memory_space<hbm>> -> memref<2560x128xi32, #tpu.memory_space<hbm>>
    tpu.enqueue_indirect_dma source(%dma_start3A_24 : memref<2560x128xi32, #tpu.memory_space<hbm>>) target(%dma_start3A_21 : memref<16x128xi32, #tpu.memory_space<vmem>>) offsets(%add3A_18 : vector<16xi32>) semaphore(%arg11 : memref<!tpu.dma_semaphore, #tpu.memory_space<semaphore_mem>>)
    %dma_start3A_25 = arith.constant 16 : i32
    %dma_start3A_26 = arith.constant 0 : i32
    %dma_start3A_27 = tpu.memref_slice %arg8[%dma_start3A_25, %dma_start3A_26] : memref<160x128xi32, #tpu.memory_space<vmem>> -> memref<16x128xi32, #tpu.memory_space<vmem>>
    %dma_start3A_28 = arith.constant 0 : i32
    %dma_start3A_29 = arith.constant 0 : i32
    %dma_start3A_30 = tpu.memref_slice %arg3[%dma_start3A_28, %dma_start3A_29] : memref<2560x128xi32, #tpu.memory_space<hbm>> -> memref<2560x128xi32, #tpu.memory_space<hbm>>
    tpu.enqueue_indirect_dma source(%dma_start3A_30 : memref<2560x128xi32, #tpu.memory_space<hbm>>) target(%dma_start3A_27 : memref<16x128xi32, #tpu.memory_space<vmem>>) offsets(%add3A_18 : vector<16xi32>) semaphore(%arg12 : memref<!tpu.dma_semaphore, #tpu.memory_space<semaphore_mem>>)
    %add3A_31 = arith.constant 32 : i32
    %add3A_32 = arith.addi %mul3A_0, %add3A_31 : i32
    %add3A_33 = vector.broadcast %add3A_32 : i32 to vector<16xi32>
    %add3A_34 = arith.addi %add3A_33, %iota3A : vector<16xi32>
    %dma_start3A_35 = arith.constant 32 : i32
    %dma_start3A_36 = arith.constant 0 : i32
    %dma_start3A_37 = tpu.memref_slice %arg7[%dma_start3A_35, %dma_start3A_36] : memref<160x128xi32, #tpu.memory_space<vmem>> -> memref<16x128xi32, #tpu.memory_space<vmem>>
    %dma_start3A_38 = arith.constant 0 : i32
    %dma_start3A_39 = arith.constant 0 : i32
    %dma_start3A_40 = tpu.memref_slice %arg2[%dma_start3A_38, %dma_start3A_39] : memref<2560x128xi32, #tpu.memory_space<hbm>> -> memref<2560x128xi32, #tpu.memory_space<hbm>>
    tpu.enqueue_indirect_dma source(%dma_start3A_40 : memref<2560x128xi32, #tpu.memory_space<hbm>>) target(%dma_start3A_37 : memref<16x128xi32, #tpu.memory_space<vmem>>) offsets(%add3A_34 : vector<16xi32>) semaphore(%arg11 : memref<!tpu.dma_semaphore, #tpu.memory_space<semaphore_mem>>)
    %dma_start3A_41 = arith.constant 32 : i32
    %dma_start3A_42 = arith.constant 0 : i32
    %dma_start3A_43 = tpu.memref_slice %arg8[%dma_start3A_41, %dma_start3A_42] : memref<160x128xi32, #tpu.memory_space<vmem>> -> memref<16x128xi32, #tpu.memory_space<vmem>>
    %dma_start3A_44 = arith.constant 0 : i32
    %dma_start3A_45 = arith.constant 0 : i32
    %dma_start3A_46 = tpu.memref_slice %arg3[%dma_start3A_44, %dma_start3A_45] : memref<2560x128xi32, #tpu.memory_space<hbm>> -> memref<2560x128xi32, #tpu.memory_space<hbm>>
    tpu.enqueue_indirect_dma source(%dma_start3A_46 : memref<2560x128xi32, #tpu.memory_space<hbm>>) target(%dma_start3A_43 : memref<16x128xi32, #tpu.memory_space<vmem>>) offsets(%add3A_34 : vector<16xi32>) semaphore(%arg12 : memref<!tpu.dma_semaphore, #tpu.memory_space<semaphore_mem>>)
    %add3A_47 = arith.constant 48 : i32
    %add3A_48 = arith.addi %mul3A_0, %add3A_47 : i32
    %add3A_49 = vector.broadcast %add3A_48 : i32 to vector<16xi32>
    %add3A_50 = arith.addi %add3A_49, %iota3A : vector<16xi32>
    %dma_start3A_51 = arith.constant 48 : i32
    %dma_start3A_52 = arith.constant 0 : i32
    %dma_start3A_53 = tpu.memref_slice %arg7[%dma_start3A_51, %dma_start3A_52] : memref<160x128xi32, #tpu.memory_space<vmem>> -> memref<16x128xi32, #tpu.memory_space<vmem>>
    %dma_start3A_54 = arith.constant 0 : i32
    %dma_start3A_55 = arith.constant 0 : i32
    %dma_start3A_56 = tpu.memref_slice %arg2[%dma_start3A_54, %dma_start3A_55] : memref<2560x128xi32, #tpu.memory_space<hbm>> -> memref<2560x128xi32, #tpu.memory_space<hbm>>
    tpu.enqueue_indirect_dma source(%dma_start3A_56 : memref<2560x128xi32, #tpu.memory_space<hbm>>) target(%dma_start3A_53 : memref<16x128xi32, #tpu.memory_space<vmem>>) offsets(%add3A_50 : vector<16xi32>) semaphore(%arg11 : memref<!tpu.dma_semaphore, #tpu.memory_space<semaphore_mem>>)
    %dma_start3A_57 = arith.constant 48 : i32
    %dma_start3A_58 = arith.constant 0 : i32
    %dma_start3A_59 = tpu.memref_slice %arg8[%dma_start3A_57, %dma_start3A_58] : memref<160x128xi32, #tpu.memory_space<vmem>> -> memref<16x128xi32, #tpu.memory_space<vmem>>
    %dma_start3A_60 = arith.constant 0 : i32
    %dma_start3A_61 = arith.constant 0 : i32
    %dma_start3A_62 = tpu.memref_slice %arg3[%dma_start3A_60, %dma_start3A_61] : memref<2560x128xi32, #tpu.memory_space<hbm>> -> memref<2560x128xi32, #tpu.memory_space<hbm>>
    tpu.enqueue_indirect_dma source(%dma_start3A_62 : memref<2560x128xi32, #tpu.memory_space<hbm>>) target(%dma_start3A_59 : memref<16x128xi32, #tpu.memory_space<vmem>>) offsets(%add3A_50 : vector<16xi32>) semaphore(%arg12 : memref<!tpu.dma_semaphore, #tpu.memory_space<semaphore_mem>>)
    %add3A_63 = arith.constant 64 : i32
    %add3A_64 = arith.addi %mul3A_0, %add3A_63 : i32
    %add3A_65 = vector.broadcast %add3A_64 : i32 to vector<16xi32>
    %add3A_66 = arith.addi %add3A_65, %iota3A : vector<16xi32>
    %dma_start3A_67 = arith.constant 64 : i32
    %dma_start3A_68 = arith.constant 0 : i32
    %dma_start3A_69 = tpu.memref_slice %arg7[%dma_start3A_67, %dma_start3A_68] : memref<160x128xi32, #tpu.memory_space<vmem>> -> memref<16x128xi32, #tpu.memory_space<vmem>>
    %dma_start3A_70 = arith.constant 0 : i32
    %dma_start3A_71 = arith.constant 0 : i32
    %dma_start3A_72 = tpu.memref_slice %arg2[%dma_start3A_70, %dma_start3A_71] : memref<2560x128xi32, #tpu.memory_space<hbm>> -> memref<2560x128xi32, #tpu.memory_space<hbm>>
    tpu.enqueue_indirect_dma source(%dma_start3A_72 : memref<2560x128xi32, #tpu.memory_space<hbm>>) target(%dma_start3A_69 : memref<16x128xi32, #tpu.memory_space<vmem>>) offsets(%add3A_66 : vector<16xi32>) semaphore(%arg11 : memref<!tpu.dma_semaphore, #tpu.memory_space<semaphore_mem>>)
    %dma_start3A_73 = arith.constant 64 : i32
    %dma_start3A_74 = arith.constant 0 : i32
    %dma_start3A_75 = tpu.memref_slice %arg8[%dma_start3A_73, %dma_start3A_74] : memref<160x128xi32, #tpu.memory_space<vmem>> -> memref<16x128xi32, #tpu.memory_space<vmem>>
    %dma_start3A_76 = arith.constant 0 : i32
    %dma_start3A_77 = arith.constant 0 : i32
    %dma_start3A_78 = tpu.memref_slice %arg3[%dma_start3A_76, %dma_start3A_77] : memref<2560x128xi32, #tpu.memory_space<hbm>> -> memref<2560x128xi32, #tpu.memory_space<hbm>>
    tpu.enqueue_indirect_dma source(%dma_start3A_78 : memref<2560x128xi32, #tpu.memory_space<hbm>>) target(%dma_start3A_75 : memref<16x128xi32, #tpu.memory_space<vmem>>) offsets(%add3A_66 : vector<16xi32>) semaphore(%arg12 : memref<!tpu.dma_semaphore, #tpu.memory_space<semaphore_mem>>)
    %add3A_79 = arith.constant 80 : i32
    %add3A_80 = arith.addi %mul3A_0, %add3A_79 : i32
    %add3A_81 = vector.broadcast %add3A_80 : i32 to vector<16xi32>
    %add3A_82 = arith.addi %add3A_81, %iota3A : vector<16xi32>
    %dma_start3A_83 = arith.constant 80 : i32
    %dma_start3A_84 = arith.constant 0 : i32
    %dma_start3A_85 = tpu.memref_slice %arg7[%dma_start3A_83, %dma_start3A_84] : memref<160x128xi32, #tpu.memory_space<vmem>> -> memref<16x128xi32, #tpu.memory_space<vmem>>
    %dma_start3A_86 = arith.constant 0 : i32
    %dma_start3A_87 = arith.constant 0 : i32
    %dma_start3A_88 = tpu.memref_slice %arg2[%dma_start3A_86, %dma_start3A_87] : memref<2560x128xi32, #tpu.memory_space<hbm>> -> memref<2560x128xi32, #tpu.memory_space<hbm>>
    tpu.enqueue_indirect_dma source(%dma_start3A_88 : memref<2560x128xi32, #tpu.memory_space<hbm>>) target(%dma_start3A_85 : memref<16x128xi32, #tpu.memory_space<vmem>>) offsets(%add3A_82 : vector<16xi32>) semaphore(%arg11 : memref<!tpu.dma_semaphore, #tpu.memory_space<semaphore_mem>>)
    %dma_start3A_89 = arith.constant 80 : i32
    %dma_start3A_90 = arith.constant 0 : i32
    %dma_start3A_91 = tpu.memref_slice %arg8[%dma_start3A_89, %dma_start3A_90] : memref<160x128xi32, #tpu.memory_space<vmem>> -> memref<16x128xi32, #tpu.memory_space<vmem>>
    %dma_start3A_92 = arith.constant 0 : i32
    %dma_start3A_93 = arith.constant 0 : i32
    %dma_start3A_94 = tpu.memref_slice %arg3[%dma_start3A_92, %dma_start3A_93] : memref<2560x128xi32, #tpu.memory_space<hbm>> -> memref<2560x128xi32, #tpu.memory_space<hbm>>
    tpu.enqueue_indirect_dma source(%dma_start3A_94 : memref<2560x128xi32, #tpu.memory_space<hbm>>) target(%dma_start3A_91 : memref<16x128xi32, #tpu.memory_space<vmem>>) offsets(%add3A_82 : vector<16xi32>) semaphore(%arg12 : memref<!tpu.dma_semaphore, #tpu.memory_space<semaphore_mem>>)
    %add3A_95 = arith.constant 96 : i32
    %add3A_96 = arith.addi %mul3A_0, %add3A_95 : i32
    %add3A_97 = vector.broadcast %add3A_96 : i32 to vector<16xi32>
    %add3A_98 = arith.addi %add3A_97, %iota3A : vector<16xi32>
    %dma_start3A_99 = arith.constant 96 : i32
    %dma_start3A_100 = arith.constant 0 : i32
    %dma_start3A_101 = tpu.memref_slice %arg7[%dma_start3A_99, %dma_start3A_100] : memref<160x128xi32, #tpu.memory_space<vmem>> -> memref<16x128xi32, #tpu.memory_space<vmem>>
    %dma_start3A_102 = arith.constant 0 : i32
    %dma_start3A_103 = arith.constant 0 : i32
    %dma_start3A_104 = tpu.memref_slice %arg2[%dma_start3A_102, %dma_start3A_103] : memref<2560x128xi32, #tpu.memory_space<hbm>> -> memref<2560x128xi32, #tpu.memory_space<hbm>>
    tpu.enqueue_indirect_dma source(%dma_start3A_104 : memref<2560x128xi32, #tpu.memory_space<hbm>>) target(%dma_start3A_101 : memref<16x128xi32, #tpu.memory_space<vmem>>) offsets(%add3A_98 : vector<16xi32>) semaphore(%arg11 : memref<!tpu.dma_semaphore, #tpu.memory_space<semaphore_mem>>)
    %dma_start3A_105 = arith.constant 96 : i32
    %dma_start3A_106 = arith.constant 0 : i32
    %dma_start3A_107 = tpu.memref_slice %arg8[%dma_start3A_105, %dma_start3A_106] : memref<160x128xi32, #tpu.memory_space<vmem>> -> memref<16x128xi32, #tpu.memory_space<vmem>>
    %dma_start3A_108 = arith.constant 0 : i32
    %dma_start3A_109 = arith.constant 0 : i32
    %dma_start3A_110 = tpu.memref_slice %arg3[%dma_start3A_108, %dma_start3A_109] : memref<2560x128xi32, #tpu.memory_space<hbm>> -> memref<2560x128xi32, #tpu.memory_space<hbm>>
    tpu.enqueue_indirect_dma source(%dma_start3A_110 : memref<2560x128xi32, #tpu.memory_space<hbm>>) target(%dma_start3A_107 : memref<16x128xi32, #tpu.memory_space<vmem>>) offsets(%add3A_98 : vector<16xi32>) semaphore(%arg12 : memref<!tpu.dma_semaphore, #tpu.memory_space<semaphore_mem>>)
    %add3A_111 = arith.constant 112 : i32
    %add3A_112 = arith.addi %mul3A_0, %add3A_111 : i32
    %add3A_113 = vector.broadcast %add3A_112 : i32 to vector<16xi32>
    %add3A_114 = arith.addi %add3A_113, %iota3A : vector<16xi32>
    %dma_start3A_115 = arith.constant 112 : i32
    %dma_start3A_116 = arith.constant 0 : i32
    %dma_start3A_117 = tpu.memref_slice %arg7[%dma_start3A_115, %dma_start3A_116] : memref<160x128xi32, #tpu.memory_space<vmem>> -> memref<16x128xi32, #tpu.memory_space<vmem>>
    %dma_start3A_118 = arith.constant 0 : i32
    %dma_start3A_119 = arith.constant 0 : i32
    %dma_start3A_120 = tpu.memref_slice %arg2[%dma_start3A_118, %dma_start3A_119] : memref<2560x128xi32, #tpu.memory_space<hbm>> -> memref<2560x128xi32, #tpu.memory_space<hbm>>
    tpu.enqueue_indirect_dma source(%dma_start3A_120 : memref<2560x128xi32, #tpu.memory_space<hbm>>) target(%dma_start3A_117 : memref<16x128xi32, #tpu.memory_space<vmem>>) offsets(%add3A_114 : vector<16xi32>) semaphore(%arg11 : memref<!tpu.dma_semaphore, #tpu.memory_space<semaphore_mem>>)
    %dma_start3A_121 = arith.constant 112 : i32
    %dma_start3A_122 = arith.constant 0 : i32
    %dma_start3A_123 = tpu.memref_slice %arg8[%dma_start3A_121, %dma_start3A_122] : memref<160x128xi32, #tpu.memory_space<vmem>> -> memref<16x128xi32, #tpu.memory_space<vmem>>
    %dma_start3A_124 = arith.constant 0 : i32
    %dma_start3A_125 = arith.constant 0 : i32
    %dma_start3A_126 = tpu.memref_slice %arg3[%dma_start3A_124, %dma_start3A_125] : memref<2560x128xi32, #tpu.memory_space<hbm>> -> memref<2560x128xi32, #tpu.memory_space<hbm>>
    tpu.enqueue_indirect_dma source(%dma_start3A_126 : memref<2560x128xi32, #tpu.memory_space<hbm>>) target(%dma_start3A_123 : memref<16x128xi32, #tpu.memory_space<vmem>>) offsets(%add3A_114 : vector<16xi32>) semaphore(%arg12 : memref<!tpu.dma_semaphore, #tpu.memory_space<semaphore_mem>>)
    %add3A_127 = arith.constant 128 : i32
    %add3A_128 = arith.addi %mul3A_0, %add3A_127 : i32
    %add3A_129 = vector.broadcast %add3A_128 : i32 to vector<16xi32>
    %add3A_130 = arith.addi %add3A_129, %iota3A : vector<16xi32>
    %dma_start3A_131 = arith.constant 128 : i32
    %dma_start3A_132 = arith.constant 0 : i32
    %dma_start3A_133 = tpu.memref_slice %arg7[%dma_start3A_131, %dma_start3A_132] : memref<160x128xi32, #tpu.memory_space<vmem>> -> memref<16x128xi32, #tpu.memory_space<vmem>>
    %dma_start3A_134 = arith.constant 0 : i32
    %dma_start3A_135 = arith.constant 0 : i32
    %dma_start3A_136 = tpu.memref_slice %arg2[%dma_start3A_134, %dma_start3A_135] : memref<2560x128xi32, #tpu.memory_space<hbm>> -> memref<2560x128xi32, #tpu.memory_space<hbm>>
    tpu.enqueue_indirect_dma source(%dma_start3A_136 : memref<2560x128xi32, #tpu.memory_space<hbm>>) target(%dma_start3A_133 : memref<16x128xi32, #tpu.memory_space<vmem>>) offsets(%add3A_130 : vector<16xi32>) semaphore(%arg11 : memref<!tpu.dma_semaphore, #tpu.memory_space<semaphore_mem>>)
    %dma_start3A_137 = arith.constant 128 : i32
    %dma_start3A_138 = arith.constant 0 : i32
    %dma_start3A_139 = tpu.memref_slice %arg8[%dma_start3A_137, %dma_start3A_138] : memref<160x128xi32, #tpu.memory_space<vmem>> -> memref<16x128xi32, #tpu.memory_space<vmem>>
    %dma_start3A_140 = arith.constant 0 : i32
    %dma_start3A_141 = arith.constant 0 : i32
    %dma_start3A_142 = tpu.memref_slice %arg3[%dma_start3A_140, %dma_start3A_141] : memref<2560x128xi32, #tpu.memory_space<hbm>> -> memref<2560x128xi32, #tpu.memory_space<hbm>>
    tpu.enqueue_indirect_dma source(%dma_start3A_142 : memref<2560x128xi32, #tpu.memory_space<hbm>>) target(%dma_start3A_139 : memref<16x128xi32, #tpu.memory_space<vmem>>) offsets(%add3A_130 : vector<16xi32>) semaphore(%arg12 : memref<!tpu.dma_semaphore, #tpu.memory_space<semaphore_mem>>)
    %add3A_143 = arith.constant 144 : i32
    %add3A_144 = arith.addi %mul3A_0, %add3A_143 : i32
    %add3A_145 = vector.broadcast %add3A_144 : i32 to vector<16xi32>
    %add3A_146 = arith.addi %add3A_145, %iota3A : vector<16xi32>
    %dma_start3A_147 = arith.constant 144 : i32
    %dma_start3A_148 = arith.constant 0 : i32
    %dma_start3A_149 = tpu.memref_slice %arg7[%dma_start3A_147, %dma_start3A_148] : memref<160x128xi32, #tpu.memory_space<vmem>> -> memref<16x128xi32, #tpu.memory_space<vmem>>
    %dma_start3A_150 = arith.constant 0 : i32
    %dma_start3A_151 = arith.constant 0 : i32
    %dma_start3A_152 = tpu.memref_slice %arg2[%dma_start3A_150, %dma_start3A_151] : memref<2560x128xi32, #tpu.memory_space<hbm>> -> memref<2560x128xi32, #tpu.memory_space<hbm>>
    tpu.enqueue_indirect_dma source(%dma_start3A_152 : memref<2560x128xi32, #tpu.memory_space<hbm>>) target(%dma_start3A_149 : memref<16x128xi32, #tpu.memory_space<vmem>>) offsets(%add3A_146 : vector<16xi32>) semaphore(%arg11 : memref<!tpu.dma_semaphore, #tpu.memory_space<semaphore_mem>>)
    %dma_start3A_153 = arith.constant 144 : i32
    %dma_start3A_154 = arith.constant 0 : i32
    %dma_start3A_155 = tpu.memref_slice %arg8[%dma_start3A_153, %dma_start3A_154] : memref<160x128xi32, #tpu.memory_space<vmem>> -> memref<16x128xi32, #tpu.memory_space<vmem>>
    %dma_start3A_156 = arith.constant 0 : i32
    %dma_start3A_157 = arith.constant 0 : i32
    %dma_start3A_158 = tpu.memref_slice %arg3[%dma_start3A_156, %dma_start3A_157] : memref<2560x128xi32, #tpu.memory_space<hbm>> -> memref<2560x128xi32, #tpu.memory_space<hbm>>
    tpu.enqueue_indirect_dma source(%dma_start3A_158 : memref<2560x128xi32, #tpu.memory_space<hbm>>) target(%dma_start3A_155 : memref<16x128xi32, #tpu.memory_space<vmem>>) offsets(%add3A_146 : vector<16xi32>) semaphore(%arg12 : memref<!tpu.dma_semaphore, #tpu.memory_space<semaphore_mem>>)
    %mul3A_159 = arith.constant 640 : i32
    %mul3A_160 = arith.muli %arg1, %mul3A_159 : i32
    "tpu.region"() ({
      %run_scoped3A = tpu.sem_alloc : memref<!tpu.dma_semaphore, #tpu.memory_space<semaphore_mem>>
      %dma_start3A_262 = arith.constant 0 : i32
      %dma_start3A_263 = tpu.memref_slice %arg10[%mul3A_160, %dma_start3A_262] : memref<10240x64xf32, #tpu.memory_space<vmem_shared>> -> memref<640x64xf32, #tpu.memory_space<vmem_shared>>
      tpu.enqueue_dma source(%arg5 : memref<640x64xf32, #tpu.memory_space<hbm>>) target(%dma_start3A_263 : memref<640x64xf32, #tpu.memory_space<vmem_shared>>) target_semaphore(%run_scoped3A : memref<!tpu.dma_semaphore, #tpu.memory_space<semaphore_mem>>)
      %dma_wait3A_264 = arith.constant 0 : i32
      %dma_wait3A_265 = tpu.memref_slice %arg10[%mul3A_160, %dma_wait3A_264] : memref<10240x64xf32, #tpu.memory_space<vmem_shared>> -> memref<640x64xf32, #tpu.memory_space<vmem_shared>>
      tpu.wait_dma2 semaphore(%run_scoped3A : memref<!tpu.dma_semaphore, #tpu.memory_space<semaphore_mem>>) src(%arg5 : memref<640x64xf32, #tpu.memory_space<hbm>>) dst(%dma_wait3A_265 : memref<640x64xf32, #tpu.memory_space<vmem_shared>>)
      tpu.yield
    }) : () -> ()
    %dma_wait3A = arith.constant 0 : i32
    %dma_wait3A_161 = arith.constant 0 : i32
    %dma_wait3A_162 = tpu.memref_slice %arg2[%dma_wait3A, %dma_wait3A_161] : memref<2560x128xi32, #tpu.memory_space<hbm>> -> memref<160x128xi32, #tpu.memory_space<hbm>>
    %dma_wait3A_163 = arith.constant 0 : i32
    %dma_wait3A_164 = arith.constant 0 : i32
    %dma_wait3A_165 = tpu.memref_slice %arg2[%dma_wait3A_163, %dma_wait3A_164] : memref<2560x128xi32, #tpu.memory_space<hbm>> -> memref<160x128xi32, #tpu.memory_space<hbm>>
    tpu.wait_dma2 semaphore(%arg11 : memref<!tpu.dma_semaphore, #tpu.memory_space<semaphore_mem>>) src(%dma_wait3A_165 : memref<160x128xi32, #tpu.memory_space<hbm>>) dst(%arg7 : memref<160x128xi32, #tpu.memory_space<vmem>>)
    %dma_wait3A_166 = arith.constant 0 : i32
    %dma_wait3A_167 = arith.constant 0 : i32
    %dma_wait3A_168 = tpu.memref_slice %arg3[%dma_wait3A_166, %dma_wait3A_167] : memref<2560x128xi32, #tpu.memory_space<hbm>> -> memref<160x128xi32, #tpu.memory_space<hbm>>
    %dma_wait3A_169 = arith.constant 0 : i32
    %dma_wait3A_170 = arith.constant 0 : i32
    %dma_wait3A_171 = tpu.memref_slice %arg3[%dma_wait3A_169, %dma_wait3A_170] : memref<2560x128xi32, #tpu.memory_space<hbm>> -> memref<160x128xi32, #tpu.memory_space<hbm>>
    tpu.wait_dma2 semaphore(%arg12 : memref<!tpu.dma_semaphore, #tpu.memory_space<semaphore_mem>>) src(%dma_wait3A_171 : memref<160x128xi32, #tpu.memory_space<hbm>>) dst(%arg8 : memref<160x128xi32, #tpu.memory_space<vmem>>)
    %barrier3A = arith.constant 0 : index
    tpu.barrier barrier_id(%barrier3A)
    %dma_start3A_172 = arith.constant 0 : i32
    %dma_start3A_173 = arith.constant 0 : i32
    %dma_start3A_174 = arith.constant 0 : i32
    %dma_start3A_175 = arith.constant 0 : i32
    %dma_start3A_176 = tpu.memref_slice %arg9[%dma_start3A_173, %dma_start3A_174, %dma_start3A_175] : memref<5x128x64xf32, #tpu.memory_space<vmem>> -> memref<1x128x64xf32, #tpu.memory_space<vmem>>
    %dma_start3A_177 = tpu.memref_squeeze %dma_start3A_176 : memref<1x128x64xf32, #tpu.memory_space<vmem>> -> memref<128x64xf32, #tpu.memory_space<vmem>>
    %dma_start3A_178 = arith.constant 0 : i32
    %dma_start3A_179 = tpu.memref_slice %arg7[%dma_start3A_172, %dma_start3A_178] : memref<160x128xi32, #tpu.memory_space<vmem>> -> memref<1x128xi32, #tpu.memory_space<vmem>>
    %dma_start3A_180 = tpu.memref_squeeze %dma_start3A_179 : memref<1x128xi32, #tpu.memory_space<vmem>> -> memref<128xi32, #tpu.memory_space<vmem>>
    %dma_start3A_181 = arith.constant 0 : i32
    %dma_start3A_182 = arith.constant 0 : i32
    %dma_start3A_183 = tpu.memref_slice %arg4[%arg0, %dma_start3A_181, %dma_start3A_182] : memref<2x10000x64xf32, #tpu.memory_space<hbm>> -> memref<1x10000x64xf32, #tpu.memory_space<hbm>>
    %dma_start3A_184 = tpu.memref_squeeze %dma_start3A_183 : memref<1x10000x64xf32, #tpu.memory_space<hbm>> -> memref<10000x64xf32, #tpu.memory_space<hbm>>
    %dma_start3A_185 = arith.constant 0 : i32
    %dma_start3A_186 = arith.constant 0 : i32
    %dma_start3A_187 = tpu.memref_slice %dma_start3A_184[%dma_start3A_185, %dma_start3A_186] : memref<10000x64xf32, #tpu.memory_space<hbm>> -> memref<10000x64xf32, #tpu.memory_space<hbm>>
    tpu.enqueue_indirect_dma source(%dma_start3A_187 : memref<10000x64xf32, #tpu.memory_space<hbm>>) target(%dma_start3A_177 : memref<128x64xf32, #tpu.memory_space<vmem>>) offsets(%dma_start3A_180 : memref<128xi32, #tpu.memory_space<vmem>>) semaphore(%arg13 : memref<!tpu.dma_semaphore, #tpu.memory_space<semaphore_mem>>)
    %dma_start3A_188 = arith.constant 1 : i32
    %dma_start3A_189 = arith.constant 1 : i32
    %dma_start3A_190 = arith.constant 0 : i32
    %dma_start3A_191 = arith.constant 0 : i32
    %dma_start3A_192 = tpu.memref_slice %arg9[%dma_start3A_189, %dma_start3A_190, %dma_start3A_191] : memref<5x128x64xf32, #tpu.memory_space<vmem>> -> memref<1x128x64xf32, #tpu.memory_space<vmem>>
    %dma_start3A_193 = tpu.memref_squeeze %dma_start3A_192 : memref<1x128x64xf32, #tpu.memory_space<vmem>> -> memref<128x64xf32, #tpu.memory_space<vmem>>
    %dma_start3A_194 = arith.constant 0 : i32
    %dma_start3A_195 = tpu.memref_slice %arg7[%dma_start3A_188, %dma_start3A_194] : memref<160x128xi32, #tpu.memory_space<vmem>> -> memref<1x128xi32, #tpu.memory_space<vmem>>
    %dma_start3A_196 = tpu.memref_squeeze %dma_start3A_195 : memref<1x128xi32, #tpu.memory_space<vmem>> -> memref<128xi32, #tpu.memory_space<vmem>>
    %dma_start3A_197 = arith.constant 0 : i32
    %dma_start3A_198 = arith.constant 0 : i32
    %dma_start3A_199 = tpu.memref_slice %arg4[%arg0, %dma_start3A_197, %dma_start3A_198] : memref<2x10000x64xf32, #tpu.memory_space<hbm>> -> memref<1x10000x64xf32, #tpu.memory_space<hbm>>
    %dma_start3A_200 = tpu.memref_squeeze %dma_start3A_199 : memref<1x10000x64xf32, #tpu.memory_space<hbm>> -> memref<10000x64xf32, #tpu.memory_space<hbm>>
    %dma_start3A_201 = arith.constant 0 : i32
    %dma_start3A_202 = arith.constant 0 : i32
    %dma_start3A_203 = tpu.memref_slice %dma_start3A_200[%dma_start3A_201, %dma_start3A_202] : memref<10000x64xf32, #tpu.memory_space<hbm>> -> memref<10000x64xf32, #tpu.memory_space<hbm>>
    tpu.enqueue_indirect_dma source(%dma_start3A_203 : memref<10000x64xf32, #tpu.memory_space<hbm>>) target(%dma_start3A_193 : memref<128x64xf32, #tpu.memory_space<vmem>>) offsets(%dma_start3A_196 : memref<128xi32, #tpu.memory_space<vmem>>) semaphore(%arg14 : memref<!tpu.dma_semaphore, #tpu.memory_space<semaphore_mem>>)
    %dma_start3A_204 = arith.constant 2 : i32
    %dma_start3A_205 = arith.constant 2 : i32
    %dma_start3A_206 = arith.constant 0 : i32
    %dma_start3A_207 = arith.constant 0 : i32
    %dma_start3A_208 = tpu.memref_slice %arg9[%dma_start3A_205, %dma_start3A_206, %dma_start3A_207] : memref<5x128x64xf32, #tpu.memory_space<vmem>> -> memref<1x128x64xf32, #tpu.memory_space<vmem>>
    %dma_start3A_209 = tpu.memref_squeeze %dma_start3A_208 : memref<1x128x64xf32, #tpu.memory_space<vmem>> -> memref<128x64xf32, #tpu.memory_space<vmem>>
    %dma_start3A_210 = arith.constant 0 : i32
    %dma_start3A_211 = tpu.memref_slice %arg7[%dma_start3A_204, %dma_start3A_210] : memref<160x128xi32, #tpu.memory_space<vmem>> -> memref<1x128xi32, #tpu.memory_space<vmem>>
    %dma_start3A_212 = tpu.memref_squeeze %dma_start3A_211 : memref<1x128xi32, #tpu.memory_space<vmem>> -> memref<128xi32, #tpu.memory_space<vmem>>
    %dma_start3A_213 = arith.constant 0 : i32
    %dma_start3A_214 = arith.constant 0 : i32
    %dma_start3A_215 = tpu.memref_slice %arg4[%arg0, %dma_start3A_213, %dma_start3A_214] : memref<2x10000x64xf32, #tpu.memory_space<hbm>> -> memref<1x10000x64xf32, #tpu.memory_space<hbm>>
    %dma_start3A_216 = tpu.memref_squeeze %dma_start3A_215 : memref<1x10000x64xf32, #tpu.memory_space<hbm>> -> memref<10000x64xf32, #tpu.memory_space<hbm>>
    %dma_start3A_217 = arith.constant 0 : i32
    %dma_start3A_218 = arith.constant 0 : i32
    %dma_start3A_219 = tpu.memref_slice %dma_start3A_216[%dma_start3A_217, %dma_start3A_218] : memref<10000x64xf32, #tpu.memory_space<hbm>> -> memref<10000x64xf32, #tpu.memory_space<hbm>>
    tpu.enqueue_indirect_dma source(%dma_start3A_219 : memref<10000x64xf32, #tpu.memory_space<hbm>>) target(%dma_start3A_209 : memref<128x64xf32, #tpu.memory_space<vmem>>) offsets(%dma_start3A_212 : memref<128xi32, #tpu.memory_space<vmem>>) semaphore(%arg15 : memref<!tpu.dma_semaphore, #tpu.memory_space<semaphore_mem>>)
    %dma_start3A_220 = arith.constant 3 : i32
    %dma_start3A_221 = arith.constant 3 : i32
    %dma_start3A_222 = arith.constant 0 : i32
    %dma_start3A_223 = arith.constant 0 : i32
    %dma_start3A_224 = tpu.memref_slice %arg9[%dma_start3A_221, %dma_start3A_222, %dma_start3A_223] : memref<5x128x64xf32, #tpu.memory_space<vmem>> -> memref<1x128x64xf32, #tpu.memory_space<vmem>>
    %dma_start3A_225 = tpu.memref_squeeze %dma_start3A_224 : memref<1x128x64xf32, #tpu.memory_space<vmem>> -> memref<128x64xf32, #tpu.memory_space<vmem>>
    %dma_start3A_226 = arith.constant 0 : i32
    %dma_start3A_227 = tpu.memref_slice %arg7[%dma_start3A_220, %dma_start3A_226] : memref<160x128xi32, #tpu.memory_space<vmem>> -> memref<1x128xi32, #tpu.memory_space<vmem>>
    %dma_start3A_228 = tpu.memref_squeeze %dma_start3A_227 : memref<1x128xi32, #tpu.memory_space<vmem>> -> memref<128xi32, #tpu.memory_space<vmem>>
    %dma_start3A_229 = arith.constant 0 : i32
    %dma_start3A_230 = arith.constant 0 : i32
    %dma_start3A_231 = tpu.memref_slice %arg4[%arg0, %dma_start3A_229, %dma_start3A_230] : memref<2x10000x64xf32, #tpu.memory_space<hbm>> -> memref<1x10000x64xf32, #tpu.memory_space<hbm>>
    %dma_start3A_232 = tpu.memref_squeeze %dma_start3A_231 : memref<1x10000x64xf32, #tpu.memory_space<hbm>> -> memref<10000x64xf32, #tpu.memory_space<hbm>>
    %dma_start3A_233 = arith.constant 0 : i32
    %dma_start3A_234 = arith.constant 0 : i32
    %dma_start3A_235 = tpu.memref_slice %dma_start3A_232[%dma_start3A_233, %dma_start3A_234] : memref<10000x64xf32, #tpu.memory_space<hbm>> -> memref<10000x64xf32, #tpu.memory_space<hbm>>
    tpu.enqueue_indirect_dma source(%dma_start3A_235 : memref<10000x64xf32, #tpu.memory_space<hbm>>) target(%dma_start3A_225 : memref<128x64xf32, #tpu.memory_space<vmem>>) offsets(%dma_start3A_228 : memref<128xi32, #tpu.memory_space<vmem>>) semaphore(%arg16 : memref<!tpu.dma_semaphore, #tpu.memory_space<semaphore_mem>>)
    %dma_start3A_236 = arith.constant 4 : i32
    %dma_start3A_237 = arith.constant 4 : i32
    %dma_start3A_238 = arith.constant 0 : i32
    %dma_start3A_239 = arith.constant 0 : i32
    %dma_start3A_240 = tpu.memref_slice %arg9[%dma_start3A_237, %dma_start3A_238, %dma_start3A_239] : memref<5x128x64xf32, #tpu.memory_space<vmem>> -> memref<1x128x64xf32, #tpu.memory_space<vmem>>
    %dma_start3A_241 = tpu.memref_squeeze %dma_start3A_240 : memref<1x128x64xf32, #tpu.memory_space<vmem>> -> memref<128x64xf32, #tpu.memory_space<vmem>>
    %dma_start3A_242 = arith.constant 0 : i32
    %dma_start3A_243 = tpu.memref_slice %arg7[%dma_start3A_236, %dma_start3A_242] : memref<160x128xi32, #tpu.memory_space<vmem>> -> memref<1x128xi32, #tpu.memory_space<vmem>>
    %dma_start3A_244 = tpu.memref_squeeze %dma_start3A_243 : memref<1x128xi32, #tpu.memory_space<vmem>> -> memref<128xi32, #tpu.memory_space<vmem>>
    %dma_start3A_245 = arith.constant 0 : i32
    %dma_start3A_246 = arith.constant 0 : i32
    %dma_start3A_247 = tpu.memref_slice %arg4[%arg0, %dma_start3A_245, %dma_start3A_246] : memref<2x10000x64xf32, #tpu.memory_space<hbm>> -> memref<1x10000x64xf32, #tpu.memory_space<hbm>>
    %dma_start3A_248 = tpu.memref_squeeze %dma_start3A_247 : memref<1x10000x64xf32, #tpu.memory_space<hbm>> -> memref<10000x64xf32, #tpu.memory_space<hbm>>
    %dma_start3A_249 = arith.constant 0 : i32
    %dma_start3A_250 = arith.constant 0 : i32
    %dma_start3A_251 = tpu.memref_slice %dma_start3A_248[%dma_start3A_249, %dma_start3A_250] : memref<10000x64xf32, #tpu.memory_space<hbm>> -> memref<10000x64xf32, #tpu.memory_space<hbm>>
    tpu.enqueue_indirect_dma source(%dma_start3A_251 : memref<10000x64xf32, #tpu.memory_space<hbm>>) target(%dma_start3A_241 : memref<128x64xf32, #tpu.memory_space<vmem>>) offsets(%dma_start3A_244 : memref<128xi32, #tpu.memory_space<vmem>>) semaphore(%arg17 : memref<!tpu.dma_semaphore, #tpu.memory_space<semaphore_mem>>)
    %scan3A = arith.constant 0 : i32
    %scan3A_252 = arith.constant 0 : i32
    %scan3A_253 = arith.constant 32 : i32
    %scan3A_254 = arith.addi %scan3A_252, %scan3A_253 : i32
    %scan3A_255 = arith.constant 1 : i32
    scf.for %scan3A_262 = %scan3A_252 to %scan3A_254 step %scan3A_255  : i32 {
      %mul3A_263 = arith.constant 5 : i32
      %mul3A_264 = arith.muli %scan3A_262, %mul3A_263 : i32
      %dma_wait3A_265 = arith.constant 0 : i32
      %dma_wait3A_266 = arith.constant 0 : i32
      %dma_wait3A_267 = arith.constant 0 : i32
      %dma_wait3A_268 = tpu.memref_slice %arg9[%dma_wait3A_265, %dma_wait3A_266, %dma_wait3A_267] : memref<5x128x64xf32, #tpu.memory_space<vmem>> -> memref<1x128x64xf32, #tpu.memory_space<vmem>>
      %dma_wait3A_269 = tpu.memref_squeeze %dma_wait3A_268 : memref<1x128x64xf32, #tpu.memory_space<vmem>> -> memref<128x64xf32, #tpu.memory_space<vmem>>
      %dma_wait3A_270 = arith.constant 0 : i32
      %dma_wait3A_271 = arith.constant 0 : i32
      %dma_wait3A_272 = tpu.memref_slice %arg4[%arg0, %dma_wait3A_270, %dma_wait3A_271] : memref<2x10000x64xf32, #tpu.memory_space<hbm>> -> memref<1x10000x64xf32, #tpu.memory_space<hbm>>
      %dma_wait3A_273 = tpu.memref_squeeze %dma_wait3A_272 : memref<1x10000x64xf32, #tpu.memory_space<hbm>> -> memref<10000x64xf32, #tpu.memory_space<hbm>>
      %dma_wait3A_274 = arith.constant 0 : i32
      %dma_wait3A_275 = arith.constant 0 : i32
      %dma_wait3A_276 = tpu.memref_slice %dma_wait3A_273[%dma_wait3A_274, %dma_wait3A_275] : memref<10000x64xf32, #tpu.memory_space<hbm>> -> memref<128x64xf32, #tpu.memory_space<hbm>>
      %dma_wait3A_277 = arith.constant 0 : i32
      %dma_wait3A_278 = arith.constant 0 : i32
      %dma_wait3A_279 = tpu.memref_slice %arg9[%dma_wait3A_265, %dma_wait3A_277, %dma_wait3A_278] : memref<5x128x64xf32, #tpu.memory_space<vmem>> -> memref<1x128x64xf32, #tpu.memory_space<vmem>>
      %dma_wait3A_280 = tpu.memref_squeeze %dma_wait3A_279 : memref<1x128x64xf32, #tpu.memory_space<vmem>> -> memref<128x64xf32, #tpu.memory_space<vmem>>
      %dma_wait3A_281 = arith.constant 0 : i32
      %dma_wait3A_282 = arith.constant 0 : i32
      %dma_wait3A_283 = tpu.memref_slice %arg4[%arg0, %dma_wait3A_281, %dma_wait3A_282] : memref<2x10000x64xf32, #tpu.memory_space<hbm>> -> memref<1x10000x64xf32, #tpu.memory_space<hbm>>
      %dma_wait3A_284 = tpu.memref_squeeze %dma_wait3A_283 : memref<1x10000x64xf32, #tpu.memory_space<hbm>> -> memref<10000x64xf32, #tpu.memory_space<hbm>>
      %dma_wait3A_285 = arith.constant 0 : i32
      %dma_wait3A_286 = arith.constant 0 : i32
      %dma_wait3A_287 = tpu.memref_slice %dma_wait3A_284[%dma_wait3A_285, %dma_wait3A_286] : memref<10000x64xf32, #tpu.memory_space<hbm>> -> memref<128x64xf32, #tpu.memory_space<hbm>>
      tpu.wait_dma2 semaphore(%arg13 : memref<!tpu.dma_semaphore, #tpu.memory_space<semaphore_mem>>) src(%dma_wait3A_287 : memref<128x64xf32, #tpu.memory_space<hbm>>) dst(%dma_wait3A_280 : memref<128x64xf32, #tpu.memory_space<vmem>>)
      %add3A_288 = arith.constant 0 : i32
      %add3A_289 = arith.addi %mul3A_264, %add3A_288 : i32
      %dma_start3A_290 = arith.constant 0 : i32
      %dma_start3A_291 = arith.constant 0 : i32
      %dma_start3A_292 = arith.constant 0 : i32
      %dma_start3A_293 = tpu.memref_slice %arg9[%dma_start3A_290, %dma_start3A_291, %dma_start3A_292] : memref<5x128x64xf32, #tpu.memory_space<vmem>> -> memref<1x128x64xf32, #tpu.memory_space<vmem>>
      %dma_start3A_294 = tpu.memref_squeeze %dma_start3A_293 : memref<1x128x64xf32, #tpu.memory_space<vmem>> -> memref<128x64xf32, #tpu.memory_space<vmem>>
      %dma_start3A_295 = arith.constant 0 : i32
      %dma_start3A_296 = tpu.memref_slice %arg8[%add3A_289, %dma_start3A_295] : memref<160x128xi32, #tpu.memory_space<vmem>> -> memref<1x128xi32, #tpu.memory_space<vmem>>
      %dma_start3A_297 = tpu.memref_squeeze %dma_start3A_296 : memref<1x128xi32, #tpu.memory_space<vmem>> -> memref<128xi32, #tpu.memory_space<vmem>>
      %dma_start3A_298 = arith.constant 0 : i32
      %dma_start3A_299 = arith.constant 0 : i32
      %dma_start3A_300 = tpu.memref_slice %arg10[%dma_start3A_298, %dma_start3A_299] : memref<10240x64xf32, #tpu.memory_space<vmem_shared>> -> memref<10240x64xf32, #tpu.memory_space<vmem_shared>>
      tpu.enqueue_indirect_dma source(%dma_start3A_294 : memref<128x64xf32, #tpu.memory_space<vmem>>) target(%dma_start3A_300 : memref<10240x64xf32, #tpu.memory_space<vmem_shared>>) offsets(%dma_start3A_297 : memref<128xi32, #tpu.memory_space<vmem>>) semaphore(%arg18 : memref<!tpu.dma_semaphore, #tpu.memory_space<semaphore_mem>>) {add = true}
      %dma_wait3A_301 = arith.constant 1 : i32
      %dma_wait3A_302 = arith.constant 0 : i32
      %dma_wait3A_303 = arith.constant 0 : i32
      %dma_wait3A_304 = tpu.memref_slice %arg9[%dma_wait3A_301, %dma_wait3A_302, %dma_wait3A_303] : memref<5x128x64xf32, #tpu.memory_space<vmem>> -> memref<1x128x64xf32, #tpu.memory_space<vmem>>
      %dma_wait3A_305 = tpu.memref_squeeze %dma_wait3A_304 : memref<1x128x64xf32, #tpu.memory_space<vmem>> -> memref<128x64xf32, #tpu.memory_space<vmem>>
      %dma_wait3A_306 = arith.constant 0 : i32
      %dma_wait3A_307 = arith.constant 0 : i32
      %dma_wait3A_308 = tpu.memref_slice %arg4[%arg0, %dma_wait3A_306, %dma_wait3A_307] : memref<2x10000x64xf32, #tpu.memory_space<hbm>> -> memref<1x10000x64xf32, #tpu.memory_space<hbm>>
      %dma_wait3A_309 = tpu.memref_squeeze %dma_wait3A_308 : memref<1x10000x64xf32, #tpu.memory_space<hbm>> -> memref<10000x64xf32, #tpu.memory_space<hbm>>
      %dma_wait3A_310 = arith.constant 0 : i32
      %dma_wait3A_311 = arith.constant 0 : i32
      %dma_wait3A_312 = tpu.memref_slice %dma_wait3A_309[%dma_wait3A_310, %dma_wait3A_311] : memref<10000x64xf32, #tpu.memory_space<hbm>> -> memref<128x64xf32, #tpu.memory_space<hbm>>
      %dma_wait3A_313 = arith.constant 0 : i32
      %dma_wait3A_314 = arith.constant 0 : i32
      %dma_wait3A_315 = tpu.memref_slice %arg9[%dma_wait3A_301, %dma_wait3A_313, %dma_wait3A_314] : memref<5x128x64xf32, #tpu.memory_space<vmem>> -> memref<1x128x64xf32, #tpu.memory_space<vmem>>
      %dma_wait3A_316 = tpu.memref_squeeze %dma_wait3A_315 : memref<1x128x64xf32, #tpu.memory_space<vmem>> -> memref<128x64xf32, #tpu.memory_space<vmem>>
      %dma_wait3A_317 = arith.constant 0 : i32
      %dma_wait3A_318 = arith.constant 0 : i32
      %dma_wait3A_319 = tpu.memref_slice %arg4[%arg0, %dma_wait3A_317, %dma_wait3A_318] : memref<2x10000x64xf32, #tpu.memory_space<hbm>> -> memref<1x10000x64xf32, #tpu.memory_space<hbm>>
      %dma_wait3A_320 = tpu.memref_squeeze %dma_wait3A_319 : memref<1x10000x64xf32, #tpu.memory_space<hbm>> -> memref<10000x64xf32, #tpu.memory_space<hbm>>
      %dma_wait3A_321 = arith.constant 0 : i32
      %dma_wait3A_322 = arith.constant 0 : i32
      %dma_wait3A_323 = tpu.memref_slice %dma_wait3A_320[%dma_wait3A_321, %dma_wait3A_322] : memref<10000x64xf32, #tpu.memory_space<hbm>> -> memref<128x64xf32, #tpu.memory_space<hbm>>
      tpu.wait_dma2 semaphore(%arg14 : memref<!tpu.dma_semaphore, #tpu.memory_space<semaphore_mem>>) src(%dma_wait3A_323 : memref<128x64xf32, #tpu.memory_space<hbm>>) dst(%dma_wait3A_316 : memref<128x64xf32, #tpu.memory_space<vmem>>)
      %add3A_324 = arith.constant 1 : i32
      %add3A_325 = arith.addi %mul3A_264, %add3A_324 : i32
      %dma_start3A_326 = arith.constant 1 : i32
      %dma_start3A_327 = arith.constant 0 : i32
      %dma_start3A_328 = arith.constant 0 : i32
      %dma_start3A_329 = tpu.memref_slice %arg9[%dma_start3A_326, %dma_start3A_327, %dma_start3A_328] : memref<5x128x64xf32, #tpu.memory_space<vmem>> -> memref<1x128x64xf32, #tpu.memory_space<vmem>>
      %dma_start3A_330 = tpu.memref_squeeze %dma_start3A_329 : memref<1x128x64xf32, #tpu.memory_space<vmem>> -> memref<128x64xf32, #tpu.memory_space<vmem>>
      %dma_start3A_331 = arith.constant 0 : i32
      %dma_start3A_332 = tpu.memref_slice %arg8[%add3A_325, %dma_start3A_331] : memref<160x128xi32, #tpu.memory_space<vmem>> -> memref<1x128xi32, #tpu.memory_space<vmem>>
      %dma_start3A_333 = tpu.memref_squeeze %dma_start3A_332 : memref<1x128xi32, #tpu.memory_space<vmem>> -> memref<128xi32, #tpu.memory_space<vmem>>
      %dma_start3A_334 = arith.constant 0 : i32
      %dma_start3A_335 = arith.constant 0 : i32
      %dma_start3A_336 = tpu.memref_slice %arg10[%dma_start3A_334, %dma_start3A_335] : memref<10240x64xf32, #tpu.memory_space<vmem_shared>> -> memref<10240x64xf32, #tpu.memory_space<vmem_shared>>
      tpu.enqueue_indirect_dma source(%dma_start3A_330 : memref<128x64xf32, #tpu.memory_space<vmem>>) target(%dma_start3A_336 : memref<10240x64xf32, #tpu.memory_space<vmem_shared>>) offsets(%dma_start3A_333 : memref<128xi32, #tpu.memory_space<vmem>>) semaphore(%arg19 : memref<!tpu.dma_semaphore, #tpu.memory_space<semaphore_mem>>) {add = true}
      %dma_wait3A_337 = arith.constant 2 : i32
      %dma_wait3A_338 = arith.constant 0 : i32
      %dma_wait3A_339 = arith.constant 0 : i32
      %dma_wait3A_340 = tpu.memref_slice %arg9[%dma_wait3A_337, %dma_wait3A_338, %dma_wait3A_339] : memref<5x128x64xf32, #tpu.memory_space<vmem>> -> memref<1x128x64xf32, #tpu.memory_space<vmem>>
      %dma_wait3A_341 = tpu.memref_squeeze %dma_wait3A_340 : memref<1x128x64xf32, #tpu.memory_space<vmem>> -> memref<128x64xf32, #tpu.memory_space<vmem>>
      %dma_wait3A_342 = arith.constant 0 : i32
      %dma_wait3A_343 = arith.constant 0 : i32
      %dma_wait3A_344 = tpu.memref_slice %arg4[%arg0, %dma_wait3A_342, %dma_wait3A_343] : memref<2x10000x64xf32, #tpu.memory_space<hbm>> -> memref<1x10000x64xf32, #tpu.memory_space<hbm>>
      %dma_wait3A_345 = tpu.memref_squeeze %dma_wait3A_344 : memref<1x10000x64xf32, #tpu.memory_space<hbm>> -> memref<10000x64xf32, #tpu.memory_space<hbm>>
      %dma_wait3A_346 = arith.constant 0 : i32
      %dma_wait3A_347 = arith.constant 0 : i32
      %dma_wait3A_348 = tpu.memref_slice %dma_wait3A_345[%dma_wait3A_346, %dma_wait3A_347] : memref<10000x64xf32, #tpu.memory_space<hbm>> -> memref<128x64xf32, #tpu.memory_space<hbm>>
      %dma_wait3A_349 = arith.constant 0 : i32
      %dma_wait3A_350 = arith.constant 0 : i32
      %dma_wait3A_351 = tpu.memref_slice %arg9[%dma_wait3A_337, %dma_wait3A_349, %dma_wait3A_350] : memref<5x128x64xf32, #tpu.memory_space<vmem>> -> memref<1x128x64xf32, #tpu.memory_space<vmem>>
      %dma_wait3A_352 = tpu.memref_squeeze %dma_wait3A_351 : memref<1x128x64xf32, #tpu.memory_space<vmem>> -> memref<128x64xf32, #tpu.memory_space<vmem>>
      %dma_wait3A_353 = arith.constant 0 : i32
      %dma_wait3A_354 = arith.constant 0 : i32
      %dma_wait3A_355 = tpu.memref_slice %arg4[%arg0, %dma_wait3A_353, %dma_wait3A_354] : memref<2x10000x64xf32, #tpu.memory_space<hbm>> -> memref<1x10000x64xf32, #tpu.memory_space<hbm>>
      %dma_wait3A_356 = tpu.memref_squeeze %dma_wait3A_355 : memref<1x10000x64xf32, #tpu.memory_space<hbm>> -> memref<10000x64xf32, #tpu.memory_space<hbm>>
      %dma_wait3A_357 = arith.constant 0 : i32
      %dma_wait3A_358 = arith.constant 0 : i32
      %dma_wait3A_359 = tpu.memref_slice %dma_wait3A_356[%dma_wait3A_357, %dma_wait3A_358] : memref<10000x64xf32, #tpu.memory_space<hbm>> -> memref<128x64xf32, #tpu.memory_space<hbm>>
      tpu.wait_dma2 semaphore(%arg15 : memref<!tpu.dma_semaphore, #tpu.memory_space<semaphore_mem>>) src(%dma_wait3A_359 : memref<128x64xf32, #tpu.memory_space<hbm>>) dst(%dma_wait3A_352 : memref<128x64xf32, #tpu.memory_space<vmem>>)
      %add3A_360 = arith.constant 2 : i32
      %add3A_361 = arith.addi %mul3A_264, %add3A_360 : i32
      %dma_start3A_362 = arith.constant 2 : i32
      %dma_start3A_363 = arith.constant 0 : i32
      %dma_start3A_364 = arith.constant 0 : i32
      %dma_start3A_365 = tpu.memref_slice %arg9[%dma_start3A_362, %dma_start3A_363, %dma_start3A_364] : memref<5x128x64xf32, #tpu.memory_space<vmem>> -> memref<1x128x64xf32, #tpu.memory_space<vmem>>
      %dma_start3A_366 = tpu.memref_squeeze %dma_start3A_365 : memref<1x128x64xf32, #tpu.memory_space<vmem>> -> memref<128x64xf32, #tpu.memory_space<vmem>>
      %dma_start3A_367 = arith.constant 0 : i32
      %dma_start3A_368 = tpu.memref_slice %arg8[%add3A_361, %dma_start3A_367] : memref<160x128xi32, #tpu.memory_space<vmem>> -> memref<1x128xi32, #tpu.memory_space<vmem>>
      %dma_start3A_369 = tpu.memref_squeeze %dma_start3A_368 : memref<1x128xi32, #tpu.memory_space<vmem>> -> memref<128xi32, #tpu.memory_space<vmem>>
      %dma_start3A_370 = arith.constant 0 : i32
      %dma_start3A_371 = arith.constant 0 : i32
      %dma_start3A_372 = tpu.memref_slice %arg10[%dma_start3A_370, %dma_start3A_371] : memref<10240x64xf32, #tpu.memory_space<vmem_shared>> -> memref<10240x64xf32, #tpu.memory_space<vmem_shared>>
      tpu.enqueue_indirect_dma source(%dma_start3A_366 : memref<128x64xf32, #tpu.memory_space<vmem>>) target(%dma_start3A_372 : memref<10240x64xf32, #tpu.memory_space<vmem_shared>>) offsets(%dma_start3A_369 : memref<128xi32, #tpu.memory_space<vmem>>) semaphore(%arg20 : memref<!tpu.dma_semaphore, #tpu.memory_space<semaphore_mem>>) {add = true}
      %dma_wait3A_373 = arith.constant 3 : i32
      %dma_wait3A_374 = arith.constant 0 : i32
      %dma_wait3A_375 = arith.constant 0 : i32
      %dma_wait3A_376 = tpu.memref_slice %arg9[%dma_wait3A_373, %dma_wait3A_374, %dma_wait3A_375] : memref<5x128x64xf32, #tpu.memory_space<vmem>> -> memref<1x128x64xf32, #tpu.memory_space<vmem>>
      %dma_wait3A_377 = tpu.memref_squeeze %dma_wait3A_376 : memref<1x128x64xf32, #tpu.memory_space<vmem>> -> memref<128x64xf32, #tpu.memory_space<vmem>>
      %dma_wait3A_378 = arith.constant 0 : i32
      %dma_wait3A_379 = arith.constant 0 : i32
      %dma_wait3A_380 = tpu.memref_slice %arg4[%arg0, %dma_wait3A_378, %dma_wait3A_379] : memref<2x10000x64xf32, #tpu.memory_space<hbm>> -> memref<1x10000x64xf32, #tpu.memory_space<hbm>>
      %dma_wait3A_381 = tpu.memref_squeeze %dma_wait3A_380 : memref<1x10000x64xf32, #tpu.memory_space<hbm>> -> memref<10000x64xf32, #tpu.memory_space<hbm>>
      %dma_wait3A_382 = arith.constant 0 : i32
      %dma_wait3A_383 = arith.constant 0 : i32
      %dma_wait3A_384 = tpu.memref_slice %dma_wait3A_381[%dma_wait3A_382, %dma_wait3A_383] : memref<10000x64xf32, #tpu.memory_space<hbm>> -> memref<128x64xf32, #tpu.memory_space<hbm>>
      %dma_wait3A_385 = arith.constant 0 : i32
      %dma_wait3A_386 = arith.constant 0 : i32
      %dma_wait3A_387 = tpu.memref_slice %arg9[%dma_wait3A_373, %dma_wait3A_385, %dma_wait3A_386] : memref<5x128x64xf32, #tpu.memory_space<vmem>> -> memref<1x128x64xf32, #tpu.memory_space<vmem>>
      %dma_wait3A_388 = tpu.memref_squeeze %dma_wait3A_387 : memref<1x128x64xf32, #tpu.memory_space<vmem>> -> memref<128x64xf32, #tpu.memory_space<vmem>>
      %dma_wait3A_389 = arith.constant 0 : i32
      %dma_wait3A_390 = arith.constant 0 : i32
      %dma_wait3A_391 = tpu.memref_slice %arg4[%arg0, %dma_wait3A_389, %dma_wait3A_390] : memref<2x10000x64xf32, #tpu.memory_space<hbm>> -> memref<1x10000x64xf32, #tpu.memory_space<hbm>>
      %dma_wait3A_392 = tpu.memref_squeeze %dma_wait3A_391 : memref<1x10000x64xf32, #tpu.memory_space<hbm>> -> memref<10000x64xf32, #tpu.memory_space<hbm>>
      %dma_wait3A_393 = arith.constant 0 : i32
      %dma_wait3A_394 = arith.constant 0 : i32
      %dma_wait3A_395 = tpu.memref_slice %dma_wait3A_392[%dma_wait3A_393, %dma_wait3A_394] : memref<10000x64xf32, #tpu.memory_space<hbm>> -> memref<128x64xf32, #tpu.memory_space<hbm>>
      tpu.wait_dma2 semaphore(%arg16 : memref<!tpu.dma_semaphore, #tpu.memory_space<semaphore_mem>>) src(%dma_wait3A_395 : memref<128x64xf32, #tpu.memory_space<hbm>>) dst(%dma_wait3A_388 : memref<128x64xf32, #tpu.memory_space<vmem>>)
      %add3A_396 = arith.constant 3 : i32
      %add3A_397 = arith.addi %mul3A_264, %add3A_396 : i32
      %dma_start3A_398 = arith.constant 3 : i32
      %dma_start3A_399 = arith.constant 0 : i32
      %dma_start3A_400 = arith.constant 0 : i32
      %dma_start3A_401 = tpu.memref_slice %arg9[%dma_start3A_398, %dma_start3A_399, %dma_start3A_400] : memref<5x128x64xf32, #tpu.memory_space<vmem>> -> memref<1x128x64xf32, #tpu.memory_space<vmem>>
      %dma_start3A_402 = tpu.memref_squeeze %dma_start3A_401 : memref<1x128x64xf32, #tpu.memory_space<vmem>> -> memref<128x64xf32, #tpu.memory_space<vmem>>
      %dma_start3A_403 = arith.constant 0 : i32
      %dma_start3A_404 = tpu.memref_slice %arg8[%add3A_397, %dma_start3A_403] : memref<160x128xi32, #tpu.memory_space<vmem>> -> memref<1x128xi32, #tpu.memory_space<vmem>>
      %dma_start3A_405 = tpu.memref_squeeze %dma_start3A_404 : memref<1x128xi32, #tpu.memory_space<vmem>> -> memref<128xi32, #tpu.memory_space<vmem>>
      %dma_start3A_406 = arith.constant 0 : i32
      %dma_start3A_407 = arith.constant 0 : i32
      %dma_start3A_408 = tpu.memref_slice %arg10[%dma_start3A_406, %dma_start3A_407] : memref<10240x64xf32, #tpu.memory_space<vmem_shared>> -> memref<10240x64xf32, #tpu.memory_space<vmem_shared>>
      tpu.enqueue_indirect_dma source(%dma_start3A_402 : memref<128x64xf32, #tpu.memory_space<vmem>>) target(%dma_start3A_408 : memref<10240x64xf32, #tpu.memory_space<vmem_shared>>) offsets(%dma_start3A_405 : memref<128xi32, #tpu.memory_space<vmem>>) semaphore(%arg21 : memref<!tpu.dma_semaphore, #tpu.memory_space<semaphore_mem>>) {add = true}
      %dma_wait3A_409 = arith.constant 4 : i32
      %dma_wait3A_410 = arith.constant 0 : i32
      %dma_wait3A_411 = arith.constant 0 : i32
      %dma_wait3A_412 = tpu.memref_slice %arg9[%dma_wait3A_409, %dma_wait3A_410, %dma_wait3A_411] : memref<5x128x64xf32, #tpu.memory_space<vmem>> -> memref<1x128x64xf32, #tpu.memory_space<vmem>>
      %dma_wait3A_413 = tpu.memref_squeeze %dma_wait3A_412 : memref<1x128x64xf32, #tpu.memory_space<vmem>> -> memref<128x64xf32, #tpu.memory_space<vmem>>
      %dma_wait3A_414 = arith.constant 0 : i32
      %dma_wait3A_415 = arith.constant 0 : i32
      %dma_wait3A_416 = tpu.memref_slice %arg4[%arg0, %dma_wait3A_414, %dma_wait3A_415] : memref<2x10000x64xf32, #tpu.memory_space<hbm>> -> memref<1x10000x64xf32, #tpu.memory_space<hbm>>
      %dma_wait3A_417 = tpu.memref_squeeze %dma_wait3A_416 : memref<1x10000x64xf32, #tpu.memory_space<hbm>> -> memref<10000x64xf32, #tpu.memory_space<hbm>>
      %dma_wait3A_418 = arith.constant 0 : i32
      %dma_wait3A_419 = arith.constant 0 : i32
      %dma_wait3A_420 = tpu.memref_slice %dma_wait3A_417[%dma_wait3A_418, %dma_wait3A_419] : memref<10000x64xf32, #tpu.memory_space<hbm>> -> memref<128x64xf32, #tpu.memory_space<hbm>>
      %dma_wait3A_421 = arith.constant 0 : i32
      %dma_wait3A_422 = arith.constant 0 : i32
      %dma_wait3A_423 = tpu.memref_slice %arg9[%dma_wait3A_409, %dma_wait3A_421, %dma_wait3A_422] : memref<5x128x64xf32, #tpu.memory_space<vmem>> -> memref<1x128x64xf32, #tpu.memory_space<vmem>>
      %dma_wait3A_424 = tpu.memref_squeeze %dma_wait3A_423 : memref<1x128x64xf32, #tpu.memory_space<vmem>> -> memref<128x64xf32, #tpu.memory_space<vmem>>
      %dma_wait3A_425 = arith.constant 0 : i32
      %dma_wait3A_426 = arith.constant 0 : i32
      %dma_wait3A_427 = tpu.memref_slice %arg4[%arg0, %dma_wait3A_425, %dma_wait3A_426] : memref<2x10000x64xf32, #tpu.memory_space<hbm>> -> memref<1x10000x64xf32, #tpu.memory_space<hbm>>
      %dma_wait3A_428 = tpu.memref_squeeze %dma_wait3A_427 : memref<1x10000x64xf32, #tpu.memory_space<hbm>> -> memref<10000x64xf32, #tpu.memory_space<hbm>>
      %dma_wait3A_429 = arith.constant 0 : i32
      %dma_wait3A_430 = arith.constant 0 : i32
      %dma_wait3A_431 = tpu.memref_slice %dma_wait3A_428[%dma_wait3A_429, %dma_wait3A_430] : memref<10000x64xf32, #tpu.memory_space<hbm>> -> memref<128x64xf32, #tpu.memory_space<hbm>>
      tpu.wait_dma2 semaphore(%arg17 : memref<!tpu.dma_semaphore, #tpu.memory_space<semaphore_mem>>) src(%dma_wait3A_431 : memref<128x64xf32, #tpu.memory_space<hbm>>) dst(%dma_wait3A_424 : memref<128x64xf32, #tpu.memory_space<vmem>>)
      %add3A_432 = arith.constant 4 : i32
      %add3A_433 = arith.addi %mul3A_264, %add3A_432 : i32
      %dma_start3A_434 = arith.constant 4 : i32
      %dma_start3A_435 = arith.constant 0 : i32
      %dma_start3A_436 = arith.constant 0 : i32
      %dma_start3A_437 = tpu.memref_slice %arg9[%dma_start3A_434, %dma_start3A_435, %dma_start3A_436] : memref<5x128x64xf32, #tpu.memory_space<vmem>> -> memref<1x128x64xf32, #tpu.memory_space<vmem>>
      %dma_start3A_438 = tpu.memref_squeeze %dma_start3A_437 : memref<1x128x64xf32, #tpu.memory_space<vmem>> -> memref<128x64xf32, #tpu.memory_space<vmem>>
      %dma_start3A_439 = arith.constant 0 : i32
      %dma_start3A_440 = tpu.memref_slice %arg8[%add3A_433, %dma_start3A_439] : memref<160x128xi32, #tpu.memory_space<vmem>> -> memref<1x128xi32, #tpu.memory_space<vmem>>
      %dma_start3A_441 = tpu.memref_squeeze %dma_start3A_440 : memref<1x128xi32, #tpu.memory_space<vmem>> -> memref<128xi32, #tpu.memory_space<vmem>>
      %dma_start3A_442 = arith.constant 0 : i32
      %dma_start3A_443 = arith.constant 0 : i32
      %dma_start3A_444 = tpu.memref_slice %arg10[%dma_start3A_442, %dma_start3A_443] : memref<10240x64xf32, #tpu.memory_space<vmem_shared>> -> memref<10240x64xf32, #tpu.memory_space<vmem_shared>>
      tpu.enqueue_indirect_dma source(%dma_start3A_438 : memref<128x64xf32, #tpu.memory_space<vmem>>) target(%dma_start3A_444 : memref<10240x64xf32, #tpu.memory_space<vmem_shared>>) offsets(%dma_start3A_441 : memref<128xi32, #tpu.memory_space<vmem>>) semaphore(%arg22 : memref<!tpu.dma_semaphore, #tpu.memory_space<semaphore_mem>>) {add = true}
      %dma_wait3A_445 = arith.constant 0 : i32
      %dma_wait3A_446 = arith.constant 0 : i32
      %dma_wait3A_447 = arith.constant 0 : i32
      %dma_wait3A_448 = tpu.memref_slice %arg9[%dma_wait3A_445, %dma_wait3A_446, %dma_wait3A_447] : memref<5x128x64xf32, #tpu.memory_space<vmem>> -> memref<1x128x64xf32, #tpu.memory_space<vmem>>
      %dma_wait3A_449 = tpu.memref_squeeze %dma_wait3A_448 : memref<1x128x64xf32, #tpu.memory_space<vmem>> -> memref<128x64xf32, #tpu.memory_space<vmem>>
      %dma_wait3A_450 = arith.constant 0 : i32
      %dma_wait3A_451 = arith.constant 0 : i32
      %dma_wait3A_452 = tpu.memref_slice %arg4[%arg0, %dma_wait3A_450, %dma_wait3A_451] : memref<2x10000x64xf32, #tpu.memory_space<hbm>> -> memref<1x10000x64xf32, #tpu.memory_space<hbm>>
      %dma_wait3A_453 = tpu.memref_squeeze %dma_wait3A_452 : memref<1x10000x64xf32, #tpu.memory_space<hbm>> -> memref<10000x64xf32, #tpu.memory_space<hbm>>
      %dma_wait3A_454 = arith.constant 0 : i32
      %dma_wait3A_455 = arith.constant 0 : i32
      %dma_wait3A_456 = tpu.memref_slice %dma_wait3A_453[%dma_wait3A_454, %dma_wait3A_455] : memref<10000x64xf32, #tpu.memory_space<hbm>> -> memref<128x64xf32, #tpu.memory_space<hbm>>
      %dma_wait3A_457 = arith.constant 0 : i32
      %dma_wait3A_458 = arith.constant 0 : i32
      %dma_wait3A_459 = tpu.memref_slice %arg9[%dma_wait3A_445, %dma_wait3A_457, %dma_wait3A_458] : memref<5x128x64xf32, #tpu.memory_space<vmem>> -> memref<1x128x64xf32, #tpu.memory_space<vmem>>
      %dma_wait3A_460 = tpu.memref_squeeze %dma_wait3A_459 : memref<1x128x64xf32, #tpu.memory_space<vmem>> -> memref<128x64xf32, #tpu.memory_space<vmem>>
      %dma_wait3A_461 = arith.constant 0 : i32
      %dma_wait3A_462 = arith.constant 0 : i32
      %dma_wait3A_463 = tpu.memref_slice %arg4[%arg0, %dma_wait3A_461, %dma_wait3A_462] : memref<2x10000x64xf32, #tpu.memory_space<hbm>> -> memref<1x10000x64xf32, #tpu.memory_space<hbm>>
      %dma_wait3A_464 = tpu.memref_squeeze %dma_wait3A_463 : memref<1x10000x64xf32, #tpu.memory_space<hbm>> -> memref<10000x64xf32, #tpu.memory_space<hbm>>
      %dma_wait3A_465 = arith.constant 0 : i32
      %dma_wait3A_466 = arith.constant 0 : i32
      %dma_wait3A_467 = tpu.memref_slice %dma_wait3A_464[%dma_wait3A_465, %dma_wait3A_466] : memref<10000x64xf32, #tpu.memory_space<hbm>> -> memref<128x64xf32, #tpu.memory_space<hbm>>
      tpu.wait_dma2 semaphore(%arg18 : memref<!tpu.dma_semaphore, #tpu.memory_space<semaphore_mem>>) src(%dma_wait3A_467 : memref<128x64xf32, #tpu.memory_space<hbm>>) dst(%dma_wait3A_460 : memref<128x64xf32, #tpu.memory_space<vmem>>)
      %add3A_468 = arith.constant 5 : i32
      %add3A_469 = arith.addi %mul3A_264, %add3A_468 : i32
      %add3A_470 = arith.constant 0 : i32
      %add3A_471 = arith.addi %add3A_469, %add3A_470 : i32
      %lt3A = arith.constant 160 : i32
      %lt3A_472 = arith.cmpi slt, %add3A_471, %lt3A : i32
      %convert_element_type3A = arith.extui %lt3A_472 : i1 to i32
      %cond3A = arith.constant 0 : i32
      %cond3A_473 = arith.cmpi ne, %convert_element_type3A, %cond3A : i32
      scf.if %cond3A_473 {
        %add3A_602 = arith.constant 5 : i32
        %add3A_603 = arith.addi %mul3A_264, %add3A_602 : i32
        %add3A_604 = arith.constant 0 : i32
        %add3A_605 = arith.addi %add3A_603, %add3A_604 : i32
        %dma_start3A_606 = arith.constant 0 : i32
        %dma_start3A_607 = arith.constant 0 : i32
        %dma_start3A_608 = arith.constant 0 : i32
        %dma_start3A_609 = tpu.memref_slice %arg9[%dma_start3A_606, %dma_start3A_607, %dma_start3A_608] : memref<5x128x64xf32, #tpu.memory_space<vmem>> -> memref<1x128x64xf32, #tpu.memory_space<vmem>>
        %dma_start3A_610 = tpu.memref_squeeze %dma_start3A_609 : memref<1x128x64xf32, #tpu.memory_space<vmem>> -> memref<128x64xf32, #tpu.memory_space<vmem>>
        %dma_start3A_611 = arith.constant 0 : i32
        %dma_start3A_612 = tpu.memref_slice %arg7[%add3A_605, %dma_start3A_611] : memref<160x128xi32, #tpu.memory_space<vmem>> -> memref<1x128xi32, #tpu.memory_space<vmem>>
        %dma_start3A_613 = tpu.memref_squeeze %dma_start3A_612 : memref<1x128xi32, #tpu.memory_space<vmem>> -> memref<128xi32, #tpu.memory_space<vmem>>
        %dma_start3A_614 = arith.constant 0 : i32
        %dma_start3A_615 = arith.constant 0 : i32
        %dma_start3A_616 = tpu.memref_slice %arg4[%arg0, %dma_start3A_614, %dma_start3A_615] : memref<2x10000x64xf32, #tpu.memory_space<hbm>> -> memref<1x10000x64xf32, #tpu.memory_space<hbm>>
        %dma_start3A_617 = tpu.memref_squeeze %dma_start3A_616 : memref<1x10000x64xf32, #tpu.memory_space<hbm>> -> memref<10000x64xf32, #tpu.memory_space<hbm>>
        %dma_start3A_618 = arith.constant 0 : i32
        %dma_start3A_619 = arith.constant 0 : i32
        %dma_start3A_620 = tpu.memref_slice %dma_start3A_617[%dma_start3A_618, %dma_start3A_619] : memref<10000x64xf32, #tpu.memory_space<hbm>> -> memref<10000x64xf32, #tpu.memory_space<hbm>>
        tpu.enqueue_indirect_dma source(%dma_start3A_620 : memref<10000x64xf32, #tpu.memory_space<hbm>>) target(%dma_start3A_610 : memref<128x64xf32, #tpu.memory_space<vmem>>) offsets(%dma_start3A_613 : memref<128xi32, #tpu.memory_space<vmem>>) semaphore(%arg13 : memref<!tpu.dma_semaphore, #tpu.memory_space<semaphore_mem>>)
      } else {
      }
      %dma_wait3A_474 = arith.constant 1 : i32
      %dma_wait3A_475 = arith.constant 0 : i32
      %dma_wait3A_476 = arith.constant 0 : i32
      %dma_wait3A_477 = tpu.memref_slice %arg9[%dma_wait3A_474, %dma_wait3A_475, %dma_wait3A_476] : memref<5x128x64xf32, #tpu.memory_space<vmem>> -> memref<1x128x64xf32, #tpu.memory_space<vmem>>
      %dma_wait3A_478 = tpu.memref_squeeze %dma_wait3A_477 : memref<1x128x64xf32, #tpu.memory_space<vmem>> -> memref<128x64xf32, #tpu.memory_space<vmem>>
      %dma_wait3A_479 = arith.constant 0 : i32
      %dma_wait3A_480 = arith.constant 0 : i32
      %dma_wait3A_481 = tpu.memref_slice %arg4[%arg0, %dma_wait3A_479, %dma_wait3A_480] : memref<2x10000x64xf32, #tpu.memory_space<hbm>> -> memref<1x10000x64xf32, #tpu.memory_space<hbm>>
      %dma_wait3A_482 = tpu.memref_squeeze %dma_wait3A_481 : memref<1x10000x64xf32, #tpu.memory_space<hbm>> -> memref<10000x64xf32, #tpu.memory_space<hbm>>
      %dma_wait3A_483 = arith.constant 0 : i32
      %dma_wait3A_484 = arith.constant 0 : i32
      %dma_wait3A_485 = tpu.memref_slice %dma_wait3A_482[%dma_wait3A_483, %dma_wait3A_484] : memref<10000x64xf32, #tpu.memory_space<hbm>> -> memref<128x64xf32, #tpu.memory_space<hbm>>
      %dma_wait3A_486 = arith.constant 0 : i32
      %dma_wait3A_487 = arith.constant 0 : i32
      %dma_wait3A_488 = tpu.memref_slice %arg9[%dma_wait3A_474, %dma_wait3A_486, %dma_wait3A_487] : memref<5x128x64xf32, #tpu.memory_space<vmem>> -> memref<1x128x64xf32, #tpu.memory_space<vmem>>
      %dma_wait3A_489 = tpu.memref_squeeze %dma_wait3A_488 : memref<1x128x64xf32, #tpu.memory_space<vmem>> -> memref<128x64xf32, #tpu.memory_space<vmem>>
      %dma_wait3A_490 = arith.constant 0 : i32
      %dma_wait3A_491 = arith.constant 0 : i32
      %dma_wait3A_492 = tpu.memref_slice %arg4[%arg0, %dma_wait3A_490, %dma_wait3A_491] : memref<2x10000x64xf32, #tpu.memory_space<hbm>> -> memref<1x10000x64xf32, #tpu.memory_space<hbm>>
      %dma_wait3A_493 = tpu.memref_squeeze %dma_wait3A_492 : memref<1x10000x64xf32, #tpu.memory_space<hbm>> -> memref<10000x64xf32, #tpu.memory_space<hbm>>
      %dma_wait3A_494 = arith.constant 0 : i32
      %dma_wait3A_495 = arith.constant 0 : i32
      %dma_wait3A_496 = tpu.memref_slice %dma_wait3A_493[%dma_wait3A_494, %dma_wait3A_495] : memref<10000x64xf32, #tpu.memory_space<hbm>> -> memref<128x64xf32, #tpu.memory_space<hbm>>
      tpu.wait_dma2 semaphore(%arg19 : memref<!tpu.dma_semaphore, #tpu.memory_space<semaphore_mem>>) src(%dma_wait3A_496 : memref<128x64xf32, #tpu.memory_space<hbm>>) dst(%dma_wait3A_489 : memref<128x64xf32, #tpu.memory_space<vmem>>)
      %add3A_497 = arith.constant 5 : i32
      %add3A_498 = arith.addi %mul3A_264, %add3A_497 : i32
      %add3A_499 = arith.constant 1 : i32
      %add3A_500 = arith.addi %add3A_498, %add3A_499 : i32
      %lt3A_501 = arith.constant 160 : i32
      %lt3A_502 = arith.cmpi slt, %add3A_500, %lt3A_501 : i32
      %convert_element_type3A_503 = arith.extui %lt3A_502 : i1 to i32
      %cond3A_504 = arith.constant 0 : i32
      %cond3A_505 = arith.cmpi ne, %convert_element_type3A_503, %cond3A_504 : i32
      scf.if %cond3A_505 {
        %add3A_602 = arith.constant 5 : i32
        %add3A_603 = arith.addi %mul3A_264, %add3A_602 : i32
        %add3A_604 = arith.constant 1 : i32
        %add3A_605 = arith.addi %add3A_603, %add3A_604 : i32
        %dma_start3A_606 = arith.constant 1 : i32
        %dma_start3A_607 = arith.constant 0 : i32
        %dma_start3A_608 = arith.constant 0 : i32
        %dma_start3A_609 = tpu.memref_slice %arg9[%dma_start3A_606, %dma_start3A_607, %dma_start3A_608] : memref<5x128x64xf32, #tpu.memory_space<vmem>> -> memref<1x128x64xf32, #tpu.memory_space<vmem>>
        %dma_start3A_610 = tpu.memref_squeeze %dma_start3A_609 : memref<1x128x64xf32, #tpu.memory_space<vmem>> -> memref<128x64xf32, #tpu.memory_space<vmem>>
        %dma_start3A_611 = arith.constant 0 : i32
        %dma_start3A_612 = tpu.memref_slice %arg7[%add3A_605, %dma_start3A_611] : memref<160x128xi32, #tpu.memory_space<vmem>> -> memref<1x128xi32, #tpu.memory_space<vmem>>
        %dma_start3A_613 = tpu.memref_squeeze %dma_start3A_612 : memref<1x128xi32, #tpu.memory_space<vmem>> -> memref<128xi32, #tpu.memory_space<vmem>>
        %dma_start3A_614 = arith.constant 0 : i32
        %dma_start3A_615 = arith.constant 0 : i32
        %dma_start3A_616 = tpu.memref_slice %arg4[%arg0, %dma_start3A_614, %dma_start3A_615] : memref<2x10000x64xf32, #tpu.memory_space<hbm>> -> memref<1x10000x64xf32, #tpu.memory_space<hbm>>
        %dma_start3A_617 = tpu.memref_squeeze %dma_start3A_616 : memref<1x10000x64xf32, #tpu.memory_space<hbm>> -> memref<10000x64xf32, #tpu.memory_space<hbm>>
        %dma_start3A_618 = arith.constant 0 : i32
        %dma_start3A_619 = arith.constant 0 : i32
        %dma_start3A_620 = tpu.memref_slice %dma_start3A_617[%dma_start3A_618, %dma_start3A_619] : memref<10000x64xf32, #tpu.memory_space<hbm>> -> memref<10000x64xf32, #tpu.memory_space<hbm>>
        tpu.enqueue_indirect_dma source(%dma_start3A_620 : memref<10000x64xf32, #tpu.memory_space<hbm>>) target(%dma_start3A_610 : memref<128x64xf32, #tpu.memory_space<vmem>>) offsets(%dma_start3A_613 : memref<128xi32, #tpu.memory_space<vmem>>) semaphore(%arg14 : memref<!tpu.dma_semaphore, #tpu.memory_space<semaphore_mem>>)
      } else {
      }
      %dma_wait3A_506 = arith.constant 2 : i32
      %dma_wait3A_507 = arith.constant 0 : i32
      %dma_wait3A_508 = arith.constant 0 : i32
      %dma_wait3A_509 = tpu.memref_slice %arg9[%dma_wait3A_506, %dma_wait3A_507, %dma_wait3A_508] : memref<5x128x64xf32, #tpu.memory_space<vmem>> -> memref<1x128x64xf32, #tpu.memory_space<vmem>>
      %dma_wait3A_510 = tpu.memref_squeeze %dma_wait3A_509 : memref<1x128x64xf32, #tpu.memory_space<vmem>> -> memref<128x64xf32, #tpu.memory_space<vmem>>
      %dma_wait3A_511 = arith.constant 0 : i32
      %dma_wait3A_512 = arith.constant 0 : i32
      %dma_wait3A_513 = tpu.memref_slice %arg4[%arg0, %dma_wait3A_511, %dma_wait3A_512] : memref<2x10000x64xf32, #tpu.memory_space<hbm>> -> memref<1x10000x64xf32, #tpu.memory_space<hbm>>
      %dma_wait3A_514 = tpu.memref_squeeze %dma_wait3A_513 : memref<1x10000x64xf32, #tpu.memory_space<hbm>> -> memref<10000x64xf32, #tpu.memory_space<hbm>>
      %dma_wait3A_515 = arith.constant 0 : i32
      %dma_wait3A_516 = arith.constant 0 : i32
      %dma_wait3A_517 = tpu.memref_slice %dma_wait3A_514[%dma_wait3A_515, %dma_wait3A_516] : memref<10000x64xf32, #tpu.memory_space<hbm>> -> memref<128x64xf32, #tpu.memory_space<hbm>>
      %dma_wait3A_518 = arith.constant 0 : i32
      %dma_wait3A_519 = arith.constant 0 : i32
      %dma_wait3A_520 = tpu.memref_slice %arg9[%dma_wait3A_506, %dma_wait3A_518, %dma_wait3A_519] : memref<5x128x64xf32, #tpu.memory_space<vmem>> -> memref<1x128x64xf32, #tpu.memory_space<vmem>>
      %dma_wait3A_521 = tpu.memref_squeeze %dma_wait3A_520 : memref<1x128x64xf32, #tpu.memory_space<vmem>> -> memref<128x64xf32, #tpu.memory_space<vmem>>
      %dma_wait3A_522 = arith.constant 0 : i32
      %dma_wait3A_523 = arith.constant 0 : i32
      %dma_wait3A_524 = tpu.memref_slice %arg4[%arg0, %dma_wait3A_522, %dma_wait3A_523] : memref<2x10000x64xf32, #tpu.memory_space<hbm>> -> memref<1x10000x64xf32, #tpu.memory_space<hbm>>
      %dma_wait3A_525 = tpu.memref_squeeze %dma_wait3A_524 : memref<1x10000x64xf32, #tpu.memory_space<hbm>> -> memref<10000x64xf32, #tpu.memory_space<hbm>>
      %dma_wait3A_526 = arith.constant 0 : i32
      %dma_wait3A_527 = arith.constant 0 : i32
      %dma_wait3A_528 = tpu.memref_slice %dma_wait3A_525[%dma_wait3A_526, %dma_wait3A_527] : memref<10000x64xf32, #tpu.memory_space<hbm>> -> memref<128x64xf32, #tpu.memory_space<hbm>>
      tpu.wait_dma2 semaphore(%arg20 : memref<!tpu.dma_semaphore, #tpu.memory_space<semaphore_mem>>) src(%dma_wait3A_528 : memref<128x64xf32, #tpu.memory_space<hbm>>) dst(%dma_wait3A_521 : memref<128x64xf32, #tpu.memory_space<vmem>>)
      %add3A_529 = arith.constant 5 : i32
      %add3A_530 = arith.addi %mul3A_264, %add3A_529 : i32
      %add3A_531 = arith.constant 2 : i32
      %add3A_532 = arith.addi %add3A_530, %add3A_531 : i32
      %lt3A_533 = arith.constant 160 : i32
      %lt3A_534 = arith.cmpi slt, %add3A_532, %lt3A_533 : i32
      %convert_element_type3A_535 = arith.extui %lt3A_534 : i1 to i32
      %cond3A_536 = arith.constant 0 : i32
      %cond3A_537 = arith.cmpi ne, %convert_element_type3A_535, %cond3A_536 : i32
      scf.if %cond3A_537 {
        %add3A_602 = arith.constant 5 : i32
        %add3A_603 = arith.addi %mul3A_264, %add3A_602 : i32
        %add3A_604 = arith.constant 2 : i32
        %add3A_605 = arith.addi %add3A_603, %add3A_604 : i32
        %dma_start3A_606 = arith.constant 2 : i32
        %dma_start3A_607 = arith.constant 0 : i32
        %dma_start3A_608 = arith.constant 0 : i32
        %dma_start3A_609 = tpu.memref_slice %arg9[%dma_start3A_606, %dma_start3A_607, %dma_start3A_608] : memref<5x128x64xf32, #tpu.memory_space<vmem>> -> memref<1x128x64xf32, #tpu.memory_space<vmem>>
        %dma_start3A_610 = tpu.memref_squeeze %dma_start3A_609 : memref<1x128x64xf32, #tpu.memory_space<vmem>> -> memref<128x64xf32, #tpu.memory_space<vmem>>
        %dma_start3A_611 = arith.constant 0 : i32
        %dma_start3A_612 = tpu.memref_slice %arg7[%add3A_605, %dma_start3A_611] : memref<160x128xi32, #tpu.memory_space<vmem>> -> memref<1x128xi32, #tpu.memory_space<vmem>>
        %dma_start3A_613 = tpu.memref_squeeze %dma_start3A_612 : memref<1x128xi32, #tpu.memory_space<vmem>> -> memref<128xi32, #tpu.memory_space<vmem>>
        %dma_start3A_614 = arith.constant 0 : i32
        %dma_start3A_615 = arith.constant 0 : i32
        %dma_start3A_616 = tpu.memref_slice %arg4[%arg0, %dma_start3A_614, %dma_start3A_615] : memref<2x10000x64xf32, #tpu.memory_space<hbm>> -> memref<1x10000x64xf32, #tpu.memory_space<hbm>>
        %dma_start3A_617 = tpu.memref_squeeze %dma_start3A_616 : memref<1x10000x64xf32, #tpu.memory_space<hbm>> -> memref<10000x64xf32, #tpu.memory_space<hbm>>
        %dma_start3A_618 = arith.constant 0 : i32
        %dma_start3A_619 = arith.constant 0 : i32
        %dma_start3A_620 = tpu.memref_slice %dma_start3A_617[%dma_start3A_618, %dma_start3A_619] : memref<10000x64xf32, #tpu.memory_space<hbm>> -> memref<10000x64xf32, #tpu.memory_space<hbm>>
        tpu.enqueue_indirect_dma source(%dma_start3A_620 : memref<10000x64xf32, #tpu.memory_space<hbm>>) target(%dma_start3A_610 : memref<128x64xf32, #tpu.memory_space<vmem>>) offsets(%dma_start3A_613 : memref<128xi32, #tpu.memory_space<vmem>>) semaphore(%arg15 : memref<!tpu.dma_semaphore, #tpu.memory_space<semaphore_mem>>)
      } else {
      }
      %dma_wait3A_538 = arith.constant 3 : i32
      %dma_wait3A_539 = arith.constant 0 : i32
      %dma_wait3A_540 = arith.constant 0 : i32
      %dma_wait3A_541 = tpu.memref_slice %arg9[%dma_wait3A_538, %dma_wait3A_539, %dma_wait3A_540] : memref<5x128x64xf32, #tpu.memory_space<vmem>> -> memref<1x128x64xf32, #tpu.memory_space<vmem>>
      %dma_wait3A_542 = tpu.memref_squeeze %dma_wait3A_541 : memref<1x128x64xf32, #tpu.memory_space<vmem>> -> memref<128x64xf32, #tpu.memory_space<vmem>>
      %dma_wait3A_543 = arith.constant 0 : i32
      %dma_wait3A_544 = arith.constant 0 : i32
      %dma_wait3A_545 = tpu.memref_slice %arg4[%arg0, %dma_wait3A_543, %dma_wait3A_544] : memref<2x10000x64xf32, #tpu.memory_space<hbm>> -> memref<1x10000x64xf32, #tpu.memory_space<hbm>>
      %dma_wait3A_546 = tpu.memref_squeeze %dma_wait3A_545 : memref<1x10000x64xf32, #tpu.memory_space<hbm>> -> memref<10000x64xf32, #tpu.memory_space<hbm>>
      %dma_wait3A_547 = arith.constant 0 : i32
      %dma_wait3A_548 = arith.constant 0 : i32
      %dma_wait3A_549 = tpu.memref_slice %dma_wait3A_546[%dma_wait3A_547, %dma_wait3A_548] : memref<10000x64xf32, #tpu.memory_space<hbm>> -> memref<128x64xf32, #tpu.memory_space<hbm>>
      %dma_wait3A_550 = arith.constant 0 : i32
      %dma_wait3A_551 = arith.constant 0 : i32
      %dma_wait3A_552 = tpu.memref_slice %arg9[%dma_wait3A_538, %dma_wait3A_550, %dma_wait3A_551] : memref<5x128x64xf32, #tpu.memory_space<vmem>> -> memref<1x128x64xf32, #tpu.memory_space<vmem>>
      %dma_wait3A_553 = tpu.memref_squeeze %dma_wait3A_552 : memref<1x128x64xf32, #tpu.memory_space<vmem>> -> memref<128x64xf32, #tpu.memory_space<vmem>>
      %dma_wait3A_554 = arith.constant 0 : i32
      %dma_wait3A_555 = arith.constant 0 : i32
      %dma_wait3A_556 = tpu.memref_slice %arg4[%arg0, %dma_wait3A_554, %dma_wait3A_555] : memref<2x10000x64xf32, #tpu.memory_space<hbm>> -> memref<1x10000x64xf32, #tpu.memory_space<hbm>>
      %dma_wait3A_557 = tpu.memref_squeeze %dma_wait3A_556 : memref<1x10000x64xf32, #tpu.memory_space<hbm>> -> memref<10000x64xf32, #tpu.memory_space<hbm>>
      %dma_wait3A_558 = arith.constant 0 : i32
      %dma_wait3A_559 = arith.constant 0 : i32
      %dma_wait3A_560 = tpu.memref_slice %dma_wait3A_557[%dma_wait3A_558, %dma_wait3A_559] : memref<10000x64xf32, #tpu.memory_space<hbm>> -> memref<128x64xf32, #tpu.memory_space<hbm>>
      tpu.wait_dma2 semaphore(%arg21 : memref<!tpu.dma_semaphore, #tpu.memory_space<semaphore_mem>>) src(%dma_wait3A_560 : memref<128x64xf32, #tpu.memory_space<hbm>>) dst(%dma_wait3A_553 : memref<128x64xf32, #tpu.memory_space<vmem>>)
      %add3A_561 = arith.constant 5 : i32
      %add3A_562 = arith.addi %mul3A_264, %add3A_561 : i32
      %add3A_563 = arith.constant 3 : i32
      %add3A_564 = arith.addi %add3A_562, %add3A_563 : i32
      %lt3A_565 = arith.constant 160 : i32
      %lt3A_566 = arith.cmpi slt, %add3A_564, %lt3A_565 : i32
      %convert_element_type3A_567 = arith.extui %lt3A_566 : i1 to i32
      %cond3A_568 = arith.constant 0 : i32
      %cond3A_569 = arith.cmpi ne, %convert_element_type3A_567, %cond3A_568 : i32
      scf.if %cond3A_569 {
        %add3A_602 = arith.constant 5 : i32
        %add3A_603 = arith.addi %mul3A_264, %add3A_602 : i32
        %add3A_604 = arith.constant 3 : i32
        %add3A_605 = arith.addi %add3A_603, %add3A_604 : i32
        %dma_start3A_606 = arith.constant 3 : i32
        %dma_start3A_607 = arith.constant 0 : i32
        %dma_start3A_608 = arith.constant 0 : i32
        %dma_start3A_609 = tpu.memref_slice %arg9[%dma_start3A_606, %dma_start3A_607, %dma_start3A_608] : memref<5x128x64xf32, #tpu.memory_space<vmem>> -> memref<1x128x64xf32, #tpu.memory_space<vmem>>
        %dma_start3A_610 = tpu.memref_squeeze %dma_start3A_609 : memref<1x128x64xf32, #tpu.memory_space<vmem>> -> memref<128x64xf32, #tpu.memory_space<vmem>>
        %dma_start3A_611 = arith.constant 0 : i32
        %dma_start3A_612 = tpu.memref_slice %arg7[%add3A_605, %dma_start3A_611] : memref<160x128xi32, #tpu.memory_space<vmem>> -> memref<1x128xi32, #tpu.memory_space<vmem>>
        %dma_start3A_613 = tpu.memref_squeeze %dma_start3A_612 : memref<1x128xi32, #tpu.memory_space<vmem>> -> memref<128xi32, #tpu.memory_space<vmem>>
        %dma_start3A_614 = arith.constant 0 : i32
        %dma_start3A_615 = arith.constant 0 : i32
        %dma_start3A_616 = tpu.memref_slice %arg4[%arg0, %dma_start3A_614, %dma_start3A_615] : memref<2x10000x64xf32, #tpu.memory_space<hbm>> -> memref<1x10000x64xf32, #tpu.memory_space<hbm>>
        %dma_start3A_617 = tpu.memref_squeeze %dma_start3A_616 : memref<1x10000x64xf32, #tpu.memory_space<hbm>> -> memref<10000x64xf32, #tpu.memory_space<hbm>>
        %dma_start3A_618 = arith.constant 0 : i32
        %dma_start3A_619 = arith.constant 0 : i32
        %dma_start3A_620 = tpu.memref_slice %dma_start3A_617[%dma_start3A_618, %dma_start3A_619] : memref<10000x64xf32, #tpu.memory_space<hbm>> -> memref<10000x64xf32, #tpu.memory_space<hbm>>
        tpu.enqueue_indirect_dma source(%dma_start3A_620 : memref<10000x64xf32, #tpu.memory_space<hbm>>) target(%dma_start3A_610 : memref<128x64xf32, #tpu.memory_space<vmem>>) offsets(%dma_start3A_613 : memref<128xi32, #tpu.memory_space<vmem>>) semaphore(%arg16 : memref<!tpu.dma_semaphore, #tpu.memory_space<semaphore_mem>>)
      } else {
      }
      %dma_wait3A_570 = arith.constant 4 : i32
      %dma_wait3A_571 = arith.constant 0 : i32
      %dma_wait3A_572 = arith.constant 0 : i32
      %dma_wait3A_573 = tpu.memref_slice %arg9[%dma_wait3A_570, %dma_wait3A_571, %dma_wait3A_572] : memref<5x128x64xf32, #tpu.memory_space<vmem>> -> memref<1x128x64xf32, #tpu.memory_space<vmem>>
      %dma_wait3A_574 = tpu.memref_squeeze %dma_wait3A_573 : memref<1x128x64xf32, #tpu.memory_space<vmem>> -> memref<128x64xf32, #tpu.memory_space<vmem>>
      %dma_wait3A_575 = arith.constant 0 : i32
      %dma_wait3A_576 = arith.constant 0 : i32
      %dma_wait3A_577 = tpu.memref_slice %arg4[%arg0, %dma_wait3A_575, %dma_wait3A_576] : memref<2x10000x64xf32, #tpu.memory_space<hbm>> -> memref<1x10000x64xf32, #tpu.memory_space<hbm>>
      %dma_wait3A_578 = tpu.memref_squeeze %dma_wait3A_577 : memref<1x10000x64xf32, #tpu.memory_space<hbm>> -> memref<10000x64xf32, #tpu.memory_space<hbm>>
      %dma_wait3A_579 = arith.constant 0 : i32
      %dma_wait3A_580 = arith.constant 0 : i32
      %dma_wait3A_581 = tpu.memref_slice %dma_wait3A_578[%dma_wait3A_579, %dma_wait3A_580] : memref<10000x64xf32, #tpu.memory_space<hbm>> -> memref<128x64xf32, #tpu.memory_space<hbm>>
      %dma_wait3A_582 = arith.constant 0 : i32
      %dma_wait3A_583 = arith.constant 0 : i32
      %dma_wait3A_584 = tpu.memref_slice %arg9[%dma_wait3A_570, %dma_wait3A_582, %dma_wait3A_583] : memref<5x128x64xf32, #tpu.memory_space<vmem>> -> memref<1x128x64xf32, #tpu.memory_space<vmem>>
      %dma_wait3A_585 = tpu.memref_squeeze %dma_wait3A_584 : memref<1x128x64xf32, #tpu.memory_space<vmem>> -> memref<128x64xf32, #tpu.memory_space<vmem>>
      %dma_wait3A_586 = arith.constant 0 : i32
      %dma_wait3A_587 = arith.constant 0 : i32
      %dma_wait3A_588 = tpu.memref_slice %arg4[%arg0, %dma_wait3A_586, %dma_wait3A_587] : memref<2x10000x64xf32, #tpu.memory_space<hbm>> -> memref<1x10000x64xf32, #tpu.memory_space<hbm>>
      %dma_wait3A_589 = tpu.memref_squeeze %dma_wait3A_588 : memref<1x10000x64xf32, #tpu.memory_space<hbm>> -> memref<10000x64xf32, #tpu.memory_space<hbm>>
      %dma_wait3A_590 = arith.constant 0 : i32
      %dma_wait3A_591 = arith.constant 0 : i32
      %dma_wait3A_592 = tpu.memref_slice %dma_wait3A_589[%dma_wait3A_590, %dma_wait3A_591] : memref<10000x64xf32, #tpu.memory_space<hbm>> -> memref<128x64xf32, #tpu.memory_space<hbm>>
      tpu.wait_dma2 semaphore(%arg22 : memref<!tpu.dma_semaphore, #tpu.memory_space<semaphore_mem>>) src(%dma_wait3A_592 : memref<128x64xf32, #tpu.memory_space<hbm>>) dst(%dma_wait3A_585 : memref<128x64xf32, #tpu.memory_space<vmem>>)
      %add3A_593 = arith.constant 5 : i32
      %add3A_594 = arith.addi %mul3A_264, %add3A_593 : i32
      %add3A_595 = arith.constant 4 : i32
      %add3A_596 = arith.addi %add3A_594, %add3A_595 : i32
      %lt3A_597 = arith.constant 160 : i32
      %lt3A_598 = arith.cmpi slt, %add3A_596, %lt3A_597 : i32
      %convert_element_type3A_599 = arith.extui %lt3A_598 : i1 to i32
      %cond3A_600 = arith.constant 0 : i32
      %cond3A_601 = arith.cmpi ne, %convert_element_type3A_599, %cond3A_600 : i32
      scf.if %cond3A_601 {
        %add3A_602 = arith.constant 5 : i32
        %add3A_603 = arith.addi %mul3A_264, %add3A_602 : i32
        %add3A_604 = arith.constant 4 : i32
        %add3A_605 = arith.addi %add3A_603, %add3A_604 : i32
        %dma_start3A_606 = arith.constant 4 : i32
        %dma_start3A_607 = arith.constant 0 : i32
        %dma_start3A_608 = arith.constant 0 : i32
        %dma_start3A_609 = tpu.memref_slice %arg9[%dma_start3A_606, %dma_start3A_607, %dma_start3A_608] : memref<5x128x64xf32, #tpu.memory_space<vmem>> -> memref<1x128x64xf32, #tpu.memory_space<vmem>>
        %dma_start3A_610 = tpu.memref_squeeze %dma_start3A_609 : memref<1x128x64xf32, #tpu.memory_space<vmem>> -> memref<128x64xf32, #tpu.memory_space<vmem>>
        %dma_start3A_611 = arith.constant 0 : i32
        %dma_start3A_612 = tpu.memref_slice %arg7[%add3A_605, %dma_start3A_611] : memref<160x128xi32, #tpu.memory_space<vmem>> -> memref<1x128xi32, #tpu.memory_space<vmem>>
        %dma_start3A_613 = tpu.memref_squeeze %dma_start3A_612 : memref<1x128xi32, #tpu.memory_space<vmem>> -> memref<128xi32, #tpu.memory_space<vmem>>
        %dma_start3A_614 = arith.constant 0 : i32
        %dma_start3A_615 = arith.constant 0 : i32
        %dma_start3A_616 = tpu.memref_slice %arg4[%arg0, %dma_start3A_614, %dma_start3A_615] : memref<2x10000x64xf32, #tpu.memory_space<hbm>> -> memref<1x10000x64xf32, #tpu.memory_space<hbm>>
        %dma_start3A_617 = tpu.memref_squeeze %dma_start3A_616 : memref<1x10000x64xf32, #tpu.memory_space<hbm>> -> memref<10000x64xf32, #tpu.memory_space<hbm>>
        %dma_start3A_618 = arith.constant 0 : i32
        %dma_start3A_619 = arith.constant 0 : i32
        %dma_start3A_620 = tpu.memref_slice %dma_start3A_617[%dma_start3A_618, %dma_start3A_619] : memref<10000x64xf32, #tpu.memory_space<hbm>> -> memref<10000x64xf32, #tpu.memory_space<hbm>>
        tpu.enqueue_indirect_dma source(%dma_start3A_620 : memref<10000x64xf32, #tpu.memory_space<hbm>>) target(%dma_start3A_610 : memref<128x64xf32, #tpu.memory_space<vmem>>) offsets(%dma_start3A_613 : memref<128xi32, #tpu.memory_space<vmem>>) semaphore(%arg17 : memref<!tpu.dma_semaphore, #tpu.memory_space<semaphore_mem>>)
      } else {
      }
    }
    %scan3A_256 = arith.constant 32 : i32
    %barrier3A_257 = arith.constant 0 : index
    tpu.barrier barrier_id(%barrier3A_257)
    %mul3A_258 = arith.constant 640 : i32
    %mul3A_259 = arith.muli %arg1, %mul3A_258 : i32
    %mul3A_260 = arith.constant 640 : i32
    %mul3A_261 = arith.muli %arg1, %mul3A_260 : i32
    "tpu.region"() ({
      %run_scoped3A = tpu.sem_alloc : memref<!tpu.dma_semaphore, #tpu.memory_space<semaphore_mem>>
      %dma_start3A_262 = arith.constant 0 : i32
      %dma_start3A_263 = tpu.memref_slice %arg6[%arg0, %mul3A_261, %dma_start3A_262] : memref<2x10240x64xf32, #tpu.memory_space<hbm>> -> memref<1x640x64xf32, #tpu.memory_space<hbm>>
      %dma_start3A_264 = tpu.memref_squeeze %dma_start3A_263 : memref<1x640x64xf32, #tpu.memory_space<hbm>> -> memref<640x64xf32, #tpu.memory_space<hbm>>
      %dma_start3A_265 = arith.constant 0 : i32
      %dma_start3A_266 = tpu.memref_slice %arg10[%mul3A_259, %dma_start3A_265] : memref<10240x64xf32, #tpu.memory_space<vmem_shared>> -> memref<640x64xf32, #tpu.memory_space<vmem_shared>>
      tpu.enqueue_dma source(%dma_start3A_266 : memref<640x64xf32, #tpu.memory_space<vmem_shared>>) target(%dma_start3A_264 : memref<640x64xf32, #tpu.memory_space<hbm>>) target_semaphore(%run_scoped3A : memref<!tpu.dma_semaphore, #tpu.memory_space<semaphore_mem>>)
      %dma_wait3A_267 = arith.constant 0 : i32
      %dma_wait3A_268 = tpu.memref_slice %arg6[%arg0, %mul3A_261, %dma_wait3A_267] : memref<2x10240x64xf32, #tpu.memory_space<hbm>> -> memref<1x640x64xf32, #tpu.memory_space<hbm>>
      %dma_wait3A_269 = tpu.memref_squeeze %dma_wait3A_268 : memref<1x640x64xf32, #tpu.memory_space<hbm>> -> memref<640x64xf32, #tpu.memory_space<hbm>>
      %dma_wait3A_270 = arith.constant 0 : i32
      %dma_wait3A_271 = tpu.memref_slice %arg10[%mul3A_259, %dma_wait3A_270] : memref<10240x64xf32, #tpu.memory_space<vmem_shared>> -> memref<640x64xf32, #tpu.memory_space<vmem_shared>>
      tpu.wait_dma2 semaphore(%run_scoped3A : memref<!tpu.dma_semaphore, #tpu.memory_space<semaphore_mem>>) src(%dma_wait3A_271 : memref<640x64xf32, #tpu.memory_space<vmem_shared>>) dst(%dma_wait3A_269 : memref<640x64xf32, #tpu.memory_space<hbm>>)
      tpu.yield
    }) : () -> ()
    return
  }
}

#map = affine_map<(d0, d1) -> (0, 0)>
#map1 = affine_map<(d0, d1) -> (0, 0, 0)>
module attributes {stable_mosaic.version = 14 : i64} {
  func.func @agg_kernel(%arg0: i32, %arg1: i32, %arg2: memref<2560x128xi32, #tpu.memory_space<hbm>>, %arg3: memref<2560x128xi32, #tpu.memory_space<hbm>>, %arg4: memref<10000x64xf32, #tpu.memory_space<hbm>>, %arg5: memref<640x64xf32, #tpu.memory_space<hbm>>, %arg6: memref<2x10240x64xf32, #tpu.memory_space<hbm>>, %arg7: memref<80x128xi32, #tpu.memory_space<vmem>>, %arg8: memref<80x128xi32, #tpu.memory_space<vmem>>, %arg9: memref<4x128x64xf32, #tpu.memory_space<vmem>>, %arg10: memref<10240x64xf32, #tpu.memory_space<vmem_shared>>, %arg11: memref<!tpu.dma_semaphore, #tpu.memory_space<semaphore_mem>>, %arg12: memref<!tpu.dma_semaphore, #tpu.memory_space<semaphore_mem>>, %arg13: memref<!tpu.dma_semaphore, #tpu.memory_space<semaphore_mem>>, %arg14: memref<!tpu.dma_semaphore, #tpu.memory_space<semaphore_mem>>, %arg15: memref<!tpu.dma_semaphore, #tpu.memory_space<semaphore_mem>>, %arg16: memref<!tpu.dma_semaphore, #tpu.memory_space<semaphore_mem>>, %arg17: memref<!tpu.dma_semaphore, #tpu.memory_space<semaphore_mem>>, %arg18: memref<!tpu.dma_semaphore, #tpu.memory_space<semaphore_mem>>, %arg19: memref<!tpu.dma_semaphore, #tpu.memory_space<semaphore_mem>>, %arg20: memref<!tpu.dma_semaphore, #tpu.memory_space<semaphore_mem>>) attributes {dimension_semantics = [#tpu.dimension_semantics<core_parallel>, #tpu.dimension_semantics<subcore_parallel>], iteration_bounds = array<i64: 2, 16>, scalar_prefetch = 0 : i64, scratch_operands = 14 : i64, tpu.core_type = #tpu.core_type<sc_vector_subcore>, window_params = [{transform_indices = #map}, {transform_indices = #map}, {transform_indices = #map}, {transform_indices = #map}, {transform_indices = #map1}]} {
    %mul3A = arith.constant 2 : i32
    %mul3A_0 = arith.muli %arg1, %mul3A : i32
    %add3A = arith.addi %mul3A_0, %arg0 : i32
    %mul3A_1 = arith.constant 80 : i32
    %mul3A_2 = arith.muli %add3A, %mul3A_1 : i32
    %iota3A = tpu.iota {dimensions = array<i32: 0>} : vector<16xi32>
    %add3A_3 = arith.constant 0 : i32
    %add3A_4 = arith.addi %mul3A_2, %add3A_3 : i32
    %add3A_5 = vector.broadcast %add3A_4 : i32 to vector<16xi32>
    %add3A_6 = arith.addi %add3A_5, %iota3A : vector<16xi32>
    %dma_start3A = arith.constant 0 : i32
    %dma_start3A_7 = arith.constant 0 : i32
    %dma_start3A_8 = tpu.memref_slice %arg7[%dma_start3A, %dma_start3A_7] : memref<80x128xi32, #tpu.memory_space<vmem>> -> memref<16x128xi32, #tpu.memory_space<vmem>>
    %dma_start3A_9 = arith.constant 0 : i32
    %dma_start3A_10 = arith.constant 0 : i32
    %dma_start3A_11 = tpu.memref_slice %arg2[%dma_start3A_9, %dma_start3A_10] : memref<2560x128xi32, #tpu.memory_space<hbm>> -> memref<2560x128xi32, #tpu.memory_space<hbm>>
    tpu.enqueue_indirect_dma source(%dma_start3A_11 : memref<2560x128xi32, #tpu.memory_space<hbm>>) target(%dma_start3A_8 : memref<16x128xi32, #tpu.memory_space<vmem>>) offsets(%add3A_6 : vector<16xi32>) semaphore(%arg11 : memref<!tpu.dma_semaphore, #tpu.memory_space<semaphore_mem>>)
    %dma_start3A_12 = arith.constant 0 : i32
    %dma_start3A_13 = arith.constant 0 : i32
    %dma_start3A_14 = tpu.memref_slice %arg8[%dma_start3A_12, %dma_start3A_13] : memref<80x128xi32, #tpu.memory_space<vmem>> -> memref<16x128xi32, #tpu.memory_space<vmem>>
    %dma_start3A_15 = arith.constant 0 : i32
    %dma_start3A_16 = arith.constant 0 : i32
    %dma_start3A_17 = tpu.memref_slice %arg3[%dma_start3A_15, %dma_start3A_16] : memref<2560x128xi32, #tpu.memory_space<hbm>> -> memref<2560x128xi32, #tpu.memory_space<hbm>>
    tpu.enqueue_indirect_dma source(%dma_start3A_17 : memref<2560x128xi32, #tpu.memory_space<hbm>>) target(%dma_start3A_14 : memref<16x128xi32, #tpu.memory_space<vmem>>) offsets(%add3A_6 : vector<16xi32>) semaphore(%arg12 : memref<!tpu.dma_semaphore, #tpu.memory_space<semaphore_mem>>)
    %add3A_18 = arith.constant 16 : i32
    %add3A_19 = arith.addi %mul3A_2, %add3A_18 : i32
    %add3A_20 = vector.broadcast %add3A_19 : i32 to vector<16xi32>
    %add3A_21 = arith.addi %add3A_20, %iota3A : vector<16xi32>
    %dma_start3A_22 = arith.constant 16 : i32
    %dma_start3A_23 = arith.constant 0 : i32
    %dma_start3A_24 = tpu.memref_slice %arg7[%dma_start3A_22, %dma_start3A_23] : memref<80x128xi32, #tpu.memory_space<vmem>> -> memref<16x128xi32, #tpu.memory_space<vmem>>
    %dma_start3A_25 = arith.constant 0 : i32
    %dma_start3A_26 = arith.constant 0 : i32
    %dma_start3A_27 = tpu.memref_slice %arg2[%dma_start3A_25, %dma_start3A_26] : memref<2560x128xi32, #tpu.memory_space<hbm>> -> memref<2560x128xi32, #tpu.memory_space<hbm>>
    tpu.enqueue_indirect_dma source(%dma_start3A_27 : memref<2560x128xi32, #tpu.memory_space<hbm>>) target(%dma_start3A_24 : memref<16x128xi32, #tpu.memory_space<vmem>>) offsets(%add3A_21 : vector<16xi32>) semaphore(%arg11 : memref<!tpu.dma_semaphore, #tpu.memory_space<semaphore_mem>>)
    %dma_start3A_28 = arith.constant 16 : i32
    %dma_start3A_29 = arith.constant 0 : i32
    %dma_start3A_30 = tpu.memref_slice %arg8[%dma_start3A_28, %dma_start3A_29] : memref<80x128xi32, #tpu.memory_space<vmem>> -> memref<16x128xi32, #tpu.memory_space<vmem>>
    %dma_start3A_31 = arith.constant 0 : i32
    %dma_start3A_32 = arith.constant 0 : i32
    %dma_start3A_33 = tpu.memref_slice %arg3[%dma_start3A_31, %dma_start3A_32] : memref<2560x128xi32, #tpu.memory_space<hbm>> -> memref<2560x128xi32, #tpu.memory_space<hbm>>
    tpu.enqueue_indirect_dma source(%dma_start3A_33 : memref<2560x128xi32, #tpu.memory_space<hbm>>) target(%dma_start3A_30 : memref<16x128xi32, #tpu.memory_space<vmem>>) offsets(%add3A_21 : vector<16xi32>) semaphore(%arg12 : memref<!tpu.dma_semaphore, #tpu.memory_space<semaphore_mem>>)
    %add3A_34 = arith.constant 32 : i32
    %add3A_35 = arith.addi %mul3A_2, %add3A_34 : i32
    %add3A_36 = vector.broadcast %add3A_35 : i32 to vector<16xi32>
    %add3A_37 = arith.addi %add3A_36, %iota3A : vector<16xi32>
    %dma_start3A_38 = arith.constant 32 : i32
    %dma_start3A_39 = arith.constant 0 : i32
    %dma_start3A_40 = tpu.memref_slice %arg7[%dma_start3A_38, %dma_start3A_39] : memref<80x128xi32, #tpu.memory_space<vmem>> -> memref<16x128xi32, #tpu.memory_space<vmem>>
    %dma_start3A_41 = arith.constant 0 : i32
    %dma_start3A_42 = arith.constant 0 : i32
    %dma_start3A_43 = tpu.memref_slice %arg2[%dma_start3A_41, %dma_start3A_42] : memref<2560x128xi32, #tpu.memory_space<hbm>> -> memref<2560x128xi32, #tpu.memory_space<hbm>>
    tpu.enqueue_indirect_dma source(%dma_start3A_43 : memref<2560x128xi32, #tpu.memory_space<hbm>>) target(%dma_start3A_40 : memref<16x128xi32, #tpu.memory_space<vmem>>) offsets(%add3A_37 : vector<16xi32>) semaphore(%arg11 : memref<!tpu.dma_semaphore, #tpu.memory_space<semaphore_mem>>)
    %dma_start3A_44 = arith.constant 32 : i32
    %dma_start3A_45 = arith.constant 0 : i32
    %dma_start3A_46 = tpu.memref_slice %arg8[%dma_start3A_44, %dma_start3A_45] : memref<80x128xi32, #tpu.memory_space<vmem>> -> memref<16x128xi32, #tpu.memory_space<vmem>>
    %dma_start3A_47 = arith.constant 0 : i32
    %dma_start3A_48 = arith.constant 0 : i32
    %dma_start3A_49 = tpu.memref_slice %arg3[%dma_start3A_47, %dma_start3A_48] : memref<2560x128xi32, #tpu.memory_space<hbm>> -> memref<2560x128xi32, #tpu.memory_space<hbm>>
    tpu.enqueue_indirect_dma source(%dma_start3A_49 : memref<2560x128xi32, #tpu.memory_space<hbm>>) target(%dma_start3A_46 : memref<16x128xi32, #tpu.memory_space<vmem>>) offsets(%add3A_37 : vector<16xi32>) semaphore(%arg12 : memref<!tpu.dma_semaphore, #tpu.memory_space<semaphore_mem>>)
    %add3A_50 = arith.constant 48 : i32
    %add3A_51 = arith.addi %mul3A_2, %add3A_50 : i32
    %add3A_52 = vector.broadcast %add3A_51 : i32 to vector<16xi32>
    %add3A_53 = arith.addi %add3A_52, %iota3A : vector<16xi32>
    %dma_start3A_54 = arith.constant 48 : i32
    %dma_start3A_55 = arith.constant 0 : i32
    %dma_start3A_56 = tpu.memref_slice %arg7[%dma_start3A_54, %dma_start3A_55] : memref<80x128xi32, #tpu.memory_space<vmem>> -> memref<16x128xi32, #tpu.memory_space<vmem>>
    %dma_start3A_57 = arith.constant 0 : i32
    %dma_start3A_58 = arith.constant 0 : i32
    %dma_start3A_59 = tpu.memref_slice %arg2[%dma_start3A_57, %dma_start3A_58] : memref<2560x128xi32, #tpu.memory_space<hbm>> -> memref<2560x128xi32, #tpu.memory_space<hbm>>
    tpu.enqueue_indirect_dma source(%dma_start3A_59 : memref<2560x128xi32, #tpu.memory_space<hbm>>) target(%dma_start3A_56 : memref<16x128xi32, #tpu.memory_space<vmem>>) offsets(%add3A_53 : vector<16xi32>) semaphore(%arg11 : memref<!tpu.dma_semaphore, #tpu.memory_space<semaphore_mem>>)
    %dma_start3A_60 = arith.constant 48 : i32
    %dma_start3A_61 = arith.constant 0 : i32
    %dma_start3A_62 = tpu.memref_slice %arg8[%dma_start3A_60, %dma_start3A_61] : memref<80x128xi32, #tpu.memory_space<vmem>> -> memref<16x128xi32, #tpu.memory_space<vmem>>
    %dma_start3A_63 = arith.constant 0 : i32
    %dma_start3A_64 = arith.constant 0 : i32
    %dma_start3A_65 = tpu.memref_slice %arg3[%dma_start3A_63, %dma_start3A_64] : memref<2560x128xi32, #tpu.memory_space<hbm>> -> memref<2560x128xi32, #tpu.memory_space<hbm>>
    tpu.enqueue_indirect_dma source(%dma_start3A_65 : memref<2560x128xi32, #tpu.memory_space<hbm>>) target(%dma_start3A_62 : memref<16x128xi32, #tpu.memory_space<vmem>>) offsets(%add3A_53 : vector<16xi32>) semaphore(%arg12 : memref<!tpu.dma_semaphore, #tpu.memory_space<semaphore_mem>>)
    %add3A_66 = arith.constant 64 : i32
    %add3A_67 = arith.addi %mul3A_2, %add3A_66 : i32
    %add3A_68 = vector.broadcast %add3A_67 : i32 to vector<16xi32>
    %add3A_69 = arith.addi %add3A_68, %iota3A : vector<16xi32>
    %dma_start3A_70 = arith.constant 64 : i32
    %dma_start3A_71 = arith.constant 0 : i32
    %dma_start3A_72 = tpu.memref_slice %arg7[%dma_start3A_70, %dma_start3A_71] : memref<80x128xi32, #tpu.memory_space<vmem>> -> memref<16x128xi32, #tpu.memory_space<vmem>>
    %dma_start3A_73 = arith.constant 0 : i32
    %dma_start3A_74 = arith.constant 0 : i32
    %dma_start3A_75 = tpu.memref_slice %arg2[%dma_start3A_73, %dma_start3A_74] : memref<2560x128xi32, #tpu.memory_space<hbm>> -> memref<2560x128xi32, #tpu.memory_space<hbm>>
    tpu.enqueue_indirect_dma source(%dma_start3A_75 : memref<2560x128xi32, #tpu.memory_space<hbm>>) target(%dma_start3A_72 : memref<16x128xi32, #tpu.memory_space<vmem>>) offsets(%add3A_69 : vector<16xi32>) semaphore(%arg11 : memref<!tpu.dma_semaphore, #tpu.memory_space<semaphore_mem>>)
    %dma_start3A_76 = arith.constant 64 : i32
    %dma_start3A_77 = arith.constant 0 : i32
    %dma_start3A_78 = tpu.memref_slice %arg8[%dma_start3A_76, %dma_start3A_77] : memref<80x128xi32, #tpu.memory_space<vmem>> -> memref<16x128xi32, #tpu.memory_space<vmem>>
    %dma_start3A_79 = arith.constant 0 : i32
    %dma_start3A_80 = arith.constant 0 : i32
    %dma_start3A_81 = tpu.memref_slice %arg3[%dma_start3A_79, %dma_start3A_80] : memref<2560x128xi32, #tpu.memory_space<hbm>> -> memref<2560x128xi32, #tpu.memory_space<hbm>>
    tpu.enqueue_indirect_dma source(%dma_start3A_81 : memref<2560x128xi32, #tpu.memory_space<hbm>>) target(%dma_start3A_78 : memref<16x128xi32, #tpu.memory_space<vmem>>) offsets(%add3A_69 : vector<16xi32>) semaphore(%arg12 : memref<!tpu.dma_semaphore, #tpu.memory_space<semaphore_mem>>)
    %mul3A_82 = arith.constant 640 : i32
    %mul3A_83 = arith.muli %arg1, %mul3A_82 : i32
    "tpu.region"() ({
      %run_scoped3A = tpu.sem_alloc : memref<!tpu.dma_semaphore, #tpu.memory_space<semaphore_mem>>
      %dma_start3A_153 = arith.constant 0 : i32
      %dma_start3A_154 = tpu.memref_slice %arg10[%mul3A_83, %dma_start3A_153] : memref<10240x64xf32, #tpu.memory_space<vmem_shared>> -> memref<640x64xf32, #tpu.memory_space<vmem_shared>>
      tpu.enqueue_dma source(%arg5 : memref<640x64xf32, #tpu.memory_space<hbm>>) target(%dma_start3A_154 : memref<640x64xf32, #tpu.memory_space<vmem_shared>>) target_semaphore(%run_scoped3A : memref<!tpu.dma_semaphore, #tpu.memory_space<semaphore_mem>>)
      %dma_wait3A_155 = arith.constant 0 : i32
      %dma_wait3A_156 = tpu.memref_slice %arg10[%mul3A_83, %dma_wait3A_155] : memref<10240x64xf32, #tpu.memory_space<vmem_shared>> -> memref<640x64xf32, #tpu.memory_space<vmem_shared>>
      tpu.wait_dma2 semaphore(%run_scoped3A : memref<!tpu.dma_semaphore, #tpu.memory_space<semaphore_mem>>) src(%arg5 : memref<640x64xf32, #tpu.memory_space<hbm>>) dst(%dma_wait3A_156 : memref<640x64xf32, #tpu.memory_space<vmem_shared>>)
      tpu.yield
    }) : () -> ()
    %dma_wait3A = arith.constant 0 : i32
    %dma_wait3A_84 = arith.constant 0 : i32
    %dma_wait3A_85 = tpu.memref_slice %arg2[%dma_wait3A, %dma_wait3A_84] : memref<2560x128xi32, #tpu.memory_space<hbm>> -> memref<80x128xi32, #tpu.memory_space<hbm>>
    %dma_wait3A_86 = arith.constant 0 : i32
    %dma_wait3A_87 = arith.constant 0 : i32
    %dma_wait3A_88 = tpu.memref_slice %arg2[%dma_wait3A_86, %dma_wait3A_87] : memref<2560x128xi32, #tpu.memory_space<hbm>> -> memref<80x128xi32, #tpu.memory_space<hbm>>
    tpu.wait_dma2 semaphore(%arg11 : memref<!tpu.dma_semaphore, #tpu.memory_space<semaphore_mem>>) src(%dma_wait3A_88 : memref<80x128xi32, #tpu.memory_space<hbm>>) dst(%arg7 : memref<80x128xi32, #tpu.memory_space<vmem>>)
    %dma_wait3A_89 = arith.constant 0 : i32
    %dma_wait3A_90 = arith.constant 0 : i32
    %dma_wait3A_91 = tpu.memref_slice %arg3[%dma_wait3A_89, %dma_wait3A_90] : memref<2560x128xi32, #tpu.memory_space<hbm>> -> memref<80x128xi32, #tpu.memory_space<hbm>>
    %dma_wait3A_92 = arith.constant 0 : i32
    %dma_wait3A_93 = arith.constant 0 : i32
    %dma_wait3A_94 = tpu.memref_slice %arg3[%dma_wait3A_92, %dma_wait3A_93] : memref<2560x128xi32, #tpu.memory_space<hbm>> -> memref<80x128xi32, #tpu.memory_space<hbm>>
    tpu.wait_dma2 semaphore(%arg12 : memref<!tpu.dma_semaphore, #tpu.memory_space<semaphore_mem>>) src(%dma_wait3A_94 : memref<80x128xi32, #tpu.memory_space<hbm>>) dst(%arg8 : memref<80x128xi32, #tpu.memory_space<vmem>>)
    %barrier3A = arith.constant 0 : index
    tpu.barrier barrier_id(%barrier3A)
    %dma_start3A_95 = arith.constant 0 : i32
    %dma_start3A_96 = arith.constant 0 : i32
    %dma_start3A_97 = arith.constant 0 : i32
    %dma_start3A_98 = arith.constant 0 : i32
    %dma_start3A_99 = tpu.memref_slice %arg9[%dma_start3A_96, %dma_start3A_97, %dma_start3A_98] : memref<4x128x64xf32, #tpu.memory_space<vmem>> -> memref<1x128x64xf32, #tpu.memory_space<vmem>>
    %dma_start3A_100 = tpu.memref_squeeze %dma_start3A_99 : memref<1x128x64xf32, #tpu.memory_space<vmem>> -> memref<128x64xf32, #tpu.memory_space<vmem>>
    %dma_start3A_101 = arith.constant 0 : i32
    %dma_start3A_102 = tpu.memref_slice %arg7[%dma_start3A_95, %dma_start3A_101] : memref<80x128xi32, #tpu.memory_space<vmem>> -> memref<1x128xi32, #tpu.memory_space<vmem>>
    %dma_start3A_103 = tpu.memref_squeeze %dma_start3A_102 : memref<1x128xi32, #tpu.memory_space<vmem>> -> memref<128xi32, #tpu.memory_space<vmem>>
    %dma_start3A_104 = arith.constant 0 : i32
    %dma_start3A_105 = arith.constant 0 : i32
    %dma_start3A_106 = tpu.memref_slice %arg4[%dma_start3A_104, %dma_start3A_105] : memref<10000x64xf32, #tpu.memory_space<hbm>> -> memref<10000x64xf32, #tpu.memory_space<hbm>>
    tpu.enqueue_indirect_dma source(%dma_start3A_106 : memref<10000x64xf32, #tpu.memory_space<hbm>>) target(%dma_start3A_100 : memref<128x64xf32, #tpu.memory_space<vmem>>) offsets(%dma_start3A_103 : memref<128xi32, #tpu.memory_space<vmem>>) semaphore(%arg13 : memref<!tpu.dma_semaphore, #tpu.memory_space<semaphore_mem>>)
    %dma_start3A_107 = arith.constant 1 : i32
    %dma_start3A_108 = arith.constant 1 : i32
    %dma_start3A_109 = arith.constant 0 : i32
    %dma_start3A_110 = arith.constant 0 : i32
    %dma_start3A_111 = tpu.memref_slice %arg9[%dma_start3A_108, %dma_start3A_109, %dma_start3A_110] : memref<4x128x64xf32, #tpu.memory_space<vmem>> -> memref<1x128x64xf32, #tpu.memory_space<vmem>>
    %dma_start3A_112 = tpu.memref_squeeze %dma_start3A_111 : memref<1x128x64xf32, #tpu.memory_space<vmem>> -> memref<128x64xf32, #tpu.memory_space<vmem>>
    %dma_start3A_113 = arith.constant 0 : i32
    %dma_start3A_114 = tpu.memref_slice %arg7[%dma_start3A_107, %dma_start3A_113] : memref<80x128xi32, #tpu.memory_space<vmem>> -> memref<1x128xi32, #tpu.memory_space<vmem>>
    %dma_start3A_115 = tpu.memref_squeeze %dma_start3A_114 : memref<1x128xi32, #tpu.memory_space<vmem>> -> memref<128xi32, #tpu.memory_space<vmem>>
    %dma_start3A_116 = arith.constant 0 : i32
    %dma_start3A_117 = arith.constant 0 : i32
    %dma_start3A_118 = tpu.memref_slice %arg4[%dma_start3A_116, %dma_start3A_117] : memref<10000x64xf32, #tpu.memory_space<hbm>> -> memref<10000x64xf32, #tpu.memory_space<hbm>>
    tpu.enqueue_indirect_dma source(%dma_start3A_118 : memref<10000x64xf32, #tpu.memory_space<hbm>>) target(%dma_start3A_112 : memref<128x64xf32, #tpu.memory_space<vmem>>) offsets(%dma_start3A_115 : memref<128xi32, #tpu.memory_space<vmem>>) semaphore(%arg14 : memref<!tpu.dma_semaphore, #tpu.memory_space<semaphore_mem>>)
    %dma_start3A_119 = arith.constant 2 : i32
    %dma_start3A_120 = arith.constant 2 : i32
    %dma_start3A_121 = arith.constant 0 : i32
    %dma_start3A_122 = arith.constant 0 : i32
    %dma_start3A_123 = tpu.memref_slice %arg9[%dma_start3A_120, %dma_start3A_121, %dma_start3A_122] : memref<4x128x64xf32, #tpu.memory_space<vmem>> -> memref<1x128x64xf32, #tpu.memory_space<vmem>>
    %dma_start3A_124 = tpu.memref_squeeze %dma_start3A_123 : memref<1x128x64xf32, #tpu.memory_space<vmem>> -> memref<128x64xf32, #tpu.memory_space<vmem>>
    %dma_start3A_125 = arith.constant 0 : i32
    %dma_start3A_126 = tpu.memref_slice %arg7[%dma_start3A_119, %dma_start3A_125] : memref<80x128xi32, #tpu.memory_space<vmem>> -> memref<1x128xi32, #tpu.memory_space<vmem>>
    %dma_start3A_127 = tpu.memref_squeeze %dma_start3A_126 : memref<1x128xi32, #tpu.memory_space<vmem>> -> memref<128xi32, #tpu.memory_space<vmem>>
    %dma_start3A_128 = arith.constant 0 : i32
    %dma_start3A_129 = arith.constant 0 : i32
    %dma_start3A_130 = tpu.memref_slice %arg4[%dma_start3A_128, %dma_start3A_129] : memref<10000x64xf32, #tpu.memory_space<hbm>> -> memref<10000x64xf32, #tpu.memory_space<hbm>>
    tpu.enqueue_indirect_dma source(%dma_start3A_130 : memref<10000x64xf32, #tpu.memory_space<hbm>>) target(%dma_start3A_124 : memref<128x64xf32, #tpu.memory_space<vmem>>) offsets(%dma_start3A_127 : memref<128xi32, #tpu.memory_space<vmem>>) semaphore(%arg15 : memref<!tpu.dma_semaphore, #tpu.memory_space<semaphore_mem>>)
    %dma_start3A_131 = arith.constant 3 : i32
    %dma_start3A_132 = arith.constant 3 : i32
    %dma_start3A_133 = arith.constant 0 : i32
    %dma_start3A_134 = arith.constant 0 : i32
    %dma_start3A_135 = tpu.memref_slice %arg9[%dma_start3A_132, %dma_start3A_133, %dma_start3A_134] : memref<4x128x64xf32, #tpu.memory_space<vmem>> -> memref<1x128x64xf32, #tpu.memory_space<vmem>>
    %dma_start3A_136 = tpu.memref_squeeze %dma_start3A_135 : memref<1x128x64xf32, #tpu.memory_space<vmem>> -> memref<128x64xf32, #tpu.memory_space<vmem>>
    %dma_start3A_137 = arith.constant 0 : i32
    %dma_start3A_138 = tpu.memref_slice %arg7[%dma_start3A_131, %dma_start3A_137] : memref<80x128xi32, #tpu.memory_space<vmem>> -> memref<1x128xi32, #tpu.memory_space<vmem>>
    %dma_start3A_139 = tpu.memref_squeeze %dma_start3A_138 : memref<1x128xi32, #tpu.memory_space<vmem>> -> memref<128xi32, #tpu.memory_space<vmem>>
    %dma_start3A_140 = arith.constant 0 : i32
    %dma_start3A_141 = arith.constant 0 : i32
    %dma_start3A_142 = tpu.memref_slice %arg4[%dma_start3A_140, %dma_start3A_141] : memref<10000x64xf32, #tpu.memory_space<hbm>> -> memref<10000x64xf32, #tpu.memory_space<hbm>>
    tpu.enqueue_indirect_dma source(%dma_start3A_142 : memref<10000x64xf32, #tpu.memory_space<hbm>>) target(%dma_start3A_136 : memref<128x64xf32, #tpu.memory_space<vmem>>) offsets(%dma_start3A_139 : memref<128xi32, #tpu.memory_space<vmem>>) semaphore(%arg16 : memref<!tpu.dma_semaphore, #tpu.memory_space<semaphore_mem>>)
    %scan3A = arith.constant 0 : i32
    %scan3A_143 = arith.constant 0 : i32
    %scan3A_144 = arith.constant 20 : i32
    %scan3A_145 = arith.addi %scan3A_143, %scan3A_144 : i32
    %scan3A_146 = arith.constant 1 : i32
    scf.for %scan3A_153 = %scan3A_143 to %scan3A_145 step %scan3A_146  : i32 {
      %mul3A_154 = arith.constant 4 : i32
      %mul3A_155 = arith.muli %scan3A_153, %mul3A_154 : i32
      %dma_wait3A_156 = arith.constant 0 : i32
      %dma_wait3A_157 = arith.constant 0 : i32
      %dma_wait3A_158 = arith.constant 0 : i32
      %dma_wait3A_159 = tpu.memref_slice %arg9[%dma_wait3A_156, %dma_wait3A_157, %dma_wait3A_158] : memref<4x128x64xf32, #tpu.memory_space<vmem>> -> memref<1x128x64xf32, #tpu.memory_space<vmem>>
      %dma_wait3A_160 = tpu.memref_squeeze %dma_wait3A_159 : memref<1x128x64xf32, #tpu.memory_space<vmem>> -> memref<128x64xf32, #tpu.memory_space<vmem>>
      %dma_wait3A_161 = arith.constant 0 : i32
      %dma_wait3A_162 = arith.constant 0 : i32
      %dma_wait3A_163 = tpu.memref_slice %arg4[%dma_wait3A_161, %dma_wait3A_162] : memref<10000x64xf32, #tpu.memory_space<hbm>> -> memref<128x64xf32, #tpu.memory_space<hbm>>
      %dma_wait3A_164 = arith.constant 0 : i32
      %dma_wait3A_165 = arith.constant 0 : i32
      %dma_wait3A_166 = tpu.memref_slice %arg9[%dma_wait3A_156, %dma_wait3A_164, %dma_wait3A_165] : memref<4x128x64xf32, #tpu.memory_space<vmem>> -> memref<1x128x64xf32, #tpu.memory_space<vmem>>
      %dma_wait3A_167 = tpu.memref_squeeze %dma_wait3A_166 : memref<1x128x64xf32, #tpu.memory_space<vmem>> -> memref<128x64xf32, #tpu.memory_space<vmem>>
      %dma_wait3A_168 = arith.constant 0 : i32
      %dma_wait3A_169 = arith.constant 0 : i32
      %dma_wait3A_170 = tpu.memref_slice %arg4[%dma_wait3A_168, %dma_wait3A_169] : memref<10000x64xf32, #tpu.memory_space<hbm>> -> memref<128x64xf32, #tpu.memory_space<hbm>>
      tpu.wait_dma2 semaphore(%arg13 : memref<!tpu.dma_semaphore, #tpu.memory_space<semaphore_mem>>) src(%dma_wait3A_170 : memref<128x64xf32, #tpu.memory_space<hbm>>) dst(%dma_wait3A_167 : memref<128x64xf32, #tpu.memory_space<vmem>>)
      %add3A_171 = arith.constant 0 : i32
      %add3A_172 = arith.addi %mul3A_155, %add3A_171 : i32
      %dma_start3A_173 = arith.constant 0 : i32
      %dma_start3A_174 = arith.constant 0 : i32
      %dma_start3A_175 = arith.constant 0 : i32
      %dma_start3A_176 = tpu.memref_slice %arg9[%dma_start3A_173, %dma_start3A_174, %dma_start3A_175] : memref<4x128x64xf32, #tpu.memory_space<vmem>> -> memref<1x128x64xf32, #tpu.memory_space<vmem>>
      %dma_start3A_177 = tpu.memref_squeeze %dma_start3A_176 : memref<1x128x64xf32, #tpu.memory_space<vmem>> -> memref<128x64xf32, #tpu.memory_space<vmem>>
      %dma_start3A_178 = arith.constant 0 : i32
      %dma_start3A_179 = tpu.memref_slice %arg8[%add3A_172, %dma_start3A_178] : memref<80x128xi32, #tpu.memory_space<vmem>> -> memref<1x128xi32, #tpu.memory_space<vmem>>
      %dma_start3A_180 = tpu.memref_squeeze %dma_start3A_179 : memref<1x128xi32, #tpu.memory_space<vmem>> -> memref<128xi32, #tpu.memory_space<vmem>>
      %dma_start3A_181 = arith.constant 0 : i32
      %dma_start3A_182 = arith.constant 0 : i32
      %dma_start3A_183 = tpu.memref_slice %arg10[%dma_start3A_181, %dma_start3A_182] : memref<10240x64xf32, #tpu.memory_space<vmem_shared>> -> memref<10240x64xf32, #tpu.memory_space<vmem_shared>>
      tpu.enqueue_indirect_dma source(%dma_start3A_177 : memref<128x64xf32, #tpu.memory_space<vmem>>) target(%dma_start3A_183 : memref<10240x64xf32, #tpu.memory_space<vmem_shared>>) offsets(%dma_start3A_180 : memref<128xi32, #tpu.memory_space<vmem>>) semaphore(%arg17 : memref<!tpu.dma_semaphore, #tpu.memory_space<semaphore_mem>>) {add = true}
      %dma_wait3A_184 = arith.constant 1 : i32
      %dma_wait3A_185 = arith.constant 0 : i32
      %dma_wait3A_186 = arith.constant 0 : i32
      %dma_wait3A_187 = tpu.memref_slice %arg9[%dma_wait3A_184, %dma_wait3A_185, %dma_wait3A_186] : memref<4x128x64xf32, #tpu.memory_space<vmem>> -> memref<1x128x64xf32, #tpu.memory_space<vmem>>
      %dma_wait3A_188 = tpu.memref_squeeze %dma_wait3A_187 : memref<1x128x64xf32, #tpu.memory_space<vmem>> -> memref<128x64xf32, #tpu.memory_space<vmem>>
      %dma_wait3A_189 = arith.constant 0 : i32
      %dma_wait3A_190 = arith.constant 0 : i32
      %dma_wait3A_191 = tpu.memref_slice %arg4[%dma_wait3A_189, %dma_wait3A_190] : memref<10000x64xf32, #tpu.memory_space<hbm>> -> memref<128x64xf32, #tpu.memory_space<hbm>>
      %dma_wait3A_192 = arith.constant 0 : i32
      %dma_wait3A_193 = arith.constant 0 : i32
      %dma_wait3A_194 = tpu.memref_slice %arg9[%dma_wait3A_184, %dma_wait3A_192, %dma_wait3A_193] : memref<4x128x64xf32, #tpu.memory_space<vmem>> -> memref<1x128x64xf32, #tpu.memory_space<vmem>>
      %dma_wait3A_195 = tpu.memref_squeeze %dma_wait3A_194 : memref<1x128x64xf32, #tpu.memory_space<vmem>> -> memref<128x64xf32, #tpu.memory_space<vmem>>
      %dma_wait3A_196 = arith.constant 0 : i32
      %dma_wait3A_197 = arith.constant 0 : i32
      %dma_wait3A_198 = tpu.memref_slice %arg4[%dma_wait3A_196, %dma_wait3A_197] : memref<10000x64xf32, #tpu.memory_space<hbm>> -> memref<128x64xf32, #tpu.memory_space<hbm>>
      tpu.wait_dma2 semaphore(%arg14 : memref<!tpu.dma_semaphore, #tpu.memory_space<semaphore_mem>>) src(%dma_wait3A_198 : memref<128x64xf32, #tpu.memory_space<hbm>>) dst(%dma_wait3A_195 : memref<128x64xf32, #tpu.memory_space<vmem>>)
      %add3A_199 = arith.constant 1 : i32
      %add3A_200 = arith.addi %mul3A_155, %add3A_199 : i32
      %dma_start3A_201 = arith.constant 1 : i32
      %dma_start3A_202 = arith.constant 0 : i32
      %dma_start3A_203 = arith.constant 0 : i32
      %dma_start3A_204 = tpu.memref_slice %arg9[%dma_start3A_201, %dma_start3A_202, %dma_start3A_203] : memref<4x128x64xf32, #tpu.memory_space<vmem>> -> memref<1x128x64xf32, #tpu.memory_space<vmem>>
      %dma_start3A_205 = tpu.memref_squeeze %dma_start3A_204 : memref<1x128x64xf32, #tpu.memory_space<vmem>> -> memref<128x64xf32, #tpu.memory_space<vmem>>
      %dma_start3A_206 = arith.constant 0 : i32
      %dma_start3A_207 = tpu.memref_slice %arg8[%add3A_200, %dma_start3A_206] : memref<80x128xi32, #tpu.memory_space<vmem>> -> memref<1x128xi32, #tpu.memory_space<vmem>>
      %dma_start3A_208 = tpu.memref_squeeze %dma_start3A_207 : memref<1x128xi32, #tpu.memory_space<vmem>> -> memref<128xi32, #tpu.memory_space<vmem>>
      %dma_start3A_209 = arith.constant 0 : i32
      %dma_start3A_210 = arith.constant 0 : i32
      %dma_start3A_211 = tpu.memref_slice %arg10[%dma_start3A_209, %dma_start3A_210] : memref<10240x64xf32, #tpu.memory_space<vmem_shared>> -> memref<10240x64xf32, #tpu.memory_space<vmem_shared>>
      tpu.enqueue_indirect_dma source(%dma_start3A_205 : memref<128x64xf32, #tpu.memory_space<vmem>>) target(%dma_start3A_211 : memref<10240x64xf32, #tpu.memory_space<vmem_shared>>) offsets(%dma_start3A_208 : memref<128xi32, #tpu.memory_space<vmem>>) semaphore(%arg18 : memref<!tpu.dma_semaphore, #tpu.memory_space<semaphore_mem>>) {add = true}
      %dma_wait3A_212 = arith.constant 2 : i32
      %dma_wait3A_213 = arith.constant 0 : i32
      %dma_wait3A_214 = arith.constant 0 : i32
      %dma_wait3A_215 = tpu.memref_slice %arg9[%dma_wait3A_212, %dma_wait3A_213, %dma_wait3A_214] : memref<4x128x64xf32, #tpu.memory_space<vmem>> -> memref<1x128x64xf32, #tpu.memory_space<vmem>>
      %dma_wait3A_216 = tpu.memref_squeeze %dma_wait3A_215 : memref<1x128x64xf32, #tpu.memory_space<vmem>> -> memref<128x64xf32, #tpu.memory_space<vmem>>
      %dma_wait3A_217 = arith.constant 0 : i32
      %dma_wait3A_218 = arith.constant 0 : i32
      %dma_wait3A_219 = tpu.memref_slice %arg4[%dma_wait3A_217, %dma_wait3A_218] : memref<10000x64xf32, #tpu.memory_space<hbm>> -> memref<128x64xf32, #tpu.memory_space<hbm>>
      %dma_wait3A_220 = arith.constant 0 : i32
      %dma_wait3A_221 = arith.constant 0 : i32
      %dma_wait3A_222 = tpu.memref_slice %arg9[%dma_wait3A_212, %dma_wait3A_220, %dma_wait3A_221] : memref<4x128x64xf32, #tpu.memory_space<vmem>> -> memref<1x128x64xf32, #tpu.memory_space<vmem>>
      %dma_wait3A_223 = tpu.memref_squeeze %dma_wait3A_222 : memref<1x128x64xf32, #tpu.memory_space<vmem>> -> memref<128x64xf32, #tpu.memory_space<vmem>>
      %dma_wait3A_224 = arith.constant 0 : i32
      %dma_wait3A_225 = arith.constant 0 : i32
      %dma_wait3A_226 = tpu.memref_slice %arg4[%dma_wait3A_224, %dma_wait3A_225] : memref<10000x64xf32, #tpu.memory_space<hbm>> -> memref<128x64xf32, #tpu.memory_space<hbm>>
      tpu.wait_dma2 semaphore(%arg15 : memref<!tpu.dma_semaphore, #tpu.memory_space<semaphore_mem>>) src(%dma_wait3A_226 : memref<128x64xf32, #tpu.memory_space<hbm>>) dst(%dma_wait3A_223 : memref<128x64xf32, #tpu.memory_space<vmem>>)
      %add3A_227 = arith.constant 2 : i32
      %add3A_228 = arith.addi %mul3A_155, %add3A_227 : i32
      %dma_start3A_229 = arith.constant 2 : i32
      %dma_start3A_230 = arith.constant 0 : i32
      %dma_start3A_231 = arith.constant 0 : i32
      %dma_start3A_232 = tpu.memref_slice %arg9[%dma_start3A_229, %dma_start3A_230, %dma_start3A_231] : memref<4x128x64xf32, #tpu.memory_space<vmem>> -> memref<1x128x64xf32, #tpu.memory_space<vmem>>
      %dma_start3A_233 = tpu.memref_squeeze %dma_start3A_232 : memref<1x128x64xf32, #tpu.memory_space<vmem>> -> memref<128x64xf32, #tpu.memory_space<vmem>>
      %dma_start3A_234 = arith.constant 0 : i32
      %dma_start3A_235 = tpu.memref_slice %arg8[%add3A_228, %dma_start3A_234] : memref<80x128xi32, #tpu.memory_space<vmem>> -> memref<1x128xi32, #tpu.memory_space<vmem>>
      %dma_start3A_236 = tpu.memref_squeeze %dma_start3A_235 : memref<1x128xi32, #tpu.memory_space<vmem>> -> memref<128xi32, #tpu.memory_space<vmem>>
      %dma_start3A_237 = arith.constant 0 : i32
      %dma_start3A_238 = arith.constant 0 : i32
      %dma_start3A_239 = tpu.memref_slice %arg10[%dma_start3A_237, %dma_start3A_238] : memref<10240x64xf32, #tpu.memory_space<vmem_shared>> -> memref<10240x64xf32, #tpu.memory_space<vmem_shared>>
      tpu.enqueue_indirect_dma source(%dma_start3A_233 : memref<128x64xf32, #tpu.memory_space<vmem>>) target(%dma_start3A_239 : memref<10240x64xf32, #tpu.memory_space<vmem_shared>>) offsets(%dma_start3A_236 : memref<128xi32, #tpu.memory_space<vmem>>) semaphore(%arg19 : memref<!tpu.dma_semaphore, #tpu.memory_space<semaphore_mem>>) {add = true}
      %dma_wait3A_240 = arith.constant 3 : i32
      %dma_wait3A_241 = arith.constant 0 : i32
      %dma_wait3A_242 = arith.constant 0 : i32
      %dma_wait3A_243 = tpu.memref_slice %arg9[%dma_wait3A_240, %dma_wait3A_241, %dma_wait3A_242] : memref<4x128x64xf32, #tpu.memory_space<vmem>> -> memref<1x128x64xf32, #tpu.memory_space<vmem>>
      %dma_wait3A_244 = tpu.memref_squeeze %dma_wait3A_243 : memref<1x128x64xf32, #tpu.memory_space<vmem>> -> memref<128x64xf32, #tpu.memory_space<vmem>>
      %dma_wait3A_245 = arith.constant 0 : i32
      %dma_wait3A_246 = arith.constant 0 : i32
      %dma_wait3A_247 = tpu.memref_slice %arg4[%dma_wait3A_245, %dma_wait3A_246] : memref<10000x64xf32, #tpu.memory_space<hbm>> -> memref<128x64xf32, #tpu.memory_space<hbm>>
      %dma_wait3A_248 = arith.constant 0 : i32
      %dma_wait3A_249 = arith.constant 0 : i32
      %dma_wait3A_250 = tpu.memref_slice %arg9[%dma_wait3A_240, %dma_wait3A_248, %dma_wait3A_249] : memref<4x128x64xf32, #tpu.memory_space<vmem>> -> memref<1x128x64xf32, #tpu.memory_space<vmem>>
      %dma_wait3A_251 = tpu.memref_squeeze %dma_wait3A_250 : memref<1x128x64xf32, #tpu.memory_space<vmem>> -> memref<128x64xf32, #tpu.memory_space<vmem>>
      %dma_wait3A_252 = arith.constant 0 : i32
      %dma_wait3A_253 = arith.constant 0 : i32
      %dma_wait3A_254 = tpu.memref_slice %arg4[%dma_wait3A_252, %dma_wait3A_253] : memref<10000x64xf32, #tpu.memory_space<hbm>> -> memref<128x64xf32, #tpu.memory_space<hbm>>
      tpu.wait_dma2 semaphore(%arg16 : memref<!tpu.dma_semaphore, #tpu.memory_space<semaphore_mem>>) src(%dma_wait3A_254 : memref<128x64xf32, #tpu.memory_space<hbm>>) dst(%dma_wait3A_251 : memref<128x64xf32, #tpu.memory_space<vmem>>)
      %add3A_255 = arith.constant 3 : i32
      %add3A_256 = arith.addi %mul3A_155, %add3A_255 : i32
      %dma_start3A_257 = arith.constant 3 : i32
      %dma_start3A_258 = arith.constant 0 : i32
      %dma_start3A_259 = arith.constant 0 : i32
      %dma_start3A_260 = tpu.memref_slice %arg9[%dma_start3A_257, %dma_start3A_258, %dma_start3A_259] : memref<4x128x64xf32, #tpu.memory_space<vmem>> -> memref<1x128x64xf32, #tpu.memory_space<vmem>>
      %dma_start3A_261 = tpu.memref_squeeze %dma_start3A_260 : memref<1x128x64xf32, #tpu.memory_space<vmem>> -> memref<128x64xf32, #tpu.memory_space<vmem>>
      %dma_start3A_262 = arith.constant 0 : i32
      %dma_start3A_263 = tpu.memref_slice %arg8[%add3A_256, %dma_start3A_262] : memref<80x128xi32, #tpu.memory_space<vmem>> -> memref<1x128xi32, #tpu.memory_space<vmem>>
      %dma_start3A_264 = tpu.memref_squeeze %dma_start3A_263 : memref<1x128xi32, #tpu.memory_space<vmem>> -> memref<128xi32, #tpu.memory_space<vmem>>
      %dma_start3A_265 = arith.constant 0 : i32
      %dma_start3A_266 = arith.constant 0 : i32
      %dma_start3A_267 = tpu.memref_slice %arg10[%dma_start3A_265, %dma_start3A_266] : memref<10240x64xf32, #tpu.memory_space<vmem_shared>> -> memref<10240x64xf32, #tpu.memory_space<vmem_shared>>
      tpu.enqueue_indirect_dma source(%dma_start3A_261 : memref<128x64xf32, #tpu.memory_space<vmem>>) target(%dma_start3A_267 : memref<10240x64xf32, #tpu.memory_space<vmem_shared>>) offsets(%dma_start3A_264 : memref<128xi32, #tpu.memory_space<vmem>>) semaphore(%arg20 : memref<!tpu.dma_semaphore, #tpu.memory_space<semaphore_mem>>) {add = true}
      %dma_wait3A_268 = arith.constant 0 : i32
      %dma_wait3A_269 = arith.constant 0 : i32
      %dma_wait3A_270 = arith.constant 0 : i32
      %dma_wait3A_271 = tpu.memref_slice %arg9[%dma_wait3A_268, %dma_wait3A_269, %dma_wait3A_270] : memref<4x128x64xf32, #tpu.memory_space<vmem>> -> memref<1x128x64xf32, #tpu.memory_space<vmem>>
      %dma_wait3A_272 = tpu.memref_squeeze %dma_wait3A_271 : memref<1x128x64xf32, #tpu.memory_space<vmem>> -> memref<128x64xf32, #tpu.memory_space<vmem>>
      %dma_wait3A_273 = arith.constant 0 : i32
      %dma_wait3A_274 = arith.constant 0 : i32
      %dma_wait3A_275 = tpu.memref_slice %arg4[%dma_wait3A_273, %dma_wait3A_274] : memref<10000x64xf32, #tpu.memory_space<hbm>> -> memref<128x64xf32, #tpu.memory_space<hbm>>
      %dma_wait3A_276 = arith.constant 0 : i32
      %dma_wait3A_277 = arith.constant 0 : i32
      %dma_wait3A_278 = tpu.memref_slice %arg9[%dma_wait3A_268, %dma_wait3A_276, %dma_wait3A_277] : memref<4x128x64xf32, #tpu.memory_space<vmem>> -> memref<1x128x64xf32, #tpu.memory_space<vmem>>
      %dma_wait3A_279 = tpu.memref_squeeze %dma_wait3A_278 : memref<1x128x64xf32, #tpu.memory_space<vmem>> -> memref<128x64xf32, #tpu.memory_space<vmem>>
      %dma_wait3A_280 = arith.constant 0 : i32
      %dma_wait3A_281 = arith.constant 0 : i32
      %dma_wait3A_282 = tpu.memref_slice %arg4[%dma_wait3A_280, %dma_wait3A_281] : memref<10000x64xf32, #tpu.memory_space<hbm>> -> memref<128x64xf32, #tpu.memory_space<hbm>>
      tpu.wait_dma2 semaphore(%arg17 : memref<!tpu.dma_semaphore, #tpu.memory_space<semaphore_mem>>) src(%dma_wait3A_282 : memref<128x64xf32, #tpu.memory_space<hbm>>) dst(%dma_wait3A_279 : memref<128x64xf32, #tpu.memory_space<vmem>>)
      %add3A_283 = arith.constant 4 : i32
      %add3A_284 = arith.addi %mul3A_155, %add3A_283 : i32
      %add3A_285 = arith.constant 0 : i32
      %add3A_286 = arith.addi %add3A_284, %add3A_285 : i32
      %lt3A = arith.constant 80 : i32
      %lt3A_287 = arith.cmpi slt, %add3A_286, %lt3A : i32
      %convert_element_type3A = arith.extui %lt3A_287 : i1 to i32
      %cond3A = arith.constant 0 : i32
      %cond3A_288 = arith.cmpi ne, %convert_element_type3A, %cond3A : i32
      scf.if %cond3A_288 {
        %add3A_361 = arith.constant 4 : i32
        %add3A_362 = arith.addi %mul3A_155, %add3A_361 : i32
        %add3A_363 = arith.constant 0 : i32
        %add3A_364 = arith.addi %add3A_362, %add3A_363 : i32
        %dma_start3A_365 = arith.constant 0 : i32
        %dma_start3A_366 = arith.constant 0 : i32
        %dma_start3A_367 = arith.constant 0 : i32
        %dma_start3A_368 = tpu.memref_slice %arg9[%dma_start3A_365, %dma_start3A_366, %dma_start3A_367] : memref<4x128x64xf32, #tpu.memory_space<vmem>> -> memref<1x128x64xf32, #tpu.memory_space<vmem>>
        %dma_start3A_369 = tpu.memref_squeeze %dma_start3A_368 : memref<1x128x64xf32, #tpu.memory_space<vmem>> -> memref<128x64xf32, #tpu.memory_space<vmem>>
        %dma_start3A_370 = arith.constant 0 : i32
        %dma_start3A_371 = tpu.memref_slice %arg7[%add3A_364, %dma_start3A_370] : memref<80x128xi32, #tpu.memory_space<vmem>> -> memref<1x128xi32, #tpu.memory_space<vmem>>
        %dma_start3A_372 = tpu.memref_squeeze %dma_start3A_371 : memref<1x128xi32, #tpu.memory_space<vmem>> -> memref<128xi32, #tpu.memory_space<vmem>>
        %dma_start3A_373 = arith.constant 0 : i32
        %dma_start3A_374 = arith.constant 0 : i32
        %dma_start3A_375 = tpu.memref_slice %arg4[%dma_start3A_373, %dma_start3A_374] : memref<10000x64xf32, #tpu.memory_space<hbm>> -> memref<10000x64xf32, #tpu.memory_space<hbm>>
        tpu.enqueue_indirect_dma source(%dma_start3A_375 : memref<10000x64xf32, #tpu.memory_space<hbm>>) target(%dma_start3A_369 : memref<128x64xf32, #tpu.memory_space<vmem>>) offsets(%dma_start3A_372 : memref<128xi32, #tpu.memory_space<vmem>>) semaphore(%arg13 : memref<!tpu.dma_semaphore, #tpu.memory_space<semaphore_mem>>)
      } else {
      }
      %dma_wait3A_289 = arith.constant 1 : i32
      %dma_wait3A_290 = arith.constant 0 : i32
      %dma_wait3A_291 = arith.constant 0 : i32
      %dma_wait3A_292 = tpu.memref_slice %arg9[%dma_wait3A_289, %dma_wait3A_290, %dma_wait3A_291] : memref<4x128x64xf32, #tpu.memory_space<vmem>> -> memref<1x128x64xf32, #tpu.memory_space<vmem>>
      %dma_wait3A_293 = tpu.memref_squeeze %dma_wait3A_292 : memref<1x128x64xf32, #tpu.memory_space<vmem>> -> memref<128x64xf32, #tpu.memory_space<vmem>>
      %dma_wait3A_294 = arith.constant 0 : i32
      %dma_wait3A_295 = arith.constant 0 : i32
      %dma_wait3A_296 = tpu.memref_slice %arg4[%dma_wait3A_294, %dma_wait3A_295] : memref<10000x64xf32, #tpu.memory_space<hbm>> -> memref<128x64xf32, #tpu.memory_space<hbm>>
      %dma_wait3A_297 = arith.constant 0 : i32
      %dma_wait3A_298 = arith.constant 0 : i32
      %dma_wait3A_299 = tpu.memref_slice %arg9[%dma_wait3A_289, %dma_wait3A_297, %dma_wait3A_298] : memref<4x128x64xf32, #tpu.memory_space<vmem>> -> memref<1x128x64xf32, #tpu.memory_space<vmem>>
      %dma_wait3A_300 = tpu.memref_squeeze %dma_wait3A_299 : memref<1x128x64xf32, #tpu.memory_space<vmem>> -> memref<128x64xf32, #tpu.memory_space<vmem>>
      %dma_wait3A_301 = arith.constant 0 : i32
      %dma_wait3A_302 = arith.constant 0 : i32
      %dma_wait3A_303 = tpu.memref_slice %arg4[%dma_wait3A_301, %dma_wait3A_302] : memref<10000x64xf32, #tpu.memory_space<hbm>> -> memref<128x64xf32, #tpu.memory_space<hbm>>
      tpu.wait_dma2 semaphore(%arg18 : memref<!tpu.dma_semaphore, #tpu.memory_space<semaphore_mem>>) src(%dma_wait3A_303 : memref<128x64xf32, #tpu.memory_space<hbm>>) dst(%dma_wait3A_300 : memref<128x64xf32, #tpu.memory_space<vmem>>)
      %add3A_304 = arith.constant 4 : i32
      %add3A_305 = arith.addi %mul3A_155, %add3A_304 : i32
      %add3A_306 = arith.constant 1 : i32
      %add3A_307 = arith.addi %add3A_305, %add3A_306 : i32
      %lt3A_308 = arith.constant 80 : i32
      %lt3A_309 = arith.cmpi slt, %add3A_307, %lt3A_308 : i32
      %convert_element_type3A_310 = arith.extui %lt3A_309 : i1 to i32
      %cond3A_311 = arith.constant 0 : i32
      %cond3A_312 = arith.cmpi ne, %convert_element_type3A_310, %cond3A_311 : i32
      scf.if %cond3A_312 {
        %add3A_361 = arith.constant 4 : i32
        %add3A_362 = arith.addi %mul3A_155, %add3A_361 : i32
        %add3A_363 = arith.constant 1 : i32
        %add3A_364 = arith.addi %add3A_362, %add3A_363 : i32
        %dma_start3A_365 = arith.constant 1 : i32
        %dma_start3A_366 = arith.constant 0 : i32
        %dma_start3A_367 = arith.constant 0 : i32
        %dma_start3A_368 = tpu.memref_slice %arg9[%dma_start3A_365, %dma_start3A_366, %dma_start3A_367] : memref<4x128x64xf32, #tpu.memory_space<vmem>> -> memref<1x128x64xf32, #tpu.memory_space<vmem>>
        %dma_start3A_369 = tpu.memref_squeeze %dma_start3A_368 : memref<1x128x64xf32, #tpu.memory_space<vmem>> -> memref<128x64xf32, #tpu.memory_space<vmem>>
        %dma_start3A_370 = arith.constant 0 : i32
        %dma_start3A_371 = tpu.memref_slice %arg7[%add3A_364, %dma_start3A_370] : memref<80x128xi32, #tpu.memory_space<vmem>> -> memref<1x128xi32, #tpu.memory_space<vmem>>
        %dma_start3A_372 = tpu.memref_squeeze %dma_start3A_371 : memref<1x128xi32, #tpu.memory_space<vmem>> -> memref<128xi32, #tpu.memory_space<vmem>>
        %dma_start3A_373 = arith.constant 0 : i32
        %dma_start3A_374 = arith.constant 0 : i32
        %dma_start3A_375 = tpu.memref_slice %arg4[%dma_start3A_373, %dma_start3A_374] : memref<10000x64xf32, #tpu.memory_space<hbm>> -> memref<10000x64xf32, #tpu.memory_space<hbm>>
        tpu.enqueue_indirect_dma source(%dma_start3A_375 : memref<10000x64xf32, #tpu.memory_space<hbm>>) target(%dma_start3A_369 : memref<128x64xf32, #tpu.memory_space<vmem>>) offsets(%dma_start3A_372 : memref<128xi32, #tpu.memory_space<vmem>>) semaphore(%arg14 : memref<!tpu.dma_semaphore, #tpu.memory_space<semaphore_mem>>)
      } else {
      }
      %dma_wait3A_313 = arith.constant 2 : i32
      %dma_wait3A_314 = arith.constant 0 : i32
      %dma_wait3A_315 = arith.constant 0 : i32
      %dma_wait3A_316 = tpu.memref_slice %arg9[%dma_wait3A_313, %dma_wait3A_314, %dma_wait3A_315] : memref<4x128x64xf32, #tpu.memory_space<vmem>> -> memref<1x128x64xf32, #tpu.memory_space<vmem>>
      %dma_wait3A_317 = tpu.memref_squeeze %dma_wait3A_316 : memref<1x128x64xf32, #tpu.memory_space<vmem>> -> memref<128x64xf32, #tpu.memory_space<vmem>>
      %dma_wait3A_318 = arith.constant 0 : i32
      %dma_wait3A_319 = arith.constant 0 : i32
      %dma_wait3A_320 = tpu.memref_slice %arg4[%dma_wait3A_318, %dma_wait3A_319] : memref<10000x64xf32, #tpu.memory_space<hbm>> -> memref<128x64xf32, #tpu.memory_space<hbm>>
      %dma_wait3A_321 = arith.constant 0 : i32
      %dma_wait3A_322 = arith.constant 0 : i32
      %dma_wait3A_323 = tpu.memref_slice %arg9[%dma_wait3A_313, %dma_wait3A_321, %dma_wait3A_322] : memref<4x128x64xf32, #tpu.memory_space<vmem>> -> memref<1x128x64xf32, #tpu.memory_space<vmem>>
      %dma_wait3A_324 = tpu.memref_squeeze %dma_wait3A_323 : memref<1x128x64xf32, #tpu.memory_space<vmem>> -> memref<128x64xf32, #tpu.memory_space<vmem>>
      %dma_wait3A_325 = arith.constant 0 : i32
      %dma_wait3A_326 = arith.constant 0 : i32
      %dma_wait3A_327 = tpu.memref_slice %arg4[%dma_wait3A_325, %dma_wait3A_326] : memref<10000x64xf32, #tpu.memory_space<hbm>> -> memref<128x64xf32, #tpu.memory_space<hbm>>
      tpu.wait_dma2 semaphore(%arg19 : memref<!tpu.dma_semaphore, #tpu.memory_space<semaphore_mem>>) src(%dma_wait3A_327 : memref<128x64xf32, #tpu.memory_space<hbm>>) dst(%dma_wait3A_324 : memref<128x64xf32, #tpu.memory_space<vmem>>)
      %add3A_328 = arith.constant 4 : i32
      %add3A_329 = arith.addi %mul3A_155, %add3A_328 : i32
      %add3A_330 = arith.constant 2 : i32
      %add3A_331 = arith.addi %add3A_329, %add3A_330 : i32
      %lt3A_332 = arith.constant 80 : i32
      %lt3A_333 = arith.cmpi slt, %add3A_331, %lt3A_332 : i32
      %convert_element_type3A_334 = arith.extui %lt3A_333 : i1 to i32
      %cond3A_335 = arith.constant 0 : i32
      %cond3A_336 = arith.cmpi ne, %convert_element_type3A_334, %cond3A_335 : i32
      scf.if %cond3A_336 {
        %add3A_361 = arith.constant 4 : i32
        %add3A_362 = arith.addi %mul3A_155, %add3A_361 : i32
        %add3A_363 = arith.constant 2 : i32
        %add3A_364 = arith.addi %add3A_362, %add3A_363 : i32
        %dma_start3A_365 = arith.constant 2 : i32
        %dma_start3A_366 = arith.constant 0 : i32
        %dma_start3A_367 = arith.constant 0 : i32
        %dma_start3A_368 = tpu.memref_slice %arg9[%dma_start3A_365, %dma_start3A_366, %dma_start3A_367] : memref<4x128x64xf32, #tpu.memory_space<vmem>> -> memref<1x128x64xf32, #tpu.memory_space<vmem>>
        %dma_start3A_369 = tpu.memref_squeeze %dma_start3A_368 : memref<1x128x64xf32, #tpu.memory_space<vmem>> -> memref<128x64xf32, #tpu.memory_space<vmem>>
        %dma_start3A_370 = arith.constant 0 : i32
        %dma_start3A_371 = tpu.memref_slice %arg7[%add3A_364, %dma_start3A_370] : memref<80x128xi32, #tpu.memory_space<vmem>> -> memref<1x128xi32, #tpu.memory_space<vmem>>
        %dma_start3A_372 = tpu.memref_squeeze %dma_start3A_371 : memref<1x128xi32, #tpu.memory_space<vmem>> -> memref<128xi32, #tpu.memory_space<vmem>>
        %dma_start3A_373 = arith.constant 0 : i32
        %dma_start3A_374 = arith.constant 0 : i32
        %dma_start3A_375 = tpu.memref_slice %arg4[%dma_start3A_373, %dma_start3A_374] : memref<10000x64xf32, #tpu.memory_space<hbm>> -> memref<10000x64xf32, #tpu.memory_space<hbm>>
        tpu.enqueue_indirect_dma source(%dma_start3A_375 : memref<10000x64xf32, #tpu.memory_space<hbm>>) target(%dma_start3A_369 : memref<128x64xf32, #tpu.memory_space<vmem>>) offsets(%dma_start3A_372 : memref<128xi32, #tpu.memory_space<vmem>>) semaphore(%arg15 : memref<!tpu.dma_semaphore, #tpu.memory_space<semaphore_mem>>)
      } else {
      }
      %dma_wait3A_337 = arith.constant 3 : i32
      %dma_wait3A_338 = arith.constant 0 : i32
      %dma_wait3A_339 = arith.constant 0 : i32
      %dma_wait3A_340 = tpu.memref_slice %arg9[%dma_wait3A_337, %dma_wait3A_338, %dma_wait3A_339] : memref<4x128x64xf32, #tpu.memory_space<vmem>> -> memref<1x128x64xf32, #tpu.memory_space<vmem>>
      %dma_wait3A_341 = tpu.memref_squeeze %dma_wait3A_340 : memref<1x128x64xf32, #tpu.memory_space<vmem>> -> memref<128x64xf32, #tpu.memory_space<vmem>>
      %dma_wait3A_342 = arith.constant 0 : i32
      %dma_wait3A_343 = arith.constant 0 : i32
      %dma_wait3A_344 = tpu.memref_slice %arg4[%dma_wait3A_342, %dma_wait3A_343] : memref<10000x64xf32, #tpu.memory_space<hbm>> -> memref<128x64xf32, #tpu.memory_space<hbm>>
      %dma_wait3A_345 = arith.constant 0 : i32
      %dma_wait3A_346 = arith.constant 0 : i32
      %dma_wait3A_347 = tpu.memref_slice %arg9[%dma_wait3A_337, %dma_wait3A_345, %dma_wait3A_346] : memref<4x128x64xf32, #tpu.memory_space<vmem>> -> memref<1x128x64xf32, #tpu.memory_space<vmem>>
      %dma_wait3A_348 = tpu.memref_squeeze %dma_wait3A_347 : memref<1x128x64xf32, #tpu.memory_space<vmem>> -> memref<128x64xf32, #tpu.memory_space<vmem>>
      %dma_wait3A_349 = arith.constant 0 : i32
      %dma_wait3A_350 = arith.constant 0 : i32
      %dma_wait3A_351 = tpu.memref_slice %arg4[%dma_wait3A_349, %dma_wait3A_350] : memref<10000x64xf32, #tpu.memory_space<hbm>> -> memref<128x64xf32, #tpu.memory_space<hbm>>
      tpu.wait_dma2 semaphore(%arg20 : memref<!tpu.dma_semaphore, #tpu.memory_space<semaphore_mem>>) src(%dma_wait3A_351 : memref<128x64xf32, #tpu.memory_space<hbm>>) dst(%dma_wait3A_348 : memref<128x64xf32, #tpu.memory_space<vmem>>)
      %add3A_352 = arith.constant 4 : i32
      %add3A_353 = arith.addi %mul3A_155, %add3A_352 : i32
      %add3A_354 = arith.constant 3 : i32
      %add3A_355 = arith.addi %add3A_353, %add3A_354 : i32
      %lt3A_356 = arith.constant 80 : i32
      %lt3A_357 = arith.cmpi slt, %add3A_355, %lt3A_356 : i32
      %convert_element_type3A_358 = arith.extui %lt3A_357 : i1 to i32
      %cond3A_359 = arith.constant 0 : i32
      %cond3A_360 = arith.cmpi ne, %convert_element_type3A_358, %cond3A_359 : i32
      scf.if %cond3A_360 {
        %add3A_361 = arith.constant 4 : i32
        %add3A_362 = arith.addi %mul3A_155, %add3A_361 : i32
        %add3A_363 = arith.constant 3 : i32
        %add3A_364 = arith.addi %add3A_362, %add3A_363 : i32
        %dma_start3A_365 = arith.constant 3 : i32
        %dma_start3A_366 = arith.constant 0 : i32
        %dma_start3A_367 = arith.constant 0 : i32
        %dma_start3A_368 = tpu.memref_slice %arg9[%dma_start3A_365, %dma_start3A_366, %dma_start3A_367] : memref<4x128x64xf32, #tpu.memory_space<vmem>> -> memref<1x128x64xf32, #tpu.memory_space<vmem>>
        %dma_start3A_369 = tpu.memref_squeeze %dma_start3A_368 : memref<1x128x64xf32, #tpu.memory_space<vmem>> -> memref<128x64xf32, #tpu.memory_space<vmem>>
        %dma_start3A_370 = arith.constant 0 : i32
        %dma_start3A_371 = tpu.memref_slice %arg7[%add3A_364, %dma_start3A_370] : memref<80x128xi32, #tpu.memory_space<vmem>> -> memref<1x128xi32, #tpu.memory_space<vmem>>
        %dma_start3A_372 = tpu.memref_squeeze %dma_start3A_371 : memref<1x128xi32, #tpu.memory_space<vmem>> -> memref<128xi32, #tpu.memory_space<vmem>>
        %dma_start3A_373 = arith.constant 0 : i32
        %dma_start3A_374 = arith.constant 0 : i32
        %dma_start3A_375 = tpu.memref_slice %arg4[%dma_start3A_373, %dma_start3A_374] : memref<10000x64xf32, #tpu.memory_space<hbm>> -> memref<10000x64xf32, #tpu.memory_space<hbm>>
        tpu.enqueue_indirect_dma source(%dma_start3A_375 : memref<10000x64xf32, #tpu.memory_space<hbm>>) target(%dma_start3A_369 : memref<128x64xf32, #tpu.memory_space<vmem>>) offsets(%dma_start3A_372 : memref<128xi32, #tpu.memory_space<vmem>>) semaphore(%arg16 : memref<!tpu.dma_semaphore, #tpu.memory_space<semaphore_mem>>)
      } else {
      }
    }
    %scan3A_147 = arith.constant 20 : i32
    %barrier3A_148 = arith.constant 0 : index
    tpu.barrier barrier_id(%barrier3A_148)
    %mul3A_149 = arith.constant 640 : i32
    %mul3A_150 = arith.muli %arg1, %mul3A_149 : i32
    %mul3A_151 = arith.constant 640 : i32
    %mul3A_152 = arith.muli %arg1, %mul3A_151 : i32
    "tpu.region"() ({
      %run_scoped3A = tpu.sem_alloc : memref<!tpu.dma_semaphore, #tpu.memory_space<semaphore_mem>>
      %dma_start3A_153 = arith.constant 0 : i32
      %dma_start3A_154 = tpu.memref_slice %arg6[%arg0, %mul3A_152, %dma_start3A_153] : memref<2x10240x64xf32, #tpu.memory_space<hbm>> -> memref<1x640x64xf32, #tpu.memory_space<hbm>>
      %dma_start3A_155 = tpu.memref_squeeze %dma_start3A_154 : memref<1x640x64xf32, #tpu.memory_space<hbm>> -> memref<640x64xf32, #tpu.memory_space<hbm>>
      %dma_start3A_156 = arith.constant 0 : i32
      %dma_start3A_157 = tpu.memref_slice %arg10[%mul3A_150, %dma_start3A_156] : memref<10240x64xf32, #tpu.memory_space<vmem_shared>> -> memref<640x64xf32, #tpu.memory_space<vmem_shared>>
      tpu.enqueue_dma source(%dma_start3A_157 : memref<640x64xf32, #tpu.memory_space<vmem_shared>>) target(%dma_start3A_155 : memref<640x64xf32, #tpu.memory_space<hbm>>) target_semaphore(%run_scoped3A : memref<!tpu.dma_semaphore, #tpu.memory_space<semaphore_mem>>)
      %dma_wait3A_158 = arith.constant 0 : i32
      %dma_wait3A_159 = tpu.memref_slice %arg6[%arg0, %mul3A_152, %dma_wait3A_158] : memref<2x10240x64xf32, #tpu.memory_space<hbm>> -> memref<1x640x64xf32, #tpu.memory_space<hbm>>
      %dma_wait3A_160 = tpu.memref_squeeze %dma_wait3A_159 : memref<1x640x64xf32, #tpu.memory_space<hbm>> -> memref<640x64xf32, #tpu.memory_space<hbm>>
      %dma_wait3A_161 = arith.constant 0 : i32
      %dma_wait3A_162 = tpu.memref_slice %arg10[%mul3A_150, %dma_wait3A_161] : memref<10240x64xf32, #tpu.memory_space<vmem_shared>> -> memref<640x64xf32, #tpu.memory_space<vmem_shared>>
      tpu.wait_dma2 semaphore(%run_scoped3A : memref<!tpu.dma_semaphore, #tpu.memory_space<semaphore_mem>>) src(%dma_wait3A_162 : memref<640x64xf32, #tpu.memory_space<vmem_shared>>) dst(%dma_wait3A_160 : memref<640x64xf32, #tpu.memory_space<hbm>>)
      tpu.yield
    }) : () -> ()
    return
  }
}

#map = affine_map<(d0, d1) -> (0, 0)>
#map1 = affine_map<(d0, d1) -> (0, 0, 0)>
module attributes {stable_mosaic.version = 14 : i64} {
  func.func @agg_kernel(%arg0: i32, %arg1: i32, %arg2: memref<2560x128xi32, #tpu.memory_space<hbm>>, %arg3: memref<2560x128xi32, #tpu.memory_space<hbm>>, %arg4: memref<10000x64xf32, #tpu.memory_space<hbm>>, %arg5: memref<640x64xf32, #tpu.memory_space<hbm>>, %arg6: memref<2x10240x64xf32, #tpu.memory_space<hbm>>, %arg7: memref<80x128xi32, #tpu.memory_space<vmem>>, %arg8: memref<80x128xi32, #tpu.memory_space<vmem>>, %arg9: memref<4x128x64xf32, #tpu.memory_space<vmem>>, %arg10: memref<10240x64xf32, #tpu.memory_space<vmem_shared>>, %arg11: memref<!tpu.dma_semaphore, #tpu.memory_space<semaphore_mem>>, %arg12: memref<!tpu.dma_semaphore, #tpu.memory_space<semaphore_mem>>, %arg13: memref<!tpu.dma_semaphore, #tpu.memory_space<semaphore_mem>>, %arg14: memref<!tpu.dma_semaphore, #tpu.memory_space<semaphore_mem>>, %arg15: memref<!tpu.dma_semaphore, #tpu.memory_space<semaphore_mem>>, %arg16: memref<!tpu.dma_semaphore, #tpu.memory_space<semaphore_mem>>, %arg17: memref<!tpu.dma_semaphore, #tpu.memory_space<semaphore_mem>>, %arg18: memref<!tpu.dma_semaphore, #tpu.memory_space<semaphore_mem>>, %arg19: memref<!tpu.dma_semaphore, #tpu.memory_space<semaphore_mem>>, %arg20: memref<!tpu.dma_semaphore, #tpu.memory_space<semaphore_mem>>) attributes {dimension_semantics = [#tpu.dimension_semantics<core_parallel>, #tpu.dimension_semantics<subcore_parallel>], iteration_bounds = array<i64: 2, 16>, scalar_prefetch = 0 : i64, scratch_operands = 14 : i64, tpu.core_type = #tpu.core_type<sc_vector_subcore>, window_params = [{transform_indices = #map}, {transform_indices = #map}, {transform_indices = #map}, {transform_indices = #map}, {transform_indices = #map1}]} {
    %mul3A = arith.constant 2 : i32
    %mul3A_0 = arith.muli %arg1, %mul3A : i32
    %add3A = arith.addi %mul3A_0, %arg0 : i32
    %mul3A_1 = arith.constant 80 : i32
    %mul3A_2 = arith.muli %add3A, %mul3A_1 : i32
    %iota3A = tpu.iota {dimensions = array<i32: 0>} : vector<16xi32>
    %add3A_3 = arith.constant 0 : i32
    %add3A_4 = arith.addi %mul3A_2, %add3A_3 : i32
    %add3A_5 = vector.broadcast %add3A_4 : i32 to vector<16xi32>
    %add3A_6 = arith.addi %add3A_5, %iota3A : vector<16xi32>
    %dma_start3A = arith.constant 0 : i32
    %dma_start3A_7 = arith.constant 0 : i32
    %dma_start3A_8 = tpu.memref_slice %arg7[%dma_start3A, %dma_start3A_7] : memref<80x128xi32, #tpu.memory_space<vmem>> -> memref<16x128xi32, #tpu.memory_space<vmem>>
    %dma_start3A_9 = arith.constant 0 : i32
    %dma_start3A_10 = arith.constant 0 : i32
    %dma_start3A_11 = tpu.memref_slice %arg2[%dma_start3A_9, %dma_start3A_10] : memref<2560x128xi32, #tpu.memory_space<hbm>> -> memref<2560x128xi32, #tpu.memory_space<hbm>>
    tpu.enqueue_indirect_dma source(%dma_start3A_11 : memref<2560x128xi32, #tpu.memory_space<hbm>>) target(%dma_start3A_8 : memref<16x128xi32, #tpu.memory_space<vmem>>) offsets(%add3A_6 : vector<16xi32>) semaphore(%arg11 : memref<!tpu.dma_semaphore, #tpu.memory_space<semaphore_mem>>)
    %dma_start3A_12 = arith.constant 0 : i32
    %dma_start3A_13 = arith.constant 0 : i32
    %dma_start3A_14 = tpu.memref_slice %arg8[%dma_start3A_12, %dma_start3A_13] : memref<80x128xi32, #tpu.memory_space<vmem>> -> memref<16x128xi32, #tpu.memory_space<vmem>>
    %dma_start3A_15 = arith.constant 0 : i32
    %dma_start3A_16 = arith.constant 0 : i32
    %dma_start3A_17 = tpu.memref_slice %arg3[%dma_start3A_15, %dma_start3A_16] : memref<2560x128xi32, #tpu.memory_space<hbm>> -> memref<2560x128xi32, #tpu.memory_space<hbm>>
    tpu.enqueue_indirect_dma source(%dma_start3A_17 : memref<2560x128xi32, #tpu.memory_space<hbm>>) target(%dma_start3A_14 : memref<16x128xi32, #tpu.memory_space<vmem>>) offsets(%add3A_6 : vector<16xi32>) semaphore(%arg12 : memref<!tpu.dma_semaphore, #tpu.memory_space<semaphore_mem>>)
    %add3A_18 = arith.constant 16 : i32
    %add3A_19 = arith.addi %mul3A_2, %add3A_18 : i32
    %add3A_20 = vector.broadcast %add3A_19 : i32 to vector<16xi32>
    %add3A_21 = arith.addi %add3A_20, %iota3A : vector<16xi32>
    %dma_start3A_22 = arith.constant 16 : i32
    %dma_start3A_23 = arith.constant 0 : i32
    %dma_start3A_24 = tpu.memref_slice %arg7[%dma_start3A_22, %dma_start3A_23] : memref<80x128xi32, #tpu.memory_space<vmem>> -> memref<16x128xi32, #tpu.memory_space<vmem>>
    %dma_start3A_25 = arith.constant 0 : i32
    %dma_start3A_26 = arith.constant 0 : i32
    %dma_start3A_27 = tpu.memref_slice %arg2[%dma_start3A_25, %dma_start3A_26] : memref<2560x128xi32, #tpu.memory_space<hbm>> -> memref<2560x128xi32, #tpu.memory_space<hbm>>
    tpu.enqueue_indirect_dma source(%dma_start3A_27 : memref<2560x128xi32, #tpu.memory_space<hbm>>) target(%dma_start3A_24 : memref<16x128xi32, #tpu.memory_space<vmem>>) offsets(%add3A_21 : vector<16xi32>) semaphore(%arg11 : memref<!tpu.dma_semaphore, #tpu.memory_space<semaphore_mem>>)
    %dma_start3A_28 = arith.constant 16 : i32
    %dma_start3A_29 = arith.constant 0 : i32
    %dma_start3A_30 = tpu.memref_slice %arg8[%dma_start3A_28, %dma_start3A_29] : memref<80x128xi32, #tpu.memory_space<vmem>> -> memref<16x128xi32, #tpu.memory_space<vmem>>
    %dma_start3A_31 = arith.constant 0 : i32
    %dma_start3A_32 = arith.constant 0 : i32
    %dma_start3A_33 = tpu.memref_slice %arg3[%dma_start3A_31, %dma_start3A_32] : memref<2560x128xi32, #tpu.memory_space<hbm>> -> memref<2560x128xi32, #tpu.memory_space<hbm>>
    tpu.enqueue_indirect_dma source(%dma_start3A_33 : memref<2560x128xi32, #tpu.memory_space<hbm>>) target(%dma_start3A_30 : memref<16x128xi32, #tpu.memory_space<vmem>>) offsets(%add3A_21 : vector<16xi32>) semaphore(%arg12 : memref<!tpu.dma_semaphore, #tpu.memory_space<semaphore_mem>>)
    %add3A_34 = arith.constant 32 : i32
    %add3A_35 = arith.addi %mul3A_2, %add3A_34 : i32
    %add3A_36 = vector.broadcast %add3A_35 : i32 to vector<16xi32>
    %add3A_37 = arith.addi %add3A_36, %iota3A : vector<16xi32>
    %dma_start3A_38 = arith.constant 32 : i32
    %dma_start3A_39 = arith.constant 0 : i32
    %dma_start3A_40 = tpu.memref_slice %arg7[%dma_start3A_38, %dma_start3A_39] : memref<80x128xi32, #tpu.memory_space<vmem>> -> memref<16x128xi32, #tpu.memory_space<vmem>>
    %dma_start3A_41 = arith.constant 0 : i32
    %dma_start3A_42 = arith.constant 0 : i32
    %dma_start3A_43 = tpu.memref_slice %arg2[%dma_start3A_41, %dma_start3A_42] : memref<2560x128xi32, #tpu.memory_space<hbm>> -> memref<2560x128xi32, #tpu.memory_space<hbm>>
    tpu.enqueue_indirect_dma source(%dma_start3A_43 : memref<2560x128xi32, #tpu.memory_space<hbm>>) target(%dma_start3A_40 : memref<16x128xi32, #tpu.memory_space<vmem>>) offsets(%add3A_37 : vector<16xi32>) semaphore(%arg11 : memref<!tpu.dma_semaphore, #tpu.memory_space<semaphore_mem>>)
    %dma_start3A_44 = arith.constant 32 : i32
    %dma_start3A_45 = arith.constant 0 : i32
    %dma_start3A_46 = tpu.memref_slice %arg8[%dma_start3A_44, %dma_start3A_45] : memref<80x128xi32, #tpu.memory_space<vmem>> -> memref<16x128xi32, #tpu.memory_space<vmem>>
    %dma_start3A_47 = arith.constant 0 : i32
    %dma_start3A_48 = arith.constant 0 : i32
    %dma_start3A_49 = tpu.memref_slice %arg3[%dma_start3A_47, %dma_start3A_48] : memref<2560x128xi32, #tpu.memory_space<hbm>> -> memref<2560x128xi32, #tpu.memory_space<hbm>>
    tpu.enqueue_indirect_dma source(%dma_start3A_49 : memref<2560x128xi32, #tpu.memory_space<hbm>>) target(%dma_start3A_46 : memref<16x128xi32, #tpu.memory_space<vmem>>) offsets(%add3A_37 : vector<16xi32>) semaphore(%arg12 : memref<!tpu.dma_semaphore, #tpu.memory_space<semaphore_mem>>)
    %add3A_50 = arith.constant 48 : i32
    %add3A_51 = arith.addi %mul3A_2, %add3A_50 : i32
    %add3A_52 = vector.broadcast %add3A_51 : i32 to vector<16xi32>
    %add3A_53 = arith.addi %add3A_52, %iota3A : vector<16xi32>
    %dma_start3A_54 = arith.constant 48 : i32
    %dma_start3A_55 = arith.constant 0 : i32
    %dma_start3A_56 = tpu.memref_slice %arg7[%dma_start3A_54, %dma_start3A_55] : memref<80x128xi32, #tpu.memory_space<vmem>> -> memref<16x128xi32, #tpu.memory_space<vmem>>
    %dma_start3A_57 = arith.constant 0 : i32
    %dma_start3A_58 = arith.constant 0 : i32
    %dma_start3A_59 = tpu.memref_slice %arg2[%dma_start3A_57, %dma_start3A_58] : memref<2560x128xi32, #tpu.memory_space<hbm>> -> memref<2560x128xi32, #tpu.memory_space<hbm>>
    tpu.enqueue_indirect_dma source(%dma_start3A_59 : memref<2560x128xi32, #tpu.memory_space<hbm>>) target(%dma_start3A_56 : memref<16x128xi32, #tpu.memory_space<vmem>>) offsets(%add3A_53 : vector<16xi32>) semaphore(%arg11 : memref<!tpu.dma_semaphore, #tpu.memory_space<semaphore_mem>>)
    %dma_start3A_60 = arith.constant 48 : i32
    %dma_start3A_61 = arith.constant 0 : i32
    %dma_start3A_62 = tpu.memref_slice %arg8[%dma_start3A_60, %dma_start3A_61] : memref<80x128xi32, #tpu.memory_space<vmem>> -> memref<16x128xi32, #tpu.memory_space<vmem>>
    %dma_start3A_63 = arith.constant 0 : i32
    %dma_start3A_64 = arith.constant 0 : i32
    %dma_start3A_65 = tpu.memref_slice %arg3[%dma_start3A_63, %dma_start3A_64] : memref<2560x128xi32, #tpu.memory_space<hbm>> -> memref<2560x128xi32, #tpu.memory_space<hbm>>
    tpu.enqueue_indirect_dma source(%dma_start3A_65 : memref<2560x128xi32, #tpu.memory_space<hbm>>) target(%dma_start3A_62 : memref<16x128xi32, #tpu.memory_space<vmem>>) offsets(%add3A_53 : vector<16xi32>) semaphore(%arg12 : memref<!tpu.dma_semaphore, #tpu.memory_space<semaphore_mem>>)
    %add3A_66 = arith.constant 64 : i32
    %add3A_67 = arith.addi %mul3A_2, %add3A_66 : i32
    %add3A_68 = vector.broadcast %add3A_67 : i32 to vector<16xi32>
    %add3A_69 = arith.addi %add3A_68, %iota3A : vector<16xi32>
    %dma_start3A_70 = arith.constant 64 : i32
    %dma_start3A_71 = arith.constant 0 : i32
    %dma_start3A_72 = tpu.memref_slice %arg7[%dma_start3A_70, %dma_start3A_71] : memref<80x128xi32, #tpu.memory_space<vmem>> -> memref<16x128xi32, #tpu.memory_space<vmem>>
    %dma_start3A_73 = arith.constant 0 : i32
    %dma_start3A_74 = arith.constant 0 : i32
    %dma_start3A_75 = tpu.memref_slice %arg2[%dma_start3A_73, %dma_start3A_74] : memref<2560x128xi32, #tpu.memory_space<hbm>> -> memref<2560x128xi32, #tpu.memory_space<hbm>>
    tpu.enqueue_indirect_dma source(%dma_start3A_75 : memref<2560x128xi32, #tpu.memory_space<hbm>>) target(%dma_start3A_72 : memref<16x128xi32, #tpu.memory_space<vmem>>) offsets(%add3A_69 : vector<16xi32>) semaphore(%arg11 : memref<!tpu.dma_semaphore, #tpu.memory_space<semaphore_mem>>)
    %dma_start3A_76 = arith.constant 64 : i32
    %dma_start3A_77 = arith.constant 0 : i32
    %dma_start3A_78 = tpu.memref_slice %arg8[%dma_start3A_76, %dma_start3A_77] : memref<80x128xi32, #tpu.memory_space<vmem>> -> memref<16x128xi32, #tpu.memory_space<vmem>>
    %dma_start3A_79 = arith.constant 0 : i32
    %dma_start3A_80 = arith.constant 0 : i32
    %dma_start3A_81 = tpu.memref_slice %arg3[%dma_start3A_79, %dma_start3A_80] : memref<2560x128xi32, #tpu.memory_space<hbm>> -> memref<2560x128xi32, #tpu.memory_space<hbm>>
    tpu.enqueue_indirect_dma source(%dma_start3A_81 : memref<2560x128xi32, #tpu.memory_space<hbm>>) target(%dma_start3A_78 : memref<16x128xi32, #tpu.memory_space<vmem>>) offsets(%add3A_69 : vector<16xi32>) semaphore(%arg12 : memref<!tpu.dma_semaphore, #tpu.memory_space<semaphore_mem>>)
    %mul3A_82 = arith.constant 640 : i32
    %mul3A_83 = arith.muli %arg1, %mul3A_82 : i32
    "tpu.region"() ({
      %run_scoped3A = tpu.sem_alloc : memref<!tpu.dma_semaphore, #tpu.memory_space<semaphore_mem>>
      %dma_start3A_153 = arith.constant 0 : i32
      %dma_start3A_154 = tpu.memref_slice %arg10[%mul3A_83, %dma_start3A_153] : memref<10240x64xf32, #tpu.memory_space<vmem_shared>> -> memref<640x64xf32, #tpu.memory_space<vmem_shared>>
      tpu.enqueue_dma source(%arg5 : memref<640x64xf32, #tpu.memory_space<hbm>>) target(%dma_start3A_154 : memref<640x64xf32, #tpu.memory_space<vmem_shared>>) target_semaphore(%run_scoped3A : memref<!tpu.dma_semaphore, #tpu.memory_space<semaphore_mem>>)
      %dma_wait3A_155 = arith.constant 0 : i32
      %dma_wait3A_156 = tpu.memref_slice %arg10[%mul3A_83, %dma_wait3A_155] : memref<10240x64xf32, #tpu.memory_space<vmem_shared>> -> memref<640x64xf32, #tpu.memory_space<vmem_shared>>
      tpu.wait_dma2 semaphore(%run_scoped3A : memref<!tpu.dma_semaphore, #tpu.memory_space<semaphore_mem>>) src(%arg5 : memref<640x64xf32, #tpu.memory_space<hbm>>) dst(%dma_wait3A_156 : memref<640x64xf32, #tpu.memory_space<vmem_shared>>)
      tpu.yield
    }) : () -> ()
    %dma_wait3A = arith.constant 0 : i32
    %dma_wait3A_84 = arith.constant 0 : i32
    %dma_wait3A_85 = tpu.memref_slice %arg2[%dma_wait3A, %dma_wait3A_84] : memref<2560x128xi32, #tpu.memory_space<hbm>> -> memref<80x128xi32, #tpu.memory_space<hbm>>
    %dma_wait3A_86 = arith.constant 0 : i32
    %dma_wait3A_87 = arith.constant 0 : i32
    %dma_wait3A_88 = tpu.memref_slice %arg2[%dma_wait3A_86, %dma_wait3A_87] : memref<2560x128xi32, #tpu.memory_space<hbm>> -> memref<80x128xi32, #tpu.memory_space<hbm>>
    tpu.wait_dma2 semaphore(%arg11 : memref<!tpu.dma_semaphore, #tpu.memory_space<semaphore_mem>>) src(%dma_wait3A_88 : memref<80x128xi32, #tpu.memory_space<hbm>>) dst(%arg7 : memref<80x128xi32, #tpu.memory_space<vmem>>)
    %dma_wait3A_89 = arith.constant 0 : i32
    %dma_wait3A_90 = arith.constant 0 : i32
    %dma_wait3A_91 = tpu.memref_slice %arg3[%dma_wait3A_89, %dma_wait3A_90] : memref<2560x128xi32, #tpu.memory_space<hbm>> -> memref<80x128xi32, #tpu.memory_space<hbm>>
    %dma_wait3A_92 = arith.constant 0 : i32
    %dma_wait3A_93 = arith.constant 0 : i32
    %dma_wait3A_94 = tpu.memref_slice %arg3[%dma_wait3A_92, %dma_wait3A_93] : memref<2560x128xi32, #tpu.memory_space<hbm>> -> memref<80x128xi32, #tpu.memory_space<hbm>>
    tpu.wait_dma2 semaphore(%arg12 : memref<!tpu.dma_semaphore, #tpu.memory_space<semaphore_mem>>) src(%dma_wait3A_94 : memref<80x128xi32, #tpu.memory_space<hbm>>) dst(%arg8 : memref<80x128xi32, #tpu.memory_space<vmem>>)
    %barrier3A = arith.constant 0 : index
    tpu.barrier barrier_id(%barrier3A)
    %dma_start3A_95 = arith.constant 0 : i32
    %dma_start3A_96 = arith.constant 0 : i32
    %dma_start3A_97 = arith.constant 0 : i32
    %dma_start3A_98 = arith.constant 0 : i32
    %dma_start3A_99 = tpu.memref_slice %arg9[%dma_start3A_96, %dma_start3A_97, %dma_start3A_98] : memref<4x128x64xf32, #tpu.memory_space<vmem>> -> memref<1x128x64xf32, #tpu.memory_space<vmem>>
    %dma_start3A_100 = tpu.memref_squeeze %dma_start3A_99 : memref<1x128x64xf32, #tpu.memory_space<vmem>> -> memref<128x64xf32, #tpu.memory_space<vmem>>
    %dma_start3A_101 = arith.constant 0 : i32
    %dma_start3A_102 = tpu.memref_slice %arg7[%dma_start3A_95, %dma_start3A_101] : memref<80x128xi32, #tpu.memory_space<vmem>> -> memref<1x128xi32, #tpu.memory_space<vmem>>
    %dma_start3A_103 = tpu.memref_squeeze %dma_start3A_102 : memref<1x128xi32, #tpu.memory_space<vmem>> -> memref<128xi32, #tpu.memory_space<vmem>>
    %dma_start3A_104 = arith.constant 0 : i32
    %dma_start3A_105 = arith.constant 0 : i32
    %dma_start3A_106 = tpu.memref_slice %arg4[%dma_start3A_104, %dma_start3A_105] : memref<10000x64xf32, #tpu.memory_space<hbm>> -> memref<10000x64xf32, #tpu.memory_space<hbm>>
    tpu.enqueue_indirect_dma source(%dma_start3A_106 : memref<10000x64xf32, #tpu.memory_space<hbm>>) target(%dma_start3A_100 : memref<128x64xf32, #tpu.memory_space<vmem>>) offsets(%dma_start3A_103 : memref<128xi32, #tpu.memory_space<vmem>>) semaphore(%arg13 : memref<!tpu.dma_semaphore, #tpu.memory_space<semaphore_mem>>)
    %dma_start3A_107 = arith.constant 1 : i32
    %dma_start3A_108 = arith.constant 1 : i32
    %dma_start3A_109 = arith.constant 0 : i32
    %dma_start3A_110 = arith.constant 0 : i32
    %dma_start3A_111 = tpu.memref_slice %arg9[%dma_start3A_108, %dma_start3A_109, %dma_start3A_110] : memref<4x128x64xf32, #tpu.memory_space<vmem>> -> memref<1x128x64xf32, #tpu.memory_space<vmem>>
    %dma_start3A_112 = tpu.memref_squeeze %dma_start3A_111 : memref<1x128x64xf32, #tpu.memory_space<vmem>> -> memref<128x64xf32, #tpu.memory_space<vmem>>
    %dma_start3A_113 = arith.constant 0 : i32
    %dma_start3A_114 = tpu.memref_slice %arg7[%dma_start3A_107, %dma_start3A_113] : memref<80x128xi32, #tpu.memory_space<vmem>> -> memref<1x128xi32, #tpu.memory_space<vmem>>
    %dma_start3A_115 = tpu.memref_squeeze %dma_start3A_114 : memref<1x128xi32, #tpu.memory_space<vmem>> -> memref<128xi32, #tpu.memory_space<vmem>>
    %dma_start3A_116 = arith.constant 0 : i32
    %dma_start3A_117 = arith.constant 0 : i32
    %dma_start3A_118 = tpu.memref_slice %arg4[%dma_start3A_116, %dma_start3A_117] : memref<10000x64xf32, #tpu.memory_space<hbm>> -> memref<10000x64xf32, #tpu.memory_space<hbm>>
    tpu.enqueue_indirect_dma source(%dma_start3A_118 : memref<10000x64xf32, #tpu.memory_space<hbm>>) target(%dma_start3A_112 : memref<128x64xf32, #tpu.memory_space<vmem>>) offsets(%dma_start3A_115 : memref<128xi32, #tpu.memory_space<vmem>>) semaphore(%arg14 : memref<!tpu.dma_semaphore, #tpu.memory_space<semaphore_mem>>)
    %dma_start3A_119 = arith.constant 2 : i32
    %dma_start3A_120 = arith.constant 2 : i32
    %dma_start3A_121 = arith.constant 0 : i32
    %dma_start3A_122 = arith.constant 0 : i32
    %dma_start3A_123 = tpu.memref_slice %arg9[%dma_start3A_120, %dma_start3A_121, %dma_start3A_122] : memref<4x128x64xf32, #tpu.memory_space<vmem>> -> memref<1x128x64xf32, #tpu.memory_space<vmem>>
    %dma_start3A_124 = tpu.memref_squeeze %dma_start3A_123 : memref<1x128x64xf32, #tpu.memory_space<vmem>> -> memref<128x64xf32, #tpu.memory_space<vmem>>
    %dma_start3A_125 = arith.constant 0 : i32
    %dma_start3A_126 = tpu.memref_slice %arg7[%dma_start3A_119, %dma_start3A_125] : memref<80x128xi32, #tpu.memory_space<vmem>> -> memref<1x128xi32, #tpu.memory_space<vmem>>
    %dma_start3A_127 = tpu.memref_squeeze %dma_start3A_126 : memref<1x128xi32, #tpu.memory_space<vmem>> -> memref<128xi32, #tpu.memory_space<vmem>>
    %dma_start3A_128 = arith.constant 0 : i32
    %dma_start3A_129 = arith.constant 0 : i32
    %dma_start3A_130 = tpu.memref_slice %arg4[%dma_start3A_128, %dma_start3A_129] : memref<10000x64xf32, #tpu.memory_space<hbm>> -> memref<10000x64xf32, #tpu.memory_space<hbm>>
    tpu.enqueue_indirect_dma source(%dma_start3A_130 : memref<10000x64xf32, #tpu.memory_space<hbm>>) target(%dma_start3A_124 : memref<128x64xf32, #tpu.memory_space<vmem>>) offsets(%dma_start3A_127 : memref<128xi32, #tpu.memory_space<vmem>>) semaphore(%arg15 : memref<!tpu.dma_semaphore, #tpu.memory_space<semaphore_mem>>)
    %dma_start3A_131 = arith.constant 3 : i32
    %dma_start3A_132 = arith.constant 3 : i32
    %dma_start3A_133 = arith.constant 0 : i32
    %dma_start3A_134 = arith.constant 0 : i32
    %dma_start3A_135 = tpu.memref_slice %arg9[%dma_start3A_132, %dma_start3A_133, %dma_start3A_134] : memref<4x128x64xf32, #tpu.memory_space<vmem>> -> memref<1x128x64xf32, #tpu.memory_space<vmem>>
    %dma_start3A_136 = tpu.memref_squeeze %dma_start3A_135 : memref<1x128x64xf32, #tpu.memory_space<vmem>> -> memref<128x64xf32, #tpu.memory_space<vmem>>
    %dma_start3A_137 = arith.constant 0 : i32
    %dma_start3A_138 = tpu.memref_slice %arg7[%dma_start3A_131, %dma_start3A_137] : memref<80x128xi32, #tpu.memory_space<vmem>> -> memref<1x128xi32, #tpu.memory_space<vmem>>
    %dma_start3A_139 = tpu.memref_squeeze %dma_start3A_138 : memref<1x128xi32, #tpu.memory_space<vmem>> -> memref<128xi32, #tpu.memory_space<vmem>>
    %dma_start3A_140 = arith.constant 0 : i32
    %dma_start3A_141 = arith.constant 0 : i32
    %dma_start3A_142 = tpu.memref_slice %arg4[%dma_start3A_140, %dma_start3A_141] : memref<10000x64xf32, #tpu.memory_space<hbm>> -> memref<10000x64xf32, #tpu.memory_space<hbm>>
    tpu.enqueue_indirect_dma source(%dma_start3A_142 : memref<10000x64xf32, #tpu.memory_space<hbm>>) target(%dma_start3A_136 : memref<128x64xf32, #tpu.memory_space<vmem>>) offsets(%dma_start3A_139 : memref<128xi32, #tpu.memory_space<vmem>>) semaphore(%arg16 : memref<!tpu.dma_semaphore, #tpu.memory_space<semaphore_mem>>)
    %scan3A = arith.constant 0 : i32
    %scan3A_143 = arith.constant 0 : i32
    %scan3A_144 = arith.constant 20 : i32
    %scan3A_145 = arith.addi %scan3A_143, %scan3A_144 : i32
    %scan3A_146 = arith.constant 1 : i32
    scf.for %scan3A_153 = %scan3A_143 to %scan3A_145 step %scan3A_146  : i32 {
      %mul3A_154 = arith.constant 4 : i32
      %mul3A_155 = arith.muli %scan3A_153, %mul3A_154 : i32
      %dma_wait3A_156 = arith.constant 0 : i32
      %dma_wait3A_157 = arith.constant 0 : i32
      %dma_wait3A_158 = arith.constant 0 : i32
      %dma_wait3A_159 = tpu.memref_slice %arg9[%dma_wait3A_156, %dma_wait3A_157, %dma_wait3A_158] : memref<4x128x64xf32, #tpu.memory_space<vmem>> -> memref<1x128x64xf32, #tpu.memory_space<vmem>>
      %dma_wait3A_160 = tpu.memref_squeeze %dma_wait3A_159 : memref<1x128x64xf32, #tpu.memory_space<vmem>> -> memref<128x64xf32, #tpu.memory_space<vmem>>
      %dma_wait3A_161 = arith.constant 0 : i32
      %dma_wait3A_162 = arith.constant 0 : i32
      %dma_wait3A_163 = tpu.memref_slice %arg4[%dma_wait3A_161, %dma_wait3A_162] : memref<10000x64xf32, #tpu.memory_space<hbm>> -> memref<128x64xf32, #tpu.memory_space<hbm>>
      %dma_wait3A_164 = arith.constant 0 : i32
      %dma_wait3A_165 = arith.constant 0 : i32
      %dma_wait3A_166 = tpu.memref_slice %arg9[%dma_wait3A_156, %dma_wait3A_164, %dma_wait3A_165] : memref<4x128x64xf32, #tpu.memory_space<vmem>> -> memref<1x128x64xf32, #tpu.memory_space<vmem>>
      %dma_wait3A_167 = tpu.memref_squeeze %dma_wait3A_166 : memref<1x128x64xf32, #tpu.memory_space<vmem>> -> memref<128x64xf32, #tpu.memory_space<vmem>>
      %dma_wait3A_168 = arith.constant 0 : i32
      %dma_wait3A_169 = arith.constant 0 : i32
      %dma_wait3A_170 = tpu.memref_slice %arg4[%dma_wait3A_168, %dma_wait3A_169] : memref<10000x64xf32, #tpu.memory_space<hbm>> -> memref<128x64xf32, #tpu.memory_space<hbm>>
      tpu.wait_dma2 semaphore(%arg13 : memref<!tpu.dma_semaphore, #tpu.memory_space<semaphore_mem>>) src(%dma_wait3A_170 : memref<128x64xf32, #tpu.memory_space<hbm>>) dst(%dma_wait3A_167 : memref<128x64xf32, #tpu.memory_space<vmem>>)
      %add3A_171 = arith.constant 0 : i32
      %add3A_172 = arith.addi %mul3A_155, %add3A_171 : i32
      %dma_start3A_173 = arith.constant 0 : i32
      %dma_start3A_174 = arith.constant 0 : i32
      %dma_start3A_175 = arith.constant 0 : i32
      %dma_start3A_176 = tpu.memref_slice %arg9[%dma_start3A_173, %dma_start3A_174, %dma_start3A_175] : memref<4x128x64xf32, #tpu.memory_space<vmem>> -> memref<1x128x64xf32, #tpu.memory_space<vmem>>
      %dma_start3A_177 = tpu.memref_squeeze %dma_start3A_176 : memref<1x128x64xf32, #tpu.memory_space<vmem>> -> memref<128x64xf32, #tpu.memory_space<vmem>>
      %dma_start3A_178 = arith.constant 0 : i32
      %dma_start3A_179 = tpu.memref_slice %arg8[%add3A_172, %dma_start3A_178] : memref<80x128xi32, #tpu.memory_space<vmem>> -> memref<1x128xi32, #tpu.memory_space<vmem>>
      %dma_start3A_180 = tpu.memref_squeeze %dma_start3A_179 : memref<1x128xi32, #tpu.memory_space<vmem>> -> memref<128xi32, #tpu.memory_space<vmem>>
      %dma_start3A_181 = arith.constant 0 : i32
      %dma_start3A_182 = arith.constant 0 : i32
      %dma_start3A_183 = tpu.memref_slice %arg10[%dma_start3A_181, %dma_start3A_182] : memref<10240x64xf32, #tpu.memory_space<vmem_shared>> -> memref<10240x64xf32, #tpu.memory_space<vmem_shared>>
      tpu.enqueue_indirect_dma source(%dma_start3A_177 : memref<128x64xf32, #tpu.memory_space<vmem>>) target(%dma_start3A_183 : memref<10240x64xf32, #tpu.memory_space<vmem_shared>>) offsets(%dma_start3A_180 : memref<128xi32, #tpu.memory_space<vmem>>) semaphore(%arg17 : memref<!tpu.dma_semaphore, #tpu.memory_space<semaphore_mem>>) {add = true}
      %dma_wait3A_184 = arith.constant 1 : i32
      %dma_wait3A_185 = arith.constant 0 : i32
      %dma_wait3A_186 = arith.constant 0 : i32
      %dma_wait3A_187 = tpu.memref_slice %arg9[%dma_wait3A_184, %dma_wait3A_185, %dma_wait3A_186] : memref<4x128x64xf32, #tpu.memory_space<vmem>> -> memref<1x128x64xf32, #tpu.memory_space<vmem>>
      %dma_wait3A_188 = tpu.memref_squeeze %dma_wait3A_187 : memref<1x128x64xf32, #tpu.memory_space<vmem>> -> memref<128x64xf32, #tpu.memory_space<vmem>>
      %dma_wait3A_189 = arith.constant 0 : i32
      %dma_wait3A_190 = arith.constant 0 : i32
      %dma_wait3A_191 = tpu.memref_slice %arg4[%dma_wait3A_189, %dma_wait3A_190] : memref<10000x64xf32, #tpu.memory_space<hbm>> -> memref<128x64xf32, #tpu.memory_space<hbm>>
      %dma_wait3A_192 = arith.constant 0 : i32
      %dma_wait3A_193 = arith.constant 0 : i32
      %dma_wait3A_194 = tpu.memref_slice %arg9[%dma_wait3A_184, %dma_wait3A_192, %dma_wait3A_193] : memref<4x128x64xf32, #tpu.memory_space<vmem>> -> memref<1x128x64xf32, #tpu.memory_space<vmem>>
      %dma_wait3A_195 = tpu.memref_squeeze %dma_wait3A_194 : memref<1x128x64xf32, #tpu.memory_space<vmem>> -> memref<128x64xf32, #tpu.memory_space<vmem>>
      %dma_wait3A_196 = arith.constant 0 : i32
      %dma_wait3A_197 = arith.constant 0 : i32
      %dma_wait3A_198 = tpu.memref_slice %arg4[%dma_wait3A_196, %dma_wait3A_197] : memref<10000x64xf32, #tpu.memory_space<hbm>> -> memref<128x64xf32, #tpu.memory_space<hbm>>
      tpu.wait_dma2 semaphore(%arg14 : memref<!tpu.dma_semaphore, #tpu.memory_space<semaphore_mem>>) src(%dma_wait3A_198 : memref<128x64xf32, #tpu.memory_space<hbm>>) dst(%dma_wait3A_195 : memref<128x64xf32, #tpu.memory_space<vmem>>)
      %add3A_199 = arith.constant 1 : i32
      %add3A_200 = arith.addi %mul3A_155, %add3A_199 : i32
      %dma_start3A_201 = arith.constant 1 : i32
      %dma_start3A_202 = arith.constant 0 : i32
      %dma_start3A_203 = arith.constant 0 : i32
      %dma_start3A_204 = tpu.memref_slice %arg9[%dma_start3A_201, %dma_start3A_202, %dma_start3A_203] : memref<4x128x64xf32, #tpu.memory_space<vmem>> -> memref<1x128x64xf32, #tpu.memory_space<vmem>>
      %dma_start3A_205 = tpu.memref_squeeze %dma_start3A_204 : memref<1x128x64xf32, #tpu.memory_space<vmem>> -> memref<128x64xf32, #tpu.memory_space<vmem>>
      %dma_start3A_206 = arith.constant 0 : i32
      %dma_start3A_207 = tpu.memref_slice %arg8[%add3A_200, %dma_start3A_206] : memref<80x128xi32, #tpu.memory_space<vmem>> -> memref<1x128xi32, #tpu.memory_space<vmem>>
      %dma_start3A_208 = tpu.memref_squeeze %dma_start3A_207 : memref<1x128xi32, #tpu.memory_space<vmem>> -> memref<128xi32, #tpu.memory_space<vmem>>
      %dma_start3A_209 = arith.constant 0 : i32
      %dma_start3A_210 = arith.constant 0 : i32
      %dma_start3A_211 = tpu.memref_slice %arg10[%dma_start3A_209, %dma_start3A_210] : memref<10240x64xf32, #tpu.memory_space<vmem_shared>> -> memref<10240x64xf32, #tpu.memory_space<vmem_shared>>
      tpu.enqueue_indirect_dma source(%dma_start3A_205 : memref<128x64xf32, #tpu.memory_space<vmem>>) target(%dma_start3A_211 : memref<10240x64xf32, #tpu.memory_space<vmem_shared>>) offsets(%dma_start3A_208 : memref<128xi32, #tpu.memory_space<vmem>>) semaphore(%arg18 : memref<!tpu.dma_semaphore, #tpu.memory_space<semaphore_mem>>) {add = true}
      %dma_wait3A_212 = arith.constant 2 : i32
      %dma_wait3A_213 = arith.constant 0 : i32
      %dma_wait3A_214 = arith.constant 0 : i32
      %dma_wait3A_215 = tpu.memref_slice %arg9[%dma_wait3A_212, %dma_wait3A_213, %dma_wait3A_214] : memref<4x128x64xf32, #tpu.memory_space<vmem>> -> memref<1x128x64xf32, #tpu.memory_space<vmem>>
      %dma_wait3A_216 = tpu.memref_squeeze %dma_wait3A_215 : memref<1x128x64xf32, #tpu.memory_space<vmem>> -> memref<128x64xf32, #tpu.memory_space<vmem>>
      %dma_wait3A_217 = arith.constant 0 : i32
      %dma_wait3A_218 = arith.constant 0 : i32
      %dma_wait3A_219 = tpu.memref_slice %arg4[%dma_wait3A_217, %dma_wait3A_218] : memref<10000x64xf32, #tpu.memory_space<hbm>> -> memref<128x64xf32, #tpu.memory_space<hbm>>
      %dma_wait3A_220 = arith.constant 0 : i32
      %dma_wait3A_221 = arith.constant 0 : i32
      %dma_wait3A_222 = tpu.memref_slice %arg9[%dma_wait3A_212, %dma_wait3A_220, %dma_wait3A_221] : memref<4x128x64xf32, #tpu.memory_space<vmem>> -> memref<1x128x64xf32, #tpu.memory_space<vmem>>
      %dma_wait3A_223 = tpu.memref_squeeze %dma_wait3A_222 : memref<1x128x64xf32, #tpu.memory_space<vmem>> -> memref<128x64xf32, #tpu.memory_space<vmem>>
      %dma_wait3A_224 = arith.constant 0 : i32
      %dma_wait3A_225 = arith.constant 0 : i32
      %dma_wait3A_226 = tpu.memref_slice %arg4[%dma_wait3A_224, %dma_wait3A_225] : memref<10000x64xf32, #tpu.memory_space<hbm>> -> memref<128x64xf32, #tpu.memory_space<hbm>>
      tpu.wait_dma2 semaphore(%arg15 : memref<!tpu.dma_semaphore, #tpu.memory_space<semaphore_mem>>) src(%dma_wait3A_226 : memref<128x64xf32, #tpu.memory_space<hbm>>) dst(%dma_wait3A_223 : memref<128x64xf32, #tpu.memory_space<vmem>>)
      %add3A_227 = arith.constant 2 : i32
      %add3A_228 = arith.addi %mul3A_155, %add3A_227 : i32
      %dma_start3A_229 = arith.constant 2 : i32
      %dma_start3A_230 = arith.constant 0 : i32
      %dma_start3A_231 = arith.constant 0 : i32
      %dma_start3A_232 = tpu.memref_slice %arg9[%dma_start3A_229, %dma_start3A_230, %dma_start3A_231] : memref<4x128x64xf32, #tpu.memory_space<vmem>> -> memref<1x128x64xf32, #tpu.memory_space<vmem>>
      %dma_start3A_233 = tpu.memref_squeeze %dma_start3A_232 : memref<1x128x64xf32, #tpu.memory_space<vmem>> -> memref<128x64xf32, #tpu.memory_space<vmem>>
      %dma_start3A_234 = arith.constant 0 : i32
      %dma_start3A_235 = tpu.memref_slice %arg8[%add3A_228, %dma_start3A_234] : memref<80x128xi32, #tpu.memory_space<vmem>> -> memref<1x128xi32, #tpu.memory_space<vmem>>
      %dma_start3A_236 = tpu.memref_squeeze %dma_start3A_235 : memref<1x128xi32, #tpu.memory_space<vmem>> -> memref<128xi32, #tpu.memory_space<vmem>>
      %dma_start3A_237 = arith.constant 0 : i32
      %dma_start3A_238 = arith.constant 0 : i32
      %dma_start3A_239 = tpu.memref_slice %arg10[%dma_start3A_237, %dma_start3A_238] : memref<10240x64xf32, #tpu.memory_space<vmem_shared>> -> memref<10240x64xf32, #tpu.memory_space<vmem_shared>>
      tpu.enqueue_indirect_dma source(%dma_start3A_233 : memref<128x64xf32, #tpu.memory_space<vmem>>) target(%dma_start3A_239 : memref<10240x64xf32, #tpu.memory_space<vmem_shared>>) offsets(%dma_start3A_236 : memref<128xi32, #tpu.memory_space<vmem>>) semaphore(%arg19 : memref<!tpu.dma_semaphore, #tpu.memory_space<semaphore_mem>>) {add = true}
      %dma_wait3A_240 = arith.constant 3 : i32
      %dma_wait3A_241 = arith.constant 0 : i32
      %dma_wait3A_242 = arith.constant 0 : i32
      %dma_wait3A_243 = tpu.memref_slice %arg9[%dma_wait3A_240, %dma_wait3A_241, %dma_wait3A_242] : memref<4x128x64xf32, #tpu.memory_space<vmem>> -> memref<1x128x64xf32, #tpu.memory_space<vmem>>
      %dma_wait3A_244 = tpu.memref_squeeze %dma_wait3A_243 : memref<1x128x64xf32, #tpu.memory_space<vmem>> -> memref<128x64xf32, #tpu.memory_space<vmem>>
      %dma_wait3A_245 = arith.constant 0 : i32
      %dma_wait3A_246 = arith.constant 0 : i32
      %dma_wait3A_247 = tpu.memref_slice %arg4[%dma_wait3A_245, %dma_wait3A_246] : memref<10000x64xf32, #tpu.memory_space<hbm>> -> memref<128x64xf32, #tpu.memory_space<hbm>>
      %dma_wait3A_248 = arith.constant 0 : i32
      %dma_wait3A_249 = arith.constant 0 : i32
      %dma_wait3A_250 = tpu.memref_slice %arg9[%dma_wait3A_240, %dma_wait3A_248, %dma_wait3A_249] : memref<4x128x64xf32, #tpu.memory_space<vmem>> -> memref<1x128x64xf32, #tpu.memory_space<vmem>>
      %dma_wait3A_251 = tpu.memref_squeeze %dma_wait3A_250 : memref<1x128x64xf32, #tpu.memory_space<vmem>> -> memref<128x64xf32, #tpu.memory_space<vmem>>
      %dma_wait3A_252 = arith.constant 0 : i32
      %dma_wait3A_253 = arith.constant 0 : i32
      %dma_wait3A_254 = tpu.memref_slice %arg4[%dma_wait3A_252, %dma_wait3A_253] : memref<10000x64xf32, #tpu.memory_space<hbm>> -> memref<128x64xf32, #tpu.memory_space<hbm>>
      tpu.wait_dma2 semaphore(%arg16 : memref<!tpu.dma_semaphore, #tpu.memory_space<semaphore_mem>>) src(%dma_wait3A_254 : memref<128x64xf32, #tpu.memory_space<hbm>>) dst(%dma_wait3A_251 : memref<128x64xf32, #tpu.memory_space<vmem>>)
      %add3A_255 = arith.constant 3 : i32
      %add3A_256 = arith.addi %mul3A_155, %add3A_255 : i32
      %dma_start3A_257 = arith.constant 3 : i32
      %dma_start3A_258 = arith.constant 0 : i32
      %dma_start3A_259 = arith.constant 0 : i32
      %dma_start3A_260 = tpu.memref_slice %arg9[%dma_start3A_257, %dma_start3A_258, %dma_start3A_259] : memref<4x128x64xf32, #tpu.memory_space<vmem>> -> memref<1x128x64xf32, #tpu.memory_space<vmem>>
      %dma_start3A_261 = tpu.memref_squeeze %dma_start3A_260 : memref<1x128x64xf32, #tpu.memory_space<vmem>> -> memref<128x64xf32, #tpu.memory_space<vmem>>
      %dma_start3A_262 = arith.constant 0 : i32
      %dma_start3A_263 = tpu.memref_slice %arg8[%add3A_256, %dma_start3A_262] : memref<80x128xi32, #tpu.memory_space<vmem>> -> memref<1x128xi32, #tpu.memory_space<vmem>>
      %dma_start3A_264 = tpu.memref_squeeze %dma_start3A_263 : memref<1x128xi32, #tpu.memory_space<vmem>> -> memref<128xi32, #tpu.memory_space<vmem>>
      %dma_start3A_265 = arith.constant 0 : i32
      %dma_start3A_266 = arith.constant 0 : i32
      %dma_start3A_267 = tpu.memref_slice %arg10[%dma_start3A_265, %dma_start3A_266] : memref<10240x64xf32, #tpu.memory_space<vmem_shared>> -> memref<10240x64xf32, #tpu.memory_space<vmem_shared>>
      tpu.enqueue_indirect_dma source(%dma_start3A_261 : memref<128x64xf32, #tpu.memory_space<vmem>>) target(%dma_start3A_267 : memref<10240x64xf32, #tpu.memory_space<vmem_shared>>) offsets(%dma_start3A_264 : memref<128xi32, #tpu.memory_space<vmem>>) semaphore(%arg20 : memref<!tpu.dma_semaphore, #tpu.memory_space<semaphore_mem>>) {add = true}
      %dma_wait3A_268 = arith.constant 0 : i32
      %dma_wait3A_269 = arith.constant 0 : i32
      %dma_wait3A_270 = arith.constant 0 : i32
      %dma_wait3A_271 = tpu.memref_slice %arg9[%dma_wait3A_268, %dma_wait3A_269, %dma_wait3A_270] : memref<4x128x64xf32, #tpu.memory_space<vmem>> -> memref<1x128x64xf32, #tpu.memory_space<vmem>>
      %dma_wait3A_272 = tpu.memref_squeeze %dma_wait3A_271 : memref<1x128x64xf32, #tpu.memory_space<vmem>> -> memref<128x64xf32, #tpu.memory_space<vmem>>
      %dma_wait3A_273 = arith.constant 0 : i32
      %dma_wait3A_274 = arith.constant 0 : i32
      %dma_wait3A_275 = tpu.memref_slice %arg4[%dma_wait3A_273, %dma_wait3A_274] : memref<10000x64xf32, #tpu.memory_space<hbm>> -> memref<128x64xf32, #tpu.memory_space<hbm>>
      %dma_wait3A_276 = arith.constant 0 : i32
      %dma_wait3A_277 = arith.constant 0 : i32
      %dma_wait3A_278 = tpu.memref_slice %arg9[%dma_wait3A_268, %dma_wait3A_276, %dma_wait3A_277] : memref<4x128x64xf32, #tpu.memory_space<vmem>> -> memref<1x128x64xf32, #tpu.memory_space<vmem>>
      %dma_wait3A_279 = tpu.memref_squeeze %dma_wait3A_278 : memref<1x128x64xf32, #tpu.memory_space<vmem>> -> memref<128x64xf32, #tpu.memory_space<vmem>>
      %dma_wait3A_280 = arith.constant 0 : i32
      %dma_wait3A_281 = arith.constant 0 : i32
      %dma_wait3A_282 = tpu.memref_slice %arg4[%dma_wait3A_280, %dma_wait3A_281] : memref<10000x64xf32, #tpu.memory_space<hbm>> -> memref<128x64xf32, #tpu.memory_space<hbm>>
      tpu.wait_dma2 semaphore(%arg17 : memref<!tpu.dma_semaphore, #tpu.memory_space<semaphore_mem>>) src(%dma_wait3A_282 : memref<128x64xf32, #tpu.memory_space<hbm>>) dst(%dma_wait3A_279 : memref<128x64xf32, #tpu.memory_space<vmem>>)
      %add3A_283 = arith.constant 4 : i32
      %add3A_284 = arith.addi %mul3A_155, %add3A_283 : i32
      %add3A_285 = arith.constant 0 : i32
      %add3A_286 = arith.addi %add3A_284, %add3A_285 : i32
      %lt3A = arith.constant 80 : i32
      %lt3A_287 = arith.cmpi slt, %add3A_286, %lt3A : i32
      %convert_element_type3A = arith.extui %lt3A_287 : i1 to i32
      %cond3A = arith.constant 0 : i32
      %cond3A_288 = arith.cmpi ne, %convert_element_type3A, %cond3A : i32
      scf.if %cond3A_288 {
        %add3A_361 = arith.constant 4 : i32
        %add3A_362 = arith.addi %mul3A_155, %add3A_361 : i32
        %add3A_363 = arith.constant 0 : i32
        %add3A_364 = arith.addi %add3A_362, %add3A_363 : i32
        %dma_start3A_365 = arith.constant 0 : i32
        %dma_start3A_366 = arith.constant 0 : i32
        %dma_start3A_367 = arith.constant 0 : i32
        %dma_start3A_368 = tpu.memref_slice %arg9[%dma_start3A_365, %dma_start3A_366, %dma_start3A_367] : memref<4x128x64xf32, #tpu.memory_space<vmem>> -> memref<1x128x64xf32, #tpu.memory_space<vmem>>
        %dma_start3A_369 = tpu.memref_squeeze %dma_start3A_368 : memref<1x128x64xf32, #tpu.memory_space<vmem>> -> memref<128x64xf32, #tpu.memory_space<vmem>>
        %dma_start3A_370 = arith.constant 0 : i32
        %dma_start3A_371 = tpu.memref_slice %arg7[%add3A_364, %dma_start3A_370] : memref<80x128xi32, #tpu.memory_space<vmem>> -> memref<1x128xi32, #tpu.memory_space<vmem>>
        %dma_start3A_372 = tpu.memref_squeeze %dma_start3A_371 : memref<1x128xi32, #tpu.memory_space<vmem>> -> memref<128xi32, #tpu.memory_space<vmem>>
        %dma_start3A_373 = arith.constant 0 : i32
        %dma_start3A_374 = arith.constant 0 : i32
        %dma_start3A_375 = tpu.memref_slice %arg4[%dma_start3A_373, %dma_start3A_374] : memref<10000x64xf32, #tpu.memory_space<hbm>> -> memref<10000x64xf32, #tpu.memory_space<hbm>>
        tpu.enqueue_indirect_dma source(%dma_start3A_375 : memref<10000x64xf32, #tpu.memory_space<hbm>>) target(%dma_start3A_369 : memref<128x64xf32, #tpu.memory_space<vmem>>) offsets(%dma_start3A_372 : memref<128xi32, #tpu.memory_space<vmem>>) semaphore(%arg13 : memref<!tpu.dma_semaphore, #tpu.memory_space<semaphore_mem>>)
      } else {
      }
      %dma_wait3A_289 = arith.constant 1 : i32
      %dma_wait3A_290 = arith.constant 0 : i32
      %dma_wait3A_291 = arith.constant 0 : i32
      %dma_wait3A_292 = tpu.memref_slice %arg9[%dma_wait3A_289, %dma_wait3A_290, %dma_wait3A_291] : memref<4x128x64xf32, #tpu.memory_space<vmem>> -> memref<1x128x64xf32, #tpu.memory_space<vmem>>
      %dma_wait3A_293 = tpu.memref_squeeze %dma_wait3A_292 : memref<1x128x64xf32, #tpu.memory_space<vmem>> -> memref<128x64xf32, #tpu.memory_space<vmem>>
      %dma_wait3A_294 = arith.constant 0 : i32
      %dma_wait3A_295 = arith.constant 0 : i32
      %dma_wait3A_296 = tpu.memref_slice %arg4[%dma_wait3A_294, %dma_wait3A_295] : memref<10000x64xf32, #tpu.memory_space<hbm>> -> memref<128x64xf32, #tpu.memory_space<hbm>>
      %dma_wait3A_297 = arith.constant 0 : i32
      %dma_wait3A_298 = arith.constant 0 : i32
      %dma_wait3A_299 = tpu.memref_slice %arg9[%dma_wait3A_289, %dma_wait3A_297, %dma_wait3A_298] : memref<4x128x64xf32, #tpu.memory_space<vmem>> -> memref<1x128x64xf32, #tpu.memory_space<vmem>>
      %dma_wait3A_300 = tpu.memref_squeeze %dma_wait3A_299 : memref<1x128x64xf32, #tpu.memory_space<vmem>> -> memref<128x64xf32, #tpu.memory_space<vmem>>
      %dma_wait3A_301 = arith.constant 0 : i32
      %dma_wait3A_302 = arith.constant 0 : i32
      %dma_wait3A_303 = tpu.memref_slice %arg4[%dma_wait3A_301, %dma_wait3A_302] : memref<10000x64xf32, #tpu.memory_space<hbm>> -> memref<128x64xf32, #tpu.memory_space<hbm>>
      tpu.wait_dma2 semaphore(%arg18 : memref<!tpu.dma_semaphore, #tpu.memory_space<semaphore_mem>>) src(%dma_wait3A_303 : memref<128x64xf32, #tpu.memory_space<hbm>>) dst(%dma_wait3A_300 : memref<128x64xf32, #tpu.memory_space<vmem>>)
      %add3A_304 = arith.constant 4 : i32
      %add3A_305 = arith.addi %mul3A_155, %add3A_304 : i32
      %add3A_306 = arith.constant 1 : i32
      %add3A_307 = arith.addi %add3A_305, %add3A_306 : i32
      %lt3A_308 = arith.constant 80 : i32
      %lt3A_309 = arith.cmpi slt, %add3A_307, %lt3A_308 : i32
      %convert_element_type3A_310 = arith.extui %lt3A_309 : i1 to i32
      %cond3A_311 = arith.constant 0 : i32
      %cond3A_312 = arith.cmpi ne, %convert_element_type3A_310, %cond3A_311 : i32
      scf.if %cond3A_312 {
        %add3A_361 = arith.constant 4 : i32
        %add3A_362 = arith.addi %mul3A_155, %add3A_361 : i32
        %add3A_363 = arith.constant 1 : i32
        %add3A_364 = arith.addi %add3A_362, %add3A_363 : i32
        %dma_start3A_365 = arith.constant 1 : i32
        %dma_start3A_366 = arith.constant 0 : i32
        %dma_start3A_367 = arith.constant 0 : i32
        %dma_start3A_368 = tpu.memref_slice %arg9[%dma_start3A_365, %dma_start3A_366, %dma_start3A_367] : memref<4x128x64xf32, #tpu.memory_space<vmem>> -> memref<1x128x64xf32, #tpu.memory_space<vmem>>
        %dma_start3A_369 = tpu.memref_squeeze %dma_start3A_368 : memref<1x128x64xf32, #tpu.memory_space<vmem>> -> memref<128x64xf32, #tpu.memory_space<vmem>>
        %dma_start3A_370 = arith.constant 0 : i32
        %dma_start3A_371 = tpu.memref_slice %arg7[%add3A_364, %dma_start3A_370] : memref<80x128xi32, #tpu.memory_space<vmem>> -> memref<1x128xi32, #tpu.memory_space<vmem>>
        %dma_start3A_372 = tpu.memref_squeeze %dma_start3A_371 : memref<1x128xi32, #tpu.memory_space<vmem>> -> memref<128xi32, #tpu.memory_space<vmem>>
        %dma_start3A_373 = arith.constant 0 : i32
        %dma_start3A_374 = arith.constant 0 : i32
        %dma_start3A_375 = tpu.memref_slice %arg4[%dma_start3A_373, %dma_start3A_374] : memref<10000x64xf32, #tpu.memory_space<hbm>> -> memref<10000x64xf32, #tpu.memory_space<hbm>>
        tpu.enqueue_indirect_dma source(%dma_start3A_375 : memref<10000x64xf32, #tpu.memory_space<hbm>>) target(%dma_start3A_369 : memref<128x64xf32, #tpu.memory_space<vmem>>) offsets(%dma_start3A_372 : memref<128xi32, #tpu.memory_space<vmem>>) semaphore(%arg14 : memref<!tpu.dma_semaphore, #tpu.memory_space<semaphore_mem>>)
      } else {
      }
      %dma_wait3A_313 = arith.constant 2 : i32
      %dma_wait3A_314 = arith.constant 0 : i32
      %dma_wait3A_315 = arith.constant 0 : i32
      %dma_wait3A_316 = tpu.memref_slice %arg9[%dma_wait3A_313, %dma_wait3A_314, %dma_wait3A_315] : memref<4x128x64xf32, #tpu.memory_space<vmem>> -> memref<1x128x64xf32, #tpu.memory_space<vmem>>
      %dma_wait3A_317 = tpu.memref_squeeze %dma_wait3A_316 : memref<1x128x64xf32, #tpu.memory_space<vmem>> -> memref<128x64xf32, #tpu.memory_space<vmem>>
      %dma_wait3A_318 = arith.constant 0 : i32
      %dma_wait3A_319 = arith.constant 0 : i32
      %dma_wait3A_320 = tpu.memref_slice %arg4[%dma_wait3A_318, %dma_wait3A_319] : memref<10000x64xf32, #tpu.memory_space<hbm>> -> memref<128x64xf32, #tpu.memory_space<hbm>>
      %dma_wait3A_321 = arith.constant 0 : i32
      %dma_wait3A_322 = arith.constant 0 : i32
      %dma_wait3A_323 = tpu.memref_slice %arg9[%dma_wait3A_313, %dma_wait3A_321, %dma_wait3A_322] : memref<4x128x64xf32, #tpu.memory_space<vmem>> -> memref<1x128x64xf32, #tpu.memory_space<vmem>>
      %dma_wait3A_324 = tpu.memref_squeeze %dma_wait3A_323 : memref<1x128x64xf32, #tpu.memory_space<vmem>> -> memref<128x64xf32, #tpu.memory_space<vmem>>
      %dma_wait3A_325 = arith.constant 0 : i32
      %dma_wait3A_326 = arith.constant 0 : i32
      %dma_wait3A_327 = tpu.memref_slice %arg4[%dma_wait3A_325, %dma_wait3A_326] : memref<10000x64xf32, #tpu.memory_space<hbm>> -> memref<128x64xf32, #tpu.memory_space<hbm>>
      tpu.wait_dma2 semaphore(%arg19 : memref<!tpu.dma_semaphore, #tpu.memory_space<semaphore_mem>>) src(%dma_wait3A_327 : memref<128x64xf32, #tpu.memory_space<hbm>>) dst(%dma_wait3A_324 : memref<128x64xf32, #tpu.memory_space<vmem>>)
      %add3A_328 = arith.constant 4 : i32
      %add3A_329 = arith.addi %mul3A_155, %add3A_328 : i32
      %add3A_330 = arith.constant 2 : i32
      %add3A_331 = arith.addi %add3A_329, %add3A_330 : i32
      %lt3A_332 = arith.constant 80 : i32
      %lt3A_333 = arith.cmpi slt, %add3A_331, %lt3A_332 : i32
      %convert_element_type3A_334 = arith.extui %lt3A_333 : i1 to i32
      %cond3A_335 = arith.constant 0 : i32
      %cond3A_336 = arith.cmpi ne, %convert_element_type3A_334, %cond3A_335 : i32
      scf.if %cond3A_336 {
        %add3A_361 = arith.constant 4 : i32
        %add3A_362 = arith.addi %mul3A_155, %add3A_361 : i32
        %add3A_363 = arith.constant 2 : i32
        %add3A_364 = arith.addi %add3A_362, %add3A_363 : i32
        %dma_start3A_365 = arith.constant 2 : i32
        %dma_start3A_366 = arith.constant 0 : i32
        %dma_start3A_367 = arith.constant 0 : i32
        %dma_start3A_368 = tpu.memref_slice %arg9[%dma_start3A_365, %dma_start3A_366, %dma_start3A_367] : memref<4x128x64xf32, #tpu.memory_space<vmem>> -> memref<1x128x64xf32, #tpu.memory_space<vmem>>
        %dma_start3A_369 = tpu.memref_squeeze %dma_start3A_368 : memref<1x128x64xf32, #tpu.memory_space<vmem>> -> memref<128x64xf32, #tpu.memory_space<vmem>>
        %dma_start3A_370 = arith.constant 0 : i32
        %dma_start3A_371 = tpu.memref_slice %arg7[%add3A_364, %dma_start3A_370] : memref<80x128xi32, #tpu.memory_space<vmem>> -> memref<1x128xi32, #tpu.memory_space<vmem>>
        %dma_start3A_372 = tpu.memref_squeeze %dma_start3A_371 : memref<1x128xi32, #tpu.memory_space<vmem>> -> memref<128xi32, #tpu.memory_space<vmem>>
        %dma_start3A_373 = arith.constant 0 : i32
        %dma_start3A_374 = arith.constant 0 : i32
        %dma_start3A_375 = tpu.memref_slice %arg4[%dma_start3A_373, %dma_start3A_374] : memref<10000x64xf32, #tpu.memory_space<hbm>> -> memref<10000x64xf32, #tpu.memory_space<hbm>>
        tpu.enqueue_indirect_dma source(%dma_start3A_375 : memref<10000x64xf32, #tpu.memory_space<hbm>>) target(%dma_start3A_369 : memref<128x64xf32, #tpu.memory_space<vmem>>) offsets(%dma_start3A_372 : memref<128xi32, #tpu.memory_space<vmem>>) semaphore(%arg15 : memref<!tpu.dma_semaphore, #tpu.memory_space<semaphore_mem>>)
      } else {
      }
      %dma_wait3A_337 = arith.constant 3 : i32
      %dma_wait3A_338 = arith.constant 0 : i32
      %dma_wait3A_339 = arith.constant 0 : i32
      %dma_wait3A_340 = tpu.memref_slice %arg9[%dma_wait3A_337, %dma_wait3A_338, %dma_wait3A_339] : memref<4x128x64xf32, #tpu.memory_space<vmem>> -> memref<1x128x64xf32, #tpu.memory_space<vmem>>
      %dma_wait3A_341 = tpu.memref_squeeze %dma_wait3A_340 : memref<1x128x64xf32, #tpu.memory_space<vmem>> -> memref<128x64xf32, #tpu.memory_space<vmem>>
      %dma_wait3A_342 = arith.constant 0 : i32
      %dma_wait3A_343 = arith.constant 0 : i32
      %dma_wait3A_344 = tpu.memref_slice %arg4[%dma_wait3A_342, %dma_wait3A_343] : memref<10000x64xf32, #tpu.memory_space<hbm>> -> memref<128x64xf32, #tpu.memory_space<hbm>>
      %dma_wait3A_345 = arith.constant 0 : i32
      %dma_wait3A_346 = arith.constant 0 : i32
      %dma_wait3A_347 = tpu.memref_slice %arg9[%dma_wait3A_337, %dma_wait3A_345, %dma_wait3A_346] : memref<4x128x64xf32, #tpu.memory_space<vmem>> -> memref<1x128x64xf32, #tpu.memory_space<vmem>>
      %dma_wait3A_348 = tpu.memref_squeeze %dma_wait3A_347 : memref<1x128x64xf32, #tpu.memory_space<vmem>> -> memref<128x64xf32, #tpu.memory_space<vmem>>
      %dma_wait3A_349 = arith.constant 0 : i32
      %dma_wait3A_350 = arith.constant 0 : i32
      %dma_wait3A_351 = tpu.memref_slice %arg4[%dma_wait3A_349, %dma_wait3A_350] : memref<10000x64xf32, #tpu.memory_space<hbm>> -> memref<128x64xf32, #tpu.memory_space<hbm>>
      tpu.wait_dma2 semaphore(%arg20 : memref<!tpu.dma_semaphore, #tpu.memory_space<semaphore_mem>>) src(%dma_wait3A_351 : memref<128x64xf32, #tpu.memory_space<hbm>>) dst(%dma_wait3A_348 : memref<128x64xf32, #tpu.memory_space<vmem>>)
      %add3A_352 = arith.constant 4 : i32
      %add3A_353 = arith.addi %mul3A_155, %add3A_352 : i32
      %add3A_354 = arith.constant 3 : i32
      %add3A_355 = arith.addi %add3A_353, %add3A_354 : i32
      %lt3A_356 = arith.constant 80 : i32
      %lt3A_357 = arith.cmpi slt, %add3A_355, %lt3A_356 : i32
      %convert_element_type3A_358 = arith.extui %lt3A_357 : i1 to i32
      %cond3A_359 = arith.constant 0 : i32
      %cond3A_360 = arith.cmpi ne, %convert_element_type3A_358, %cond3A_359 : i32
      scf.if %cond3A_360 {
        %add3A_361 = arith.constant 4 : i32
        %add3A_362 = arith.addi %mul3A_155, %add3A_361 : i32
        %add3A_363 = arith.constant 3 : i32
        %add3A_364 = arith.addi %add3A_362, %add3A_363 : i32
        %dma_start3A_365 = arith.constant 3 : i32
        %dma_start3A_366 = arith.constant 0 : i32
        %dma_start3A_367 = arith.constant 0 : i32
        %dma_start3A_368 = tpu.memref_slice %arg9[%dma_start3A_365, %dma_start3A_366, %dma_start3A_367] : memref<4x128x64xf32, #tpu.memory_space<vmem>> -> memref<1x128x64xf32, #tpu.memory_space<vmem>>
        %dma_start3A_369 = tpu.memref_squeeze %dma_start3A_368 : memref<1x128x64xf32, #tpu.memory_space<vmem>> -> memref<128x64xf32, #tpu.memory_space<vmem>>
        %dma_start3A_370 = arith.constant 0 : i32
        %dma_start3A_371 = tpu.memref_slice %arg7[%add3A_364, %dma_start3A_370] : memref<80x128xi32, #tpu.memory_space<vmem>> -> memref<1x128xi32, #tpu.memory_space<vmem>>
        %dma_start3A_372 = tpu.memref_squeeze %dma_start3A_371 : memref<1x128xi32, #tpu.memory_space<vmem>> -> memref<128xi32, #tpu.memory_space<vmem>>
        %dma_start3A_373 = arith.constant 0 : i32
        %dma_start3A_374 = arith.constant 0 : i32
        %dma_start3A_375 = tpu.memref_slice %arg4[%dma_start3A_373, %dma_start3A_374] : memref<10000x64xf32, #tpu.memory_space<hbm>> -> memref<10000x64xf32, #tpu.memory_space<hbm>>
        tpu.enqueue_indirect_dma source(%dma_start3A_375 : memref<10000x64xf32, #tpu.memory_space<hbm>>) target(%dma_start3A_369 : memref<128x64xf32, #tpu.memory_space<vmem>>) offsets(%dma_start3A_372 : memref<128xi32, #tpu.memory_space<vmem>>) semaphore(%arg16 : memref<!tpu.dma_semaphore, #tpu.memory_space<semaphore_mem>>)
      } else {
      }
    }
    %scan3A_147 = arith.constant 20 : i32
    %barrier3A_148 = arith.constant 0 : index
    tpu.barrier barrier_id(%barrier3A_148)
    %mul3A_149 = arith.constant 640 : i32
    %mul3A_150 = arith.muli %arg1, %mul3A_149 : i32
    %mul3A_151 = arith.constant 640 : i32
    %mul3A_152 = arith.muli %arg1, %mul3A_151 : i32
    "tpu.region"() ({
      %run_scoped3A = tpu.sem_alloc : memref<!tpu.dma_semaphore, #tpu.memory_space<semaphore_mem>>
      %dma_start3A_153 = arith.constant 0 : i32
      %dma_start3A_154 = tpu.memref_slice %arg6[%arg0, %mul3A_152, %dma_start3A_153] : memref<2x10240x64xf32, #tpu.memory_space<hbm>> -> memref<1x640x64xf32, #tpu.memory_space<hbm>>
      %dma_start3A_155 = tpu.memref_squeeze %dma_start3A_154 : memref<1x640x64xf32, #tpu.memory_space<hbm>> -> memref<640x64xf32, #tpu.memory_space<hbm>>
      %dma_start3A_156 = arith.constant 0 : i32
      %dma_start3A_157 = tpu.memref_slice %arg10[%mul3A_150, %dma_start3A_156] : memref<10240x64xf32, #tpu.memory_space<vmem_shared>> -> memref<640x64xf32, #tpu.memory_space<vmem_shared>>
      tpu.enqueue_dma source(%dma_start3A_157 : memref<640x64xf32, #tpu.memory_space<vmem_shared>>) target(%dma_start3A_155 : memref<640x64xf32, #tpu.memory_space<hbm>>) target_semaphore(%run_scoped3A : memref<!tpu.dma_semaphore, #tpu.memory_space<semaphore_mem>>)
      %dma_wait3A_158 = arith.constant 0 : i32
      %dma_wait3A_159 = tpu.memref_slice %arg6[%arg0, %mul3A_152, %dma_wait3A_158] : memref<2x10240x64xf32, #tpu.memory_space<hbm>> -> memref<1x640x64xf32, #tpu.memory_space<hbm>>
      %dma_wait3A_160 = tpu.memref_squeeze %dma_wait3A_159 : memref<1x640x64xf32, #tpu.memory_space<hbm>> -> memref<640x64xf32, #tpu.memory_space<hbm>>
      %dma_wait3A_161 = arith.constant 0 : i32
      %dma_wait3A_162 = tpu.memref_slice %arg10[%mul3A_150, %dma_wait3A_161] : memref<10240x64xf32, #tpu.memory_space<vmem_shared>> -> memref<640x64xf32, #tpu.memory_space<vmem_shared>>
      tpu.wait_dma2 semaphore(%run_scoped3A : memref<!tpu.dma_semaphore, #tpu.memory_space<semaphore_mem>>) src(%dma_wait3A_162 : memref<640x64xf32, #tpu.memory_space<vmem_shared>>) dst(%dma_wait3A_160 : memref<640x64xf32, #tpu.memory_space<hbm>>)
      tpu.yield
    }) : () -> ()
    return
  }
}

module attributes {stable_mosaic.version = 14 : i64} {
  func.func @_tc_first_body(%arg0: i32, %arg1: memref<2x5000x32xf32, #tpu.memory_space<vmem>>, %arg2: memref<5000x256xf32, #tpu.memory_space<vmem>>, %arg3: memref<128x64xf32, #tpu.memory_space<vmem>>, %arg4: memref<5000x128xf32, #tpu.memory_space<vmem>>) attributes {dimension_semantics = [#tpu.dimension_semantics<arbitrary>], iteration_bounds = array<i64: 1>, scalar_prefetch = 0 : i64, scratch_operands = 0 : i64, tpu.core_type = #tpu.core_type<tc>, window_params = [{transform_indices = @transform_0, window_bounds = array<i64: 2, 5000, 32>}, {transform_indices = @transform_1, window_bounds = array<i64: 5000, 256>}, {pipeline_mode = #tpu.pipeline_mode<synchronous>, transform_indices = @transform_2, window_bounds = array<i64: 128, 64>}, {transform_indices = @transform_3, window_bounds = array<i64: 5000, 128>}]} {
    %get3A = arith.constant 0 : index
    %get3A_0 = arith.constant 0 : index
    %get3A_1 = arith.constant 0 : index
    %get3A_2 = vector.load %arg1[%get3A, %get3A_0, %get3A_1] : memref<2x5000x32xf32, #tpu.memory_space<vmem>>, vector<1x5000x32xf32>
    %get3A_3 = vector.shape_cast %get3A_2 : vector<1x5000x32xf32> to vector<5000x32xf32>
    %get3A_4 = arith.constant 1 : index
    %get3A_5 = arith.constant 0 : index
    %get3A_6 = arith.constant 0 : index
    %get3A_7 = vector.load %arg1[%get3A_4, %get3A_5, %get3A_6] : memref<2x5000x32xf32, #tpu.memory_space<vmem>>, vector<1x5000x32xf32>
    %get3A_8 = vector.shape_cast %get3A_7 : vector<1x5000x32xf32> to vector<5000x32xf32>
    %slice3A = vector.extract_strided_slice %get3A_3 {offsets = [0, 0], sizes = [5000, 1], strides = [1, 1]} : vector<5000x32xf32> to vector<5000x1xf32>
    %add3A = arith.constant 1.000000e+00 : f32
    %add3A_9 = vector.broadcast %add3A : f32 to vector<5000x1xf32>
    %add3A_10 = arith.addf %add3A_9, %slice3A : vector<5000x1xf32>
    %slice3A_11 = vector.extract_strided_slice %get3A_8 {offsets = [0, 0], sizes = [5000, 1], strides = [1, 1]} : vector<5000x32xf32> to vector<5000x1xf32>
    %add3A_12 = arith.addf %add3A_10, %slice3A_11 : vector<5000x1xf32>
    %rsqrt3A = math.rsqrt %add3A_12 : vector<5000x1xf32>
    %slice3A_13 = vector.extract_strided_slice %get3A_3 {offsets = [0, 16], sizes = [5000, 1], strides = [1, 1]} : vector<5000x32xf32> to vector<5000x1xf32>
    %add3A_14 = arith.constant 1.000000e+00 : f32
    %add3A_15 = vector.broadcast %add3A_14 : f32 to vector<5000x1xf32>
    %add3A_16 = arith.addf %add3A_15, %slice3A_13 : vector<5000x1xf32>
    %slice3A_17 = vector.extract_strided_slice %get3A_8 {offsets = [0, 16], sizes = [5000, 1], strides = [1, 1]} : vector<5000x32xf32> to vector<5000x1xf32>
    %add3A_18 = arith.addf %add3A_16, %slice3A_17 : vector<5000x1xf32>
    %rsqrt3A_19 = math.rsqrt %add3A_18 : vector<5000x1xf32>
    %get3A_20 = arith.constant 0 : index
    %get3A_21 = arith.constant 0 : index
    %get3A_22 = vector.load %arg2[%get3A_20, %get3A_21] : memref<5000x256xf32, #tpu.memory_space<vmem>>, vector<5000x128xf32>
    %get3A_23 = arith.constant 0 : index
    %get3A_24 = arith.constant 0 : index
    %get3A_25 = vector.load %arg3[%get3A_23, %get3A_24] : memref<128x64xf32, #tpu.memory_space<vmem>>, vector<128x64xf32>
    %dot_general3A = arith.constant dense<0.000000e+00> : vector<5000x64xf32>
    %dot_general3A_26 = tpu.matmul %get3A_22, %get3A_25, %dot_general3A {dimension_numbers = #tpu.dot_dimension_numbers<[1], [0], [0], [1], [0, 0, 1, 1], [], []>, transpose_lhs_hint = false} : vector<5000x128xf32>, vector<128x64xf32>, vector<5000x64xf32> -> vector<5000x64xf32>
    %get3A_27 = arith.constant 0 : index
    %get3A_28 = arith.constant 128 : index
    %get3A_29 = vector.load %arg2[%get3A_27, %get3A_28] : memref<5000x256xf32, #tpu.memory_space<vmem>>, vector<5000x128xf32>
    %get3A_30 = arith.constant 0 : index
    %get3A_31 = arith.constant 0 : index
    %get3A_32 = vector.load %arg3[%get3A_30, %get3A_31] : memref<128x64xf32, #tpu.memory_space<vmem>>, vector<128x64xf32>
    %dot_general3A_33 = arith.constant dense<0.000000e+00> : vector<5000x64xf32>
    %dot_general3A_34 = tpu.matmul %get3A_29, %get3A_32, %dot_general3A_33 {dimension_numbers = #tpu.dot_dimension_numbers<[1], [0], [0], [1], [0, 0, 1, 1], [], []>, transpose_lhs_hint = false} : vector<5000x128xf32>, vector<128x64xf32>, vector<5000x64xf32> -> vector<5000x64xf32>
    %mul3A = vector.broadcast %rsqrt3A : vector<5000x1xf32> to vector<5000x64xf32>
    %mul3A_35 = arith.mulf %mul3A, %dot_general3A_26 : vector<5000x64xf32>
    %mul3A_36 = vector.broadcast %rsqrt3A_19 : vector<5000x1xf32> to vector<5000x64xf32>
    %mul3A_37 = arith.mulf %mul3A_36, %dot_general3A_34 : vector<5000x64xf32>
    %concatenate3A = tpu.concatenate %mul3A_35, %mul3A_37 in 1 : vector<5000x64xf32>, vector<5000x64xf32> -> vector<5000x128xf32>
    %swap3A = arith.constant 0 : index
    %swap3A_38 = arith.constant 0 : index
    %swap3A_39 = vector.load %arg4[%swap3A, %swap3A_38] : memref<5000x128xf32, #tpu.memory_space<vmem>>, vector<5000x128xf32>
    tpu.vector_store %arg4[%swap3A, %swap3A_38], %concatenate3A {strides = array<i32>} : memref<5000x128xf32, #tpu.memory_space<vmem>>, vector<5000x128xf32>,
    return
  }
  func.func @transform_0(%arg0: i32) -> (i32, i32, i32) {
    %c0_i32 = arith.constant 0 : i32
    %c0_i32_0 = arith.constant 0 : i32
    %c0_i32_1 = arith.constant 0 : i32
    return %c0_i32, %arg0, %c0_i32_0 : i32, i32, i32
  }
  func.func @transform_1(%arg0: i32) -> (i32, i32) {
    %c0_i32 = arith.constant 0 : i32
    %c0_i32_0 = arith.constant 0 : i32
    return %arg0, %c0_i32 : i32, i32
  }
  func.func @transform_2(%arg0: i32) -> (i32, i32) {
    %c0_i32 = arith.constant 0 : i32
    %c0_i32_0 = arith.constant 0 : i32
    %c0_i32_1 = arith.constant 0 : i32
    return %c0_i32, %c0_i32_0 : i32, i32
  }
  func.func @transform_3(%arg0: i32) -> (i32, i32) {
    %c0_i32 = arith.constant 0 : i32
    %c0_i32_0 = arith.constant 0 : i32
    return %arg0, %c0_i32 : i32, i32
  }
}

module attributes {stable_mosaic.version = 14 : i64} {
  func.func @_tc_fuse_body(%arg0: i32, %arg1: memref<2x5000x32xf32, #tpu.memory_space<vmem>>, %arg2: memref<2x5000x128xf32, #tpu.memory_space<vmem>>, %arg3: memref<5000x128xf32, #tpu.memory_space<vmem>>, %arg4: memref<1x64xf32, #tpu.memory_space<vmem>>, %arg5: memref<64x64xf32, #tpu.memory_space<vmem>>, %arg6: memref<5000x128xf32, #tpu.memory_space<vmem>>) attributes {dimension_semantics = [#tpu.dimension_semantics<arbitrary>], iteration_bounds = array<i64: 1>, scalar_prefetch = 0 : i64, scratch_operands = 0 : i64, tpu.core_type = #tpu.core_type<tc>, window_params = [{transform_indices = @transform_0, window_bounds = array<i64: 2, 5000, 32>}, {transform_indices = @transform_1, window_bounds = array<i64: 2, 5000, 128>}, {transform_indices = @transform_2, window_bounds = array<i64: 5000, 128>}, {pipeline_mode = #tpu.pipeline_mode<synchronous>, transform_indices = @transform_3, window_bounds = array<i64: 1, 64>}, {pipeline_mode = #tpu.pipeline_mode<synchronous>, transform_indices = @transform_4, window_bounds = array<i64: 64, 64>}, {transform_indices = @transform_5, window_bounds = array<i64: 5000, 128>}]} {
    %get3A = arith.constant 0 : index
    %get3A_0 = arith.constant 0 : index
    %get3A_1 = arith.constant 0 : index
    %get3A_2 = vector.load %arg1[%get3A, %get3A_0, %get3A_1] : memref<2x5000x32xf32, #tpu.memory_space<vmem>>, vector<1x5000x32xf32>
    %get3A_3 = vector.shape_cast %get3A_2 : vector<1x5000x32xf32> to vector<5000x32xf32>
    %get3A_4 = arith.constant 1 : index
    %get3A_5 = arith.constant 0 : index
    %get3A_6 = arith.constant 0 : index
    %get3A_7 = vector.load %arg1[%get3A_4, %get3A_5, %get3A_6] : memref<2x5000x32xf32, #tpu.memory_space<vmem>>, vector<1x5000x32xf32>
    %get3A_8 = vector.shape_cast %get3A_7 : vector<1x5000x32xf32> to vector<5000x32xf32>
    %slice3A = vector.extract_strided_slice %get3A_3 {offsets = [0, 0], sizes = [5000, 1], strides = [1, 1]} : vector<5000x32xf32> to vector<5000x1xf32>
    %add3A = arith.constant 1.000000e+00 : f32
    %add3A_9 = vector.broadcast %add3A : f32 to vector<5000x1xf32>
    %add3A_10 = arith.addf %add3A_9, %slice3A : vector<5000x1xf32>
    %slice3A_11 = vector.extract_strided_slice %get3A_8 {offsets = [0, 0], sizes = [5000, 1], strides = [1, 1]} : vector<5000x32xf32> to vector<5000x1xf32>
    %add3A_12 = arith.addf %add3A_10, %slice3A_11 : vector<5000x1xf32>
    %rsqrt3A = math.rsqrt %add3A_12 : vector<5000x1xf32>
    %slice3A_13 = vector.extract_strided_slice %get3A_3 {offsets = [0, 16], sizes = [5000, 1], strides = [1, 1]} : vector<5000x32xf32> to vector<5000x1xf32>
    %add3A_14 = arith.constant 1.000000e+00 : f32
    %add3A_15 = vector.broadcast %add3A_14 : f32 to vector<5000x1xf32>
    %add3A_16 = arith.addf %add3A_15, %slice3A_13 : vector<5000x1xf32>
    %slice3A_17 = vector.extract_strided_slice %get3A_8 {offsets = [0, 16], sizes = [5000, 1], strides = [1, 1]} : vector<5000x32xf32> to vector<5000x1xf32>
    %add3A_18 = arith.addf %add3A_16, %slice3A_17 : vector<5000x1xf32>
    %rsqrt3A_19 = math.rsqrt %add3A_18 : vector<5000x1xf32>
    %get3A_20 = arith.constant 0 : index
    %get3A_21 = arith.constant 0 : index
    %get3A_22 = arith.constant 0 : index
    %get3A_23 = vector.load %arg2[%get3A_20, %get3A_21, %get3A_22] : memref<2x5000x128xf32, #tpu.memory_space<vmem>>, vector<1x5000x128xf32>
    %get3A_24 = vector.shape_cast %get3A_23 : vector<1x5000x128xf32> to vector<5000x128xf32>
    %slice3A_25 = vector.extract_strided_slice %get3A_24 {offsets = [0, 0], sizes = [5000, 64], strides = [1, 1]} : vector<5000x128xf32> to vector<5000x64xf32>
    %get3A_26 = arith.constant 1 : index
    %get3A_27 = arith.constant 0 : index
    %get3A_28 = arith.constant 0 : index
    %get3A_29 = vector.load %arg2[%get3A_26, %get3A_27, %get3A_28] : memref<2x5000x128xf32, #tpu.memory_space<vmem>>, vector<1x5000x128xf32>
    %get3A_30 = vector.shape_cast %get3A_29 : vector<1x5000x128xf32> to vector<5000x128xf32>
    %slice3A_31 = vector.extract_strided_slice %get3A_30 {offsets = [0, 0], sizes = [5000, 64], strides = [1, 1]} : vector<5000x128xf32> to vector<5000x64xf32>
    %add3A_32 = arith.addf %slice3A_25, %slice3A_31 : vector<5000x64xf32>
    %get3A_33 = arith.constant 0 : index
    %get3A_34 = arith.constant 0 : index
    %get3A_35 = arith.constant 0 : index
    %get3A_36 = vector.load %arg2[%get3A_33, %get3A_34, %get3A_35] : memref<2x5000x128xf32, #tpu.memory_space<vmem>>, vector<1x5000x128xf32>
    %get3A_37 = vector.shape_cast %get3A_36 : vector<1x5000x128xf32> to vector<5000x128xf32>
    %slice3A_38 = vector.extract_strided_slice %get3A_37 {offsets = [0, 64], sizes = [5000, 64], strides = [1, 1]} : vector<5000x128xf32> to vector<5000x64xf32>
    %get3A_39 = arith.constant 1 : index
    %get3A_40 = arith.constant 0 : index
    %get3A_41 = arith.constant 0 : index
    %get3A_42 = vector.load %arg2[%get3A_39, %get3A_40, %get3A_41] : memref<2x5000x128xf32, #tpu.memory_space<vmem>>, vector<1x5000x128xf32>
    %get3A_43 = vector.shape_cast %get3A_42 : vector<1x5000x128xf32> to vector<5000x128xf32>
    %slice3A_44 = vector.extract_strided_slice %get3A_43 {offsets = [0, 64], sizes = [5000, 64], strides = [1, 1]} : vector<5000x128xf32> to vector<5000x64xf32>
    %add3A_45 = arith.addf %slice3A_38, %slice3A_44 : vector<5000x64xf32>
    %get3A_46 = arith.constant 0 : index
    %get3A_47 = arith.constant 0 : index
    %get3A_48 = vector.load %arg3[%get3A_46, %get3A_47] : memref<5000x128xf32, #tpu.memory_space<vmem>>, vector<5000x64xf32>
    %add3A_49 = arith.addf %add3A_32, %get3A_48 : vector<5000x64xf32>
    %mul3A = vector.broadcast %rsqrt3A : vector<5000x1xf32> to vector<5000x64xf32>
    %mul3A_50 = arith.mulf %mul3A, %add3A_49 : vector<5000x64xf32>
    %get3A_51 = arith.constant 0 : index
    %get3A_52 = arith.constant 0 : index
    %get3A_53 = vector.load %arg4[%get3A_51, %get3A_52] : memref<1x64xf32, #tpu.memory_space<vmem>>, vector<1x64xf32>
    %add3A_54 = vector.broadcast %get3A_53 : vector<1x64xf32> to vector<5000x64xf32>
    %add3A_55 = arith.addf %mul3A_50, %add3A_54 : vector<5000x64xf32>
    %max3A = arith.constant 0.000000e+00 : f32
    %max3A_56 = vector.broadcast %max3A : f32 to vector<5000x64xf32>
    %max3A_57 = arith.maximumf %add3A_55, %max3A_56 : vector<5000x64xf32>
    %get3A_58 = arith.constant 0 : index
    %get3A_59 = arith.constant 64 : index
    %get3A_60 = vector.load %arg3[%get3A_58, %get3A_59] : memref<5000x128xf32, #tpu.memory_space<vmem>>, vector<5000x64xf32>
    %add3A_61 = arith.addf %add3A_45, %get3A_60 : vector<5000x64xf32>
    %mul3A_62 = vector.broadcast %rsqrt3A_19 : vector<5000x1xf32> to vector<5000x64xf32>
    %mul3A_63 = arith.mulf %mul3A_62, %add3A_61 : vector<5000x64xf32>
    %get3A_64 = arith.constant 0 : index
    %get3A_65 = arith.constant 0 : index
    %get3A_66 = vector.load %arg4[%get3A_64, %get3A_65] : memref<1x64xf32, #tpu.memory_space<vmem>>, vector<1x64xf32>
    %add3A_67 = vector.broadcast %get3A_66 : vector<1x64xf32> to vector<5000x64xf32>
    %add3A_68 = arith.addf %mul3A_63, %add3A_67 : vector<5000x64xf32>
    %max3A_69 = arith.constant 0.000000e+00 : f32
    %max3A_70 = vector.broadcast %max3A_69 : f32 to vector<5000x64xf32>
    %max3A_71 = arith.maximumf %add3A_68, %max3A_70 : vector<5000x64xf32>
    %get3A_72 = arith.constant 0 : index
    %get3A_73 = arith.constant 0 : index
    %get3A_74 = vector.load %arg5[%get3A_72, %get3A_73] : memref<64x64xf32, #tpu.memory_space<vmem>>, vector<64x64xf32>
    %dot_general3A = arith.constant dense<0.000000e+00> : vector<5000x64xf32>
    %dot_general3A_75 = tpu.matmul %max3A_57, %get3A_74, %dot_general3A {dimension_numbers = #tpu.dot_dimension_numbers<[1], [0], [0], [1], [0, 0, 1, 1], [], []>, transpose_lhs_hint = false} : vector<5000x64xf32>, vector<64x64xf32>, vector<5000x64xf32> -> vector<5000x64xf32>
    %mul3A_76 = vector.broadcast %rsqrt3A : vector<5000x1xf32> to vector<5000x64xf32>
    %mul3A_77 = arith.mulf %mul3A_76, %dot_general3A_75 : vector<5000x64xf32>
    %get3A_78 = arith.constant 0 : index
    %get3A_79 = arith.constant 0 : index
    %get3A_80 = vector.load %arg5[%get3A_78, %get3A_79] : memref<64x64xf32, #tpu.memory_space<vmem>>, vector<64x64xf32>
    %dot_general3A_81 = arith.constant dense<0.000000e+00> : vector<5000x64xf32>
    %dot_general3A_82 = tpu.matmul %max3A_71, %get3A_80, %dot_general3A_81 {dimension_numbers = #tpu.dot_dimension_numbers<[1], [0], [0], [1], [0, 0, 1, 1], [], []>, transpose_lhs_hint = false} : vector<5000x64xf32>, vector<64x64xf32>, vector<5000x64xf32> -> vector<5000x64xf32>
    %mul3A_83 = vector.broadcast %rsqrt3A_19 : vector<5000x1xf32> to vector<5000x64xf32>
    %mul3A_84 = arith.mulf %mul3A_83, %dot_general3A_82 : vector<5000x64xf32>
    %concatenate3A = tpu.concatenate %mul3A_77, %mul3A_84 in 1 : vector<5000x64xf32>, vector<5000x64xf32> -> vector<5000x128xf32>
    %swap3A = arith.constant 0 : index
    %swap3A_85 = arith.constant 0 : index
    %swap3A_86 = vector.load %arg6[%swap3A, %swap3A_85] : memref<5000x128xf32, #tpu.memory_space<vmem>>, vector<5000x128xf32>
    tpu.vector_store %arg6[%swap3A, %swap3A_85], %concatenate3A {strides = array<i32>} : memref<5000x128xf32, #tpu.memory_space<vmem>>, vector<5000x128xf32>,
    return
  }
  func.func @transform_0(%arg0: i32) -> (i32, i32, i32) {
    %c0_i32 = arith.constant 0 : i32
    %c0_i32_0 = arith.constant 0 : i32
    %c0_i32_1 = arith.constant 0 : i32
    return %c0_i32, %arg0, %c0_i32_0 : i32, i32, i32
  }
  func.func @transform_1(%arg0: i32) -> (i32, i32, i32) {
    %c0_i32 = arith.constant 0 : i32
    %c0_i32_0 = arith.constant 0 : i32
    %c0_i32_1 = arith.constant 0 : i32
    return %c0_i32, %arg0, %c0_i32_0 : i32, i32, i32
  }
  func.func @transform_2(%arg0: i32) -> (i32, i32) {
    %c0_i32 = arith.constant 0 : i32
    %c0_i32_0 = arith.constant 0 : i32
    return %arg0, %c0_i32 : i32, i32
  }
  func.func @transform_3(%arg0: i32) -> (i32, i32) {
    %c0_i32 = arith.constant 0 : i32
    %c0_i32_0 = arith.constant 0 : i32
    %c0_i32_1 = arith.constant 0 : i32
    return %c0_i32, %c0_i32_0 : i32, i32
  }
  func.func @transform_4(%arg0: i32) -> (i32, i32) {
    %c0_i32 = arith.constant 0 : i32
    %c0_i32_0 = arith.constant 0 : i32
    %c0_i32_1 = arith.constant 0 : i32
    return %c0_i32, %c0_i32_0 : i32, i32
  }
  func.func @transform_5(%arg0: i32) -> (i32, i32) {
    %c0_i32 = arith.constant 0 : i32
    %c0_i32_0 = arith.constant 0 : i32
    return %arg0, %c0_i32 : i32, i32
  }
}

module attributes {stable_mosaic.version = 14 : i64} {
  func.func @_tc_fuse_split_body(%arg0: i32, %arg1: memref<2x5000x32xf32, #tpu.memory_space<vmem>>, %arg2: memref<2x5000x128xf32, #tpu.memory_space<vmem>>, %arg3: memref<5000x128xf32, #tpu.memory_space<vmem>>, %arg4: memref<1x64xf32, #tpu.memory_space<vmem>>, %arg5: memref<64x128xf32, #tpu.memory_space<vmem>>, %arg6: memref<2x5000x128xf32, #tpu.memory_space<vmem>>) attributes {dimension_semantics = [#tpu.dimension_semantics<arbitrary>], iteration_bounds = array<i64: 1>, scalar_prefetch = 0 : i64, scratch_operands = 0 : i64, tpu.core_type = #tpu.core_type<tc>, window_params = [{transform_indices = @transform_0, window_bounds = array<i64: 2, 5000, 32>}, {transform_indices = @transform_1, window_bounds = array<i64: 2, 5000, 128>}, {transform_indices = @transform_2, window_bounds = array<i64: 5000, 128>}, {pipeline_mode = #tpu.pipeline_mode<synchronous>, transform_indices = @transform_3, window_bounds = array<i64: 1, 64>}, {pipeline_mode = #tpu.pipeline_mode<synchronous>, transform_indices = @transform_4, window_bounds = array<i64: 64, 128>}, {transform_indices = @transform_5, window_bounds = array<i64: 2, 5000, 128>}]} {
    %get3A = arith.constant 0 : index
    %get3A_0 = arith.constant 0 : index
    %get3A_1 = arith.constant 0 : index
    %get3A_2 = vector.load %arg1[%get3A, %get3A_0, %get3A_1] : memref<2x5000x32xf32, #tpu.memory_space<vmem>>, vector<1x5000x32xf32>
    %get3A_3 = vector.shape_cast %get3A_2 : vector<1x5000x32xf32> to vector<5000x32xf32>
    %get3A_4 = arith.constant 1 : index
    %get3A_5 = arith.constant 0 : index
    %get3A_6 = arith.constant 0 : index
    %get3A_7 = vector.load %arg1[%get3A_4, %get3A_5, %get3A_6] : memref<2x5000x32xf32, #tpu.memory_space<vmem>>, vector<1x5000x32xf32>
    %get3A_8 = vector.shape_cast %get3A_7 : vector<1x5000x32xf32> to vector<5000x32xf32>
    %slice3A = vector.extract_strided_slice %get3A_3 {offsets = [0, 0], sizes = [5000, 1], strides = [1, 1]} : vector<5000x32xf32> to vector<5000x1xf32>
    %add3A = arith.constant 1.000000e+00 : f32
    %add3A_9 = vector.broadcast %add3A : f32 to vector<5000x1xf32>
    %add3A_10 = arith.addf %add3A_9, %slice3A : vector<5000x1xf32>
    %slice3A_11 = vector.extract_strided_slice %get3A_8 {offsets = [0, 0], sizes = [5000, 1], strides = [1, 1]} : vector<5000x32xf32> to vector<5000x1xf32>
    %add3A_12 = arith.addf %add3A_10, %slice3A_11 : vector<5000x1xf32>
    %rsqrt3A = math.rsqrt %add3A_12 : vector<5000x1xf32>
    %slice3A_13 = vector.extract_strided_slice %get3A_3 {offsets = [0, 16], sizes = [5000, 1], strides = [1, 1]} : vector<5000x32xf32> to vector<5000x1xf32>
    %add3A_14 = arith.constant 1.000000e+00 : f32
    %add3A_15 = vector.broadcast %add3A_14 : f32 to vector<5000x1xf32>
    %add3A_16 = arith.addf %add3A_15, %slice3A_13 : vector<5000x1xf32>
    %slice3A_17 = vector.extract_strided_slice %get3A_8 {offsets = [0, 16], sizes = [5000, 1], strides = [1, 1]} : vector<5000x32xf32> to vector<5000x1xf32>
    %add3A_18 = arith.addf %add3A_16, %slice3A_17 : vector<5000x1xf32>
    %rsqrt3A_19 = math.rsqrt %add3A_18 : vector<5000x1xf32>
    %get3A_20 = arith.constant 0 : index
    %get3A_21 = arith.constant 0 : index
    %get3A_22 = arith.constant 0 : index
    %get3A_23 = vector.load %arg2[%get3A_20, %get3A_21, %get3A_22] : memref<2x5000x128xf32, #tpu.memory_space<vmem>>, vector<1x5000x128xf32>
    %get3A_24 = vector.shape_cast %get3A_23 : vector<1x5000x128xf32> to vector<5000x128xf32>
    %slice3A_25 = vector.extract_strided_slice %get3A_24 {offsets = [0, 0], sizes = [5000, 64], strides = [1, 1]} : vector<5000x128xf32> to vector<5000x64xf32>
    %get3A_26 = arith.constant 1 : index
    %get3A_27 = arith.constant 0 : index
    %get3A_28 = arith.constant 0 : index
    %get3A_29 = vector.load %arg2[%get3A_26, %get3A_27, %get3A_28] : memref<2x5000x128xf32, #tpu.memory_space<vmem>>, vector<1x5000x128xf32>
    %get3A_30 = vector.shape_cast %get3A_29 : vector<1x5000x128xf32> to vector<5000x128xf32>
    %slice3A_31 = vector.extract_strided_slice %get3A_30 {offsets = [0, 0], sizes = [5000, 64], strides = [1, 1]} : vector<5000x128xf32> to vector<5000x64xf32>
    %add3A_32 = arith.addf %slice3A_25, %slice3A_31 : vector<5000x64xf32>
    %get3A_33 = arith.constant 0 : index
    %get3A_34 = arith.constant 0 : index
    %get3A_35 = arith.constant 0 : index
    %get3A_36 = vector.load %arg2[%get3A_33, %get3A_34, %get3A_35] : memref<2x5000x128xf32, #tpu.memory_space<vmem>>, vector<1x5000x128xf32>
    %get3A_37 = vector.shape_cast %get3A_36 : vector<1x5000x128xf32> to vector<5000x128xf32>
    %slice3A_38 = vector.extract_strided_slice %get3A_37 {offsets = [0, 64], sizes = [5000, 64], strides = [1, 1]} : vector<5000x128xf32> to vector<5000x64xf32>
    %get3A_39 = arith.constant 1 : index
    %get3A_40 = arith.constant 0 : index
    %get3A_41 = arith.constant 0 : index
    %get3A_42 = vector.load %arg2[%get3A_39, %get3A_40, %get3A_41] : memref<2x5000x128xf32, #tpu.memory_space<vmem>>, vector<1x5000x128xf32>
    %get3A_43 = vector.shape_cast %get3A_42 : vector<1x5000x128xf32> to vector<5000x128xf32>
    %slice3A_44 = vector.extract_strided_slice %get3A_43 {offsets = [0, 64], sizes = [5000, 64], strides = [1, 1]} : vector<5000x128xf32> to vector<5000x64xf32>
    %add3A_45 = arith.addf %slice3A_38, %slice3A_44 : vector<5000x64xf32>
    %get3A_46 = arith.constant 0 : index
    %get3A_47 = arith.constant 0 : index
    %get3A_48 = vector.load %arg3[%get3A_46, %get3A_47] : memref<5000x128xf32, #tpu.memory_space<vmem>>, vector<5000x64xf32>
    %add3A_49 = arith.addf %add3A_32, %get3A_48 : vector<5000x64xf32>
    %mul3A = vector.broadcast %rsqrt3A : vector<5000x1xf32> to vector<5000x64xf32>
    %mul3A_50 = arith.mulf %mul3A, %add3A_49 : vector<5000x64xf32>
    %get3A_51 = arith.constant 0 : index
    %get3A_52 = arith.constant 0 : index
    %get3A_53 = vector.load %arg4[%get3A_51, %get3A_52] : memref<1x64xf32, #tpu.memory_space<vmem>>, vector<1x64xf32>
    %add3A_54 = vector.broadcast %get3A_53 : vector<1x64xf32> to vector<5000x64xf32>
    %add3A_55 = arith.addf %mul3A_50, %add3A_54 : vector<5000x64xf32>
    %max3A = arith.constant 0.000000e+00 : f32
    %max3A_56 = vector.broadcast %max3A : f32 to vector<5000x64xf32>
    %max3A_57 = arith.maximumf %add3A_55, %max3A_56 : vector<5000x64xf32>
    %get3A_58 = arith.constant 0 : index
    %get3A_59 = arith.constant 64 : index
    %get3A_60 = vector.load %arg3[%get3A_58, %get3A_59] : memref<5000x128xf32, #tpu.memory_space<vmem>>, vector<5000x64xf32>
    %add3A_61 = arith.addf %add3A_45, %get3A_60 : vector<5000x64xf32>
    %mul3A_62 = vector.broadcast %rsqrt3A_19 : vector<5000x1xf32> to vector<5000x64xf32>
    %mul3A_63 = arith.mulf %mul3A_62, %add3A_61 : vector<5000x64xf32>
    %get3A_64 = arith.constant 0 : index
    %get3A_65 = arith.constant 0 : index
    %get3A_66 = vector.load %arg4[%get3A_64, %get3A_65] : memref<1x64xf32, #tpu.memory_space<vmem>>, vector<1x64xf32>
    %add3A_67 = vector.broadcast %get3A_66 : vector<1x64xf32> to vector<5000x64xf32>
    %add3A_68 = arith.addf %mul3A_63, %add3A_67 : vector<5000x64xf32>
    %max3A_69 = arith.constant 0.000000e+00 : f32
    %max3A_70 = vector.broadcast %max3A_69 : f32 to vector<5000x64xf32>
    %max3A_71 = arith.maximumf %add3A_68, %max3A_70 : vector<5000x64xf32>
    %get3A_72 = arith.constant 0 : index
    %get3A_73 = arith.constant 0 : index
    %get3A_74 = vector.load %arg5[%get3A_72, %get3A_73] : memref<64x128xf32, #tpu.memory_space<vmem>>, vector<64x128xf32>
    %dot_general3A = arith.constant dense<0.000000e+00> : vector<5000x128xf32>
    %dot_general3A_75 = tpu.matmul %max3A_57, %get3A_74, %dot_general3A {dimension_numbers = #tpu.dot_dimension_numbers<[1], [0], [0], [1], [0, 0, 1, 1], [], []>, transpose_lhs_hint = false} : vector<5000x64xf32>, vector<64x128xf32>, vector<5000x128xf32> -> vector<5000x128xf32>
    %mul3A_76 = vector.broadcast %rsqrt3A : vector<5000x1xf32> to vector<5000x128xf32>
    %mul3A_77 = arith.mulf %mul3A_76, %dot_general3A_75 : vector<5000x128xf32>
    %get3A_78 = arith.constant 0 : index
    %get3A_79 = arith.constant 0 : index
    %get3A_80 = vector.load %arg5[%get3A_78, %get3A_79] : memref<64x128xf32, #tpu.memory_space<vmem>>, vector<64x128xf32>
    %dot_general3A_81 = arith.constant dense<0.000000e+00> : vector<5000x128xf32>
    %dot_general3A_82 = tpu.matmul %max3A_71, %get3A_80, %dot_general3A_81 {dimension_numbers = #tpu.dot_dimension_numbers<[1], [0], [0], [1], [0, 0, 1, 1], [], []>, transpose_lhs_hint = false} : vector<5000x64xf32>, vector<64x128xf32>, vector<5000x128xf32> -> vector<5000x128xf32>
    %mul3A_83 = vector.broadcast %rsqrt3A_19 : vector<5000x1xf32> to vector<5000x128xf32>
    %mul3A_84 = arith.mulf %mul3A_83, %dot_general3A_82 : vector<5000x128xf32>
    %slice3A_85 = vector.extract_strided_slice %mul3A_77 {offsets = [0, 0], sizes = [5000, 64], strides = [1, 1]} : vector<5000x128xf32> to vector<5000x64xf32>
    %slice3A_86 = vector.extract_strided_slice %mul3A_84 {offsets = [0, 0], sizes = [5000, 64], strides = [1, 1]} : vector<5000x128xf32> to vector<5000x64xf32>
    %concatenate3A = tpu.concatenate %slice3A_85, %slice3A_86 in 1 : vector<5000x64xf32>, vector<5000x64xf32> -> vector<5000x128xf32>
    %swap3A = arith.constant 0 : index
    %swap3A_87 = arith.constant 0 : index
    %swap3A_88 = arith.constant 0 : index
    %swap3A_89 = vector.load %arg6[%swap3A, %swap3A_87, %swap3A_88] : memref<2x5000x128xf32, #tpu.memory_space<vmem>>, vector<1x5000x128xf32>
    %swap3A_90 = vector.shape_cast %swap3A_89 : vector<1x5000x128xf32> to vector<5000x128xf32>
    %swap3A_91 = vector.shape_cast %concatenate3A : vector<5000x128xf32> to vector<1x5000x128xf32>
    tpu.vector_store %arg6[%swap3A, %swap3A_87, %swap3A_88], %swap3A_91 {strides = array<i32>} : memref<2x5000x128xf32, #tpu.memory_space<vmem>>, vector<1x5000x128xf32>,
    %slice3A_92 = vector.extract_strided_slice %mul3A_77 {offsets = [0, 64], sizes = [5000, 64], strides = [1, 1]} : vector<5000x128xf32> to vector<5000x64xf32>
    %slice3A_93 = vector.extract_strided_slice %mul3A_84 {offsets = [0, 64], sizes = [5000, 64], strides = [1, 1]} : vector<5000x128xf32> to vector<5000x64xf32>
    %concatenate3A_94 = tpu.concatenate %slice3A_92, %slice3A_93 in 1 : vector<5000x64xf32>, vector<5000x64xf32> -> vector<5000x128xf32>
    %swap3A_95 = arith.constant 1 : index
    %swap3A_96 = arith.constant 0 : index
    %swap3A_97 = arith.constant 0 : index
    %swap3A_98 = vector.load %arg6[%swap3A_95, %swap3A_96, %swap3A_97] : memref<2x5000x128xf32, #tpu.memory_space<vmem>>, vector<1x5000x128xf32>
    %swap3A_99 = vector.shape_cast %swap3A_98 : vector<1x5000x128xf32> to vector<5000x128xf32>
    %swap3A_100 = vector.shape_cast %concatenate3A_94 : vector<5000x128xf32> to vector<1x5000x128xf32>
    tpu.vector_store %arg6[%swap3A_95, %swap3A_96, %swap3A_97], %swap3A_100 {strides = array<i32>} : memref<2x5000x128xf32, #tpu.memory_space<vmem>>, vector<1x5000x128xf32>,
    return
  }
  func.func @transform_0(%arg0: i32) -> (i32, i32, i32) {
    %c0_i32 = arith.constant 0 : i32
    %c0_i32_0 = arith.constant 0 : i32
    %c0_i32_1 = arith.constant 0 : i32
    return %c0_i32, %arg0, %c0_i32_0 : i32, i32, i32
  }
  func.func @transform_1(%arg0: i32) -> (i32, i32, i32) {
    %c0_i32 = arith.constant 0 : i32
    %c0_i32_0 = arith.constant 0 : i32
    %c0_i32_1 = arith.constant 0 : i32
    return %c0_i32, %arg0, %c0_i32_0 : i32, i32, i32
  }
  func.func @transform_2(%arg0: i32) -> (i32, i32) {
    %c0_i32 = arith.constant 0 : i32
    %c0_i32_0 = arith.constant 0 : i32
    return %arg0, %c0_i32 : i32, i32
  }
  func.func @transform_3(%arg0: i32) -> (i32, i32) {
    %c0_i32 = arith.constant 0 : i32
    %c0_i32_0 = arith.constant 0 : i32
    %c0_i32_1 = arith.constant 0 : i32
    return %c0_i32, %c0_i32_0 : i32, i32
  }
  func.func @transform_4(%arg0: i32) -> (i32, i32) {
    %c0_i32 = arith.constant 0 : i32
    %c0_i32_0 = arith.constant 0 : i32
    %c0_i32_1 = arith.constant 0 : i32
    return %c0_i32, %c0_i32_0 : i32, i32
  }
  func.func @transform_5(%arg0: i32) -> (i32, i32, i32) {
    %c0_i32 = arith.constant 0 : i32
    %c0_i32_0 = arith.constant 0 : i32
    %c0_i32_1 = arith.constant 0 : i32
    return %c0_i32, %arg0, %c0_i32_0 : i32, i32, i32
  }
}

module attributes {stable_mosaic.version = 14 : i64} {
  func.func @_tc_final_cat_body(%arg0: i32, %arg1: memref<2x5000x32xf32, #tpu.memory_space<vmem>>, %arg2: memref<2x5000x128xf32, #tpu.memory_space<vmem>>, %arg3: memref<2x5000x128xf32, #tpu.memory_space<vmem>>, %arg4: memref<1x128xf32, #tpu.memory_space<vmem>>, %arg5: memref<5000x256xf32, #tpu.memory_space<vmem>>) attributes {dimension_semantics = [#tpu.dimension_semantics<arbitrary>], iteration_bounds = array<i64: 1>, scalar_prefetch = 0 : i64, scratch_operands = 0 : i64, tpu.core_type = #tpu.core_type<tc>, window_params = [{transform_indices = @transform_0, window_bounds = array<i64: 2, 5000, 32>}, {transform_indices = @transform_1, window_bounds = array<i64: 2, 5000, 128>}, {transform_indices = @transform_2, window_bounds = array<i64: 2, 5000, 128>}, {pipeline_mode = #tpu.pipeline_mode<synchronous>, transform_indices = @transform_3, window_bounds = array<i64: 1, 128>}, {transform_indices = @transform_4, window_bounds = array<i64: 5000, 256>}]} {
    %get3A = arith.constant 0 : index
    %get3A_0 = arith.constant 0 : index
    %get3A_1 = arith.constant 0 : index
    %get3A_2 = vector.load %arg1[%get3A, %get3A_0, %get3A_1] : memref<2x5000x32xf32, #tpu.memory_space<vmem>>, vector<1x5000x32xf32>
    %get3A_3 = vector.shape_cast %get3A_2 : vector<1x5000x32xf32> to vector<5000x32xf32>
    %get3A_4 = arith.constant 1 : index
    %get3A_5 = arith.constant 0 : index
    %get3A_6 = arith.constant 0 : index
    %get3A_7 = vector.load %arg1[%get3A_4, %get3A_5, %get3A_6] : memref<2x5000x32xf32, #tpu.memory_space<vmem>>, vector<1x5000x32xf32>
    %get3A_8 = vector.shape_cast %get3A_7 : vector<1x5000x32xf32> to vector<5000x32xf32>
    %slice3A = vector.extract_strided_slice %get3A_3 {offsets = [0, 0], sizes = [5000, 1], strides = [1, 1]} : vector<5000x32xf32> to vector<5000x1xf32>
    %add3A = arith.constant 1.000000e+00 : f32
    %add3A_9 = vector.broadcast %add3A : f32 to vector<5000x1xf32>
    %add3A_10 = arith.addf %add3A_9, %slice3A : vector<5000x1xf32>
    %slice3A_11 = vector.extract_strided_slice %get3A_8 {offsets = [0, 0], sizes = [5000, 1], strides = [1, 1]} : vector<5000x32xf32> to vector<5000x1xf32>
    %add3A_12 = arith.addf %add3A_10, %slice3A_11 : vector<5000x1xf32>
    %rsqrt3A = math.rsqrt %add3A_12 : vector<5000x1xf32>
    %slice3A_13 = vector.extract_strided_slice %get3A_3 {offsets = [0, 16], sizes = [5000, 1], strides = [1, 1]} : vector<5000x32xf32> to vector<5000x1xf32>
    %add3A_14 = arith.constant 1.000000e+00 : f32
    %add3A_15 = vector.broadcast %add3A_14 : f32 to vector<5000x1xf32>
    %add3A_16 = arith.addf %add3A_15, %slice3A_13 : vector<5000x1xf32>
    %slice3A_17 = vector.extract_strided_slice %get3A_8 {offsets = [0, 16], sizes = [5000, 1], strides = [1, 1]} : vector<5000x32xf32> to vector<5000x1xf32>
    %add3A_18 = arith.addf %add3A_16, %slice3A_17 : vector<5000x1xf32>
    %rsqrt3A_19 = math.rsqrt %add3A_18 : vector<5000x1xf32>
    %get3A_20 = arith.constant 0 : index
    %get3A_21 = arith.constant 0 : index
    %get3A_22 = arith.constant 0 : index
    %get3A_23 = vector.load %arg2[%get3A_20, %get3A_21, %get3A_22] : memref<2x5000x128xf32, #tpu.memory_space<vmem>>, vector<1x5000x128xf32>
    %get3A_24 = vector.shape_cast %get3A_23 : vector<1x5000x128xf32> to vector<5000x128xf32>
    %slice3A_25 = vector.extract_strided_slice %get3A_24 {offsets = [0, 0], sizes = [5000, 64], strides = [1, 1]} : vector<5000x128xf32> to vector<5000x64xf32>
    %get3A_26 = arith.constant 0 : index
    %get3A_27 = arith.constant 0 : index
    %get3A_28 = arith.constant 0 : index
    %get3A_29 = vector.load %arg3[%get3A_26, %get3A_27, %get3A_28] : memref<2x5000x128xf32, #tpu.memory_space<vmem>>, vector<1x5000x128xf32>
    %get3A_30 = vector.shape_cast %get3A_29 : vector<1x5000x128xf32> to vector<5000x128xf32>
    %slice3A_31 = vector.extract_strided_slice %get3A_30 {offsets = [0, 0], sizes = [5000, 64], strides = [1, 1]} : vector<5000x128xf32> to vector<5000x64xf32>
    %add3A_32 = arith.addf %slice3A_25, %slice3A_31 : vector<5000x64xf32>
    %get3A_33 = arith.constant 1 : index
    %get3A_34 = arith.constant 0 : index
    %get3A_35 = arith.constant 0 : index
    %get3A_36 = vector.load %arg2[%get3A_33, %get3A_34, %get3A_35] : memref<2x5000x128xf32, #tpu.memory_space<vmem>>, vector<1x5000x128xf32>
    %get3A_37 = vector.shape_cast %get3A_36 : vector<1x5000x128xf32> to vector<5000x128xf32>
    %slice3A_38 = vector.extract_strided_slice %get3A_37 {offsets = [0, 0], sizes = [5000, 64], strides = [1, 1]} : vector<5000x128xf32> to vector<5000x64xf32>
    %get3A_39 = arith.constant 1 : index
    %get3A_40 = arith.constant 0 : index
    %get3A_41 = arith.constant 0 : index
    %get3A_42 = vector.load %arg3[%get3A_39, %get3A_40, %get3A_41] : memref<2x5000x128xf32, #tpu.memory_space<vmem>>, vector<1x5000x128xf32>
    %get3A_43 = vector.shape_cast %get3A_42 : vector<1x5000x128xf32> to vector<5000x128xf32>
    %slice3A_44 = vector.extract_strided_slice %get3A_43 {offsets = [0, 0], sizes = [5000, 64], strides = [1, 1]} : vector<5000x128xf32> to vector<5000x64xf32>
    %add3A_45 = arith.addf %slice3A_38, %slice3A_44 : vector<5000x64xf32>
    %concatenate3A = tpu.concatenate %add3A_32, %add3A_45 in 1 : vector<5000x64xf32>, vector<5000x64xf32> -> vector<5000x128xf32>
    %get3A_46 = arith.constant 0 : index
    %get3A_47 = arith.constant 0 : index
    %get3A_48 = arith.constant 0 : index
    %get3A_49 = vector.load %arg2[%get3A_46, %get3A_47, %get3A_48] : memref<2x5000x128xf32, #tpu.memory_space<vmem>>, vector<1x5000x128xf32>
    %get3A_50 = vector.shape_cast %get3A_49 : vector<1x5000x128xf32> to vector<5000x128xf32>
    %slice3A_51 = vector.extract_strided_slice %get3A_50 {offsets = [0, 64], sizes = [5000, 64], strides = [1, 1]} : vector<5000x128xf32> to vector<5000x64xf32>
    %get3A_52 = arith.constant 0 : index
    %get3A_53 = arith.constant 0 : index
    %get3A_54 = arith.constant 0 : index
    %get3A_55 = vector.load %arg3[%get3A_52, %get3A_53, %get3A_54] : memref<2x5000x128xf32, #tpu.memory_space<vmem>>, vector<1x5000x128xf32>
    %get3A_56 = vector.shape_cast %get3A_55 : vector<1x5000x128xf32> to vector<5000x128xf32>
    %slice3A_57 = vector.extract_strided_slice %get3A_56 {offsets = [0, 64], sizes = [5000, 64], strides = [1, 1]} : vector<5000x128xf32> to vector<5000x64xf32>
    %add3A_58 = arith.addf %slice3A_51, %slice3A_57 : vector<5000x64xf32>
    %get3A_59 = arith.constant 1 : index
    %get3A_60 = arith.constant 0 : index
    %get3A_61 = arith.constant 0 : index
    %get3A_62 = vector.load %arg2[%get3A_59, %get3A_60, %get3A_61] : memref<2x5000x128xf32, #tpu.memory_space<vmem>>, vector<1x5000x128xf32>
    %get3A_63 = vector.shape_cast %get3A_62 : vector<1x5000x128xf32> to vector<5000x128xf32>
    %slice3A_64 = vector.extract_strided_slice %get3A_63 {offsets = [0, 64], sizes = [5000, 64], strides = [1, 1]} : vector<5000x128xf32> to vector<5000x64xf32>
    %get3A_65 = arith.constant 1 : index
    %get3A_66 = arith.constant 0 : index
    %get3A_67 = arith.constant 0 : index
    %get3A_68 = vector.load %arg3[%get3A_65, %get3A_66, %get3A_67] : memref<2x5000x128xf32, #tpu.memory_space<vmem>>, vector<1x5000x128xf32>
    %get3A_69 = vector.shape_cast %get3A_68 : vector<1x5000x128xf32> to vector<5000x128xf32>
    %slice3A_70 = vector.extract_strided_slice %get3A_69 {offsets = [0, 64], sizes = [5000, 64], strides = [1, 1]} : vector<5000x128xf32> to vector<5000x64xf32>
    %add3A_71 = arith.addf %slice3A_64, %slice3A_70 : vector<5000x64xf32>
    %concatenate3A_72 = tpu.concatenate %add3A_58, %add3A_71 in 1 : vector<5000x64xf32>, vector<5000x64xf32> -> vector<5000x128xf32>
    %mul3A = vector.broadcast %rsqrt3A : vector<5000x1xf32> to vector<5000x128xf32>
    %mul3A_73 = arith.mulf %mul3A, %concatenate3A : vector<5000x128xf32>
    %get3A_74 = arith.constant 0 : index
    %get3A_75 = arith.constant 0 : index
    %get3A_76 = vector.load %arg4[%get3A_74, %get3A_75] : memref<1x128xf32, #tpu.memory_space<vmem>>, vector<1x128xf32>
    %add3A_77 = vector.broadcast %get3A_76 : vector<1x128xf32> to vector<5000x128xf32>
    %add3A_78 = arith.addf %mul3A_73, %add3A_77 : vector<5000x128xf32>
    %max3A = arith.constant 0.000000e+00 : f32
    %max3A_79 = vector.broadcast %max3A : f32 to vector<5000x128xf32>
    %max3A_80 = arith.maximumf %add3A_78, %max3A_79 : vector<5000x128xf32>
    %mul3A_81 = vector.broadcast %rsqrt3A_19 : vector<5000x1xf32> to vector<5000x128xf32>
    %mul3A_82 = arith.mulf %mul3A_81, %concatenate3A_72 : vector<5000x128xf32>
    %get3A_83 = arith.constant 0 : index
    %get3A_84 = arith.constant 0 : index
    %get3A_85 = vector.load %arg4[%get3A_83, %get3A_84] : memref<1x128xf32, #tpu.memory_space<vmem>>, vector<1x128xf32>
    %add3A_86 = vector.broadcast %get3A_85 : vector<1x128xf32> to vector<5000x128xf32>
    %add3A_87 = arith.addf %mul3A_82, %add3A_86 : vector<5000x128xf32>
    %max3A_88 = arith.constant 0.000000e+00 : f32
    %max3A_89 = vector.broadcast %max3A_88 : f32 to vector<5000x128xf32>
    %max3A_90 = arith.maximumf %add3A_87, %max3A_89 : vector<5000x128xf32>
    %concatenate3A_91 = tpu.concatenate %max3A_80, %max3A_90 in 1 : vector<5000x128xf32>, vector<5000x128xf32> -> vector<5000x256xf32>
    %swap3A = arith.constant 0 : index
    %swap3A_92 = arith.constant 0 : index
    %swap3A_93 = vector.load %arg5[%swap3A, %swap3A_92] : memref<5000x256xf32, #tpu.memory_space<vmem>>, vector<5000x256xf32>
    tpu.vector_store %arg5[%swap3A, %swap3A_92], %concatenate3A_91 {strides = array<i32>} : memref<5000x256xf32, #tpu.memory_space<vmem>>, vector<5000x256xf32>,
    return
  }
  func.func @transform_0(%arg0: i32) -> (i32, i32, i32) {
    %c0_i32 = arith.constant 0 : i32
    %c0_i32_0 = arith.constant 0 : i32
    %c0_i32_1 = arith.constant 0 : i32
    return %c0_i32, %arg0, %c0_i32_0 : i32, i32, i32
  }
  func.func @transform_1(%arg0: i32) -> (i32, i32, i32) {
    %c0_i32 = arith.constant 0 : i32
    %c0_i32_0 = arith.constant 0 : i32
    %c0_i32_1 = arith.constant 0 : i32
    return %c0_i32, %arg0, %c0_i32_0 : i32, i32, i32
  }
  func.func @transform_2(%arg0: i32) -> (i32, i32, i32) {
    %c0_i32 = arith.constant 0 : i32
    %c0_i32_0 = arith.constant 0 : i32
    %c0_i32_1 = arith.constant 0 : i32
    return %c0_i32, %arg0, %c0_i32_0 : i32, i32, i32
  }
  func.func @transform_3(%arg0: i32) -> (i32, i32) {
    %c0_i32 = arith.constant 0 : i32
    %c0_i32_0 = arith.constant 0 : i32
    %c0_i32_1 = arith.constant 0 : i32
    return %c0_i32, %c0_i32_0 : i32, i32
  }
  func.func @transform_4(%arg0: i32) -> (i32, i32) {
    %c0_i32 = arith.constant 0 : i32
    %c0_i32_0 = arith.constant 0 : i32
    return %arg0, %c0_i32 : i32, i32
  }
}

</mosaic_0001>

<sc_bundles>
// kernel: kernel.10.cloned.1.call-start
scs
__scs_entry_jumppad:
0x0: {  	(pc) =	sbr.rel $0x88, $3  }
0x1: {  	(tag) =	ssettag $0x0;
	lr =	simm.s32 $0x1  }
0x2: {  	[smem:$0x3F99] =	sst lr;
	_ =	strace $0xD0000000  }
0x3: {  	_ = 	snop  }
0x4: {  	_ = 	snop  }
0x5: {  	_ = 	snop  }
0x6: {  	_ = 	snop  }
0x7: {  	_ = 	snop  }
__scs_overlays_trampoline_lowered:
0x8: {  	[smem:$0x3FA8] =	sst s0  }
0x9: {  	[smem:$0x3FA9] =	sst s1  }
0xa: {  	[smem:$0x3FAA] =	sst s2  }
0xb: {  	[smem:$0x3FAB] =	sst s3  }
0xc: {  	[smem:$0x3FAC] =	sst s4  }
0xd: {  	[smem:$0x3FAD] =	sst s5  }
0xe: {  	[smem:$0x3FAE] =	sst s6  }
0xf: {  	[smem:$0x3FAF] =	sst s7  }
0x10: {  	[smem:$0x3FB0] =	sst s8  }
0x11: {  	[smem:$0x3FB1] =	sst s9;
	s0 =	simm.s32 @!p0 $0x0  }
0x12: {  	s1 =	sld [smem:$0x3F97];
	s0 =	simm.s32 @p0 $0x1  }
0x13: {  	[smem:$0x3FB2] =	sst s0;
	s0 =	simm.s32 @!p1 $0x0  }
0x14: {  	s2 =	sld [smem:$0x3F96];
	s0 =	simm.s32 @p1 $0x1  }
0x15: {  	[smem:$0x3FB3] =	sst s0;
	s0 =	simm.s32 @!p2 $0x0  }
0x16: {  	s3 =	sld [smem:$0x3FDB];
	s0 =	simm.s32 @p2 $0x1  }
0x17: {  	s4 =	simm.s32 $0x1BF5;
	[smem:$0x3FB5] =	sst s0  }
0x18: {  	s0 =	sld [smem:$0x3F98];
	_ =	swait.ge [sflag:s4], $0x0  }
0x19: {  	s7 =	sld [smem:$0x3F99]  }
0x1a: {  	s8 =	sadd.s32 $0xFFFFE003, lr  }
0x1b: {  	s9 =	sadd.s32 $0xFFFFFEF7, lr;
	s5 =	simm.s32 $0xFFFFFFFF;
	p2 =	slt.u32 s8, $0xFFFFF086  }
0x1c: {  	p1 =	slt.u32 s9, $0xF7A;
	s5 =	simm.s32 @!p2 $0x0  }
0x1d: {  	s5 =	simm.s32 @p1 $0x1;
	p0 =	seq.s32 s7, s2  }
0x1e: {  	s7 =	smul.u32 @!p0 $0xF7A, s2;
	p2 =	seq.s32 @!p0 s5, $0x0  }
0x1f: {  	s9 =	smul.u32 $0xF7A, s1;
	s8 =	simm.s32 @!p0 $0x1BF5;
	p2 =	por !p2, p0  }
0x20: {  	[sflag:s8] =	ssyncset.s32 @!p0 $0xFFFFF086;
	s6 =	sadd.s32 @!p0 s3, s7;
	s7 =	simm.s32 @!p0 $0x108  }
0x21: {  	s3 =	sadd.s32 s3, s9;
	s6 =	sadd.s32 @!p0 $0x88, s6;
	s7 =	simm.s32 @p2 $0x1082  }
0x22: {  	[simem:s7], [sflag:s8] =	dma.local @!p0 [hbm:s6], $0xF7A  }
0x23: {  	s9 =	sor.u32 $0xD0000000, s2;
	s6 =	simm.s32 $0x108;
	_ =	swait.ge @!p0 [sflag:s8], $0x0  }
0x24: {  	s3 =	sadd.s32 $0x88, s3;
	s6 =	simm.s32 @!p1 $0x1082;
	[sflag:s4] =	ssyncset.s32 $0xFFFFF086  }
0x25: {  	[simem:s6], [sflag:s4] =	dma.local [hbm:s3], $0xF7A  }
0x26: {  	[smem:$0x3F99] =	sst s1;
	(tag) =	ssettag s2;
	_ =	strace s9  }
0x27: {  	s1 =	sld [smem:$0x3FA9]  }
0x28: {  	s2 =	sld [smem:$0x3FAA]  }
0x29: {  	s4 =	sld [smem:$0x3FAC]  }
0x2a: {  	p0 =	seq.s32 s5, $0x0;
	s5 =	sld [smem:$0x3FAD]  }
0x2b: {  	s6 =	sld [smem:$0x3FAE]  }
0x2c: {  	s7 =	sld [smem:$0x3FAF]  }
0x2d: {  	s3 =	simm.s32 $0x108;
	s8 =	sld [smem:$0x3FB0]  }
0x2e: {  	s3 =	simm.s32 @!p0 $0x1082;
	s9 =	sld [smem:$0x3FB1]  }
0x2f: {  	lr =	sadd.s32 s0, s3;
	s0 =	sld [smem:$0x3FA8]  }
0x30: {  	s3 =	sld [smem:$0x3FAB]  }
0x31: {  	[smem:$0x3FB4] =	sst s10  }
0x32: {  	s10 =	sld [smem:$0x3FB2];
	_ =	sdelay $0x3  }
0x33: {  	p0 =	seq.s32 s10, $0x1;
	s10 =	sld [smem:$0x3FB4];
	_ =	sdelay $0x3  }
0x34: {  	[smem:$0x3FB4] =	sst s10  }
0x35: {  	s10 =	sld [smem:$0x3FB3];
	_ =	sdelay $0x3  }
0x36: {  	p1 =	seq.s32 s10, $0x1;
	s10 =	sld [smem:$0x3FB4];
	_ =	sdelay $0x3  }
0x37: {  	[smem:$0x3FB4] =	sst s10  }
0x38: {  	s10 =	sld [smem:$0x3FB5]  }
0x39: {  	_ = 	snop;
	(pc) =	sbr.ind lr, $3  }
0x3a: {  	_ = 	snop  }
0x3b: {  	_ = 	snop  }
0x3c: {  	p2 =	seq.s32 s10, $0x1;
	s10 =	sld [smem:$0x3FB4]  }
0x3d: {  	_ =	shalt  }
0x3e: {  	_ =	shalt  }
0x3f: {  	_ =	shalt  }
0x40: {  	_ =	shalt  }
0x41: {  	_ =	shalt  }
0x42: {  	_ =	shalt  }
0x43: {  	_ =	shalt  }
0x44: {  	_ =	shalt  }
0x45: {  	_ =	shalt  }
0x46: {  	_ =	shalt  }
0x47: {  	_ =	shalt  }
0x48: {  	_ =	shalt  }
0x49: {  	_ =	shalt  }
0x4a: {  	_ =	shalt  }
0x4b: {  	_ =	shalt  }
0x4c: {  	_ =	shalt  }
0x4d: {  	_ =	shalt  }
0x4e: {  	_ =	shalt  }
0x4f: {  	_ =	shalt  }
0x50: {  	_ =	shalt  }
0x51: {  	_ =	shalt  }
0x52: {  	_ =	shalt  }
0x53: {  	_ =	shalt  }
0x54: {  	_ =	shalt  }
0x55: {  	_ =	shalt  }
0x56: {  	_ =	shalt  }
0x57: {  	_ =	shalt  }
0x58: {  	_ =	shalt  }
0x59: {  	_ =	shalt  }
0x5a: {  	_ =	shalt  }
0x5b: {  	_ =	shalt  }
0x5c: {  	_ =	shalt  }
0x5d: {  	_ =	shalt  }
0x5e: {  	_ =	shalt  }
0x5f: {  	_ =	shalt  }
0x60: {  	_ =	shalt  }
0x61: {  	_ =	shalt  }
0x62: {  	_ =	shalt  }
0x63: {  	_ =	shalt  }
0x64: {  	_ =	shalt  }
0x65: {  	_ =	shalt  }
0x66: {  	_ =	shalt  }
0x67: {  	_ =	shalt  }
0x68: {  	_ =	shalt  }
0x69: {  	_ =	shalt  }
0x6a: {  	_ =	shalt  }
0x6b: {  	_ =	shalt  }
0x6c: {  	_ =	shalt  }
0x6d: {  	_ =	shalt  }
0x6e: {  	_ =	shalt  }
0x6f: {  	_ =	shalt  }
0x70: {  	_ =	shalt  }
0x71: {  	_ =	shalt  }
0x72: {  	_ =	shalt  }
0x73: {  	_ =	shalt  }
0x74: {  	_ =	shalt  }
0x75: {  	_ =	shalt  }
0x76: {  	_ =	shalt  }
0x77: {  	_ =	shalt  }
0x78: {  	_ =	shalt  }
0x79: {  	_ =	shalt  }
0x7a: {  	_ =	shalt  }
0x7b: {  	_ =	shalt  }
0x7c: {  	_ =	shalt  }
0x7d: {  	_ =	shalt  }
0x7e: {  	_ =	shalt  }
0x7f: {  	_ =	shalt  }
0x80: {  	_ =	shalt  }
0x81: {  	_ =	shalt  }
0x82: {  	_ =	shalt  }
0x83: {  	_ =	shalt  }
0x84: {  	_ =	shalt  }
0x85: {  	_ =	shalt  }
0x86: {  	_ =	shalt  }
0x87: {  	_ =	shalt  }
.Lfunc_end0:
.L_simem_size_0:
called_computation_lowered:
.L_overlay_start_0:
0x88: {  	s2 =	sld [smem:$0x3FD9]  }
0x89: {  	s3 =	sld [smem:$0x3FFE];
	_ =	sdelay $0x1  }
0x8a: {  	s1 =	srdreg.scid  }
0x8b: {  	s0 =	sand.u32 $0x1, s1  }
0x8c: {  	s17 =	sshll.u32 s0, $0xA;
	s2 =	sadd.s32 s3, s2  }
0x8d: {  	s2 =	sadd.s32 s2, s17  }
0x8e: {  	[smem:$0x3FC0] =	sst s2  }
0x8f: {  	_ = 	snop  }
0x90: {  	s2 =	sld [smem:$0x3FD0];
	(tm) =	ssettm $0x1  }
0x91: {  	s18 =	sld [smem:$0x3FFB];
	_ =	sdelay $0x3  }
0x92: {  	_ =	strace s18  }
0x93: {  	s3 =	sld [smem:$0x3FFC];
	_ =	sdelay $0x3  }
0x94: {  	_ =	strace s3  }
0x95: {  	s3 =	sld [smem:$0x3FFD];
	_ =	sdelay $0x3  }
0x96: {  	_ =	strace s3  }
0x97: {  	_ =	strace $0x8FFFFFFF  }
0x98: {  	s19 =	sld [smem:$0x3FDB];
	_ =	sdelay $0x1  }
0x99: {  	s4 =	simm.s32 $_scs_section_size  }
0x9a: {  	s5 =	simm.s32 $_size__tile_overlayer_lowered;
	s6 =	simm.s32 $_tile_overlayer_lowered  }
0x9b: {  	s22 =	simm.s32 $0x1BFF;
	s21 =	sshll.u32 s6, $0x1;
	s3 =	sadd.s32 s4, s19  }
0x9c: {  	s7 =	simm.s32 $0x0;
	s20 =	sshll.u32 s5, $0x1;
	s5 =	sadd.s32 s21, s3  }
0x9d: {  	[timem:s7], [sflag:s22] =	dma.local [hbm:s5], s20  }
0x9e: {  	_ =	swait.ge [sflag:s22], s20  }
0x9f: {  	s4 =	ssub.s32 $0x0, s20;
	[sflag:s22] =	ssyncset.done $0x0  }
0xa0: {  	[sflag:s22] =	ssyncadd.s32 s4;
	_ =	sdelay $0x1  }
0xa1: {  	s23 =	simm.s32 $0x1B8B  }
0xa2: {  	_ =	swait.ge [sflag:s23], $0x1  }
0xa3: {  	[sflag:s23] =	ssyncset.done $0x0  }
0xa4: {  	s25 =	simm.s32 $0x1B8E;
	s24 =	sld [smem:$0x3FFE];
	[sflag:s23] =	ssyncadd.s32 $0xFFFFFFFF  }
0xa5: {  	s26 =	simm.s32 $execute0_lowered;
	[smem:$0x3FD2] =	sst s25  }
0xa6: {  	s5 =	sshll.u32 s26, $0x1;
	_ =	strace $0x80000046;
	[dreg:$0x1] =	wrdreg $0xFFFFFFFF  }
0xa7: {  	s28 =	simm.s32 $_size_execute0_lowered;
	s3 =	sadd.s32 s3, s5;
	[dreg:$0x0] =	wrdreg $0x0  }
0xa8: {  	s5 =	sshll.u32 s28, $0x1;
	[dreg:$0x2] =	wrdreg s3  }
0xa9: {  	[dreg:$0x3] =	wrdreg s5  }
0xaa: {  	[dreg:$0x4] =	wrdreg $0xC0  }
0xab: {  	_ =	task [dreg:s7], $0x5FFFF  }
0xac: {  	[dreg:$0x1] =	wrdreg $0xFFFFFFFF  }
0xad: {  	[dreg:$0x0] =	wrdreg $0x60  }
0xae: {  	[dreg:$0x2] =	wrdreg s24  }
0xaf: {  	[dreg:$0x3] =	wrdreg s2  }
0xb0: {  	[dreg:$0x4] =	wrdreg $0x58000  }
0xb1: {  	[dreg:$0x5] =	wrdreg $0x9  }
0xb2: {  	_ =	task.clear_ibuf [dreg:s7], $0x6FFFF;
	_ =	strace $0x90000046  }
0xb3: {  	s29 =	simm.s32 $0x9;
	_ =	strace $0x80000048  }
0xb4: {  	_ =	swait.ge [sflag:s29], $0x1  }
0xb5: {  	[sflag:s29] =	ssyncadd.s32 $0xFFFFFFFF  }
0xb6: {  	_ =	strace $0x90000048  }
0xb7: {  	_ =	sfence  }
0xb8: {  	s30 =	sld [smem:$0x0];
	_ =	sdelay $0x2  }
0xb9: {  	s31 =	sshll.u32 s1, $0xD;
	s1 =	sshrl.u32 s1, $0x2  }
0xba: {  	s3 =	sand.u32 $0x4000, s31;
	s1 =	sadd.s32 s1, s30  }
0xbb: {  	s0 =	sor.u32 s3, s0;
	s1 =	sshll.u32 s1, $0x11  }
0xbc: {  	s0 =	sor.u32 s1, s0  }
0xbd: {  	s0 =	sadd.s32 $0x8F2B, s0  }
0xbe: {  	[sflag:s0] =	ssyncadd.remote.s32 $0x1  }
0xbf: {  	_ =	sfence.sel $0xFFFF  }
0xc0: {  	[dreg:$0x0] =	wrdreg $0xFFFFFFFF;
	(pc) =	sbr.abs _section_cstart, $3  }
0xc1: {  	[dreg:$0x1] =	wrdreg $0xFFFFFFFF  }
0xc2: {  	_ =	task.clear_ibuf [dreg:s7], $0x2FFFF;
	_ =	strace $0x9FFFFFFF  }
0xc3: {  	(tm) =	ssettm $0x7FFFFFFF  }
tec
execute0_lowered:
.L_overlay_start_1:
0x0: {  	(tag) =	ssettag $0x1  }
0x1: {  	s6 =	rddreg [dreg:$0x0]  }
0x2: {  	s8 =	rddreg [dreg:$0x1];
	s1 =	srdreg.scid  }
0x3: {  	s0 =	stileid.u32;
	s2 =	rddreg [dreg:$0x2]  }
0x4: {  	s3 =	simm.s32 $0x0;
	s12 =	simm.s32 $0x1800;
	s13 =	simm.s32 $0x2000  }
0x5: {  	s14 =	simm.s32 $0x2800;
	s5 =	sand.u32 $0x1, s1;
	s1 =	rddreg [dreg:$0x3]  }
0x6: {  	s20 =	simm.s32 $0x0;
	s4 =	sshll.u32 s0, $0x1;
	[smem:$0x7FF] =	sst s3  }
0x7: {  	s7 =	smul.u32 $0x2800, s0;
	s4 =	sor.u32 s5, s4;
	_ =	strace $0x80000047  }
0x8: {  	s9 =	ssub.s32 $0x2, s5;
	s10 =	smul.u32 $0x28000, s5;
	s5 =	sadd.s32 $0x17600, s6  }
0x9: {  	s15 =	smul.u32 $0x50, s4;
	s4 =	sadd.s32 $0x3600, s6;
	s11 =	sshrl.u32 s9, $0x1  }
0xa: {  	s6 =	sadd.s32 $0x17800, s6;
	s9 =	ssub.s32 s9, s11;
	s10 =	sadd.s32 s7, s10  }
0xb: {  	s7 =	sadd.s32 s7, s2;
	s11 =	simm.s32 $0x1000;
	s16 =	sadd.s32 $0x10, s15  }
0xc: {  	v4 =	vlaneseq.u32;
	s17 =	sadd.s32 $0x20, s15;
	s18 =	sadd.s32 $0x30, s15;
	s10 =	sshrl.u32 s10, $0x3  }
0xd: {  	s19 =	sadd.s32 $0x40, s15;
	s9 =	smax.u32 s9, $0x1;
	v0 =	vor.u32 s15, v4;
	s15 =	simm.s32 $0x3  }
0xe: {  	vm0 =	vmmov $0xffff;
	s8 =	sadd.s32 s8, s10;
	s10 =	simm.s32 $0x800;
	v1 =	vor.u32 s16, v4;
	s16 =	simm.s32 $0x3000  }
0xf: {  	v2 =	vor.u32 s17, v4;
	s17 =	simm.s32 $0x1;
	v3 =	vor.u32 s18, v4;
	v4 =	vor.u32 s19, v4;
	s18 =	simm.s32 $0x80;
	s19 =	simm.s32 $0x2  }
.LBB2_1:
0x10: {  	_ =	sdelay $0x3  }
0x11: {  	[tilespmem:s3], [sflag:$0x1] =	stream.indirect_vreg.gather [hbm4b:s4+s3], $0x80, v0, vm0, $0xb8;
	[tilespmem:$0x8000] =	vst v63  }
0x12: {  	_ = 	snop  }
0x13: {  	[tilespmem:s10], [sflag:$0x1] =	stream.indirect_vreg.gather [hbm4b:s4+s3], $0x80, v1, vm0, $0xb8;
	[tilespmem:$0x8000] =	vst v63  }
0x14: {  	_ = 	snop  }
0x15: {  	[tilespmem:s11], [sflag:$0x1] =	stream.indirect_vreg.gather [hbm4b:s4+s3], $0x80, v2, vm0, $0xb8;
	[tilespmem:$0x8000] =	vst v63  }
0x16: {  	_ = 	snop  }
0x17: {  	[tilespmem:s12], [sflag:$0x1] =	stream.indirect_vreg.gather [hbm4b:s4+s3], $0x80, v3, vm0, $0xb8;
	[tilespmem:$0x8000] =	vst v63  }
0x18: {  	_ = 	snop  }
0x19: {  	[tilespmem:s13], [sflag:$0x1] =	stream.indirect_vreg.gather [hbm4b:s4+s3], $0x80, v4, vm0, $0xb8;
	[tilespmem:$0x8000] =	vst v63  }
0x1a: {  	_ = 	snop  }
0x1b: {  	[tilespmem:s14], [sflag:$0x3] =	stream.linear.gather [hbm4b:s5+s3], $0x800, $0x38;
	[tilespmem:$0x8000] =	vst v63  }
0x1c: {  	_ =	swait.ge [sflag:s15], $0x800  }
0x1d: {  	[sflag:s15] =	ssyncset.done $0x0  }
0x1e: {  	[sflag:s15] =	ssyncadd.s32 $0xFFFFF800  }
0x1f: {  	[tilespmem:s16], [sflag:$0x3] =	stream.linear.gather [hbm4b:s6+s3], $0x2800, $0x38;
	[tilespmem:$0x8000] =	vst v63  }
0x20: {  	_ =	swait.ge [sflag:s15], $0x2800  }
0x21: {  	[sflag:s15] =	ssyncset.done $0x0  }
0x22: {  	[sflag:s15] =	ssyncadd.s32 $0xFFFFD800  }
0x23: {  	[spmem:s7] =	stream.linear.scatter [tilespmem:s16], [sflag:$0x3], $0x2800, $0x38;
	[tilespmem:$0x8000] =	vst v63  }
0x24: {  	_ =	swait.ge [sflag:s15], $0x2800  }
0x25: {  	[sflag:s15] =	ssyncset.done $0x0  }
0x26: {  	[sflag:s15] =	ssyncadd.s32 $0xFFFFD800  }
0x27: {  	_ =	swait.ge [sflag:s17], $0x2800  }
0x28: {  	[sflag:s17] =	ssyncset.done $0x0  }
0x29: {  	[sflag:s17] =	ssyncadd.s32 $0xFFFFD800  }
0x2a: {  	s21 =	simm.s32 $0x0;
	[bflag:$0x0] =	sbarrier.arrive $0xFFFF  }
.LBB2_2:
0x2b: {  	p0 =	sne.s32 s21, $0x9E00  }
.Ltmp0:
0x2c: {  	_ = 	snop;
	(pc) =	sbr.rel @p0 .LBB2_2-.Ltmp0, $3  }
0x2d: {  	_ =	sdelay $0x1  }
0x2e: {  	s22 =	sshra.s32 s21, $0x2;
	s21 =	sadd.s32 $0x200, s21  }
0x2f: {  	[spmem:s2] =	stream.indirect.scatter.add.f32 [tilespmem:s14], [sflag:$0x2], $0x10, s22, s18, $0xb8;
	[tilespmem:$0x8000] =	vst v63  }
0x30: {  	_ =	swait.ge [sflag:s19], $0x800  }
0x31: {  	s21 =	simm.s32 $0x4F;
	[sflag:s19] =	ssyncset.done $0x0  }
.LBB2_4:
0x32: {  	p0 =	sne.s32 s21, $0x1;
	s21 =	sadd.s32 $0xFFFFFFFF, s21;
	[sflag:s19] =	ssyncadd.s32 $0xFFFFF800  }
.Ltmp1:
0x33: {  	(pc) =	sbr.rel @p0 .LBB2_4-.Ltmp1, $3  }
0x34: {  	_ =	sdelay $0x1  }
0x35: {  	_ =	swait.ge [sflag:s19], $0x800  }
0x36: {  	[sflag:s19] =	ssyncset.done $0x0  }
0x37: {  	[sflag:s19] =	ssyncadd.s32 $0xFFFFF800  }
0x38: {  	[bflag:$0x0] =	sbarrier.arrive $0xFFFF  }
0x39: {  	[tilespmem:s16], [sflag:$0x3] =	stream.linear.gather [spmem:s7], $0x2800, $0x38;
	[tilespmem:$0x8000] =	vst v63  }
0x3a: {  	s20 =	sadd.s32 $0x1, s20;
	_ =	swait.ge [sflag:s15], $0x2800  }
0x3b: {  	p0 =	sne.s32 s20, s9;
	[sflag:s15] =	ssyncset.done $0x0  }
.Ltmp2:
0x3c: {  	[sflag:s15] =	ssyncadd.s32 $0xFFFFD800;
	(pc) =	sbr.rel @p0 .LBB2_1-.Ltmp2, $4  }
0x3d: {  	[hbm4b:s8+s3] =	stream.linear.scatter [tilespmem:s16], [sflag:$0x3], $0x2800, $0x38;
	[tilespmem:$0x8000] =	vst v63  }
0x3e: {  	_ =	swait.ge [sflag:s15], $0x2800  }
0x3f: {  	[sflag:s15] =	ssyncset.done $0x0  }
0x40: {  	[sflag:s15] =	ssyncadd.s32 $0xFFFFD800  }
0x41: {  	_ =	sfence.sel $0x180000  }
0x42: {  	[bflag:$0x0] =	sbarrier.arrive $0xFFFF  }
0x43: {  	p0 =	sne.s32 s0, $0x0;
	_ =	strace $0x90000047  }
0x44: {  	s0 =	sadd.s32 @!p0 $0x100000, s1;
	[bflag:$0x2] =	sbarrier.arrive $0xFFFF  }
0x45: {  	[sflag:s0] =	ssyncadd.tile.s32 @!p0 $0x1;
	_ =	shalt  }
.Lfunc_end2:
_tile_overlayer_lowered:
.L_overlay_start_2:
0x46: {  	(tag) =	ssettag $0x2  }
0x47: {  	s0 =	rddreg [dreg:$0x0];
	s2 =	stileid.u32  }
0x48: {  	s1 =	rddreg [dreg:$0x1];
	p0 =	sne.s32 s2, $0x0  }
0x49: {  	s3 =	rddreg [dreg:$0x2];
	[bflag:$0x3] =	sbarrier.arrive $0xFFFF;
	s2 =	simm.s32 @!p0 $0x1C03  }
0x4a: {  	[timem:s3], [sflag:s2] =	dma.local @!p0 [hbm:s0], s1  }
0x4b: {  	s0 =	simm.s32 @!p0 $0x3  }
0x4c: {  	_ =	swait.ge @!p0 [sflag:s0], s1  }
0x4d: {  	s1 =	ssub.s32 @!p0 $0x0, s1;
	[sflag:s0] =	ssyncset.done @!p0 $0x0  }
0x4e: {  	[sflag:s0] =	ssyncadd.s32 @!p0 s1  }
0x4f: {  	[bflag:$0x3] =	sbarrier.arrive $0xFFFF  }
0x50: {  	_ =	shalt  }

// kernel: kernel.13.cloned.1.call-start
scs
__scs_entry_jumppad:
0x0: {  	(pc) =	sbr.rel $0x88, $3  }
0x1: {  	(tag) =	ssettag $0x0;
	lr =	simm.s32 $0x1  }
0x2: {  	[smem:$0x3F99] =	sst lr;
	_ =	strace $0xD0000000  }
0x3: {  	_ = 	snop  }
0x4: {  	_ = 	snop  }
0x5: {  	_ = 	snop  }
0x6: {  	_ = 	snop  }
0x7: {  	_ = 	snop  }
__scs_overlays_trampoline_lowered:
0x8: {  	[smem:$0x3FA8] =	sst s0  }
0x9: {  	[smem:$0x3FA9] =	sst s1  }
0xa: {  	[smem:$0x3FAA] =	sst s2  }
0xb: {  	[smem:$0x3FAB] =	sst s3  }
0xc: {  	[smem:$0x3FAC] =	sst s4  }
0xd: {  	[smem:$0x3FAD] =	sst s5  }
0xe: {  	[smem:$0x3FAE] =	sst s6  }
0xf: {  	[smem:$0x3FAF] =	sst s7  }
0x10: {  	[smem:$0x3FB0] =	sst s8  }
0x11: {  	[smem:$0x3FB1] =	sst s9;
	s0 =	simm.s32 @!p0 $0x0  }
0x12: {  	s1 =	sld [smem:$0x3F97];
	s0 =	simm.s32 @p0 $0x1  }
0x13: {  	[smem:$0x3FB2] =	sst s0;
	s0 =	simm.s32 @!p1 $0x0  }
0x14: {  	s2 =	sld [smem:$0x3F96];
	s0 =	simm.s32 @p1 $0x1  }
0x15: {  	[smem:$0x3FB3] =	sst s0;
	s0 =	simm.s32 @!p2 $0x0  }
0x16: {  	s3 =	sld [smem:$0x3FDB];
	s0 =	simm.s32 @p2 $0x1  }
0x17: {  	s4 =	simm.s32 $0x1BF5;
	[smem:$0x3FB5] =	sst s0  }
0x18: {  	s0 =	sld [smem:$0x3F98];
	_ =	swait.ge [sflag:s4], $0x0  }
0x19: {  	s7 =	sld [smem:$0x3F99]  }
0x1a: {  	s8 =	sadd.s32 $0xFFFFE003, lr  }
0x1b: {  	s9 =	sadd.s32 $0xFFFFFEF7, lr;
	s5 =	simm.s32 $0xFFFFFFFF;
	p2 =	slt.u32 s8, $0xFFFFF086  }
0x1c: {  	p1 =	slt.u32 s9, $0xF7A;
	s5 =	simm.s32 @!p2 $0x0  }
0x1d: {  	s5 =	simm.s32 @p1 $0x1;
	p0 =	seq.s32 s7, s2  }
0x1e: {  	s7 =	smul.u32 @!p0 $0xF7A, s2;
	p2 =	seq.s32 @!p0 s5, $0x0  }
0x1f: {  	s9 =	smul.u32 $0xF7A, s1;
	s8 =	simm.s32 @!p0 $0x1BF5;
	p2 =	por !p2, p0  }
0x20: {  	[sflag:s8] =	ssyncset.s32 @!p0 $0xFFFFF086;
	s6 =	sadd.s32 @!p0 s3, s7;
	s7 =	simm.s32 @!p0 $0x108  }
0x21: {  	s3 =	sadd.s32 s3, s9;
	s6 =	sadd.s32 @!p0 $0x88, s6;
	s7 =	simm.s32 @p2 $0x1082  }
0x22: {  	[simem:s7], [sflag:s8] =	dma.local @!p0 [hbm:s6], $0xF7A  }
0x23: {  	s9 =	sor.u32 $0xD0000000, s2;
	s6 =	simm.s32 $0x108;
	_ =	swait.ge @!p0 [sflag:s8], $0x0  }
0x24: {  	s3 =	sadd.s32 $0x88, s3;
	s6 =	simm.s32 @!p1 $0x1082;
	[sflag:s4] =	ssyncset.s32 $0xFFFFF086  }
0x25: {  	[simem:s6], [sflag:s4] =	dma.local [hbm:s3], $0xF7A  }
0x26: {  	[smem:$0x3F99] =	sst s1;
	(tag) =	ssettag s2;
	_ =	strace s9  }
0x27: {  	s1 =	sld [smem:$0x3FA9]  }
0x28: {  	s2 =	sld [smem:$0x3FAA]  }
0x29: {  	s4 =	sld [smem:$0x3FAC]  }
0x2a: {  	p0 =	seq.s32 s5, $0x0;
	s5 =	sld [smem:$0x3FAD]  }
0x2b: {  	s6 =	sld [smem:$0x3FAE]  }
0x2c: {  	s7 =	sld [smem:$0x3FAF]  }
0x2d: {  	s3 =	simm.s32 $0x108;
	s8 =	sld [smem:$0x3FB0]  }
0x2e: {  	s3 =	simm.s32 @!p0 $0x1082;
	s9 =	sld [smem:$0x3FB1]  }
0x2f: {  	lr =	sadd.s32 s0, s3;
	s0 =	sld [smem:$0x3FA8]  }
0x30: {  	s3 =	sld [smem:$0x3FAB]  }
0x31: {  	[smem:$0x3FB4] =	sst s10  }
0x32: {  	s10 =	sld [smem:$0x3FB2];
	_ =	sdelay $0x3  }
0x33: {  	p0 =	seq.s32 s10, $0x1;
	s10 =	sld [smem:$0x3FB4];
	_ =	sdelay $0x3  }
0x34: {  	[smem:$0x3FB4] =	sst s10  }
0x35: {  	s10 =	sld [smem:$0x3FB3];
	_ =	sdelay $0x3  }
0x36: {  	p1 =	seq.s32 s10, $0x1;
	s10 =	sld [smem:$0x3FB4];
	_ =	sdelay $0x3  }
0x37: {  	[smem:$0x3FB4] =	sst s10  }
0x38: {  	s10 =	sld [smem:$0x3FB5]  }
0x39: {  	_ = 	snop;
	(pc) =	sbr.ind lr, $3  }
0x3a: {  	_ = 	snop  }
0x3b: {  	_ = 	snop  }
0x3c: {  	p2 =	seq.s32 s10, $0x1;
	s10 =	sld [smem:$0x3FB4]  }
0x3d: {  	_ =	shalt  }
0x3e: {  	_ =	shalt  }
0x3f: {  	_ =	shalt  }
0x40: {  	_ =	shalt  }
0x41: {  	_ =	shalt  }
0x42: {  	_ =	shalt  }
0x43: {  	_ =	shalt  }
0x44: {  	_ =	shalt  }
0x45: {  	_ =	shalt  }
0x46: {  	_ =	shalt  }
0x47: {  	_ =	shalt  }
0x48: {  	_ =	shalt  }
0x49: {  	_ =	shalt  }
0x4a: {  	_ =	shalt  }
0x4b: {  	_ =	shalt  }
0x4c: {  	_ =	shalt  }
0x4d: {  	_ =	shalt  }
0x4e: {  	_ =	shalt  }
0x4f: {  	_ =	shalt  }
0x50: {  	_ =	shalt  }
0x51: {  	_ =	shalt  }
0x52: {  	_ =	shalt  }
0x53: {  	_ =	shalt  }
0x54: {  	_ =	shalt  }
0x55: {  	_ =	shalt  }
0x56: {  	_ =	shalt  }
0x57: {  	_ =	shalt  }
0x58: {  	_ =	shalt  }
0x59: {  	_ =	shalt  }
0x5a: {  	_ =	shalt  }
0x5b: {  	_ =	shalt  }
0x5c: {  	_ =	shalt  }
0x5d: {  	_ =	shalt  }
0x5e: {  	_ =	shalt  }
0x5f: {  	_ =	shalt  }
0x60: {  	_ =	shalt  }
0x61: {  	_ =	shalt  }
0x62: {  	_ =	shalt  }
0x63: {  	_ =	shalt  }
0x64: {  	_ =	shalt  }
0x65: {  	_ =	shalt  }
0x66: {  	_ =	shalt  }
0x67: {  	_ =	shalt  }
0x68: {  	_ =	shalt  }
0x69: {  	_ =	shalt  }
0x6a: {  	_ =	shalt  }
0x6b: {  	_ =	shalt  }
0x6c: {  	_ =	shalt  }
0x6d: {  	_ =	shalt  }
0x6e: {  	_ =	shalt  }
0x6f: {  	_ =	shalt  }
0x70: {  	_ =	shalt  }
0x71: {  	_ =	shalt  }
0x72: {  	_ =	shalt  }
0x73: {  	_ =	shalt  }
0x74: {  	_ =	shalt  }
0x75: {  	_ =	shalt  }
0x76: {  	_ =	shalt  }
0x77: {  	_ =	shalt  }
0x78: {  	_ =	shalt  }
0x79: {  	_ =	shalt  }
0x7a: {  	_ =	shalt  }
0x7b: {  	_ =	shalt  }
0x7c: {  	_ =	shalt  }
0x7d: {  	_ =	shalt  }
0x7e: {  	_ =	shalt  }
0x7f: {  	_ =	shalt  }
0x80: {  	_ =	shalt  }
0x81: {  	_ =	shalt  }
0x82: {  	_ =	shalt  }
0x83: {  	_ =	shalt  }
0x84: {  	_ =	shalt  }
0x85: {  	_ =	shalt  }
0x86: {  	_ =	shalt  }
0x87: {  	_ =	shalt  }
.Lfunc_end0:
.L_simem_size_0:
called_computation.1_lowered:
.L_overlay_start_0:
0x88: {  	s2 =	sld [smem:$0x3FD9]  }
0x89: {  	s3 =	sld [smem:$0x3FFE];
	_ =	sdelay $0x1  }
0x8a: {  	s1 =	srdreg.scid  }
0x8b: {  	s0 =	sand.u32 $0x1, s1  }
0x8c: {  	s17 =	sshll.u32 s0, $0xA;
	s2 =	sadd.s32 s3, s2  }
0x8d: {  	s2 =	sadd.s32 s2, s17  }
0x8e: {  	[smem:$0x3FC0] =	sst s2  }
0x8f: {  	_ = 	snop  }
0x90: {  	s2 =	sld [smem:$0x3FD0];
	(tm) =	ssettm $0x1  }
0x91: {  	s18 =	sld [smem:$0x3FFB];
	_ =	sdelay $0x3  }
0x92: {  	_ =	strace s18  }
0x93: {  	s3 =	sld [smem:$0x3FFC];
	_ =	sdelay $0x3  }
0x94: {  	_ =	strace s3  }
0x95: {  	s3 =	sld [smem:$0x3FFD];
	_ =	sdelay $0x3  }
0x96: {  	_ =	strace s3  }
0x97: {  	_ =	strace $0x8FFFFFFF  }
0x98: {  	s19 =	sld [smem:$0x3FDB];
	_ =	sdelay $0x1  }
0x99: {  	s4 =	simm.s32 $_scs_section_size  }
0x9a: {  	s5 =	simm.s32 $_size__tile_overlayer_lowered;
	s6 =	simm.s32 $_tile_overlayer_lowered  }
0x9b: {  	s22 =	simm.s32 $0x1BFF;
	s21 =	sshll.u32 s6, $0x1;
	s3 =	sadd.s32 s4, s19  }
0x9c: {  	s7 =	simm.s32 $0x0;
	s20 =	sshll.u32 s5, $0x1;
	s5 =	sadd.s32 s21, s3  }
0x9d: {  	[timem:s7], [sflag:s22] =	dma.local [hbm:s5], s20  }
0x9e: {  	_ =	swait.ge [sflag:s22], s20  }
0x9f: {  	s4 =	ssub.s32 $0x0, s20;
	[sflag:s22] =	ssyncset.done $0x0  }
0xa0: {  	[sflag:s22] =	ssyncadd.s32 s4;
	_ =	sdelay $0x1  }
0xa1: {  	s23 =	simm.s32 $0x1B8B  }
0xa2: {  	_ =	swait.ge [sflag:s23], $0x1  }
0xa3: {  	[sflag:s23] =	ssyncset.done $0x0  }
0xa4: {  	s25 =	simm.s32 $0x1B8E;
	s24 =	sld [smem:$0x3FFE];
	[sflag:s23] =	ssyncadd.s32 $0xFFFFFFFF  }
0xa5: {  	s26 =	simm.s32 $execute0_lowered;
	[smem:$0x3FD2] =	sst s25  }
0xa6: {  	s5 =	sshll.u32 s26, $0x1;
	_ =	strace $0x80000049;
	[dreg:$0x1] =	wrdreg $0xFFFFFFFF  }
0xa7: {  	s28 =	simm.s32 $_size_execute0_lowered;
	s3 =	sadd.s32 s3, s5;
	[dreg:$0x0] =	wrdreg $0x0  }
0xa8: {  	s5 =	sshll.u32 s28, $0x1;
	[dreg:$0x2] =	wrdreg s3  }
0xa9: {  	[dreg:$0x3] =	wrdreg s5  }
0xaa: {  	[dreg:$0x4] =	wrdreg $0xC0  }
0xab: {  	_ =	task [dreg:s7], $0x5FFFF  }
0xac: {  	[dreg:$0x1] =	wrdreg $0xFFFFFFFF  }
0xad: {  	[dreg:$0x0] =	wrdreg $0x60  }
0xae: {  	[dreg:$0x2] =	wrdreg s24  }
0xaf: {  	[dreg:$0x3] =	wrdreg s2  }
0xb0: {  	[dreg:$0x4] =	wrdreg $0xD0000  }
0xb1: {  	[dreg:$0x5] =	wrdreg $0x9  }
0xb2: {  	_ =	task.clear_ibuf [dreg:s7], $0x6FFFF;
	_ =	strace $0x90000049  }
0xb3: {  	s29 =	simm.s32 $0x9;
	_ =	strace $0x8000004B  }
0xb4: {  	_ =	swait.ge [sflag:s29], $0x1  }
0xb5: {  	[sflag:s29] =	ssyncadd.s32 $0xFFFFFFFF  }
0xb6: {  	_ =	strace $0x9000004B  }
0xb7: {  	_ =	sfence  }
0xb8: {  	s30 =	sld [smem:$0x0];
	_ =	sdelay $0x2  }
0xb9: {  	s31 =	sshll.u32 s1, $0xD;
	s1 =	sshrl.u32 s1, $0x2  }
0xba: {  	s3 =	sand.u32 $0x4000, s31;
	s1 =	sadd.s32 s1, s30  }
0xbb: {  	s0 =	sor.u32 s3, s0;
	s1 =	sshll.u32 s1, $0x11  }
0xbc: {  	s0 =	sor.u32 s1, s0  }
0xbd: {  	s0 =	sadd.s32 $0x8F2B, s0  }
0xbe: {  	[sflag:s0] =	ssyncadd.remote.s32 $0x1  }
0xbf: {  	_ =	sfence.sel $0xFFFF  }
0xc0: {  	[dreg:$0x0] =	wrdreg $0xFFFFFFFF;
	(pc) =	sbr.abs _section_cstart, $3  }
0xc1: {  	[dreg:$0x1] =	wrdreg $0xFFFFFFFF  }
0xc2: {  	_ =	task.clear_ibuf [dreg:s7], $0x2FFFF;
	_ =	strace $0x9FFFFFFF  }
0xc3: {  	(tm) =	ssettm $0x7FFFFFFF  }
tec
execute0_lowered:
.L_overlay_start_1:
0x0: {  	(tag) =	ssettag $0x1  }
0x1: {  	s0 =	rddreg [dreg:$0x0]  }
0x2: {  	s1 =	rddreg [dreg:$0x1]  }
0x3: {  	s3 =	rddreg [dreg:$0x2]  }
0x4: {  	s4 =	simm.s32 $0x0;
	s2 =	srdreg.scid;
	s12 =	stileid.u32  }
0x5: {  	s21 =	simm.s32 $0xB;
	s22 =	simm.s32 $0x1;
	s29 =	simm.s32 $0x9000  }
0x6: {  	s31 =	simm.s32 $0xB000;
	s13 =	simm.s32 $0x7;
	s14 =	simm.s32 $0x8  }
0x7: {  	s15 =	simm.s32 $0x9;
	s30 =	simm.s32 $0x0;
	[smem:$0x7FF] =	sst s4  }
0x8: {  	s2 =	sand.u32 $0x1, s2;
	s8 =	smul.u32 $0xA000, s12;
	s5 =	sadd.s32 $0xD600, s0  }
0x9: {  	s6 =	sadd.s32 $0x3600, s0;
	s9 =	sshll.u32 s12, $0x1;
	s26 =	sshll.u32 s12, $0x6  }
0xa: {  	s12 =	simm.s32 $0x6;
	_ =	strace $0x8000004A;
	s10 =	ssub.s32 $0x2, s2  }
0xb: {  	s7 =	smul.u32 $0xA0000, s2;
	s2 =	sor.u32 s2, s9;
	s11 =	sshrl.u32 s10, $0x1  }
0xc: {  	s16 =	smul.u32 $0x50, s2;
	s25 =	sadd.s32 s8, s3;
	s2 =	simm.s32 $0x4  }
0xd: {  	s7 =	sadd.s32 s8, s7;
	s24 =	ssub.s32 s10, s11;
	s8 =	sor.u32 $0x1C0B, s26  }
0xe: {  	s20 =	sshrl.u32 s25, $0x3;
	s25 =	simm.s32 $0x5000;
	s26 =	simm.s32 $0x7000  }
0xf: {  	s11 =	simm.s32 $0x5;
	s23 =	sshrl.u32 s7, $0x3;
	s7 =	sadd.s32 $0x17600, s0  }
0x10: {  	s17 =	sadd.s32 $0x10, s16;
	s18 =	sadd.s32 $0x20, s16;
	s19 =	sadd.s32 $0x30, s16  }
0x11: {  	v4 =	vlaneseq.u32;
	s28 =	sadd.s32 $0x40, s16;
	s10 =	smax.u32 s24, $0x1;
	s24 =	simm.s32 $0x80  }
0x12: {  	vm0 =	vmmov $0xffff;
	v0 =	vor.u32 s16, v4;
	s16 =	simm.s32 $0xA;
	s0 =	sadd.s32 s23, s0;
	s23 =	simm.s32 $0x2;
	v1 =	vor.u32 s17, v4  }
0x13: {  	v2 =	vor.u32 s18, v4;
	v3 =	vor.u32 s19, v4;
	v4 =	vor.u32 s28, v4;
	s28 =	simm.s32 $0x4F80;
	s9 =	sadd.s32 $0x18A00, s0;
	s0 =	simm.s32 $0x3  }
.LBB2_1:
0x14: {  	_ =	sdelay $0x3  }
0x15: {  	[tilespmem:s4], [sflag:$0x1] =	stream.indirect_vreg.gather [hbm4b:s5+s4], $0x80, v0, vm0, $0xb8;
	[tilespmem:$0x17000] =	vst v63  }
0x16: {  	s17 =	simm.s32 $0x2800  }
0x17: {  	[tilespmem:s17], [sflag:$0x2] =	stream.indirect_vreg.gather [hbm4b:s6+s4], $0x80, v0, vm0, $0xb8;
	[tilespmem:$0x17000] =	vst v63  }
0x18: {  	s19 =	simm.s32 $0x800  }
0x19: {  	[tilespmem:s19], [sflag:$0x1] =	stream.indirect_vreg.gather [hbm4b:s5+s4], $0x80, v1, vm0, $0xb8;
	[tilespmem:$0x17000] =	vst v63  }
0x1a: {  	s18 =	simm.s32 $0x3000  }
0x1b: {  	[tilespmem:s18], [sflag:$0x2] =	stream.indirect_vreg.gather [hbm4b:s6+s4], $0x80, v1, vm0, $0xb8;
	[tilespmem:$0x17000] =	vst v63  }
0x1c: {  	s19 =	simm.s32 $0x1000  }
0x1d: {  	[tilespmem:s19], [sflag:$0x1] =	stream.indirect_vreg.gather [hbm4b:s5+s4], $0x80, v2, vm0, $0xb8;
	[tilespmem:$0x17000] =	vst v63  }
0x1e: {  	s18 =	simm.s32 $0x3800  }
0x1f: {  	[tilespmem:s18], [sflag:$0x2] =	stream.indirect_vreg.gather [hbm4b:s6+s4], $0x80, v2, vm0, $0xb8;
	[tilespmem:$0x17000] =	vst v63  }
0x20: {  	s19 =	simm.s32 $0x1800  }
0x21: {  	[tilespmem:s19], [sflag:$0x1] =	stream.indirect_vreg.gather [hbm4b:s5+s4], $0x80, v3, vm0, $0xb8;
	[tilespmem:$0x17000] =	vst v63  }
0x22: {  	s18 =	simm.s32 $0x4000  }
0x23: {  	[tilespmem:s18], [sflag:$0x2] =	stream.indirect_vreg.gather [hbm4b:s6+s4], $0x80, v3, vm0, $0xb8;
	[tilespmem:$0x17000] =	vst v63  }
0x24: {  	s19 =	simm.s32 $0x2000  }
0x25: {  	[tilespmem:s19], [sflag:$0x1] =	stream.indirect_vreg.gather [hbm4b:s5+s4], $0x80, v4, vm0, $0xb8;
	[tilespmem:$0x17000] =	vst v63  }
0x26: {  	s18 =	simm.s32 $0x4800  }
0x27: {  	[tilespmem:s18], [sflag:$0x2] =	stream.indirect_vreg.gather [hbm4b:s6+s4], $0x80, v4, vm0, $0xb8;
	[tilespmem:$0x17000] =	vst v63  }
0x28: {  	[spmem:s20], [sflag:s8] =	dma.local [hbm:s7], $0x1400  }
0x29: {  	_ =	swait.ge [sflag:s21], $0x1400  }
0x2a: {  	[sflag:s21] =	ssyncset.done $0x0  }
0x2b: {  	[sflag:s21] =	ssyncadd.s32 $0xFFFFEC00  }
0x2c: {  	_ =	swait.ge [sflag:s22], $0x2800  }
0x2d: {  	[sflag:s22] =	ssyncset.done $0x0  }
0x2e: {  	[sflag:s22] =	ssyncadd.s32 $0xFFFFD800  }
0x2f: {  	_ =	swait.ge [sflag:s23], $0x2800  }
0x30: {  	[sflag:s23] =	ssyncset.done $0x0  }
0x31: {  	[sflag:s23] =	ssyncadd.s32 $0xFFFFD800  }
0x32: {  	[bflag:$0x0] =	sbarrier.arrive $0xFFFF  }
0x33: {  	[tilespmem:s25], [sflag:$0x3] =	stream.indirect.gather [hbm4b:s1+s24], $0x40, s4, s24, $0xb8;
	[tilespmem:$0x17000] =	vst v63  }
0x34: {  	_ = 	snop  }
0x35: {  	[tilespmem:s26], [sflag:$0x4] =	stream.indirect.gather [hbm4b:s1+s24], $0x40, s24, s24, $0xb8;
	[tilespmem:$0x17000] =	vst v63  }
0x36: {  	s19 =	simm.s32 $0x100  }
0x37: {  	[tilespmem:s29], [sflag:$0x5] =	stream.indirect.gather [hbm4b:s1+s24], $0x40, s19, s24, $0xb8;
	[tilespmem:$0x17000] =	vst v63  }
0x38: {  	s18 =	simm.s32 $0x180  }
0x39: {  	[tilespmem:s31], [sflag:$0x6] =	stream.indirect.gather [hbm4b:s1+s24], $0x40, s18, s24, $0xb8;
	[tilespmem:$0x17000] =	vst v63  }
0x3a: {  	_ =	swait.ge [sflag:s0], $0x2000  }
0x3b: {  	[sflag:s0] =	ssyncset.done $0x0  }
0x3c: {  	s19 =	simm.s32 $0x2800;
	[sflag:s0] =	ssyncadd.s32 $0xFFFFE000  }
0x3d: {  	[spmem:s3] =	stream.indirect.scatter.add.f32 [tilespmem:s25], [sflag:$0x7], $0x40, s19, s24, $0xb8;
	[tilespmem:$0x17000] =	vst v63  }
0x3e: {  	_ =	swait.ge [sflag:s2], $0x2000  }
0x3f: {  	[sflag:s2] =	ssyncset.done $0x0  }
0x40: {  	s18 =	simm.s32 $0x2880;
	[sflag:s2] =	ssyncadd.s32 $0xFFFFE000  }
0x41: {  	[spmem:s3] =	stream.indirect.scatter.add.f32 [tilespmem:s26], [sflag:$0x8], $0x40, s18, s24, $0xb8;
	[tilespmem:$0x17000] =	vst v63  }
0x42: {  	_ =	swait.ge [sflag:s11], $0x2000  }
0x43: {  	[sflag:s11] =	ssyncset.done $0x0  }
0x44: {  	s19 =	simm.s32 $0x2900;
	[sflag:s11] =	ssyncadd.s32 $0xFFFFE000  }
0x45: {  	[spmem:s3] =	stream.indirect.scatter.add.f32 [tilespmem:s29], [sflag:$0x9], $0x40, s19, s24, $0xb8;
	[tilespmem:$0x17000] =	vst v63  }
0x46: {  	_ =	swait.ge [sflag:s12], $0x2000  }
0x47: {  	[sflag:s12] =	ssyncset.done $0x0  }
0x48: {  	s18 =	simm.s32 $0x2980;
	[sflag:s12] =	ssyncadd.s32 $0xFFFFE000  }
0x49: {  	[spmem:s3] =	stream.indirect.scatter.add.f32 [tilespmem:s31], [sflag:$0xA], $0x40, s18, s24, $0xb8;
	[tilespmem:$0x17000] =	vst v63  }
0x4a: {  	_ =	swait.ge [sflag:s13], $0x2000  }
0x4b: {  	[sflag:s13] =	ssyncset.done $0x0  }
0x4c: {  	s19 =	simm.s32 $0x200;
	[sflag:s13] =	ssyncadd.s32 $0xFFFFE000  }
0x4d: {  	[tilespmem:s25], [sflag:$0x3] =	stream.indirect.gather [hbm4b:s1+s24], $0x40, s19, s24, $0xb8;
	[tilespmem:$0x17000] =	vst v63  }
0x4e: {  	_ =	swait.ge [sflag:s14], $0x2000  }
0x4f: {  	[sflag:s14] =	ssyncset.done $0x0  }
0x50: {  	s18 =	simm.s32 $0x280;
	[sflag:s14] =	ssyncadd.s32 $0xFFFFE000  }
0x51: {  	[tilespmem:s26], [sflag:$0x4] =	stream.indirect.gather [hbm4b:s1+s24], $0x40, s18, s24, $0xb8;
	[tilespmem:$0x17000] =	vst v63  }
0x52: {  	_ =	swait.ge [sflag:s15], $0x2000  }
0x53: {  	[sflag:s15] =	ssyncset.done $0x0  }
0x54: {  	s19 =	simm.s32 $0x300;
	[sflag:s15] =	ssyncadd.s32 $0xFFFFE000  }
0x55: {  	[tilespmem:s29], [sflag:$0x5] =	stream.indirect.gather [hbm4b:s1+s24], $0x40, s19, s24, $0xb8;
	[tilespmem:$0x17000] =	vst v63  }
0x56: {  	_ =	swait.ge [sflag:s16], $0x2000  }
0x57: {  	[sflag:s16] =	ssyncset.done $0x0  }
0x58: {  	s17 =	simm.s32 $0x800;
	s18 =	simm.s32 $0x380;
	[sflag:s16] =	ssyncadd.s32 $0xFFFFE000  }
.LBB2_2:
0x59: {  	[tilespmem:s31], [sflag:$0x6] =	stream.indirect.gather [hbm4b:s1+s24], $0x40, s18, s24, $0xb8;
	[tilespmem:$0x17000] =	vst v63  }
0x5a: {  	s18 =	smov.u32 s17  }
0x5b: {  	p0 =	sne.s32 s17, $0x9000;
	s17 =	sadd.s32 $0x800, s17;
	_ =	swait.ge [sflag:s0], $0x2000  }
0x5c: {  	s18 =	sshra.s32 s18, $0x2;
	[sflag:s0] =	ssyncset.done $0x0  }
0x5d: {  	s19 =	sadd.s32 $0x2800, s18;
	[sflag:s0] =	ssyncadd.s32 $0xFFFFE000  }
0x5e: {  	[spmem:s3] =	stream.indirect.scatter.add.f32 [tilespmem:s25], [sflag:$0x7], $0x40, s19, s24, $0xb8;
	[tilespmem:$0x17000] =	vst v63  }
0x5f: {  	_ =	swait.ge [sflag:s2], $0x2000  }
0x60: {  	[sflag:s2] =	ssyncset.done $0x0  }
0x61: {  	s19 =	sadd.s32 $0x2880, s18;
	[sflag:s2] =	ssyncadd.s32 $0xFFFFE000  }
0x62: {  	[spmem:s3] =	stream.indirect.scatter.add.f32 [tilespmem:s26], [sflag:$0x8], $0x40, s19, s24, $0xb8;
	[tilespmem:$0x17000] =	vst v63  }
0x63: {  	_ =	swait.ge [sflag:s11], $0x2000  }
0x64: {  	[sflag:s11] =	ssyncset.done $0x0  }
0x65: {  	s19 =	sadd.s32 $0x2900, s18;
	[sflag:s11] =	ssyncadd.s32 $0xFFFFE000  }
0x66: {  	[spmem:s3] =	stream.indirect.scatter.add.f32 [tilespmem:s29], [sflag:$0x9], $0x40, s19, s24, $0xb8;
	[tilespmem:$0x17000] =	vst v63  }
0x67: {  	_ =	swait.ge [sflag:s12], $0x2000  }
0x68: {  	[sflag:s12] =	ssyncset.done $0x0  }
0x69: {  	s19 =	sadd.s32 $0x2980, s18;
	[sflag:s12] =	ssyncadd.s32 $0xFFFFE000  }
0x6a: {  	[spmem:s3] =	stream.indirect.scatter.add.f32 [tilespmem:s31], [sflag:$0xA], $0x40, s19, s24, $0xb8;
	[tilespmem:$0x17000] =	vst v63  }
0x6b: {  	_ =	swait.ge [sflag:s13], $0x2000  }
0x6c: {  	[sflag:s13] =	ssyncset.done $0x0  }
0x6d: {  	s19 =	sadd.s32 $0x200, s18;
	[sflag:s13] =	ssyncadd.s32 $0xFFFFE000  }
0x6e: {  	[tilespmem:s25], [sflag:$0x3] =	stream.indirect.gather [hbm4b:s1+s24], $0x40, s19, s24, $0xb8;
	[tilespmem:$0x17000] =	vst v63  }
0x6f: {  	_ =	swait.ge [sflag:s14], $0x2000  }
0x70: {  	[sflag:s14] =	ssyncset.done $0x0  }
0x71: {  	s19 =	sadd.s32 $0x280, s18;
	[sflag:s14] =	ssyncadd.s32 $0xFFFFE000  }
0x72: {  	[tilespmem:s26], [sflag:$0x4] =	stream.indirect.gather [hbm4b:s1+s24], $0x40, s19, s24, $0xb8;
	[tilespmem:$0x17000] =	vst v63  }
0x73: {  	_ =	swait.ge [sflag:s15], $0x2000  }
0x74: {  	[sflag:s15] =	ssyncset.done $0x0  }
.Ltmp0:
0x75: {  	s19 =	sadd.s32 $0x300, s18;
	[sflag:s15] =	ssyncadd.s32 $0xFFFFE000;
	(pc) =	sbr.rel @p0 .LBB2_2-.Ltmp0, $4  }
0x76: {  	[tilespmem:s29], [sflag:$0x5] =	stream.indirect.gather [hbm4b:s1+s24], $0x40, s19, s24, $0xb8;
	[tilespmem:$0x17000] =	vst v63  }
0x77: {  	_ =	swait.ge [sflag:s16], $0x2000  }
0x78: {  	[sflag:s16] =	ssyncset.done $0x0  }
0x79: {  	s18 =	sadd.s32 $0x380, s18;
	[sflag:s16] =	ssyncadd.s32 $0xFFFFE000  }
0x7a: {  	[tilespmem:s31], [sflag:$0x6] =	stream.indirect.gather [hbm4b:s1+s24], $0x40, s18, s24, $0xb8;
	[tilespmem:$0x17000] =	vst v63  }
0x7b: {  	_ =	swait.ge [sflag:s0], $0x2000  }
0x7c: {  	[sflag:s0] =	ssyncset.done $0x0  }
0x7d: {  	s17 =	simm.s32 $0x4E00;
	[sflag:s0] =	ssyncadd.s32 $0xFFFFE000  }
0x7e: {  	[spmem:s3] =	stream.indirect.scatter.add.f32 [tilespmem:s25], [sflag:$0x7], $0x40, s17, s24, $0xb8;
	[tilespmem:$0x17000] =	vst v63  }
0x7f: {  	_ =	swait.ge [sflag:s2], $0x2000  }
0x80: {  	[sflag:s2] =	ssyncset.done $0x0  }
0x81: {  	s18 =	simm.s32 $0x4E80;
	[sflag:s2] =	ssyncadd.s32 $0xFFFFE000  }
0x82: {  	[spmem:s3] =	stream.indirect.scatter.add.f32 [tilespmem:s26], [sflag:$0x8], $0x40, s18, s24, $0xb8;
	[tilespmem:$0x17000] =	vst v63  }
0x83: {  	_ =	swait.ge [sflag:s11], $0x2000  }
0x84: {  	[sflag:s11] =	ssyncset.done $0x0  }
0x85: {  	s19 =	simm.s32 $0x4F00;
	[sflag:s11] =	ssyncadd.s32 $0xFFFFE000  }
0x86: {  	[spmem:s3] =	stream.indirect.scatter.add.f32 [tilespmem:s29], [sflag:$0x9], $0x40, s19, s24, $0xb8;
	[tilespmem:$0x17000] =	vst v63  }
0x87: {  	_ =	swait.ge [sflag:s12], $0x2000  }
0x88: {  	[sflag:s12] =	ssyncset.done $0x0  }
0x89: {  	[sflag:s12] =	ssyncadd.s32 $0xFFFFE000  }
0x8a: {  	[spmem:s3] =	stream.indirect.scatter.add.f32 [tilespmem:s31], [sflag:$0xA], $0x40, s28, s24, $0xb8;
	[tilespmem:$0x17000] =	vst v63  }
0x8b: {  	_ =	swait.ge [sflag:s13], $0x2000  }
0x8c: {  	[sflag:s13] =	ssyncset.done $0x0  }
0x8d: {  	[sflag:s13] =	ssyncadd.s32 $0xFFFFE000  }
0x8e: {  	_ =	swait.ge [sflag:s14], $0x2000  }
0x8f: {  	[sflag:s14] =	ssyncset.done $0x0  }
0x90: {  	[sflag:s14] =	ssyncadd.s32 $0xFFFFE000  }
0x91: {  	_ =	swait.ge [sflag:s15], $0x2000  }
0x92: {  	[sflag:s15] =	ssyncset.done $0x0  }
0x93: {  	[sflag:s15] =	ssyncadd.s32 $0xFFFFE000  }
0x94: {  	_ =	swait.ge [sflag:s16], $0x2000  }
0x95: {  	s30 =	sadd.s32 $0x1, s30;
	[sflag:s16] =	ssyncset.done $0x0  }
0x96: {  	p0 =	sne.s32 s30, s10;
	[sflag:s16] =	ssyncadd.s32 $0xFFFFE000  }
.Ltmp1:
0x97: {  	[bflag:$0x0] =	sbarrier.arrive $0xFFFF;
	(pc) =	sbr.rel @p0 .LBB2_1-.Ltmp1, $4  }
0x98: {  	[hbm:s9], [sflag:s8] =	dma.local [spmem:s20], $0x1400  }
0x99: {  	_ =	swait.ge [sflag:s21], $0x1400  }
0x9a: {  	[sflag:s21] =	ssyncset.done $0x0  }
0x9b: {  	[sflag:s21] =	ssyncadd.s32 $0xFFFFEC00  }
0x9c: {  	_ =	sfence.sel $0x180000  }
0x9d: {  	[bflag:$0x0] =	sbarrier.arrive $0xFFFF  }
0x9e: {  	_ =	strace $0x9000004A  }
0x9f: {  	s0 =	stileid.u32;
	[bflag:$0x2] =	sbarrier.arrive $0xFFFF  }
0xa0: {  	p0 =	sne.s32 s0, $0x0;
	s0 =	rddreg [dreg:$0x3]  }
0xa1: {  	s0 =	sadd.s32 @!p0 $0x100000, s0  }
0xa2: {  	[sflag:s0] =	ssyncadd.tile.s32 @!p0 $0x1;
	_ =	shalt  }
.Lfunc_end2:
_tile_overlayer_lowered:
.L_overlay_start_2:
0xa3: {  	(tag) =	ssettag $0x2  }
0xa4: {  	s0 =	rddreg [dreg:$0x0];
	s2 =	stileid.u32  }
0xa5: {  	s1 =	rddreg [dreg:$0x1];
	p0 =	sne.s32 s2, $0x0  }
0xa6: {  	s3 =	rddreg [dreg:$0x2];
	[bflag:$0x3] =	sbarrier.arrive $0xFFFF;
	s2 =	simm.s32 @!p0 $0x1C0B  }
0xa7: {  	[timem:s3], [sflag:s2] =	dma.local @!p0 [hbm:s0], s1  }
0xa8: {  	s0 =	simm.s32 @!p0 $0xB  }
0xa9: {  	_ =	swait.ge @!p0 [sflag:s0], s1  }
0xaa: {  	s1 =	ssub.s32 @!p0 $0x0, s1;
	[sflag:s0] =	ssyncset.done @!p0 $0x0  }
0xab: {  	[sflag:s0] =	ssyncadd.s32 @!p0 s1  }
0xac: {  	[bflag:$0x3] =	sbarrier.arrive $0xFFFF  }
0xad: {  	_ =	shalt  }

// kernel: kernel.16.cloned.1.call-start
scs
__scs_entry_jumppad:
0x0: {  	(pc) =	sbr.rel $0x88, $3  }
0x1: {  	(tag) =	ssettag $0x0;
	lr =	simm.s32 $0x1  }
0x2: {  	[smem:$0x3F99] =	sst lr;
	_ =	strace $0xD0000000  }
0x3: {  	_ = 	snop  }
0x4: {  	_ = 	snop  }
0x5: {  	_ = 	snop  }
0x6: {  	_ = 	snop  }
0x7: {  	_ = 	snop  }
__scs_overlays_trampoline_lowered:
0x8: {  	[smem:$0x3FA8] =	sst s0  }
0x9: {  	[smem:$0x3FA9] =	sst s1  }
0xa: {  	[smem:$0x3FAA] =	sst s2  }
0xb: {  	[smem:$0x3FAB] =	sst s3  }
0xc: {  	[smem:$0x3FAC] =	sst s4  }
0xd: {  	[smem:$0x3FAD] =	sst s5  }
0xe: {  	[smem:$0x3FAE] =	sst s6  }
0xf: {  	[smem:$0x3FAF] =	sst s7  }
0x10: {  	[smem:$0x3FB0] =	sst s8  }
0x11: {  	[smem:$0x3FB1] =	sst s9;
	s0 =	simm.s32 @!p0 $0x0  }
0x12: {  	s1 =	sld [smem:$0x3F97];
	s0 =	simm.s32 @p0 $0x1  }
0x13: {  	[smem:$0x3FB2] =	sst s0;
	s0 =	simm.s32 @!p1 $0x0  }
0x14: {  	s2 =	sld [smem:$0x3F96];
	s0 =	simm.s32 @p1 $0x1  }
0x15: {  	[smem:$0x3FB3] =	sst s0;
	s0 =	simm.s32 @!p2 $0x0  }
0x16: {  	s3 =	sld [smem:$0x3FDB];
	s0 =	simm.s32 @p2 $0x1  }
0x17: {  	s4 =	simm.s32 $0x1BF5;
	[smem:$0x3FB5] =	sst s0  }
0x18: {  	s0 =	sld [smem:$0x3F98];
	_ =	swait.ge [sflag:s4], $0x0  }
0x19: {  	s7 =	sld [smem:$0x3F99]  }
0x1a: {  	s8 =	sadd.s32 $0xFFFFE003, lr  }
0x1b: {  	s9 =	sadd.s32 $0xFFFFFEF7, lr;
	s5 =	simm.s32 $0xFFFFFFFF;
	p2 =	slt.u32 s8, $0xFFFFF086  }
0x1c: {  	p1 =	slt.u32 s9, $0xF7A;
	s5 =	simm.s32 @!p2 $0x0  }
0x1d: {  	s5 =	simm.s32 @p1 $0x1;
	p0 =	seq.s32 s7, s2  }
0x1e: {  	s7 =	smul.u32 @!p0 $0xF7A, s2;
	p2 =	seq.s32 @!p0 s5, $0x0  }
0x1f: {  	s9 =	smul.u32 $0xF7A, s1;
	s8 =	simm.s32 @!p0 $0x1BF5;
	p2 =	por !p2, p0  }
0x20: {  	[sflag:s8] =	ssyncset.s32 @!p0 $0xFFFFF086;
	s6 =	sadd.s32 @!p0 s3, s7;
	s7 =	simm.s32 @!p0 $0x108  }
0x21: {  	s3 =	sadd.s32 s3, s9;
	s6 =	sadd.s32 @!p0 $0x88, s6;
	s7 =	simm.s32 @p2 $0x1082  }
0x22: {  	[simem:s7], [sflag:s8] =	dma.local @!p0 [hbm:s6], $0xF7A  }
0x23: {  	s9 =	sor.u32 $0xD0000000, s2;
	s6 =	simm.s32 $0x108;
	_ =	swait.ge @!p0 [sflag:s8], $0x0  }
0x24: {  	s3 =	sadd.s32 $0x88, s3;
	s6 =	simm.s32 @!p1 $0x1082;
	[sflag:s4] =	ssyncset.s32 $0xFFFFF086  }
0x25: {  	[simem:s6], [sflag:s4] =	dma.local [hbm:s3], $0xF7A  }
0x26: {  	[smem:$0x3F99] =	sst s1;
	(tag) =	ssettag s2;
	_ =	strace s9  }
0x27: {  	s1 =	sld [smem:$0x3FA9]  }
0x28: {  	s2 =	sld [smem:$0x3FAA]  }
0x29: {  	s4 =	sld [smem:$0x3FAC]  }
0x2a: {  	p0 =	seq.s32 s5, $0x0;
	s5 =	sld [smem:$0x3FAD]  }
0x2b: {  	s6 =	sld [smem:$0x3FAE]  }
0x2c: {  	s7 =	sld [smem:$0x3FAF]  }
0x2d: {  	s3 =	simm.s32 $0x108;
	s8 =	sld [smem:$0x3FB0]  }
0x2e: {  	s3 =	simm.s32 @!p0 $0x1082;
	s9 =	sld [smem:$0x3FB1]  }
0x2f: {  	lr =	sadd.s32 s0, s3;
	s0 =	sld [smem:$0x3FA8]  }
0x30: {  	s3 =	sld [smem:$0x3FAB]  }
0x31: {  	[smem:$0x3FB4] =	sst s10  }
0x32: {  	s10 =	sld [smem:$0x3FB2];
	_ =	sdelay $0x3  }
0x33: {  	p0 =	seq.s32 s10, $0x1;
	s10 =	sld [smem:$0x3FB4];
	_ =	sdelay $0x3  }
0x34: {  	[smem:$0x3FB4] =	sst s10  }
0x35: {  	s10 =	sld [smem:$0x3FB3];
	_ =	sdelay $0x3  }
0x36: {  	p1 =	seq.s32 s10, $0x1;
	s10 =	sld [smem:$0x3FB4];
	_ =	sdelay $0x3  }
0x37: {  	[smem:$0x3FB4] =	sst s10  }
0x38: {  	s10 =	sld [smem:$0x3FB5]  }
0x39: {  	_ = 	snop;
	(pc) =	sbr.ind lr, $3  }
0x3a: {  	_ = 	snop  }
0x3b: {  	_ = 	snop  }
0x3c: {  	p2 =	seq.s32 s10, $0x1;
	s10 =	sld [smem:$0x3FB4]  }
0x3d: {  	_ =	shalt  }
0x3e: {  	_ =	shalt  }
0x3f: {  	_ =	shalt  }
0x40: {  	_ =	shalt  }
0x41: {  	_ =	shalt  }
0x42: {  	_ =	shalt  }
0x43: {  	_ =	shalt  }
0x44: {  	_ =	shalt  }
0x45: {  	_ =	shalt  }
0x46: {  	_ =	shalt  }
0x47: {  	_ =	shalt  }
0x48: {  	_ =	shalt  }
0x49: {  	_ =	shalt  }
0x4a: {  	_ =	shalt  }
0x4b: {  	_ =	shalt  }
0x4c: {  	_ =	shalt  }
0x4d: {  	_ =	shalt  }
0x4e: {  	_ =	shalt  }
0x4f: {  	_ =	shalt  }
0x50: {  	_ =	shalt  }
0x51: {  	_ =	shalt  }
0x52: {  	_ =	shalt  }
0x53: {  	_ =	shalt  }
0x54: {  	_ =	shalt  }
0x55: {  	_ =	shalt  }
0x56: {  	_ =	shalt  }
0x57: {  	_ =	shalt  }
0x58: {  	_ =	shalt  }
0x59: {  	_ =	shalt  }
0x5a: {  	_ =	shalt  }
0x5b: {  	_ =	shalt  }
0x5c: {  	_ =	shalt  }
0x5d: {  	_ =	shalt  }
0x5e: {  	_ =	shalt  }
0x5f: {  	_ =	shalt  }
0x60: {  	_ =	shalt  }
0x61: {  	_ =	shalt  }
0x62: {  	_ =	shalt  }
0x63: {  	_ =	shalt  }
0x64: {  	_ =	shalt  }
0x65: {  	_ =	shalt  }
0x66: {  	_ =	shalt  }
0x67: {  	_ =	shalt  }
0x68: {  	_ =	shalt  }
0x69: {  	_ =	shalt  }
0x6a: {  	_ =	shalt  }
0x6b: {  	_ =	shalt  }
0x6c: {  	_ =	shalt  }
0x6d: {  	_ =	shalt  }
0x6e: {  	_ =	shalt  }
0x6f: {  	_ =	shalt  }
0x70: {  	_ =	shalt  }
0x71: {  	_ =	shalt  }
0x72: {  	_ =	shalt  }
0x73: {  	_ =	shalt  }
0x74: {  	_ =	shalt  }
0x75: {  	_ =	shalt  }
0x76: {  	_ =	shalt  }
0x77: {  	_ =	shalt  }
0x78: {  	_ =	shalt  }
0x79: {  	_ =	shalt  }
0x7a: {  	_ =	shalt  }
0x7b: {  	_ =	shalt  }
0x7c: {  	_ =	shalt  }
0x7d: {  	_ =	shalt  }
0x7e: {  	_ =	shalt  }
0x7f: {  	_ =	shalt  }
0x80: {  	_ =	shalt  }
0x81: {  	_ =	shalt  }
0x82: {  	_ =	shalt  }
0x83: {  	_ =	shalt  }
0x84: {  	_ =	shalt  }
0x85: {  	_ =	shalt  }
0x86: {  	_ =	shalt  }
0x87: {  	_ =	shalt  }
.Lfunc_end0:
.L_simem_size_0:
called_computation.2_lowered:
.L_overlay_start_0:
0x88: {  	s2 =	sld [smem:$0x3FD9]  }
0x89: {  	s3 =	sld [smem:$0x3FFE];
	_ =	sdelay $0x1  }
0x8a: {  	s1 =	srdreg.scid  }
0x8b: {  	s0 =	sand.u32 $0x1, s1  }
0x8c: {  	s17 =	sshll.u32 s0, $0xA;
	s2 =	sadd.s32 s3, s2  }
0x8d: {  	s2 =	sadd.s32 s2, s17  }
0x8e: {  	[smem:$0x3FC0] =	sst s2  }
0x8f: {  	_ = 	snop  }
0x90: {  	s2 =	sld [smem:$0x3FD0];
	(tm) =	ssettm $0x1  }
0x91: {  	s18 =	sld [smem:$0x3FFB];
	_ =	sdelay $0x3  }
0x92: {  	_ =	strace s18  }
0x93: {  	s3 =	sld [smem:$0x3FFC];
	_ =	sdelay $0x3  }
0x94: {  	_ =	strace s3  }
0x95: {  	s3 =	sld [smem:$0x3FFD];
	_ =	sdelay $0x3  }
0x96: {  	_ =	strace s3  }
0x97: {  	_ =	strace $0x8FFFFFFF  }
0x98: {  	s19 =	sld [smem:$0x3FDB];
	_ =	sdelay $0x1  }
0x99: {  	s4 =	simm.s32 $_scs_section_size  }
0x9a: {  	s5 =	simm.s32 $_size__tile_overlayer_lowered;
	s6 =	simm.s32 $_tile_overlayer_lowered  }
0x9b: {  	s22 =	simm.s32 $0x1BFF;
	s21 =	sshll.u32 s6, $0x1;
	s3 =	sadd.s32 s4, s19  }
0x9c: {  	s7 =	simm.s32 $0x0;
	s20 =	sshll.u32 s5, $0x1;
	s5 =	sadd.s32 s21, s3  }
0x9d: {  	[timem:s7], [sflag:s22] =	dma.local [hbm:s5], s20  }
0x9e: {  	_ =	swait.ge [sflag:s22], s20  }
0x9f: {  	s4 =	ssub.s32 $0x0, s20;
	[sflag:s22] =	ssyncset.done $0x0  }
0xa0: {  	[sflag:s22] =	ssyncadd.s32 s4;
	_ =	sdelay $0x1  }
0xa1: {  	s23 =	simm.s32 $0x1B8B  }
0xa2: {  	_ =	swait.ge [sflag:s23], $0x1  }
0xa3: {  	[sflag:s23] =	ssyncset.done $0x0  }
0xa4: {  	s25 =	simm.s32 $0x1B8E;
	s24 =	sld [smem:$0x3FFE];
	[sflag:s23] =	ssyncadd.s32 $0xFFFFFFFF  }
0xa5: {  	s26 =	simm.s32 $execute0_lowered;
	[smem:$0x3FD2] =	sst s25  }
0xa6: {  	s5 =	sshll.u32 s26, $0x1;
	_ =	strace $0x8000004C;
	[dreg:$0x1] =	wrdreg $0xFFFFFFFF  }
0xa7: {  	s28 =	simm.s32 $_size_execute0_lowered;
	s3 =	sadd.s32 s3, s5;
	[dreg:$0x0] =	wrdreg $0x0  }
0xa8: {  	s5 =	sshll.u32 s28, $0x1;
	[dreg:$0x2] =	wrdreg s3  }
0xa9: {  	[dreg:$0x3] =	wrdreg s5  }
0xaa: {  	[dreg:$0x4] =	wrdreg $0xC0  }
0xab: {  	_ =	task [dreg:s7], $0x5FFFF  }
0xac: {  	[dreg:$0x1] =	wrdreg $0xFFFFFFFF  }
0xad: {  	[dreg:$0x0] =	wrdreg $0x60  }
0xae: {  	[dreg:$0x2] =	wrdreg s24  }
0xaf: {  	[dreg:$0x3] =	wrdreg s2  }
0xb0: {  	[dreg:$0x4] =	wrdreg $0xD0000  }
0xb1: {  	[dreg:$0x5] =	wrdreg $0x9  }
0xb2: {  	_ =	task.clear_ibuf [dreg:s7], $0x6FFFF;
	_ =	strace $0x9000004C  }
0xb3: {  	s29 =	simm.s32 $0x9;
	_ =	strace $0x8000004E  }
0xb4: {  	_ =	swait.ge [sflag:s29], $0x1  }
0xb5: {  	[sflag:s29] =	ssyncadd.s32 $0xFFFFFFFF  }
0xb6: {  	_ =	strace $0x9000004E  }
0xb7: {  	_ =	sfence  }
0xb8: {  	s30 =	sld [smem:$0x0];
	_ =	sdelay $0x2  }
0xb9: {  	s31 =	sshll.u32 s1, $0xD;
	s1 =	sshrl.u32 s1, $0x2  }
0xba: {  	s3 =	sand.u32 $0x4000, s31;
	s1 =	sadd.s32 s1, s30  }
0xbb: {  	s0 =	sor.u32 s3, s0;
	s1 =	sshll.u32 s1, $0x11  }
0xbc: {  	s0 =	sor.u32 s1, s0  }
0xbd: {  	s0 =	sadd.s32 $0x8F2B, s0  }
0xbe: {  	[sflag:s0] =	ssyncadd.remote.s32 $0x1  }
0xbf: {  	_ =	sfence.sel $0xFFFF  }
0xc0: {  	[dreg:$0x0] =	wrdreg $0xFFFFFFFF;
	(pc) =	sbr.abs _section_cstart, $3  }
0xc1: {  	[dreg:$0x1] =	wrdreg $0xFFFFFFFF  }
0xc2: {  	_ =	task.clear_ibuf [dreg:s7], $0x2FFFF;
	_ =	strace $0x9FFFFFFF  }
0xc3: {  	(tm) =	ssettm $0x7FFFFFFF  }
tec
execute0_lowered:
.L_overlay_start_1:
0x0: {  	(tag) =	ssettag $0x1  }
0x1: {  	s0 =	rddreg [dreg:$0x0]  }
0x2: {  	s1 =	rddreg [dreg:$0x1]  }
0x3: {  	s3 =	rddreg [dreg:$0x2]  }
0x4: {  	s4 =	simm.s32 $0x0;
	s2 =	srdreg.scid;
	s12 =	stileid.u32  }
0x5: {  	s21 =	simm.s32 $0xB;
	s22 =	simm.s32 $0x1;
	s29 =	simm.s32 $0x9000  }
0x6: {  	s31 =	simm.s32 $0xB000;
	s13 =	simm.s32 $0x7;
	s14 =	simm.s32 $0x8  }
0x7: {  	s15 =	simm.s32 $0x9;
	s30 =	simm.s32 $0x0;
	[smem:$0x7FF] =	sst s4  }
0x8: {  	s2 =	sand.u32 $0x1, s2;
	s8 =	smul.u32 $0xA000, s12;
	s5 =	sadd.s32 $0xD600, s0  }
0x9: {  	s6 =	sadd.s32 $0x3600, s0;
	s9 =	sshll.u32 s12, $0x1;
	s26 =	sshll.u32 s12, $0x6  }
0xa: {  	s12 =	simm.s32 $0x6;
	_ =	strace $0x8000004D;
	s10 =	ssub.s32 $0x2, s2  }
0xb: {  	s7 =	smul.u32 $0xA0000, s2;
	s2 =	sor.u32 s2, s9;
	s11 =	sshrl.u32 s10, $0x1  }
0xc: {  	s16 =	smul.u32 $0x50, s2;
	s25 =	sadd.s32 s8, s3;
	s2 =	simm.s32 $0x4  }
0xd: {  	s7 =	sadd.s32 s8, s7;
	s24 =	ssub.s32 s10, s11;
	s8 =	sor.u32 $0x1C0B, s26  }
0xe: {  	s20 =	sshrl.u32 s25, $0x3;
	s25 =	simm.s32 $0x5000;
	s26 =	simm.s32 $0x7000  }
0xf: {  	s11 =	simm.s32 $0x5;
	s23 =	sshrl.u32 s7, $0x3;
	s7 =	sadd.s32 $0x17600, s0  }
0x10: {  	s17 =	sadd.s32 $0x10, s16;
	s18 =	sadd.s32 $0x20, s16;
	s19 =	sadd.s32 $0x30, s16  }
0x11: {  	v4 =	vlaneseq.u32;
	s28 =	sadd.s32 $0x40, s16;
	s10 =	smax.u32 s24, $0x1;
	s24 =	simm.s32 $0x80  }
0x12: {  	vm0 =	vmmov $0xffff;
	v0 =	vor.u32 s16, v4;
	s16 =	simm.s32 $0xA;
	s0 =	sadd.s32 s23, s0;
	s23 =	simm.s32 $0x2;
	v1 =	vor.u32 s17, v4  }
0x13: {  	v2 =	vor.u32 s18, v4;
	v3 =	vor.u32 s19, v4;
	v4 =	vor.u32 s28, v4;
	s28 =	simm.s32 $0x4F80;
	s9 =	sadd.s32 $0x18A00, s0;
	s0 =	simm.s32 $0x3  }
.LBB2_1:
0x14: {  	_ =	sdelay $0x3  }
0x15: {  	[tilespmem:s4], [sflag:$0x1] =	stream.indirect_vreg.gather [hbm4b:s5+s4], $0x80, v0, vm0, $0xb8;
	[tilespmem:$0x17000] =	vst v63  }
0x16: {  	s17 =	simm.s32 $0x2800  }
0x17: {  	[tilespmem:s17], [sflag:$0x2] =	stream.indirect_vreg.gather [hbm4b:s6+s4], $0x80, v0, vm0, $0xb8;
	[tilespmem:$0x17000] =	vst v63  }
0x18: {  	s19 =	simm.s32 $0x800  }
0x19: {  	[tilespmem:s19], [sflag:$0x1] =	stream.indirect_vreg.gather [hbm4b:s5+s4], $0x80, v1, vm0, $0xb8;
	[tilespmem:$0x17000] =	vst v63  }
0x1a: {  	s18 =	simm.s32 $0x3000  }
0x1b: {  	[tilespmem:s18], [sflag:$0x2] =	stream.indirect_vreg.gather [hbm4b:s6+s4], $0x80, v1, vm0, $0xb8;
	[tilespmem:$0x17000] =	vst v63  }
0x1c: {  	s19 =	simm.s32 $0x1000  }
0x1d: {  	[tilespmem:s19], [sflag:$0x1] =	stream.indirect_vreg.gather [hbm4b:s5+s4], $0x80, v2, vm0, $0xb8;
	[tilespmem:$0x17000] =	vst v63  }
0x1e: {  	s18 =	simm.s32 $0x3800  }
0x1f: {  	[tilespmem:s18], [sflag:$0x2] =	stream.indirect_vreg.gather [hbm4b:s6+s4], $0x80, v2, vm0, $0xb8;
	[tilespmem:$0x17000] =	vst v63  }
0x20: {  	s19 =	simm.s32 $0x1800  }
0x21: {  	[tilespmem:s19], [sflag:$0x1] =	stream.indirect_vreg.gather [hbm4b:s5+s4], $0x80, v3, vm0, $0xb8;
	[tilespmem:$0x17000] =	vst v63  }
0x22: {  	s18 =	simm.s32 $0x4000  }
0x23: {  	[tilespmem:s18], [sflag:$0x2] =	stream.indirect_vreg.gather [hbm4b:s6+s4], $0x80, v3, vm0, $0xb8;
	[tilespmem:$0x17000] =	vst v63  }
0x24: {  	s19 =	simm.s32 $0x2000  }
0x25: {  	[tilespmem:s19], [sflag:$0x1] =	stream.indirect_vreg.gather [hbm4b:s5+s4], $0x80, v4, vm0, $0xb8;
	[tilespmem:$0x17000] =	vst v63  }
0x26: {  	s18 =	simm.s32 $0x4800  }
0x27: {  	[tilespmem:s18], [sflag:$0x2] =	stream.indirect_vreg.gather [hbm4b:s6+s4], $0x80, v4, vm0, $0xb8;
	[tilespmem:$0x17000] =	vst v63  }
0x28: {  	[spmem:s20], [sflag:s8] =	dma.local [hbm:s7], $0x1400  }
0x29: {  	_ =	swait.ge [sflag:s21], $0x1400  }
0x2a: {  	[sflag:s21] =	ssyncset.done $0x0  }
0x2b: {  	[sflag:s21] =	ssyncadd.s32 $0xFFFFEC00  }
0x2c: {  	_ =	swait.ge [sflag:s22], $0x2800  }
0x2d: {  	[sflag:s22] =	ssyncset.done $0x0  }
0x2e: {  	[sflag:s22] =	ssyncadd.s32 $0xFFFFD800  }
0x2f: {  	_ =	swait.ge [sflag:s23], $0x2800  }
0x30: {  	[sflag:s23] =	ssyncset.done $0x0  }
0x31: {  	[sflag:s23] =	ssyncadd.s32 $0xFFFFD800  }
0x32: {  	[bflag:$0x0] =	sbarrier.arrive $0xFFFF  }
0x33: {  	[tilespmem:s25], [sflag:$0x3] =	stream.indirect.gather [hbm4b:s1+s24], $0x40, s4, s24, $0xb8;
	[tilespmem:$0x17000] =	vst v63  }
0x34: {  	_ = 	snop  }
0x35: {  	[tilespmem:s26], [sflag:$0x4] =	stream.indirect.gather [hbm4b:s1+s24], $0x40, s24, s24, $0xb8;
	[tilespmem:$0x17000] =	vst v63  }
0x36: {  	s19 =	simm.s32 $0x100  }
0x37: {  	[tilespmem:s29], [sflag:$0x5] =	stream.indirect.gather [hbm4b:s1+s24], $0x40, s19, s24, $0xb8;
	[tilespmem:$0x17000] =	vst v63  }
0x38: {  	s18 =	simm.s32 $0x180  }
0x39: {  	[tilespmem:s31], [sflag:$0x6] =	stream.indirect.gather [hbm4b:s1+s24], $0x40, s18, s24, $0xb8;
	[tilespmem:$0x17000] =	vst v63  }
0x3a: {  	_ =	swait.ge [sflag:s0], $0x2000  }
0x3b: {  	[sflag:s0] =	ssyncset.done $0x0  }
0x3c: {  	s19 =	simm.s32 $0x2800;
	[sflag:s0] =	ssyncadd.s32 $0xFFFFE000  }
0x3d: {  	[spmem:s3] =	stream.indirect.scatter.add.f32 [tilespmem:s25], [sflag:$0x7], $0x40, s19, s24, $0xb8;
	[tilespmem:$0x17000] =	vst v63  }
0x3e: {  	_ =	swait.ge [sflag:s2], $0x2000  }
0x3f: {  	[sflag:s2] =	ssyncset.done $0x0  }
0x40: {  	s18 =	simm.s32 $0x2880;
	[sflag:s2] =	ssyncadd.s32 $0xFFFFE000  }
0x41: {  	[spmem:s3] =	stream.indirect.scatter.add.f32 [tilespmem:s26], [sflag:$0x8], $0x40, s18, s24, $0xb8;
	[tilespmem:$0x17000] =	vst v63  }
0x42: {  	_ =	swait.ge [sflag:s11], $0x2000  }
0x43: {  	[sflag:s11] =	ssyncset.done $0x0  }
0x44: {  	s19 =	simm.s32 $0x2900;
	[sflag:s11] =	ssyncadd.s32 $0xFFFFE000  }
0x45: {  	[spmem:s3] =	stream.indirect.scatter.add.f32 [tilespmem:s29], [sflag:$0x9], $0x40, s19, s24, $0xb8;
	[tilespmem:$0x17000] =	vst v63  }
0x46: {  	_ =	swait.ge [sflag:s12], $0x2000  }
0x47: {  	[sflag:s12] =	ssyncset.done $0x0  }
0x48: {  	s18 =	simm.s32 $0x2980;
	[sflag:s12] =	ssyncadd.s32 $0xFFFFE000  }
0x49: {  	[spmem:s3] =	stream.indirect.scatter.add.f32 [tilespmem:s31], [sflag:$0xA], $0x40, s18, s24, $0xb8;
	[tilespmem:$0x17000] =	vst v63  }
0x4a: {  	_ =	swait.ge [sflag:s13], $0x2000  }
0x4b: {  	[sflag:s13] =	ssyncset.done $0x0  }
0x4c: {  	s19 =	simm.s32 $0x200;
	[sflag:s13] =	ssyncadd.s32 $0xFFFFE000  }
0x4d: {  	[tilespmem:s25], [sflag:$0x3] =	stream.indirect.gather [hbm4b:s1+s24], $0x40, s19, s24, $0xb8;
	[tilespmem:$0x17000] =	vst v63  }
0x4e: {  	_ =	swait.ge [sflag:s14], $0x2000  }
0x4f: {  	[sflag:s14] =	ssyncset.done $0x0  }
0x50: {  	s18 =	simm.s32 $0x280;
	[sflag:s14] =	ssyncadd.s32 $0xFFFFE000  }
0x51: {  	[tilespmem:s26], [sflag:$0x4] =	stream.indirect.gather [hbm4b:s1+s24], $0x40, s18, s24, $0xb8;
	[tilespmem:$0x17000] =	vst v63  }
0x52: {  	_ =	swait.ge [sflag:s15], $0x2000  }
0x53: {  	[sflag:s15] =	ssyncset.done $0x0  }
0x54: {  	s19 =	simm.s32 $0x300;
	[sflag:s15] =	ssyncadd.s32 $0xFFFFE000  }
0x55: {  	[tilespmem:s29], [sflag:$0x5] =	stream.indirect.gather [hbm4b:s1+s24], $0x40, s19, s24, $0xb8;
	[tilespmem:$0x17000] =	vst v63  }
0x56: {  	_ =	swait.ge [sflag:s16], $0x2000  }
0x57: {  	[sflag:s16] =	ssyncset.done $0x0  }
0x58: {  	s17 =	simm.s32 $0x800;
	s18 =	simm.s32 $0x380;
	[sflag:s16] =	ssyncadd.s32 $0xFFFFE000  }
.LBB2_2:
0x59: {  	[tilespmem:s31], [sflag:$0x6] =	stream.indirect.gather [hbm4b:s1+s24], $0x40, s18, s24, $0xb8;
	[tilespmem:$0x17000] =	vst v63  }
0x5a: {  	s18 =	smov.u32 s17  }
0x5b: {  	p0 =	sne.s32 s17, $0x9000;
	s17 =	sadd.s32 $0x800, s17;
	_ =	swait.ge [sflag:s0], $0x2000  }
0x5c: {  	s18 =	sshra.s32 s18, $0x2;
	[sflag:s0] =	ssyncset.done $0x0  }
0x5d: {  	s19 =	sadd.s32 $0x2800, s18;
	[sflag:s0] =	ssyncadd.s32 $0xFFFFE000  }
0x5e: {  	[spmem:s3] =	stream.indirect.scatter.add.f32 [tilespmem:s25], [sflag:$0x7], $0x40, s19, s24, $0xb8;
	[tilespmem:$0x17000] =	vst v63  }
0x5f: {  	_ =	swait.ge [sflag:s2], $0x2000  }
0x60: {  	[sflag:s2] =	ssyncset.done $0x0  }
0x61: {  	s19 =	sadd.s32 $0x2880, s18;
	[sflag:s2] =	ssyncadd.s32 $0xFFFFE000  }
0x62: {  	[spmem:s3] =	stream.indirect.scatter.add.f32 [tilespmem:s26], [sflag:$0x8], $0x40, s19, s24, $0xb8;
	[tilespmem:$0x17000] =	vst v63  }
0x63: {  	_ =	swait.ge [sflag:s11], $0x2000  }
0x64: {  	[sflag:s11] =	ssyncset.done $0x0  }
0x65: {  	s19 =	sadd.s32 $0x2900, s18;
	[sflag:s11] =	ssyncadd.s32 $0xFFFFE000  }
0x66: {  	[spmem:s3] =	stream.indirect.scatter.add.f32 [tilespmem:s29], [sflag:$0x9], $0x40, s19, s24, $0xb8;
	[tilespmem:$0x17000] =	vst v63  }
0x67: {  	_ =	swait.ge [sflag:s12], $0x2000  }
0x68: {  	[sflag:s12] =	ssyncset.done $0x0  }
0x69: {  	s19 =	sadd.s32 $0x2980, s18;
	[sflag:s12] =	ssyncadd.s32 $0xFFFFE000  }
0x6a: {  	[spmem:s3] =	stream.indirect.scatter.add.f32 [tilespmem:s31], [sflag:$0xA], $0x40, s19, s24, $0xb8;
	[tilespmem:$0x17000] =	vst v63  }
0x6b: {  	_ =	swait.ge [sflag:s13], $0x2000  }
0x6c: {  	[sflag:s13] =	ssyncset.done $0x0  }
0x6d: {  	s19 =	sadd.s32 $0x200, s18;
	[sflag:s13] =	ssyncadd.s32 $0xFFFFE000  }
0x6e: {  	[tilespmem:s25], [sflag:$0x3] =	stream.indirect.gather [hbm4b:s1+s24], $0x40, s19, s24, $0xb8;
	[tilespmem:$0x17000] =	vst v63  }
0x6f: {  	_ =	swait.ge [sflag:s14], $0x2000  }
0x70: {  	[sflag:s14] =	ssyncset.done $0x0  }
0x71: {  	s19 =	sadd.s32 $0x280, s18;
	[sflag:s14] =	ssyncadd.s32 $0xFFFFE000  }
0x72: {  	[tilespmem:s26], [sflag:$0x4] =	stream.indirect.gather [hbm4b:s1+s24], $0x40, s19, s24, $0xb8;
	[tilespmem:$0x17000] =	vst v63  }
0x73: {  	_ =	swait.ge [sflag:s15], $0x2000  }
0x74: {  	[sflag:s15] =	ssyncset.done $0x0  }
.Ltmp0:
0x75: {  	s19 =	sadd.s32 $0x300, s18;
	[sflag:s15] =	ssyncadd.s32 $0xFFFFE000;
	(pc) =	sbr.rel @p0 .LBB2_2-.Ltmp0, $4  }
0x76: {  	[tilespmem:s29], [sflag:$0x5] =	stream.indirect.gather [hbm4b:s1+s24], $0x40, s19, s24, $0xb8;
	[tilespmem:$0x17000] =	vst v63  }
0x77: {  	_ =	swait.ge [sflag:s16], $0x2000  }
0x78: {  	[sflag:s16] =	ssyncset.done $0x0  }
0x79: {  	s18 =	sadd.s32 $0x380, s18;
	[sflag:s16] =	ssyncadd.s32 $0xFFFFE000  }
0x7a: {  	[tilespmem:s31], [sflag:$0x6] =	stream.indirect.gather [hbm4b:s1+s24], $0x40, s18, s24, $0xb8;
	[tilespmem:$0x17000] =	vst v63  }
0x7b: {  	_ =	swait.ge [sflag:s0], $0x2000  }
0x7c: {  	[sflag:s0] =	ssyncset.done $0x0  }
0x7d: {  	s17 =	simm.s32 $0x4E00;
	[sflag:s0] =	ssyncadd.s32 $0xFFFFE000  }
0x7e: {  	[spmem:s3] =	stream.indirect.scatter.add.f32 [tilespmem:s25], [sflag:$0x7], $0x40, s17, s24, $0xb8;
	[tilespmem:$0x17000] =	vst v63  }
0x7f: {  	_ =	swait.ge [sflag:s2], $0x2000  }
0x80: {  	[sflag:s2] =	ssyncset.done $0x0  }
0x81: {  	s18 =	simm.s32 $0x4E80;
	[sflag:s2] =	ssyncadd.s32 $0xFFFFE000  }
0x82: {  	[spmem:s3] =	stream.indirect.scatter.add.f32 [tilespmem:s26], [sflag:$0x8], $0x40, s18, s24, $0xb8;
	[tilespmem:$0x17000] =	vst v63  }
0x83: {  	_ =	swait.ge [sflag:s11], $0x2000  }
0x84: {  	[sflag:s11] =	ssyncset.done $0x0  }
0x85: {  	s19 =	simm.s32 $0x4F00;
	[sflag:s11] =	ssyncadd.s32 $0xFFFFE000  }
0x86: {  	[spmem:s3] =	stream.indirect.scatter.add.f32 [tilespmem:s29], [sflag:$0x9], $0x40, s19, s24, $0xb8;
	[tilespmem:$0x17000] =	vst v63  }
0x87: {  	_ =	swait.ge [sflag:s12], $0x2000  }
0x88: {  	[sflag:s12] =	ssyncset.done $0x0  }
0x89: {  	[sflag:s12] =	ssyncadd.s32 $0xFFFFE000  }
0x8a: {  	[spmem:s3] =	stream.indirect.scatter.add.f32 [tilespmem:s31], [sflag:$0xA], $0x40, s28, s24, $0xb8;
	[tilespmem:$0x17000] =	vst v63  }
0x8b: {  	_ =	swait.ge [sflag:s13], $0x2000  }
0x8c: {  	[sflag:s13] =	ssyncset.done $0x0  }
0x8d: {  	[sflag:s13] =	ssyncadd.s32 $0xFFFFE000  }
0x8e: {  	_ =	swait.ge [sflag:s14], $0x2000  }
0x8f: {  	[sflag:s14] =	ssyncset.done $0x0  }
0x90: {  	[sflag:s14] =	ssyncadd.s32 $0xFFFFE000  }
0x91: {  	_ =	swait.ge [sflag:s15], $0x2000  }
0x92: {  	[sflag:s15] =	ssyncset.done $0x0  }
0x93: {  	[sflag:s15] =	ssyncadd.s32 $0xFFFFE000  }
0x94: {  	_ =	swait.ge [sflag:s16], $0x2000  }
0x95: {  	s30 =	sadd.s32 $0x1, s30;
	[sflag:s16] =	ssyncset.done $0x0  }
0x96: {  	p0 =	sne.s32 s30, s10;
	[sflag:s16] =	ssyncadd.s32 $0xFFFFE000  }
.Ltmp1:
0x97: {  	[bflag:$0x0] =	sbarrier.arrive $0xFFFF;
	(pc) =	sbr.rel @p0 .LBB2_1-.Ltmp1, $4  }
0x98: {  	[hbm:s9], [sflag:s8] =	dma.local [spmem:s20], $0x1400  }
0x99: {  	_ =	swait.ge [sflag:s21], $0x1400  }
0x9a: {  	[sflag:s21] =	ssyncset.done $0x0  }
0x9b: {  	[sflag:s21] =	ssyncadd.s32 $0xFFFFEC00  }
0x9c: {  	_ =	sfence.sel $0x180000  }
0x9d: {  	[bflag:$0x0] =	sbarrier.arrive $0xFFFF  }
0x9e: {  	_ =	strace $0x9000004D  }
0x9f: {  	s0 =	stileid.u32;
	[bflag:$0x2] =	sbarrier.arrive $0xFFFF  }
0xa0: {  	p0 =	sne.s32 s0, $0x0;
	s0 =	rddreg [dreg:$0x3]  }
0xa1: {  	s0 =	sadd.s32 @!p0 $0x100000, s0  }
0xa2: {  	[sflag:s0] =	ssyncadd.tile.s32 @!p0 $0x1;
	_ =	shalt  }
.Lfunc_end2:
_tile_overlayer_lowered:
.L_overlay_start_2:
0xa3: {  	(tag) =	ssettag $0x2  }
0xa4: {  	s0 =	rddreg [dreg:$0x0];
	s2 =	stileid.u32  }
0xa5: {  	s1 =	rddreg [dreg:$0x1];
	p0 =	sne.s32 s2, $0x0  }
0xa6: {  	s3 =	rddreg [dreg:$0x2];
	[bflag:$0x3] =	sbarrier.arrive $0xFFFF;
	s2 =	simm.s32 @!p0 $0x1C0B  }
0xa7: {  	[timem:s3], [sflag:s2] =	dma.local @!p0 [hbm:s0], s1  }
0xa8: {  	s0 =	simm.s32 @!p0 $0xB  }
0xa9: {  	_ =	swait.ge @!p0 [sflag:s0], s1  }
0xaa: {  	s1 =	ssub.s32 @!p0 $0x0, s1;
	[sflag:s0] =	ssyncset.done @!p0 $0x0  }
0xab: {  	[sflag:s0] =	ssyncadd.s32 @!p0 s1  }
0xac: {  	[bflag:$0x3] =	sbarrier.arrive $0xFFFF  }
0xad: {  	_ =	shalt  }

// kernel: kernel.19.cloned.1.call-start
scs
__scs_entry_jumppad:
0x0: {  	(pc) =	sbr.rel $0x88, $3  }
0x1: {  	(tag) =	ssettag $0x0;
	lr =	simm.s32 $0x1  }
0x2: {  	[smem:$0x3F99] =	sst lr;
	_ =	strace $0xD0000000  }
0x3: {  	_ = 	snop  }
0x4: {  	_ = 	snop  }
0x5: {  	_ = 	snop  }
0x6: {  	_ = 	snop  }
0x7: {  	_ = 	snop  }
__scs_overlays_trampoline_lowered:
0x8: {  	[smem:$0x3FA8] =	sst s0  }
0x9: {  	[smem:$0x3FA9] =	sst s1  }
0xa: {  	[smem:$0x3FAA] =	sst s2  }
0xb: {  	[smem:$0x3FAB] =	sst s3  }
0xc: {  	[smem:$0x3FAC] =	sst s4  }
0xd: {  	[smem:$0x3FAD] =	sst s5  }
0xe: {  	[smem:$0x3FAE] =	sst s6  }
0xf: {  	[smem:$0x3FAF] =	sst s7  }
0x10: {  	[smem:$0x3FB0] =	sst s8  }
0x11: {  	[smem:$0x3FB1] =	sst s9;
	s0 =	simm.s32 @!p0 $0x0  }
0x12: {  	s1 =	sld [smem:$0x3F97];
	s0 =	simm.s32 @p0 $0x1  }
0x13: {  	[smem:$0x3FB2] =	sst s0;
	s0 =	simm.s32 @!p1 $0x0  }
0x14: {  	s2 =	sld [smem:$0x3F96];
	s0 =	simm.s32 @p1 $0x1  }
0x15: {  	[smem:$0x3FB3] =	sst s0;
	s0 =	simm.s32 @!p2 $0x0  }
0x16: {  	s3 =	sld [smem:$0x3FDB];
	s0 =	simm.s32 @p2 $0x1  }
0x17: {  	s4 =	simm.s32 $0x1BF5;
	[smem:$0x3FB5] =	sst s0  }
0x18: {  	s0 =	sld [smem:$0x3F98];
	_ =	swait.ge [sflag:s4], $0x0  }
0x19: {  	s7 =	sld [smem:$0x3F99]  }
0x1a: {  	s8 =	sadd.s32 $0xFFFFE003, lr  }
0x1b: {  	s9 =	sadd.s32 $0xFFFFFEF7, lr;
	s5 =	simm.s32 $0xFFFFFFFF;
	p2 =	slt.u32 s8, $0xFFFFF086  }
0x1c: {  	p1 =	slt.u32 s9, $0xF7A;
	s5 =	simm.s32 @!p2 $0x0  }
0x1d: {  	s5 =	simm.s32 @p1 $0x1;
	p0 =	seq.s32 s7, s2  }
0x1e: {  	s7 =	smul.u32 @!p0 $0xF7A, s2;
	p2 =	seq.s32 @!p0 s5, $0x0  }
0x1f: {  	s9 =	smul.u32 $0xF7A, s1;
	s8 =	simm.s32 @!p0 $0x1BF5;
	p2 =	por !p2, p0  }
0x20: {  	[sflag:s8] =	ssyncset.s32 @!p0 $0xFFFFF086;
	s6 =	sadd.s32 @!p0 s3, s7;
	s7 =	simm.s32 @!p0 $0x108  }
0x21: {  	s3 =	sadd.s32 s3, s9;
	s6 =	sadd.s32 @!p0 $0x88, s6;
	s7 =	simm.s32 @p2 $0x1082  }
0x22: {  	[simem:s7], [sflag:s8] =	dma.local @!p0 [hbm:s6], $0xF7A  }
0x23: {  	s9 =	sor.u32 $0xD0000000, s2;
	s6 =	simm.s32 $0x108;
	_ =	swait.ge @!p0 [sflag:s8], $0x0  }
0x24: {  	s3 =	sadd.s32 $0x88, s3;
	s6 =	simm.s32 @!p1 $0x1082;
	[sflag:s4] =	ssyncset.s32 $0xFFFFF086  }
0x25: {  	[simem:s6], [sflag:s4] =	dma.local [hbm:s3], $0xF7A  }
0x26: {  	[smem:$0x3F99] =	sst s1;
	(tag) =	ssettag s2;
	_ =	strace s9  }
0x27: {  	s1 =	sld [smem:$0x3FA9]  }
0x28: {  	s2 =	sld [smem:$0x3FAA]  }
0x29: {  	s4 =	sld [smem:$0x3FAC]  }
0x2a: {  	p0 =	seq.s32 s5, $0x0;
	s5 =	sld [smem:$0x3FAD]  }
0x2b: {  	s6 =	sld [smem:$0x3FAE]  }
0x2c: {  	s7 =	sld [smem:$0x3FAF]  }
0x2d: {  	s3 =	simm.s32 $0x108;
	s8 =	sld [smem:$0x3FB0]  }
0x2e: {  	s3 =	simm.s32 @!p0 $0x1082;
	s9 =	sld [smem:$0x3FB1]  }
0x2f: {  	lr =	sadd.s32 s0, s3;
	s0 =	sld [smem:$0x3FA8]  }
0x30: {  	s3 =	sld [smem:$0x3FAB]  }
0x31: {  	[smem:$0x3FB4] =	sst s10  }
0x32: {  	s10 =	sld [smem:$0x3FB2];
	_ =	sdelay $0x3  }
0x33: {  	p0 =	seq.s32 s10, $0x1;
	s10 =	sld [smem:$0x3FB4];
	_ =	sdelay $0x3  }
0x34: {  	[smem:$0x3FB4] =	sst s10  }
0x35: {  	s10 =	sld [smem:$0x3FB3];
	_ =	sdelay $0x3  }
0x36: {  	p1 =	seq.s32 s10, $0x1;
	s10 =	sld [smem:$0x3FB4];
	_ =	sdelay $0x3  }
0x37: {  	[smem:$0x3FB4] =	sst s10  }
0x38: {  	s10 =	sld [smem:$0x3FB5]  }
0x39: {  	_ = 	snop;
	(pc) =	sbr.ind lr, $3  }
0x3a: {  	_ = 	snop  }
0x3b: {  	_ = 	snop  }
0x3c: {  	p2 =	seq.s32 s10, $0x1;
	s10 =	sld [smem:$0x3FB4]  }
0x3d: {  	_ =	shalt  }
0x3e: {  	_ =	shalt  }
0x3f: {  	_ =	shalt  }
0x40: {  	_ =	shalt  }
0x41: {  	_ =	shalt  }
0x42: {  	_ =	shalt  }
0x43: {  	_ =	shalt  }
0x44: {  	_ =	shalt  }
0x45: {  	_ =	shalt  }
0x46: {  	_ =	shalt  }
0x47: {  	_ =	shalt  }
0x48: {  	_ =	shalt  }
0x49: {  	_ =	shalt  }
0x4a: {  	_ =	shalt  }
0x4b: {  	_ =	shalt  }
0x4c: {  	_ =	shalt  }
0x4d: {  	_ =	shalt  }
0x4e: {  	_ =	shalt  }
0x4f: {  	_ =	shalt  }
0x50: {  	_ =	shalt  }
0x51: {  	_ =	shalt  }
0x52: {  	_ =	shalt  }
0x53: {  	_ =	shalt  }
0x54: {  	_ =	shalt  }
0x55: {  	_ =	shalt  }
0x56: {  	_ =	shalt  }
0x57: {  	_ =	shalt  }
0x58: {  	_ =	shalt  }
0x59: {  	_ =	shalt  }
0x5a: {  	_ =	shalt  }
0x5b: {  	_ =	shalt  }
0x5c: {  	_ =	shalt  }
0x5d: {  	_ =	shalt  }
0x5e: {  	_ =	shalt  }
0x5f: {  	_ =	shalt  }
0x60: {  	_ =	shalt  }
0x61: {  	_ =	shalt  }
0x62: {  	_ =	shalt  }
0x63: {  	_ =	shalt  }
0x64: {  	_ =	shalt  }
0x65: {  	_ =	shalt  }
0x66: {  	_ =	shalt  }
0x67: {  	_ =	shalt  }
0x68: {  	_ =	shalt  }
0x69: {  	_ =	shalt  }
0x6a: {  	_ =	shalt  }
0x6b: {  	_ =	shalt  }
0x6c: {  	_ =	shalt  }
0x6d: {  	_ =	shalt  }
0x6e: {  	_ =	shalt  }
0x6f: {  	_ =	shalt  }
0x70: {  	_ =	shalt  }
0x71: {  	_ =	shalt  }
0x72: {  	_ =	shalt  }
0x73: {  	_ =	shalt  }
0x74: {  	_ =	shalt  }
0x75: {  	_ =	shalt  }
0x76: {  	_ =	shalt  }
0x77: {  	_ =	shalt  }
0x78: {  	_ =	shalt  }
0x79: {  	_ =	shalt  }
0x7a: {  	_ =	shalt  }
0x7b: {  	_ =	shalt  }
0x7c: {  	_ =	shalt  }
0x7d: {  	_ =	shalt  }
0x7e: {  	_ =	shalt  }
0x7f: {  	_ =	shalt  }
0x80: {  	_ =	shalt  }
0x81: {  	_ =	shalt  }
0x82: {  	_ =	shalt  }
0x83: {  	_ =	shalt  }
0x84: {  	_ =	shalt  }
0x85: {  	_ =	shalt  }
0x86: {  	_ =	shalt  }
0x87: {  	_ =	shalt  }
.Lfunc_end0:
.L_simem_size_0:
called_computation.3_lowered:
.L_overlay_start_0:
0x88: {  	s2 =	sld [smem:$0x3FD9]  }
0x89: {  	s3 =	sld [smem:$0x3FFE];
	_ =	sdelay $0x1  }
0x8a: {  	s1 =	srdreg.scid  }
0x8b: {  	s0 =	sand.u32 $0x1, s1  }
0x8c: {  	s17 =	sshll.u32 s0, $0xA;
	s2 =	sadd.s32 s3, s2  }
0x8d: {  	s2 =	sadd.s32 s2, s17  }
0x8e: {  	[smem:$0x3FC0] =	sst s2  }
0x8f: {  	_ = 	snop  }
0x90: {  	s2 =	sld [smem:$0x3FD0];
	(tm) =	ssettm $0x1  }
0x91: {  	s18 =	sld [smem:$0x3FFB];
	_ =	sdelay $0x3  }
0x92: {  	_ =	strace s18  }
0x93: {  	s3 =	sld [smem:$0x3FFC];
	_ =	sdelay $0x3  }
0x94: {  	_ =	strace s3  }
0x95: {  	s3 =	sld [smem:$0x3FFD];
	_ =	sdelay $0x3  }
0x96: {  	_ =	strace s3  }
0x97: {  	_ =	strace $0x8FFFFFFF  }
0x98: {  	s19 =	sld [smem:$0x3FDB];
	_ =	sdelay $0x1  }
0x99: {  	s4 =	simm.s32 $_scs_section_size  }
0x9a: {  	s5 =	simm.s32 $_size__tile_overlayer_lowered;
	s6 =	simm.s32 $_tile_overlayer_lowered  }
0x9b: {  	s22 =	simm.s32 $0x1BFF;
	s21 =	sshll.u32 s6, $0x1;
	s3 =	sadd.s32 s4, s19  }
0x9c: {  	s7 =	simm.s32 $0x0;
	s20 =	sshll.u32 s5, $0x1;
	s5 =	sadd.s32 s21, s3  }
0x9d: {  	[timem:s7], [sflag:s22] =	dma.local [hbm:s5], s20  }
0x9e: {  	_ =	swait.ge [sflag:s22], s20  }
0x9f: {  	s4 =	ssub.s32 $0x0, s20;
	[sflag:s22] =	ssyncset.done $0x0  }
0xa0: {  	[sflag:s22] =	ssyncadd.s32 s4;
	_ =	sdelay $0x1  }
0xa1: {  	s23 =	simm.s32 $0x1B8B  }
0xa2: {  	_ =	swait.ge [sflag:s23], $0x1  }
0xa3: {  	[sflag:s23] =	ssyncset.done $0x0  }
0xa4: {  	s25 =	simm.s32 $0x1B8E;
	s24 =	sld [smem:$0x3FFE];
	[sflag:s23] =	ssyncadd.s32 $0xFFFFFFFF  }
0xa5: {  	s26 =	simm.s32 $execute0_lowered;
	[smem:$0x3FD2] =	sst s25  }
0xa6: {  	s5 =	sshll.u32 s26, $0x1;
	_ =	strace $0x8000004F;
	[dreg:$0x1] =	wrdreg $0xFFFFFFFF  }
0xa7: {  	s28 =	simm.s32 $_size_execute0_lowered;
	s3 =	sadd.s32 s3, s5;
	[dreg:$0x0] =	wrdreg $0x0  }
0xa8: {  	s5 =	sshll.u32 s28, $0x1;
	[dreg:$0x2] =	wrdreg s3  }
0xa9: {  	[dreg:$0x3] =	wrdreg s5  }
0xaa: {  	[dreg:$0x4] =	wrdreg $0xC0  }
0xab: {  	_ =	task [dreg:s7], $0x5FFFF  }
0xac: {  	[dreg:$0x1] =	wrdreg $0xFFFFFFFF  }
0xad: {  	[dreg:$0x0] =	wrdreg $0x60  }
0xae: {  	[dreg:$0x2] =	wrdreg s24  }
0xaf: {  	[dreg:$0x3] =	wrdreg s2  }
0xb0: {  	[dreg:$0x4] =	wrdreg $0x140000  }
0xb1: {  	[dreg:$0x5] =	wrdreg $0x9  }
0xb2: {  	_ =	task.clear_ibuf [dreg:s7], $0x6FFFF;
	_ =	strace $0x9000004F  }
0xb3: {  	s29 =	simm.s32 $0x9;
	_ =	strace $0x80000051  }
0xb4: {  	_ =	swait.ge [sflag:s29], $0x1  }
0xb5: {  	[sflag:s29] =	ssyncadd.s32 $0xFFFFFFFF  }
0xb6: {  	_ =	strace $0x90000051  }
0xb7: {  	_ =	sfence  }
0xb8: {  	s30 =	sld [smem:$0x0];
	_ =	sdelay $0x2  }
0xb9: {  	s31 =	sshll.u32 s1, $0xD;
	s1 =	sshrl.u32 s1, $0x2  }
0xba: {  	s3 =	sand.u32 $0x4000, s31;
	s1 =	sadd.s32 s1, s30  }
0xbb: {  	s0 =	sor.u32 s3, s0;
	s1 =	sshll.u32 s1, $0x11  }
0xbc: {  	s0 =	sor.u32 s1, s0  }
0xbd: {  	s0 =	sadd.s32 $0x8F2B, s0  }
0xbe: {  	[sflag:s0] =	ssyncadd.remote.s32 $0x1  }
0xbf: {  	_ =	sfence.sel $0xFFFF  }
0xc0: {  	[dreg:$0x0] =	wrdreg $0xFFFFFFFF;
	(pc) =	sbr.abs _section_cstart, $3  }
0xc1: {  	[dreg:$0x1] =	wrdreg $0xFFFFFFFF  }
0xc2: {  	_ =	task.clear_ibuf [dreg:s7], $0x2FFFF;
	_ =	strace $0x9FFFFFFF  }
0xc3: {  	(tm) =	ssettm $0x7FFFFFFF  }
tec
execute0_lowered:
.L_overlay_start_1:
0x0: {  	(tag) =	ssettag $0x1  }
0x1: {  	s0 =	rddreg [dreg:$0x0]  }
0x2: {  	s1 =	rddreg [dreg:$0x1]  }
0x3: {  	s2 =	rddreg [dreg:$0x2]  }
0x4: {  	s4 =	srdreg.scid;
	s12 =	stileid.u32  }
0x5: {  	s3 =	simm.s32 $0x0;
	s21 =	simm.s32 $0x12000;
	s22 =	simm.s32 $0x3  }
0x6: {  	s23 =	simm.s32 $0x4;
	s24 =	simm.s32 $0x5;
	s25 =	simm.s32 $0x6  }
0x7: {  	s28 =	simm.s32 $0x8;
	s29 =	simm.s32 $0x9;
	s6 =	sand.u32 $0x1, s4  }
0x8: {  	s7 =	smul.u32 $0xA000, s12;
	[smem:$0x7FF] =	sst s3;
	s4 =	sadd.s32 $0xD600, s0  }
0x9: {  	s5 =	sadd.s32 $0x3600, s0;
	s16 =	smul.u32 $0xA0, s12;
	s11 =	sadd.s32 $0x17600, s0  }
0xa: {  	s19 =	sshll.u32 s12, $0x6;
	s12 =	simm.s32 $0x2;
	s8 =	smul.u32 $0xA0000, s6  }
0xb: {  	_ =	strace $0x80000050;
	s9 =	ssub.s32 $0x2, s6;
	[dreg:$0x4] =	wrdreg s11  }
0xc: {  	s6 =	smul.u32 $0x13880, s6;
	s10 =	sshrl.u32 s9, $0x1;
	s18 =	sor.u32 $0x10, s16  }
0xd: {  	s20 =	sadd.s32 $0x20, s16;
	s30 =	sadd.s32 $0x30, s16;
	s13 =	sadd.s32 $0x50, s16  }
0xe: {  	s31 =	sadd.s32 $0x40, s16;
	s14 =	sadd.s32 $0x60, s16;
	[dreg:$0x8] =	wrdreg s13  }
0xf: {  	s15 =	sadd.s32 $0x70, s16;
	s17 =	sadd.s32 $0x90, s16;
	[dreg:$0x9] =	wrdreg s14  }
0x10: {  	s8 =	sadd.s32 s7, s8;
	s26 =	ssub.s32 s9, s10;
	[dreg:$0xa] =	wrdreg s15  }
0x11: {  	s10 =	sadd.s32 $0x80, s16;
	[dreg:$0x7] =	wrdreg s17;
	s7 =	sadd.s32 s7, s2  }
0x12: {  	s9 =	sadd.s32 s1, s6;
	s1 =	simm.s32 $0x1;
	s13 =	simm.s32 $0x80  }
0x13: {  	v9 =	vlaneseq.u32;
	s14 =	simm.s32 $0xA000;
	s15 =	simm.s32 $0xC000;
	s17 =	simm.s32 $0xE000  }
0x14: {  	v3 =	vor.u32 s30, v9;
	v4 =	vor.u32 s31, v9;
	s30 =	simm.s32 $0xA;
	s31 =	simm.s32 $0xB;
	[dreg:$0x5] =	wrdreg s7  }
0x15: {  	v0 =	vor.u32 s16, v9;
	v2 =	vor.u32 s20, v9;
	s16 =	simm.s32 $0xC;
	s8 =	sshrl.u32 s8, $0x3;
	s20 =	rddreg [dreg:$0x8]  }
0x16: {  	s11 =	smax.u32 s26, $0x1;
	s26 =	simm.s32 $0x7;
	s7 =	rddreg [dreg:$0x9]  }
0x17: {  	v1 =	vor.u32 s18, v9;
	s18 =	rddreg [dreg:$0xa];
	s0 =	sadd.s32 s8, s0;
	s8 =	sor.u32 $0x1C0D, s19  }
0x18: {  	vm0 =	vmmov $0xffff;
	v8 =	vor.u32 s10, v9;
	s19 =	simm.s32 $0x10000;
	v5 =	vor.u32 s20, v9;
	s20 =	rddreg [dreg:$0x7];
	s0 =	sadd.s32 $0x18A00, s0  }
0x19: {  	v6 =	vor.u32 s7, v9;
	v7 =	vor.u32 s18, v9;
	v9 =	vor.u32 s20, v9;
	s20 =	simm.s32 $0x0;
	[dreg:$0x6] =	wrdreg s0;
	s0 =	simm.s32 $0xD  }
.LBB2_1:
0x1a: {  	_ =	sdelay $0x3  }
0x1b: {  	[tilespmem:s3], [sflag:$0x1] =	stream.indirect_vreg.gather [hbm4b:s4+s3], $0x80, v0, vm0, $0xb8;
	[tilespmem:$0x1E000] =	vst v63  }
0x1c: {  	s6 =	simm.s32 $0x5000  }
0x1d: {  	[tilespmem:s6], [sflag:$0x2] =	stream.indirect_vreg.gather [hbm4b:s5+s3], $0x80, v0, vm0, $0xb8;
	[tilespmem:$0x1E000] =	vst v63  }
0x1e: {  	s7 =	simm.s32 $0x800  }
0x1f: {  	[tilespmem:s7], [sflag:$0x1] =	stream.indirect_vreg.gather [hbm4b:s4+s3], $0x80, v1, vm0, $0xb8;
	[tilespmem:$0x1E000] =	vst v63  }
0x20: {  	s10 =	simm.s32 $0x5800  }
0x21: {  	[tilespmem:s10], [sflag:$0x2] =	stream.indirect_vreg.gather [hbm4b:s5+s3], $0x80, v1, vm0, $0xb8;
	[tilespmem:$0x1E000] =	vst v63  }
0x22: {  	s18 =	simm.s32 $0x1000  }
0x23: {  	[tilespmem:s18], [sflag:$0x1] =	stream.indirect_vreg.gather [hbm4b:s4+s3], $0x80, v2, vm0, $0xb8;
	[tilespmem:$0x1E000] =	vst v63  }
0x24: {  	s7 =	simm.s32 $0x6000  }
0x25: {  	[tilespmem:s7], [sflag:$0x2] =	stream.indirect_vreg.gather [hbm4b:s5+s3], $0x80, v2, vm0, $0xb8;
	[tilespmem:$0x1E000] =	vst v63  }
0x26: {  	s10 =	simm.s32 $0x1800  }
0x27: {  	[tilespmem:s10], [sflag:$0x1] =	stream.indirect_vreg.gather [hbm4b:s4+s3], $0x80, v3, vm0, $0xb8;
	[tilespmem:$0x1E000] =	vst v63  }
0x28: {  	s18 =	simm.s32 $0x6800  }
0x29: {  	[tilespmem:s18], [sflag:$0x2] =	stream.indirect_vreg.gather [hbm4b:s5+s3], $0x80, v3, vm0, $0xb8;
	[tilespmem:$0x1E000] =	vst v63  }
0x2a: {  	s7 =	simm.s32 $0x2000  }
0x2b: {  	[tilespmem:s7], [sflag:$0x1] =	stream.indirect_vreg.gather [hbm4b:s4+s3], $0x80, v4, vm0, $0xb8;
	[tilespmem:$0x1E000] =	vst v63  }
0x2c: {  	s10 =	simm.s32 $0x7000  }
0x2d: {  	[tilespmem:s10], [sflag:$0x2] =	stream.indirect_vreg.gather [hbm4b:s5+s3], $0x80, v4, vm0, $0xb8;
	[tilespmem:$0x1E000] =	vst v63  }
0x2e: {  	s18 =	simm.s32 $0x2800  }
0x2f: {  	[tilespmem:s18], [sflag:$0x1] =	stream.indirect_vreg.gather [hbm4b:s4+s3], $0x80, v5, vm0, $0xb8;
	[tilespmem:$0x1E000] =	vst v63  }
0x30: {  	s7 =	simm.s32 $0x7800  }
0x31: {  	[tilespmem:s7], [sflag:$0x2] =	stream.indirect_vreg.gather [hbm4b:s5+s3], $0x80, v5, vm0, $0xb8;
	[tilespmem:$0x1E000] =	vst v63  }
0x32: {  	s10 =	simm.s32 $0x3000  }
0x33: {  	[tilespmem:s10], [sflag:$0x1] =	stream.indirect_vreg.gather [hbm4b:s4+s3], $0x80, v6, vm0, $0xb8;
	[tilespmem:$0x1E000] =	vst v63  }
0x34: {  	s18 =	simm.s32 $0x8000  }
0x35: {  	[tilespmem:s18], [sflag:$0x2] =	stream.indirect_vreg.gather [hbm4b:s5+s3], $0x80, v6, vm0, $0xb8;
	[tilespmem:$0x1E000] =	vst v63  }
0x36: {  	s7 =	simm.s32 $0x3800  }
0x37: {  	[tilespmem:s7], [sflag:$0x1] =	stream.indirect_vreg.gather [hbm4b:s4+s3], $0x80, v7, vm0, $0xb8;
	[tilespmem:$0x1E000] =	vst v63  }
0x38: {  	s10 =	simm.s32 $0x8800  }
0x39: {  	[tilespmem:s10], [sflag:$0x2] =	stream.indirect_vreg.gather [hbm4b:s5+s3], $0x80, v7, vm0, $0xb8;
	[tilespmem:$0x1E000] =	vst v63  }
0x3a: {  	s18 =	simm.s32 $0x4000  }
0x3b: {  	[tilespmem:s18], [sflag:$0x1] =	stream.indirect_vreg.gather [hbm4b:s4+s3], $0x80, v8, vm0, $0xb8;
	[tilespmem:$0x1E000] =	vst v63  }
0x3c: {  	s7 =	simm.s32 $0x9000  }
0x3d: {  	[tilespmem:s7], [sflag:$0x2] =	stream.indirect_vreg.gather [hbm4b:s5+s3], $0x80, v8, vm0, $0xb8;
	[tilespmem:$0x1E000] =	vst v63  }
0x3e: {  	s10 =	simm.s32 $0x4800  }
0x3f: {  	[tilespmem:s10], [sflag:$0x1] =	stream.indirect_vreg.gather [hbm4b:s4+s3], $0x80, v9, vm0, $0xb8;
	[tilespmem:$0x1E000] =	vst v63  }
0x40: {  	s18 =	simm.s32 $0x9800;
	s7 =	rddreg [dreg:$0x5]  }
0x41: {  	[tilespmem:s18], [sflag:$0x2] =	stream.indirect_vreg.gather [hbm4b:s5+s3], $0x80, v9, vm0, $0xb8;
	[tilespmem:$0x1E000] =	vst v63  }
0x42: {  	s10 =	rddreg [dreg:$0x4];
	s18 =	sshrl.u32 s7, $0x3  }
0x43: {  	[spmem:s18], [sflag:s8] =	dma.local [hbm:s10], $0x1400  }
0x44: {  	_ =	swait.ge [sflag:s0], $0x1400  }
0x45: {  	[sflag:s0] =	ssyncset.done $0x0  }
0x46: {  	[sflag:s0] =	ssyncadd.s32 $0xFFFFEC00  }
0x47: {  	_ =	swait.ge [sflag:s1], $0x5000  }
0x48: {  	[sflag:s1] =	ssyncset.done $0x0  }
0x49: {  	[sflag:s1] =	ssyncadd.s32 $0xFFFFB000  }
0x4a: {  	_ =	swait.ge [sflag:s12], $0x5000  }
0x4b: {  	[sflag:s12] =	ssyncset.done $0x0  }
0x4c: {  	[sflag:s12] =	ssyncadd.s32 $0xFFFFB000  }
0x4d: {  	[bflag:$0x0] =	sbarrier.arrive $0xFFFF  }
0x4e: {  	[tilespmem:s14], [sflag:$0x3] =	stream.indirect.gather [hbm4b:s9+s13], $0x40, s3, s13, $0xb8;
	[tilespmem:$0x1E000] =	vst v63  }
0x4f: {  	_ = 	snop  }
0x50: {  	[tilespmem:s15], [sflag:$0x4] =	stream.indirect.gather [hbm4b:s9+s13], $0x40, s13, s13, $0xb8;
	[tilespmem:$0x1E000] =	vst v63  }
0x51: {  	s7 =	simm.s32 $0x100  }
0x52: {  	[tilespmem:s17], [sflag:$0x5] =	stream.indirect.gather [hbm4b:s9+s13], $0x40, s7, s13, $0xb8;
	[tilespmem:$0x1E000] =	vst v63  }
0x53: {  	s10 =	simm.s32 $0x180  }
0x54: {  	[tilespmem:s19], [sflag:$0x6] =	stream.indirect.gather [hbm4b:s9+s13], $0x40, s10, s13, $0xb8;
	[tilespmem:$0x1E000] =	vst v63  }
0x55: {  	s7 =	simm.s32 $0x200  }
0x56: {  	[tilespmem:s21], [sflag:$0x7] =	stream.indirect.gather [hbm4b:s9+s13], $0x40, s7, s13, $0xb8;
	[tilespmem:$0x1E000] =	vst v63  }
0x57: {  	_ =	swait.ge [sflag:s22], $0x2000  }
0x58: {  	[sflag:s22] =	ssyncset.done $0x0  }
0x59: {  	s10 =	simm.s32 $0x5000;
	[sflag:s22] =	ssyncadd.s32 $0xFFFFE000  }
0x5a: {  	[spmem:s2] =	stream.indirect.scatter.add.f32 [tilespmem:s14], [sflag:$0x8], $0x40, s10, s13, $0xb8;
	[tilespmem:$0x1E000] =	vst v63  }
0x5b: {  	_ =	swait.ge [sflag:s23], $0x2000  }
0x5c: {  	[sflag:s23] =	ssyncset.done $0x0  }
0x5d: {  	s7 =	simm.s32 $0x5080;
	[sflag:s23] =	ssyncadd.s32 $0xFFFFE000  }
0x5e: {  	[spmem:s2] =	stream.indirect.scatter.add.f32 [tilespmem:s15], [sflag:$0x9], $0x40, s7, s13, $0xb8;
	[tilespmem:$0x1E000] =	vst v63  }
0x5f: {  	_ =	swait.ge [sflag:s24], $0x2000  }
0x60: {  	[sflag:s24] =	ssyncset.done $0x0  }
0x61: {  	s10 =	simm.s32 $0x5100;
	[sflag:s24] =	ssyncadd.s32 $0xFFFFE000  }
0x62: {  	[spmem:s2] =	stream.indirect.scatter.add.f32 [tilespmem:s17], [sflag:$0xA], $0x40, s10, s13, $0xb8;
	[tilespmem:$0x1E000] =	vst v63  }
0x63: {  	_ =	swait.ge [sflag:s25], $0x2000  }
0x64: {  	[sflag:s25] =	ssyncset.done $0x0  }
0x65: {  	s7 =	simm.s32 $0x5180;
	[sflag:s25] =	ssyncadd.s32 $0xFFFFE000  }
0x66: {  	[spmem:s2] =	stream.indirect.scatter.add.f32 [tilespmem:s19], [sflag:$0xB], $0x40, s7, s13, $0xb8;
	[tilespmem:$0x1E000] =	vst v63  }
0x67: {  	_ =	swait.ge [sflag:s26], $0x2000  }
0x68: {  	[sflag:s26] =	ssyncset.done $0x0  }
0x69: {  	s10 =	simm.s32 $0x5200;
	[sflag:s26] =	ssyncadd.s32 $0xFFFFE000  }
0x6a: {  	[spmem:s2] =	stream.indirect.scatter.add.f32 [tilespmem:s21], [sflag:$0xC], $0x40, s10, s13, $0xb8;
	[tilespmem:$0x1E000] =	vst v63  }
0x6b: {  	_ =	swait.ge [sflag:s28], $0x2000  }
0x6c: {  	[sflag:s28] =	ssyncset.done $0x0  }
0x6d: {  	s7 =	simm.s32 $0x280;
	[sflag:s28] =	ssyncadd.s32 $0xFFFFE000  }
0x6e: {  	[tilespmem:s14], [sflag:$0x3] =	stream.indirect.gather [hbm4b:s9+s13], $0x40, s7, s13, $0xb8;
	[tilespmem:$0x1E000] =	vst v63  }
0x6f: {  	_ =	swait.ge [sflag:s29], $0x2000  }
0x70: {  	[sflag:s29] =	ssyncset.done $0x0  }
0x71: {  	s10 =	simm.s32 $0x300;
	[sflag:s29] =	ssyncadd.s32 $0xFFFFE000  }
0x72: {  	[tilespmem:s15], [sflag:$0x4] =	stream.indirect.gather [hbm4b:s9+s13], $0x40, s10, s13, $0xb8;
	[tilespmem:$0x1E000] =	vst v63  }
0x73: {  	_ =	swait.ge [sflag:s30], $0x2000  }
0x74: {  	[sflag:s30] =	ssyncset.done $0x0  }
0x75: {  	s7 =	simm.s32 $0x380;
	[sflag:s30] =	ssyncadd.s32 $0xFFFFE000  }
0x76: {  	[tilespmem:s17], [sflag:$0x5] =	stream.indirect.gather [hbm4b:s9+s13], $0x40, s7, s13, $0xb8;
	[tilespmem:$0x1E000] =	vst v63  }
0x77: {  	_ =	swait.ge [sflag:s31], $0x2000  }
0x78: {  	[sflag:s31] =	ssyncset.done $0x0  }
0x79: {  	s10 =	simm.s32 $0x400;
	[sflag:s31] =	ssyncadd.s32 $0xFFFFE000  }
0x7a: {  	[tilespmem:s19], [sflag:$0x6] =	stream.indirect.gather [hbm4b:s9+s13], $0x40, s10, s13, $0xb8;
	[tilespmem:$0x1E000] =	vst v63  }
0x7b: {  	_ =	swait.ge [sflag:s16], $0x2000  }
0x7c: {  	[sflag:s16] =	ssyncset.done $0x0  }
0x7d: {  	s6 =	simm.s32 $0xA00;
	s7 =	simm.s32 $0x480;
	[sflag:s16] =	ssyncadd.s32 $0xFFFFE000  }
.LBB2_2:
0x7e: {  	[tilespmem:s21], [sflag:$0x7] =	stream.indirect.gather [hbm4b:s9+s13], $0x40, s7, s13, $0xb8;
	[tilespmem:$0x1E000] =	vst v63  }
0x7f: {  	s7 =	smov.u32 s6  }
0x80: {  	p0 =	sne.s32 s6, $0x12C00;
	s6 =	sadd.s32 $0xA00, s6;
	_ =	swait.ge [sflag:s22], $0x2000  }
0x81: {  	s7 =	sshra.s32 s7, $0x2;
	[sflag:s22] =	ssyncset.done $0x0  }
0x82: {  	s10 =	sadd.s32 $0x5000, s7;
	[sflag:s22] =	ssyncadd.s32 $0xFFFFE000  }
0x83: {  	[spmem:s2] =	stream.indirect.scatter.add.f32 [tilespmem:s14], [sflag:$0x8], $0x40, s10, s13, $0xb8;
	[tilespmem:$0x1E000] =	vst v63  }
0x84: {  	_ =	swait.ge [sflag:s23], $0x2000  }
0x85: {  	[sflag:s23] =	ssyncset.done $0x0  }
0x86: {  	s10 =	sadd.s32 $0x5080, s7;
	[sflag:s23] =	ssyncadd.s32 $0xFFFFE000  }
0x87: {  	[spmem:s2] =	stream.indirect.scatter.add.f32 [tilespmem:s15], [sflag:$0x9], $0x40, s10, s13, $0xb8;
	[tilespmem:$0x1E000] =	vst v63  }
0x88: {  	_ =	swait.ge [sflag:s24], $0x2000  }
0x89: {  	[sflag:s24] =	ssyncset.done $0x0  }
0x8a: {  	s10 =	sadd.s32 $0x5100, s7;
	[sflag:s24] =	ssyncadd.s32 $0xFFFFE000  }
0x8b: {  	[spmem:s2] =	stream.indirect.scatter.add.f32 [tilespmem:s17], [sflag:$0xA], $0x40, s10, s13, $0xb8;
	[tilespmem:$0x1E000] =	vst v63  }
0x8c: {  	_ =	swait.ge [sflag:s25], $0x2000  }
0x8d: {  	[sflag:s25] =	ssyncset.done $0x0  }
0x8e: {  	s10 =	sadd.s32 $0x5180, s7;
	[sflag:s25] =	ssyncadd.s32 $0xFFFFE000  }
0x8f: {  	[spmem:s2] =	stream.indirect.scatter.add.f32 [tilespmem:s19], [sflag:$0xB], $0x40, s10, s13, $0xb8;
	[tilespmem:$0x1E000] =	vst v63  }
0x90: {  	_ =	swait.ge [sflag:s26], $0x2000  }
0x91: {  	[sflag:s26] =	ssyncset.done $0x0  }
0x92: {  	s10 =	sadd.s32 $0x5200, s7;
	[sflag:s26] =	ssyncadd.s32 $0xFFFFE000  }
0x93: {  	[spmem:s2] =	stream.indirect.scatter.add.f32 [tilespmem:s21], [sflag:$0xC], $0x40, s10, s13, $0xb8;
	[tilespmem:$0x1E000] =	vst v63  }
0x94: {  	_ =	swait.ge [sflag:s28], $0x2000  }
0x95: {  	[sflag:s28] =	ssyncset.done $0x0  }
0x96: {  	s10 =	sadd.s32 $0x280, s7;
	[sflag:s28] =	ssyncadd.s32 $0xFFFFE000  }
0x97: {  	[tilespmem:s14], [sflag:$0x3] =	stream.indirect.gather [hbm4b:s9+s13], $0x40, s10, s13, $0xb8;
	[tilespmem:$0x1E000] =	vst v63  }
0x98: {  	_ =	swait.ge [sflag:s29], $0x2000  }
0x99: {  	[sflag:s29] =	ssyncset.done $0x0  }
0x9a: {  	s10 =	sadd.s32 $0x300, s7;
	[sflag:s29] =	ssyncadd.s32 $0xFFFFE000  }
0x9b: {  	[tilespmem:s15], [sflag:$0x4] =	stream.indirect.gather [hbm4b:s9+s13], $0x40, s10, s13, $0xb8;
	[tilespmem:$0x1E000] =	vst v63  }
0x9c: {  	_ =	swait.ge [sflag:s30], $0x2000  }
0x9d: {  	[sflag:s30] =	ssyncset.done $0x0  }
0x9e: {  	s10 =	sadd.s32 $0x380, s7;
	[sflag:s30] =	ssyncadd.s32 $0xFFFFE000  }
0x9f: {  	[tilespmem:s17], [sflag:$0x5] =	stream.indirect.gather [hbm4b:s9+s13], $0x40, s10, s13, $0xb8;
	[tilespmem:$0x1E000] =	vst v63  }
0xa0: {  	_ =	swait.ge [sflag:s31], $0x2000  }
0xa1: {  	[sflag:s31] =	ssyncset.done $0x0  }
.Ltmp0:
0xa2: {  	s10 =	sadd.s32 $0x400, s7;
	[sflag:s31] =	ssyncadd.s32 $0xFFFFE000;
	(pc) =	sbr.rel @p0 .LBB2_2-.Ltmp0, $4  }
0xa3: {  	[tilespmem:s19], [sflag:$0x6] =	stream.indirect.gather [hbm4b:s9+s13], $0x40, s10, s13, $0xb8;
	[tilespmem:$0x1E000] =	vst v63  }
0xa4: {  	_ =	swait.ge [sflag:s16], $0x2000  }
0xa5: {  	[sflag:s16] =	ssyncset.done $0x0  }
0xa6: {  	s7 =	sadd.s32 $0x480, s7;
	[sflag:s16] =	ssyncadd.s32 $0xFFFFE000  }
0xa7: {  	[tilespmem:s21], [sflag:$0x7] =	stream.indirect.gather [hbm4b:s9+s13], $0x40, s7, s13, $0xb8;
	[tilespmem:$0x1E000] =	vst v63  }
0xa8: {  	_ =	swait.ge [sflag:s22], $0x2000  }
0xa9: {  	[sflag:s22] =	ssyncset.done $0x0  }
0xaa: {  	s6 =	simm.s32 $0x9D80;
	[sflag:s22] =	ssyncadd.s32 $0xFFFFE000  }
0xab: {  	[spmem:s2] =	stream.indirect.scatter.add.f32 [tilespmem:s14], [sflag:$0x8], $0x40, s6, s13, $0xb8;
	[tilespmem:$0x1E000] =	vst v63  }
0xac: {  	_ =	swait.ge [sflag:s23], $0x2000  }
0xad: {  	[sflag:s23] =	ssyncset.done $0x0  }
0xae: {  	s10 =	simm.s32 $0x9E00;
	[sflag:s23] =	ssyncadd.s32 $0xFFFFE000  }
0xaf: {  	[spmem:s2] =	stream.indirect.scatter.add.f32 [tilespmem:s15], [sflag:$0x9], $0x40, s10, s13, $0xb8;
	[tilespmem:$0x1E000] =	vst v63  }
0xb0: {  	_ =	swait.ge [sflag:s24], $0x2000  }
0xb1: {  	[sflag:s24] =	ssyncset.done $0x0  }
0xb2: {  	s7 =	simm.s32 $0x9E80;
	[sflag:s24] =	ssyncadd.s32 $0xFFFFE000  }
0xb3: {  	[spmem:s2] =	stream.indirect.scatter.add.f32 [tilespmem:s17], [sflag:$0xA], $0x40, s7, s13, $0xb8;
	[tilespmem:$0x1E000] =	vst v63  }
0xb4: {  	_ =	swait.ge [sflag:s25], $0x2000  }
0xb5: {  	[sflag:s25] =	ssyncset.done $0x0  }
0xb6: {  	s10 =	simm.s32 $0x9F00;
	[sflag:s25] =	ssyncadd.s32 $0xFFFFE000  }
0xb7: {  	[spmem:s2] =	stream.indirect.scatter.add.f32 [tilespmem:s19], [sflag:$0xB], $0x40, s10, s13, $0xb8;
	[tilespmem:$0x1E000] =	vst v63  }
0xb8: {  	_ =	swait.ge [sflag:s26], $0x2000  }
0xb9: {  	[sflag:s26] =	ssyncset.done $0x0  }
0xba: {  	s7 =	simm.s32 $0x9F80;
	[sflag:s26] =	ssyncadd.s32 $0xFFFFE000  }
0xbb: {  	[spmem:s2] =	stream.indirect.scatter.add.f32 [tilespmem:s21], [sflag:$0xC], $0x40, s7, s13, $0xb8;
	[tilespmem:$0x1E000] =	vst v63  }
0xbc: {  	_ =	swait.ge [sflag:s28], $0x2000  }
0xbd: {  	[sflag:s28] =	ssyncset.done $0x0  }
0xbe: {  	[sflag:s28] =	ssyncadd.s32 $0xFFFFE000  }
0xbf: {  	_ =	swait.ge [sflag:s29], $0x2000  }
0xc0: {  	[sflag:s29] =	ssyncset.done $0x0  }
0xc1: {  	[sflag:s29] =	ssyncadd.s32 $0xFFFFE000  }
0xc2: {  	_ =	swait.ge [sflag:s30], $0x2000  }
0xc3: {  	[sflag:s30] =	ssyncset.done $0x0  }
0xc4: {  	[sflag:s30] =	ssyncadd.s32 $0xFFFFE000  }
0xc5: {  	_ =	swait.ge [sflag:s31], $0x2000  }
0xc6: {  	[sflag:s31] =	ssyncset.done $0x0  }
0xc7: {  	[sflag:s31] =	ssyncadd.s32 $0xFFFFE000  }
0xc8: {  	_ =	swait.ge [sflag:s16], $0x2000  }
0xc9: {  	[sflag:s16] =	ssyncset.done $0x0  }
0xca: {  	s20 =	sadd.s32 $0x1, s20;
	[sflag:s16] =	ssyncadd.s32 $0xFFFFE000  }
0xcb: {  	p0 =	sne.s32 s20, s11;
	[bflag:$0x0] =	sbarrier.arrive $0xFFFF  }
.Ltmp1:
0xcc: {  	s10 =	rddreg [dreg:$0x6];
	(pc) =	sbr.rel @p0 .LBB2_1-.Ltmp1, $4  }
0xcd: {  	[hbm:s10], [sflag:s8] =	dma.local [spmem:s18], $0x1400  }
0xce: {  	_ =	swait.ge [sflag:s0], $0x1400  }
0xcf: {  	[sflag:s0] =	ssyncset.done $0x0  }
0xd0: {  	[sflag:s0] =	ssyncadd.s32 $0xFFFFEC00  }
0xd1: {  	_ =	sfence.sel $0x180000  }
0xd2: {  	[bflag:$0x0] =	sbarrier.arrive $0xFFFF  }
0xd3: {  	_ =	strace $0x90000050  }
0xd4: {  	s0 =	stileid.u32;
	[bflag:$0x2] =	sbarrier.arrive $0xFFFF  }
0xd5: {  	p0 =	sne.s32 s0, $0x0;
	s0 =	rddreg [dreg:$0x3]  }
0xd6: {  	s0 =	sadd.s32 @!p0 $0x100000, s0  }
0xd7: {  	[sflag:s0] =	ssyncadd.tile.s32 @!p0 $0x1;
	_ =	shalt  }
.Lfunc_end2:
_tile_overlayer_lowered:
.L_overlay_start_2:
0xd8: {  	(tag) =	ssettag $0x2  }
0xd9: {  	s0 =	rddreg [dreg:$0x0];
	s2 =	stileid.u32  }
0xda: {  	s1 =	rddreg [dreg:$0x1];
	p0 =	sne.s32 s2, $0x0  }
0xdb: {  	s3 =	rddreg [dreg:$0x2];
	[bflag:$0x3] =	sbarrier.arrive $0xFFFF;
	s2 =	simm.s32 @!p0 $0x1C0D  }
0xdc: {  	[timem:s3], [sflag:s2] =	dma.local @!p0 [hbm:s0], s1  }
0xdd: {  	s0 =	simm.s32 @!p0 $0xD  }
0xde: {  	_ =	swait.ge @!p0 [sflag:s0], s1  }
0xdf: {  	s1 =	ssub.s32 @!p0 $0x0, s1;
	[sflag:s0] =	ssyncset.done @!p0 $0x0  }
0xe0: {  	[sflag:s0] =	ssyncadd.s32 @!p0 s1  }
0xe1: {  	[bflag:$0x3] =	sbarrier.arrive $0xFFFF  }
0xe2: {  	_ =	shalt  }

</sc_bundles>
